<compile_context>
chip_gen: v7x
topology: tpu7x:2x2x1
jax: 0.10.2.dev20260603
libtpu: 0.0.44.dev20260713+nightly
codegen_flags: <defaults>
</compile_context>

<pallas_src>
import functools
import jax
import jax.numpy as jnp
from jax import lax
from jax.experimental import pallas as pl
from jax.experimental.pallas import tpu as pltpu
from jax.experimental.pallas import tpu_sc as plsc

C, N, E, NC, D = 4, 10000, 160000, 1000, 128
NCORE, NSUB = 2, 16
EPER = E // NSUB
K = 128
EPAD = 10112
NCHUNK = EPAD // K
ROWS_PER_SUB = 632
NPAD = ROWS_PER_SUB * NSUB
BN = 1000
NT = N // BN



def _make_sage_agg_body(ncore, nsub):
    cfg_per_core = max(1, C // ncore)
    nchunk = EPAD // K
    rows_per_sub = NPAD // nsub

    def _sage_agg_body(h_hbm, src_hbm, dst_hbm, z2_hbm,
                       agg_hbm,
                       agg_sh, idx_s0, idx_s1, dst_v, rows0, rows1, sem0, sem1):
        core = lax.axis_index("c")
        s = lax.axis_index("s")
        row0 = s * rows_per_sub
        idx_s = (idx_s0, idx_s1)
        rows = (rows0, rows1)
        sems = (sem0, sem1)

        pltpu.sync_copy(dst_hbm.at[s], dst_v)

        for k in range(cfg_per_core):
            cfg = core * cfg_per_core + k
            pltpu.sync_copy(z2_hbm, agg_sh.at[pl.ds(row0, rows_per_sub)])
            plsc.subcore_barrier()

            def fetch(i, b):
                pltpu.sync_copy(src_hbm.at[s].at[i], idx_s[b])
                return pltpu.async_copy(h_hbm.at[cfg].at[idx_s[b]],
                                        rows[b], sems[b])

            fetch(0, 0)

            def body(j, carry):
                for b in range(2):
                    i = j * 2 + b

                    @pl.when(i < nchunk)
                    def _():
                        nxt = i + 1

                        @pl.when(nxt < nchunk)
                        def _():
                            fetch(nxt, 1 - b)

                        pltpu.make_async_copy(h_hbm.at[cfg].at[idx_s[b]],
                                              rows[b], sems[b]).wait()
                        pltpu.sync_copy(rows[b], agg_sh.at[dst_v.at[i]],
                                        add=True)
                return carry

            lax.fori_loop(0, (nchunk + 1) // 2, body, 0)
            plsc.subcore_barrier()

            pltpu.sync_copy(agg_sh.at[pl.ds(row0, rows_per_sub)],
                            agg_hbm.at[cfg].at[pl.ds(row0, rows_per_sub)])
            plsc.subcore_barrier()

    return _sage_agg_body


_SC_DIMS = [None]


def _sc_dims():
    if _SC_DIMS[0] is None:
        mesh = plsc.VectorSubcoreMesh(core_axis_name="c", subcore_axis_name="s")
        _SC_DIMS[0] = (mesh.num_cores, mesh.num_subcores)
    return _SC_DIMS[0]


_SAGE_AGG = [None]


def _get_sage_agg():
    if _SAGE_AGG[0] is None:
        mesh = plsc.VectorSubcoreMesh(core_axis_name="c", subcore_axis_name="s")
        nsub = mesh.num_subcores
        _SAGE_AGG[0] = pl.kernel(
            _make_sage_agg_body(mesh.num_cores, nsub),
            out_type=jax.ShapeDtypeStruct((C, NPAD, D), jnp.float32),
            mesh=mesh,
            scratch_types=[
                pltpu.VMEM_SHARED((NPAD, D), jnp.float32),
                pltpu.VMEM((K,), jnp.int32),
                pltpu.VMEM((K,), jnp.int32),
                pltpu.VMEM((NCHUNK, K), jnp.int32),
                pltpu.VMEM((K, D), jnp.float32),
                pltpu.VMEM((K, D), jnp.float32),
                pltpu.SemaphoreType.DMA,
                pltpu.SemaphoreType.DMA,
            ],
        )
    return _SAGE_AGG[0]


def _make_cnt_body(nsub):
    nchunk = EPAD // K
    rows_per_sub = NPAD // nsub

    def _cnt_body(dst_hbm, z2_hbm, ones_hbm,
                  cnt_hbm,
                  cnt_sh, dst_v, ones_v, sem):
        core = lax.axis_index("c")
        s = lax.axis_index("s")
        row0 = s * rows_per_sub

        pltpu.sync_copy(ones_hbm, ones_v)
        pltpu.sync_copy(z2_hbm, cnt_sh.at[pl.ds(row0, rows_per_sub)])
        plsc.subcore_barrier()

        @pl.when(core == 0)
        def _():
            pltpu.sync_copy(dst_hbm.at[s], dst_v)

            def body(i, carry):
                pltpu.sync_copy(ones_v, cnt_sh.at[dst_v.at[i]], add=True)
                return carry

            lax.fori_loop(0, nchunk, body, 0)

        plsc.subcore_barrier()

        @pl.when(core == 0)
        def _():
            pltpu.sync_copy(cnt_sh.at[pl.ds(row0, rows_per_sub)],
                            cnt_hbm.at[pl.ds(row0, rows_per_sub)])

    return _cnt_body


_CNT = [None]


def _get_cnt_kernel():
    if _CNT[0] is None:
        mesh = plsc.VectorSubcoreMesh(core_axis_name="c", subcore_axis_name="s")
        _CNT[0] = pl.kernel(
            _make_cnt_body(mesh.num_subcores),
            out_type=jax.ShapeDtypeStruct((NPAD, D), jnp.float32),
            mesh=mesh,
            scratch_types=[
                pltpu.VMEM_SHARED((NPAD, D), jnp.float32),
                pltpu.VMEM((NCHUNK, K), jnp.int32),
                pltpu.VMEM((K, D), jnp.float32),
                pltpu.SemaphoreType.DMA,
            ],
        )
    return _CNT[0]



def _embed_lin0_body(feat_ref, lay_ref, op_ref, cfg_ref, nid_ref, keep_ref,
                     WfT_ref, Tlay_ref, Tcfg_ref, Top_ref, bias_ref,
                     out_ref, sum_ref, sq_ref):
    t = pl.program_id(1)
    feat = feat_ref[...]
    acc = jnp.dot(feat, WfT_ref[...], preferred_element_type=jnp.float32)
    op = op_ref[...]
    oh_op = (op == lax.broadcasted_iota(jnp.int32, (1, 120), 1)).astype(jnp.float32)
    acc += jnp.dot(oh_op, Top_ref[...], preferred_element_type=jnp.float32)
    lay = lay_ref[...] + 1
    for k in range(6):
        oh = (lay[:, k:k + 1] == lax.broadcasted_iota(jnp.int32, (1, 7), 1)).astype(jnp.float32)
        acc += jnp.dot(oh, Tlay_ref[pl.ds(7 * k, 7), :], preferred_element_type=jnp.float32)
    acc += bias_ref[...][:, :D]

    cfg = cfg_ref[0] + 1
    delta = jnp.zeros((NC, D), jnp.float32) - bias_ref[...][:, D:]
    for k in range(18):
        oh = (cfg[:, k:k + 1] == lax.broadcasted_iota(jnp.int32, (1, 7), 1)).astype(jnp.float32)
        delta += jnp.dot(oh, Tcfg_ref[pl.ds(7 * k, 7), :], preferred_element_type=jnp.float32)
    rowid = t * BN + lax.broadcasted_iota(jnp.int32, (BN, 1), 0)
    Mm = (rowid == nid_ref[...]).astype(jnp.float32) * keep_ref[...]
    acc += jnp.dot(Mm, delta, preferred_element_type=jnp.float32)

    out_ref[0] = acc

    @pl.when(t == 0)
    def _():
        sum_ref[...] = jnp.zeros_like(sum_ref)
        sq_ref[...] = jnp.zeros_like(sq_ref)

    sum_ref[0, 0:1, :] = sum_ref[0, 0:1, :] + jnp.sum(acc, axis=0, keepdims=True)
    sq_ref[0, 0:1, :] = sq_ref[0, 0:1, :] + jnp.sum(acc * acc, axis=0, keepdims=True)


def _norm_attn_body(x_ref, sum_ref, sq_ref, W1T_ref, b1_ref, W2T_ref, b2_ref,
                    out_ref):
    x = x_ref[0]
    m = sum_ref[0, 0:1, :] / N
    v = sq_ref[0, 0:1, :] / N - m * m
    xn = (x - m) / jnp.sqrt(v + 1e-5)
    t = jax.nn.relu(jnp.dot(xn, W1T_ref[...], preferred_element_type=jnp.float32) + b1_ref[...])
    sg = jax.nn.sigmoid(jnp.dot(t, W2T_ref[...], preferred_element_type=jnp.float32) + b2_ref[...])
    out_ref[0] = jax.nn.relu(sg * xn)


def _sage_lin_body(agg_ref, cnt_ref, h_ref, WlT_ref, bl_ref, WrT_ref,
                   out_ref, sum_ref, sq_ref):
    t = pl.program_id(1)
    cnt = cnt_ref[...][:, 0:1]
    inv = 1.0 / jnp.where(cnt > 0.0, cnt, 1.0)
    mean = agg_ref[0] * inv
    acc = jnp.dot(mean, WlT_ref[...], preferred_element_type=jnp.float32) + bl_ref[...]
    acc += jnp.dot(h_ref[0], WrT_ref[...], preferred_element_type=jnp.float32)
    out_ref[0] = acc

    @pl.when(t == 0)
    def _():
        sum_ref[...] = jnp.zeros_like(sum_ref)
        sq_ref[...] = jnp.zeros_like(sq_ref)

    sum_ref[0, 0:1, :] = sum_ref[0, 0:1, :] + jnp.sum(acc, axis=0, keepdims=True)
    sq_ref[0, 0:1, :] = sq_ref[0, 0:1, :] + jnp.sum(acc * acc, axis=0, keepdims=True)


def _norm_attn_res_body(x_ref, sum_ref, sq_ref, h_ref,
                        W1T_ref, b1_ref, W2T_ref, b2_ref,
                        out_ref, gsum_ref):
    t = pl.program_id(1)
    x = x_ref[0]
    h = h_ref[0]
    m = sum_ref[0, 0:1, :] / N
    v = sq_ref[0, 0:1, :] / N - m * m
    xn = (x - m) / jnp.sqrt(v + 1e-5)
    tt = jax.nn.relu(jnp.dot(h, W1T_ref[...], preferred_element_type=jnp.float32) + b1_ref[...])
    sg = jax.nn.sigmoid(jnp.dot(tt, W2T_ref[...], preferred_element_type=jnp.float32) + b2_ref[...])
    hn = jax.nn.relu(xn + sg * h)
    out_ref[0] = hn

    @pl.when(t == 0)
    def _():
        gsum_ref[...] = jnp.zeros_like(gsum_ref)

    gsum_ref[0, 0:1, :] = gsum_ref[0, 0:1, :] + jnp.sum(hn, axis=0, keepdims=True)


def _head_body(g_ref, d1WT_ref, d1b_ref, a1W1T_ref, a1b1_ref, a1W2T_ref, a1b2_ref,
               d2WT_ref, d2b_ref, a2W1T_ref, a2b1_ref, a2W2T_ref, a2b2_ref,
               clsWT_ref, clsb_ref, out_ref):
    g = g_ref[:, 0, :] / N
    g = jnp.dot(g, d1WT_ref[...], preferred_element_type=jnp.float32) + d1b_ref[...]
    t = jax.nn.relu(jnp.dot(g, a1W1T_ref[...], preferred_element_type=jnp.float32) + a1b1_ref[...])
    sg = jax.nn.sigmoid(jnp.dot(t, a1W2T_ref[...], preferred_element_type=jnp.float32) + a1b2_ref[...])
    g = jax.nn.relu(sg * g)
    g = jnp.dot(g, d2WT_ref[...], preferred_element_type=jnp.float32) + d2b_ref[...]
    t = jax.nn.relu(jnp.dot(g, a2W1T_ref[...], preferred_element_type=jnp.float32) + a2b1_ref[...])
    sg = jax.nn.sigmoid(jnp.dot(t, a2W2T_ref[...], preferred_element_type=jnp.float32) + a2b2_ref[...])
    g = jax.nn.relu(sg * g)
    out_ref[...] = jnp.dot(g, clsWT_ref[...], preferred_element_type=jnp.float32) + clsb_ref[...]


def _full(shape):
    return pl.BlockSpec(shape, lambda c, t: (0,) * len(shape))


def _rows(shape):
    return pl.BlockSpec(shape, lambda c, t: (t,) + (0,) * (len(shape) - 1))


def _crows(shape):
    return pl.BlockSpec(shape, lambda c, t: (c, t) + (0,) * (len(shape) - 2))


def _cstat():
    return pl.BlockSpec((1, 8, D), lambda c, t: (c, 0, 0))


_GRID = (C, NT)
_F32 = jnp.float32


def kernel(x_node_cfg, x_feat, x_node_layout_feat, x_op, edge_index, node_config_ids, params):
    p = params
    W = p['lin0_W']
    Wf = W[:, :134]
    Wc = W[:, 134:206]
    Wl = W[:, 206:230]
    Wo = W[:, 230:234]
    emb = p['emb_layout']

    Tcfg = jnp.einsum('ve,dke->kvd', emb, Wc.reshape(D, 18, 4)).reshape(18 * 7, D)
    Tlay = jnp.einsum('ve,dke->kvd', emb, Wl.reshape(D, 6, 4)).reshape(6 * 7, D)
    Top = p['emb_op'] @ Wo.T
    c0 = Tcfg.reshape(18, 7, D)[:, 0, :].sum(axis=0)
    bias = jnp.concatenate([(p['lin0_b'] + c0)[None, :], c0[None, :]], axis=1)

    nid = node_config_ids.astype(jnp.int32)
    keep = jnp.concatenate([nid[:-1] != nid[1:], jnp.ones((1,), bool)])
    nid2d = nid[None, :]
    keep2d = keep[None, :].astype(_F32)

    lay_i = x_node_layout_feat.astype(jnp.int32)
    op2d = x_op.astype(jnp.int32)[:, None]
    cfg_i = x_node_cfg.astype(jnp.int32)

    hlin, s0, q0 = pl.pallas_call(
        _embed_lin0_body,
        grid=_GRID,
        in_specs=[_rows((BN, 134)), _rows((BN, 6)), _rows((BN, 1)),
                  pl.BlockSpec((1, NC, 18), lambda c, t: (c, 0, 0)),
                  _full((1, NC)), _full((1, NC)),
                  _full((134, D)), _full((6 * 7, D)), _full((18 * 7, D)),
                  _full((120, D)), _full((1, 2 * D))],
        out_specs=[_crows((1, BN, D)), _cstat(), _cstat()],
        out_shape=[jax.ShapeDtypeStruct((C, N, D), _F32),
                   jax.ShapeDtypeStruct((C, 8, D), _F32),
                   jax.ShapeDtypeStruct((C, 8, D), _F32)],
    )(x_feat, lay_i, op2d, cfg_i, nid2d, keep2d,
      Wf.T, Tlay, Tcfg, Top, bias)

    h = pl.pallas_call(
        _norm_attn_body,
        grid=_GRID,
        in_specs=[_crows((1, BN, D)), _cstat(), _cstat(),
                  _full((D, 16)), _full((1, 16)), _full((16, D)), _full((1, D))],
        out_specs=_crows((1, BN, D)),
        out_shape=jax.ShapeDtypeStruct((C, N, D), _F32),
    )(hlin, s0, q0, p['a0_W1'].T, p['a0_b1'][None, :],
      p['a0_W2'].T, p['a0_b2'][None, :])

    src_i = edge_index[0].astype(jnp.int32)
    dst_i = edge_index[1].astype(jnp.int32)
    z2 = jnp.zeros((ROWS_PER_SUB, D), _F32)

    nsub = _sc_dims()[1]
    npadedge = EPAD - E // nsub
    src3 = jnp.concatenate(
        [src_i.reshape(nsub, E // nsub),
         jnp.zeros((nsub, npadedge), jnp.int32)], axis=1).reshape(nsub, NCHUNK, K)
    dst3 = jnp.concatenate(
        [dst_i.reshape(nsub, E // nsub),
         jnp.full((nsub, npadedge), N, jnp.int32)], axis=1).reshape(nsub, NCHUNK, K)
    onesKD = jnp.ones((K, D), _F32)
    cnt16 = _get_cnt_kernel()(dst3, z2, onesKD)
    for i in range(3):
        agg = _get_sage_agg()(h, src3, dst3, z2)

        tmp, si, qi = pl.pallas_call(
            _sage_lin_body,
            grid=_GRID,
            in_specs=[_crows((1, BN, D)), _rows((BN, D)), _crows((1, BN, D)),
                      _full((D, D)), _full((1, D)), _full((D, D))],
            out_specs=[_crows((1, BN, D)), _cstat(), _cstat()],
            out_shape=[jax.ShapeDtypeStruct((C, N, D), _F32),
                       jax.ShapeDtypeStruct((C, 8, D), _F32),
                       jax.ShapeDtypeStruct((C, 8, D), _F32)],
        )(agg, cnt16, h, p['c%d_Wl' % i].T, p['c%d_bl' % i][None, :],
          p['c%d_Wr' % i].T)

        h, gsum = pl.pallas_call(
            _norm_attn_res_body,
            grid=_GRID,
            in_specs=[_crows((1, BN, D)), _cstat(), _cstat(),
                      _crows((1, BN, D)),
                      _full((D, 16)), _full((1, 16)), _full((16, D)), _full((1, D))],
            out_specs=[_crows((1, BN, D)), _cstat()],
            out_shape=[jax.ShapeDtypeStruct((C, N, D), _F32),
                       jax.ShapeDtypeStruct((C, 8, D), _F32)],
        )(tmp, si, qi, h,
          p['ca%d_W1' % i].T, p['ca%d_b1' % i][None, :],
          p['ca%d_W2' % i].T, p['ca%d_b2' % i][None, :])

    out = pl.pallas_call(
        _head_body,
        in_specs=[pl.BlockSpec((C, 8, D), lambda: (0, 0, 0))] +
                 [pl.BlockSpec(s, lambda: (0, 0)) for s in
                  [(D, D), (1, D), (D, 16), (1, 16), (16, D), (1, D),
                   (D, D), (1, D), (D, 16), (1, 16), (16, D), (1, D),
                   (D, 1), (1, 1)]],
        out_specs=pl.BlockSpec((C, 1), lambda: (0, 0)),
        out_shape=jax.ShapeDtypeStruct((C, 1), _F32),
    )(gsum,
      p['d1_W'].T, p['d1_b'][None, :],
      p['da1_W1'].T, p['da1_b1'][None, :], p['da1_W2'].T, p['da1_b2'][None, :],
      p['d2_W'].T, p['d2_b'][None, :],
      p['da2_W1'].T, p['da2_b1'][None, :], p['da2_W2'].T, p['da2_b2'][None, :],
      p['cls_W'].T, p['cls_b'][None, :])
    return out.reshape(C)

# --- scband reference (transcript-rebuilt; emitter-appended) ---
"""Pipeline reference for scband-gatlayout-model-51848845197431 (READ-ONLY COPY).

The authoritative reference and input builder live on the scoring server;
editing this copy changes nothing except your own understanding.
"""

import jax, jax.numpy as jnp
import numpy as np

C, N, E, NC, D = 4, 10000, 160000, 1000, 128
IN_DIM = 134 + 18 * 4 + 6 * 4 + 4  # 234


def _mk_params(key):
    ks = iter(jax.random.split(key, 64))
    def w(shape):
        return jax.random.normal(next(ks), shape, jnp.float32) * 0.05
    p = {}
    p['emb_op'] = w((120, 4))
    p['emb_layout'] = w((7, 4))
    p['lin0_W'] = w((D, IN_DIM))
    p['lin0_b'] = jnp.full((D,), 0.01, jnp.float32)
    def attn(prefix):
        r = D // 8
        p[prefix + '_W1'] = w((r, D)); p[prefix + '_b1'] = jnp.zeros((r,), jnp.float32)
        p[prefix + '_W2'] = w((D, r)); p[prefix + '_b2'] = jnp.zeros((D,), jnp.float32)
    attn('a0')
    for i in range(3):
        p['c%d_Wl' % i] = w((D, D)); p['c%d_bl' % i] = jnp.zeros((D,), jnp.float32)
        p['c%d_Wr' % i] = w((D, D))
        attn('ca%d' % i)
    p['d1_W'] = w((D, D)); p['d1_b'] = jnp.zeros((D,), jnp.float32); attn('da1')
    p['d2_W'] = w((D, D)); p['d2_b'] = jnp.zeros((D,), jnp.float32); attn('da2')
    p['cls_W'] = w((1, D)); p['cls_b'] = jnp.zeros((1,), jnp.float32)
    return p


def setup_inputs(seed: int = 0):
    key = jax.random.key(seed)
    k = jax.random.split(key, 8)
    return {
        'x_node_cfg': jax.random.randint(k[0], (C, NC, 18), 0, 6),
        'x_feat': jax.random.normal(k[1], (N, 134), jnp.float32),
        'x_node_layout_feat': jax.random.randint(k[2], (N, 6), 0, 6),
        'x_op': jax.random.randint(k[3], (N,), 0, 120),
        'edge_index': jax.random.randint(k[4], (2, E), 0, N),
        'node_config_ids': jnp.sort(jax.random.randint(k[5], (NC,), 0, N)),
        'params': _mk_params(k[6]),
    }


def _inst_norm(x):
    # torch InstanceNorm1d (affine=False): normalize over the node axis per (config, channel)
    m = jnp.mean(x, axis=1, keepdims=True)
    v = jnp.var(x, axis=1, keepdims=True)
    return (x - m) / jnp.sqrt(v + 1e-5)


def _ch_attn(x, W1, b1, W2, b2):
    t = jax.nn.relu(x @ W1.T + b1)
    t = jax.nn.sigmoid(t @ W2.T + b2)
    return t * x


def _sage(x, src, dst, Wl, bl, Wr):
    # SAGEConv: mean-aggregate neighbor messages (gather by src, scatter-add by dst)
    msgs = x[:, src, :]
    agg = jnp.zeros_like(x).at[:, dst, :].add(msgs)
    cnt = jnp.zeros((x.shape[1],), jnp.float32).at[dst].add(1.0)
    cnt = jnp.where(cnt > 0, cnt, 1.0)
    mean = agg / cnt[None, :, None]
    return mean @ Wl.T + bl + x @ Wr.T


def _forward(x_feat, params, x_node_cfg, x_node_layout_feat, x_op, edge_index, node_config_ids):
    Cc = x_node_cfg.shape[0]
    Nn = x_feat.shape[0]
    cfg = jnp.full((Cc, Nn, 18), -1, dtype=jnp.int32)
    cfg = cfg.at[:, node_config_ids, :].set(x_node_cfg.astype(jnp.int32))
    cfg = cfg + 1
    cfg_e = params['emb_layout'][cfg].reshape(Cc, Nn, -1)
    feat = jnp.broadcast_to(x_feat[None], (Cc, Nn, x_feat.shape[1]))
    op_e = jnp.broadcast_to(params['emb_op'][x_op][None], (Cc, Nn, 4))
    lay = params['emb_layout'][x_node_layout_feat + 1].reshape(1, Nn, -1)
    lay_e = jnp.broadcast_to(lay, (Cc, Nn, lay.shape[2]))
    h = jnp.concatenate([feat, cfg_e, lay_e, op_e], axis=2)
    # LinearActNorm
    h = _inst_norm(h @ params['lin0_W'].T + params['lin0_b'])
    h = _ch_attn(h, params['a0_W1'], params['a0_b1'], params['a0_W2'], params['a0_b2'])
    h = jax.nn.relu(h)
    src, dst = edge_index[0], edge_index[1]
    for i in range(3):
        tmp = _inst_norm(_sage(h, src, dst, params['c%d_Wl' % i], params['c%d_bl' % i], params['c%d_Wr' % i]))
        ha = _ch_attn(h, params['ca%d_W1' % i], params['ca%d_b1' % i], params['ca%d_W2' % i], params['ca%d_b2' % i])
        h = jax.nn.relu(tmp + ha)
    g = h.mean(axis=1)
    g = jax.nn.relu(_ch_attn(g @ params['d1_W'].T + params['d1_b'], params['da1_W1'], params['da1_b1'], params['da1_W2'], params['da1_b2']))
    g = jax.nn.relu(_ch_attn(g @ params['d2_W'].T + params['d2_b'], params['da2_W1'], params['da2_b1'], params['da2_W2'], params['da2_b2']))
    return (g @ params['cls_W'].T + params['cls_b']).reshape(-1)


def reference(x_node_cfg, x_feat, x_node_layout_feat, x_op, edge_index, node_config_ids, params):
    return _forward(x_feat, params, x_node_cfg, x_node_layout_feat, x_op, edge_index, node_config_ids)

if __name__ == "__main__":
    import jax
    _d = setup_inputs()
    print(jax.jit(kernel)(*tuple(_d.values())))

</pallas_src>

<mosaic_0001>
#map = affine_map<(d0, d1) -> (0, 0, 0)>
#map1 = affine_map<(d0, d1) -> (0, 0)>
module attributes {stable_mosaic.version = 14 : i64} {
  func.func @_sage_agg_body(%arg0: i32, %arg1: i32, %arg2: memref<4x10000x128xf32, #tpu.memory_space<hbm>>, %arg3: memref<16x79x128xi32, #tpu.memory_space<hbm>>, %arg4: memref<16x79x128xi32, #tpu.memory_space<hbm>>, %arg5: memref<632x128xf32, #tpu.memory_space<hbm>>, %arg6: memref<4x10112x128xf32, #tpu.memory_space<hbm>>, %arg7: memref<10112x128xf32, #tpu.memory_space<vmem_shared>>, %arg8: memref<128xi32, #tpu.memory_space<vmem>>, %arg9: memref<128xi32, #tpu.memory_space<vmem>>, %arg10: memref<79x128xi32, #tpu.memory_space<vmem>>, %arg11: memref<128x128xf32, #tpu.memory_space<vmem>>, %arg12: memref<128x128xf32, #tpu.memory_space<vmem>>, %arg13: memref<!tpu.dma_semaphore, #tpu.memory_space<semaphore_mem>>, %arg14: memref<!tpu.dma_semaphore, #tpu.memory_space<semaphore_mem>>) attributes {dimension_semantics = [#tpu.dimension_semantics<core_parallel>, #tpu.dimension_semantics<subcore_parallel>], iteration_bounds = array<i64: 2, 16>, scalar_prefetch = 0 : i64, scratch_operands = 8 : i64, tpu.core_type = #tpu.core_type<sc_vector_subcore>, window_params = [{transform_indices = #map}, {transform_indices = #map}, {transform_indices = #map}, {transform_indices = #map1}, {transform_indices = #map}]} {
    %mul3A = arith.constant 632 : i32
    %mul3A_0 = arith.muli %arg1, %mul3A : i32
    "tpu.region"() ({
      %run_scoped3A_38 = tpu.sem_alloc : memref<!tpu.dma_semaphore, #tpu.memory_space<semaphore_mem>>
      %dma_start3A_39 = arith.constant 0 : i32
      %dma_start3A_40 = arith.constant 0 : i32
      %dma_start3A_41 = tpu.memref_slice %arg4[%arg1, %dma_start3A_39, %dma_start3A_40] : memref<16x79x128xi32, #tpu.memory_space<hbm>> -> memref<1x79x128xi32, #tpu.memory_space<hbm>>
      %dma_start3A_42 = tpu.memref_squeeze %dma_start3A_41 : memref<1x79x128xi32, #tpu.memory_space<hbm>> -> memref<79x128xi32, #tpu.memory_space<hbm>>
      %dma_start3A_43 = arith.constant 0 : i32
      %dma_start3A_44 = arith.constant 0 : i32
      %dma_start3A_45 = tpu.memref_slice %arg4[%arg1, %dma_start3A_43, %dma_start3A_44] : memref<16x79x128xi32, #tpu.memory_space<hbm>> -> memref<1x79x128xi32, #tpu.memory_space<hbm>>
      %dma_start3A_46 = tpu.memref_squeeze %dma_start3A_45 : memref<1x79x128xi32, #tpu.memory_space<hbm>> -> memref<79x128xi32, #tpu.memory_space<hbm>>
      tpu.enqueue_dma source(%dma_start3A_46 : memref<79x128xi32, #tpu.memory_space<hbm>>) target(%arg10 : memref<79x128xi32, #tpu.memory_space<vmem>>) target_semaphore(%run_scoped3A_38 : memref<!tpu.dma_semaphore, #tpu.memory_space<semaphore_mem>>)
      %dma_wait3A = arith.constant 0 : i32
      %dma_wait3A_47 = arith.constant 0 : i32
      %dma_wait3A_48 = tpu.memref_slice %arg4[%arg1, %dma_wait3A, %dma_wait3A_47] : memref<16x79x128xi32, #tpu.memory_space<hbm>> -> memref<1x79x128xi32, #tpu.memory_space<hbm>>
      %dma_wait3A_49 = tpu.memref_squeeze %dma_wait3A_48 : memref<1x79x128xi32, #tpu.memory_space<hbm>> -> memref<79x128xi32, #tpu.memory_space<hbm>>
      %dma_wait3A_50 = arith.constant 0 : i32
      %dma_wait3A_51 = arith.constant 0 : i32
      %dma_wait3A_52 = tpu.memref_slice %arg4[%arg1, %dma_wait3A_50, %dma_wait3A_51] : memref<16x79x128xi32, #tpu.memory_space<hbm>> -> memref<1x79x128xi32, #tpu.memory_space<hbm>>
      %dma_wait3A_53 = tpu.memref_squeeze %dma_wait3A_52 : memref<1x79x128xi32, #tpu.memory_space<hbm>> -> memref<79x128xi32, #tpu.memory_space<hbm>>
      tpu.wait_dma2 semaphore(%run_scoped3A_38 : memref<!tpu.dma_semaphore, #tpu.memory_space<semaphore_mem>>) src(%dma_wait3A_53 : memref<79x128xi32, #tpu.memory_space<hbm>>) dst(%arg10 : memref<79x128xi32, #tpu.memory_space<vmem>>)
      tpu.yield
    }) : () -> ()
    %mul3A_1 = arith.constant 2 : i32
    %mul3A_2 = arith.muli %arg0, %mul3A_1 : i32
    %add3A = arith.constant 0 : i32
    %add3A_3 = arith.addi %mul3A_2, %add3A : i32
    "tpu.region"() ({
      %run_scoped3A_38 = tpu.sem_alloc : memref<!tpu.dma_semaphore, #tpu.memory_space<semaphore_mem>>
      %dma_start3A_39 = arith.constant 0 : i32
      %dma_start3A_40 = tpu.memref_slice %arg7[%mul3A_0, %dma_start3A_39] : memref<10112x128xf32, #tpu.memory_space<vmem_shared>> -> memref<632x128xf32, #tpu.memory_space<vmem_shared>>
      tpu.enqueue_dma source(%arg5 : memref<632x128xf32, #tpu.memory_space<hbm>>) target(%dma_start3A_40 : memref<632x128xf32, #tpu.memory_space<vmem_shared>>) target_semaphore(%run_scoped3A_38 : memref<!tpu.dma_semaphore, #tpu.memory_space<semaphore_mem>>)
      %dma_wait3A = arith.constant 0 : i32
      %dma_wait3A_41 = tpu.memref_slice %arg7[%mul3A_0, %dma_wait3A] : memref<10112x128xf32, #tpu.memory_space<vmem_shared>> -> memref<632x128xf32, #tpu.memory_space<vmem_shared>>
      tpu.wait_dma2 semaphore(%run_scoped3A_38 : memref<!tpu.dma_semaphore, #tpu.memory_space<semaphore_mem>>) src(%arg5 : memref<632x128xf32, #tpu.memory_space<hbm>>) dst(%dma_wait3A_41 : memref<632x128xf32, #tpu.memory_space<vmem_shared>>)
      tpu.yield
    }) : () -> ()
    %barrier3A = arith.constant 0 : index
    tpu.barrier barrier_id(%barrier3A)
    %run_scoped3A = arith.constant 0 : i32
    "tpu.region"() ({
      %run_scoped3A_38 = tpu.sem_alloc : memref<!tpu.dma_semaphore, #tpu.memory_space<semaphore_mem>>
      %dma_start3A_39 = arith.constant 0 : i32
      %dma_start3A_40 = arith.constant 0 : i32
      %dma_start3A_41 = tpu.memref_slice %arg3[%arg1, %dma_start3A_39, %dma_start3A_40] : memref<16x79x128xi32, #tpu.memory_space<hbm>> -> memref<1x79x128xi32, #tpu.memory_space<hbm>>
      %dma_start3A_42 = tpu.memref_squeeze %dma_start3A_41 : memref<1x79x128xi32, #tpu.memory_space<hbm>> -> memref<79x128xi32, #tpu.memory_space<hbm>>
      %dma_start3A_43 = arith.constant 0 : i32
      %dma_start3A_44 = tpu.memref_slice %dma_start3A_42[%run_scoped3A, %dma_start3A_43] : memref<79x128xi32, #tpu.memory_space<hbm>> -> memref<1x128xi32, #tpu.memory_space<hbm>>
      %dma_start3A_45 = tpu.memref_squeeze %dma_start3A_44 : memref<1x128xi32, #tpu.memory_space<hbm>> -> memref<128xi32, #tpu.memory_space<hbm>>
      %dma_start3A_46 = arith.constant 0 : i32
      %dma_start3A_47 = arith.constant 0 : i32
      %dma_start3A_48 = tpu.memref_slice %arg3[%arg1, %dma_start3A_46, %dma_start3A_47] : memref<16x79x128xi32, #tpu.memory_space<hbm>> -> memref<1x79x128xi32, #tpu.memory_space<hbm>>
      %dma_start3A_49 = tpu.memref_squeeze %dma_start3A_48 : memref<1x79x128xi32, #tpu.memory_space<hbm>> -> memref<79x128xi32, #tpu.memory_space<hbm>>
      %dma_start3A_50 = arith.constant 0 : i32
      %dma_start3A_51 = tpu.memref_slice %dma_start3A_49[%run_scoped3A, %dma_start3A_50] : memref<79x128xi32, #tpu.memory_space<hbm>> -> memref<1x128xi32, #tpu.memory_space<hbm>>
      %dma_start3A_52 = tpu.memref_squeeze %dma_start3A_51 : memref<1x128xi32, #tpu.memory_space<hbm>> -> memref<128xi32, #tpu.memory_space<hbm>>
      tpu.enqueue_dma source(%dma_start3A_52 : memref<128xi32, #tpu.memory_space<hbm>>) target(%arg8 : memref<128xi32, #tpu.memory_space<vmem>>) target_semaphore(%run_scoped3A_38 : memref<!tpu.dma_semaphore, #tpu.memory_space<semaphore_mem>>)
      %dma_wait3A = arith.constant 0 : i32
      %dma_wait3A_53 = arith.constant 0 : i32
      %dma_wait3A_54 = tpu.memref_slice %arg3[%arg1, %dma_wait3A, %dma_wait3A_53] : memref<16x79x128xi32, #tpu.memory_space<hbm>> -> memref<1x79x128xi32, #tpu.memory_space<hbm>>
      %dma_wait3A_55 = tpu.memref_squeeze %dma_wait3A_54 : memref<1x79x128xi32, #tpu.memory_space<hbm>> -> memref<79x128xi32, #tpu.memory_space<hbm>>
      %dma_wait3A_56 = arith.constant 0 : i32
      %dma_wait3A_57 = tpu.memref_slice %dma_wait3A_55[%run_scoped3A, %dma_wait3A_56] : memref<79x128xi32, #tpu.memory_space<hbm>> -> memref<1x128xi32, #tpu.memory_space<hbm>>
      %dma_wait3A_58 = tpu.memref_squeeze %dma_wait3A_57 : memref<1x128xi32, #tpu.memory_space<hbm>> -> memref<128xi32, #tpu.memory_space<hbm>>
      %dma_wait3A_59 = arith.constant 0 : i32
      %dma_wait3A_60 = arith.constant 0 : i32
      %dma_wait3A_61 = tpu.memref_slice %arg3[%arg1, %dma_wait3A_59, %dma_wait3A_60] : memref<16x79x128xi32, #tpu.memory_space<hbm>> -> memref<1x79x128xi32, #tpu.memory_space<hbm>>
      %dma_wait3A_62 = tpu.memref_squeeze %dma_wait3A_61 : memref<1x79x128xi32, #tpu.memory_space<hbm>> -> memref<79x128xi32, #tpu.memory_space<hbm>>
      %dma_wait3A_63 = arith.constant 0 : i32
      %dma_wait3A_64 = tpu.memref_slice %dma_wait3A_62[%run_scoped3A, %dma_wait3A_63] : memref<79x128xi32, #tpu.memory_space<hbm>> -> memref<1x128xi32, #tpu.memory_space<hbm>>
      %dma_wait3A_65 = tpu.memref_squeeze %dma_wait3A_64 : memref<1x128xi32, #tpu.memory_space<hbm>> -> memref<128xi32, #tpu.memory_space<hbm>>
      tpu.wait_dma2 semaphore(%run_scoped3A_38 : memref<!tpu.dma_semaphore, #tpu.memory_space<semaphore_mem>>) src(%dma_wait3A_65 : memref<128xi32, #tpu.memory_space<hbm>>) dst(%arg8 : memref<128xi32, #tpu.memory_space<vmem>>)
      tpu.yield
    }) : () -> ()
    %dma_start3A = arith.constant 0 : i32
    %dma_start3A_4 = arith.constant 0 : i32
    %dma_start3A_5 = tpu.memref_slice %arg2[%add3A_3, %dma_start3A, %dma_start3A_4] : memref<4x10000x128xf32, #tpu.memory_space<hbm>> -> memref<1x10000x128xf32, #tpu.memory_space<hbm>>
    %dma_start3A_6 = tpu.memref_squeeze %dma_start3A_5 : memref<1x10000x128xf32, #tpu.memory_space<hbm>> -> memref<10000x128xf32, #tpu.memory_space<hbm>>
    %dma_start3A_7 = arith.constant 0 : i32
    %dma_start3A_8 = arith.constant 0 : i32
    %dma_start3A_9 = tpu.memref_slice %dma_start3A_6[%dma_start3A_7, %dma_start3A_8] : memref<10000x128xf32, #tpu.memory_space<hbm>> -> memref<10000x128xf32, #tpu.memory_space<hbm>>
    tpu.enqueue_indirect_dma source(%dma_start3A_9 : memref<10000x128xf32, #tpu.memory_space<hbm>>) target(%arg11 : memref<128x128xf32, #tpu.memory_space<vmem>>) offsets(%arg8 : memref<128xi32, #tpu.memory_space<vmem>>) semaphore(%arg13 : memref<!tpu.dma_semaphore, #tpu.memory_space<semaphore_mem>>)
    %scan3A = arith.constant 0 : i32
    %scan3A_10 = arith.constant 0 : i32
    %scan3A_11 = arith.constant 40 : i32
    %scan3A_12 = arith.addi %scan3A_10, %scan3A_11 : i32
    %scan3A_13 = arith.constant 1 : i32
    scf.for %scan3A_38 = %scan3A_10 to %scan3A_12 step %scan3A_13  : i32 {
      %mul3A_39 = arith.constant 2 : i32
      %mul3A_40 = arith.muli %scan3A_38, %mul3A_39 : i32
      %add3A_41 = arith.constant 0 : i32
      %add3A_42 = arith.addi %mul3A_40, %add3A_41 : i32
      %lt3A = arith.constant 79 : i32
      %lt3A_43 = arith.cmpi slt, %add3A_42, %lt3A : i32
      %convert_element_type3A = arith.extui %lt3A_43 : i1 to i32
      %cond3A = arith.constant 0 : i32
      %cond3A_44 = arith.cmpi ne, %convert_element_type3A, %cond3A : i32
      scf.if %cond3A_44 {
        %add3A_54 = arith.constant 1 : i32
        %add3A_55 = arith.addi %add3A_42, %add3A_54 : i32
        %lt3A_56 = arith.constant 79 : i32
        %lt3A_57 = arith.cmpi slt, %add3A_55, %lt3A_56 : i32
        %convert_element_type3A_58 = arith.extui %lt3A_57 : i1 to i32
        %cond3A_59 = arith.constant 0 : i32
        %cond3A_60 = arith.cmpi ne, %convert_element_type3A_58, %cond3A_59 : i32
        scf.if %cond3A_60 {
          "tpu.region"() ({
            %run_scoped3A_74 = tpu.sem_alloc : memref<!tpu.dma_semaphore, #tpu.memory_space<semaphore_mem>>
            %dma_start3A_75 = arith.constant 0 : i32
            %dma_start3A_76 = arith.constant 0 : i32
            %dma_start3A_77 = tpu.memref_slice %arg3[%arg1, %dma_start3A_75, %dma_start3A_76] : memref<16x79x128xi32, #tpu.memory_space<hbm>> -> memref<1x79x128xi32, #tpu.memory_space<hbm>>
            %dma_start3A_78 = tpu.memref_squeeze %dma_start3A_77 : memref<1x79x128xi32, #tpu.memory_space<hbm>> -> memref<79x128xi32, #tpu.memory_space<hbm>>
            %dma_start3A_79 = arith.constant 0 : i32
            %dma_start3A_80 = tpu.memref_slice %dma_start3A_78[%add3A_55, %dma_start3A_79] : memref<79x128xi32, #tpu.memory_space<hbm>> -> memref<1x128xi32, #tpu.memory_space<hbm>>
            %dma_start3A_81 = tpu.memref_squeeze %dma_start3A_80 : memref<1x128xi32, #tpu.memory_space<hbm>> -> memref<128xi32, #tpu.memory_space<hbm>>
            %dma_start3A_82 = arith.constant 0 : i32
            %dma_start3A_83 = arith.constant 0 : i32
            %dma_start3A_84 = tpu.memref_slice %arg3[%arg1, %dma_start3A_82, %dma_start3A_83] : memref<16x79x128xi32, #tpu.memory_space<hbm>> -> memref<1x79x128xi32, #tpu.memory_space<hbm>>
            %dma_start3A_85 = tpu.memref_squeeze %dma_start3A_84 : memref<1x79x128xi32, #tpu.memory_space<hbm>> -> memref<79x128xi32, #tpu.memory_space<hbm>>
            %dma_start3A_86 = arith.constant 0 : i32
            %dma_start3A_87 = tpu.memref_slice %dma_start3A_85[%add3A_55, %dma_start3A_86] : memref<79x128xi32, #tpu.memory_space<hbm>> -> memref<1x128xi32, #tpu.memory_space<hbm>>
            %dma_start3A_88 = tpu.memref_squeeze %dma_start3A_87 : memref<1x128xi32, #tpu.memory_space<hbm>> -> memref<128xi32, #tpu.memory_space<hbm>>
            tpu.enqueue_dma source(%dma_start3A_88 : memref<128xi32, #tpu.memory_space<hbm>>) target(%arg9 : memref<128xi32, #tpu.memory_space<vmem>>) target_semaphore(%run_scoped3A_74 : memref<!tpu.dma_semaphore, #tpu.memory_space<semaphore_mem>>)
            %dma_wait3A_89 = arith.constant 0 : i32
            %dma_wait3A_90 = arith.constant 0 : i32
            %dma_wait3A_91 = tpu.memref_slice %arg3[%arg1, %dma_wait3A_89, %dma_wait3A_90] : memref<16x79x128xi32, #tpu.memory_space<hbm>> -> memref<1x79x128xi32, #tpu.memory_space<hbm>>
            %dma_wait3A_92 = tpu.memref_squeeze %dma_wait3A_91 : memref<1x79x128xi32, #tpu.memory_space<hbm>> -> memref<79x128xi32, #tpu.memory_space<hbm>>
            %dma_wait3A_93 = arith.constant 0 : i32
            %dma_wait3A_94 = tpu.memref_slice %dma_wait3A_92[%add3A_55, %dma_wait3A_93] : memref<79x128xi32, #tpu.memory_space<hbm>> -> memref<1x128xi32, #tpu.memory_space<hbm>>
            %dma_wait3A_95 = tpu.memref_squeeze %dma_wait3A_94 : memref<1x128xi32, #tpu.memory_space<hbm>> -> memref<128xi32, #tpu.memory_space<hbm>>
            %dma_wait3A_96 = arith.constant 0 : i32
            %dma_wait3A_97 = arith.constant 0 : i32
            %dma_wait3A_98 = tpu.memref_slice %arg3[%arg1, %dma_wait3A_96, %dma_wait3A_97] : memref<16x79x128xi32, #tpu.memory_space<hbm>> -> memref<1x79x128xi32, #tpu.memory_space<hbm>>
            %dma_wait3A_99 = tpu.memref_squeeze %dma_wait3A_98 : memref<1x79x128xi32, #tpu.memory_space<hbm>> -> memref<79x128xi32, #tpu.memory_space<hbm>>
            %dma_wait3A_100 = arith.constant 0 : i32
            %dma_wait3A_101 = tpu.memref_slice %dma_wait3A_99[%add3A_55, %dma_wait3A_100] : memref<79x128xi32, #tpu.memory_space<hbm>> -> memref<1x128xi32, #tpu.memory_space<hbm>>
            %dma_wait3A_102 = tpu.memref_squeeze %dma_wait3A_101 : memref<1x128xi32, #tpu.memory_space<hbm>> -> memref<128xi32, #tpu.memory_space<hbm>>
            tpu.wait_dma2 semaphore(%run_scoped3A_74 : memref<!tpu.dma_semaphore, #tpu.memory_space<semaphore_mem>>) src(%dma_wait3A_102 : memref<128xi32, #tpu.memory_space<hbm>>) dst(%arg9 : memref<128xi32, #tpu.memory_space<vmem>>)
            tpu.yield
          }) : () -> ()
          %dma_start3A_67 = arith.constant 0 : i32
          %dma_start3A_68 = arith.constant 0 : i32
          %dma_start3A_69 = tpu.memref_slice %arg2[%add3A_3, %dma_start3A_67, %dma_start3A_68] : memref<4x10000x128xf32, #tpu.memory_space<hbm>> -> memref<1x10000x128xf32, #tpu.memory_space<hbm>>
          %dma_start3A_70 = tpu.memref_squeeze %dma_start3A_69 : memref<1x10000x128xf32, #tpu.memory_space<hbm>> -> memref<10000x128xf32, #tpu.memory_space<hbm>>
          %dma_start3A_71 = arith.constant 0 : i32
          %dma_start3A_72 = arith.constant 0 : i32
          %dma_start3A_73 = tpu.memref_slice %dma_start3A_70[%dma_start3A_71, %dma_start3A_72] : memref<10000x128xf32, #tpu.memory_space<hbm>> -> memref<10000x128xf32, #tpu.memory_space<hbm>>
          tpu.enqueue_indirect_dma source(%dma_start3A_73 : memref<10000x128xf32, #tpu.memory_space<hbm>>) target(%arg12 : memref<128x128xf32, #tpu.memory_space<vmem>>) offsets(%arg9 : memref<128xi32, #tpu.memory_space<vmem>>) semaphore(%arg14 : memref<!tpu.dma_semaphore, #tpu.memory_space<semaphore_mem>>)
        } else {
        }
        %dma_wait3A = arith.constant 0 : i32
        %dma_wait3A_61 = arith.constant 0 : i32
        %dma_wait3A_62 = tpu.memref_slice %arg2[%add3A_3, %dma_wait3A, %dma_wait3A_61] : memref<4x10000x128xf32, #tpu.memory_space<hbm>> -> memref<1x10000x128xf32, #tpu.memory_space<hbm>>
        %dma_wait3A_63 = tpu.memref_squeeze %dma_wait3A_62 : memref<1x10000x128xf32, #tpu.memory_space<hbm>> -> memref<10000x128xf32, #tpu.memory_space<hbm>>
        %dma_wait3A_64 = arith.constant 0 : i32
        %dma_wait3A_65 = arith.constant 0 : i32
        %dma_wait3A_66 = tpu.memref_slice %dma_wait3A_63[%dma_wait3A_64, %dma_wait3A_65] : memref<10000x128xf32, #tpu.memory_space<hbm>> -> memref<10000x128xf32, #tpu.memory_space<hbm>>
        tpu.wait_indirect_dma semaphore(%arg13 : memref<!tpu.dma_semaphore, #tpu.memory_space<semaphore_mem>>) src(%dma_wait3A_66 : memref<10000x128xf32, #tpu.memory_space<hbm>>) dst(%arg11 : memref<128x128xf32, #tpu.memory_space<vmem>>)
        "tpu.region"() ({
          %run_scoped3A_67 = tpu.sem_alloc : memref<!tpu.dma_semaphore, #tpu.memory_space<semaphore_mem>>
          %dma_start3A_68 = arith.constant 0 : i32
          %dma_start3A_69 = tpu.memref_slice %arg10[%add3A_42, %dma_start3A_68] : memref<79x128xi32, #tpu.memory_space<vmem>> -> memref<1x128xi32, #tpu.memory_space<vmem>>
          %dma_start3A_70 = tpu.memref_squeeze %dma_start3A_69 : memref<1x128xi32, #tpu.memory_space<vmem>> -> memref<128xi32, #tpu.memory_space<vmem>>
          %dma_start3A_71 = arith.constant 0 : i32
          %dma_start3A_72 = arith.constant 0 : i32
          %dma_start3A_73 = tpu.memref_slice %arg7[%dma_start3A_71, %dma_start3A_72] : memref<10112x128xf32, #tpu.memory_space<vmem_shared>> -> memref<10112x128xf32, #tpu.memory_space<vmem_shared>>
          tpu.enqueue_indirect_dma source(%arg11 : memref<128x128xf32, #tpu.memory_space<vmem>>) target(%dma_start3A_73 : memref<10112x128xf32, #tpu.memory_space<vmem_shared>>) offsets(%dma_start3A_70 : memref<128xi32, #tpu.memory_space<vmem>>) semaphore(%run_scoped3A_67 : memref<!tpu.dma_semaphore, #tpu.memory_space<semaphore_mem>>) {add = true}
          %dma_wait3A_74 = arith.constant 0 : i32
          %dma_wait3A_75 = tpu.memref_slice %arg10[%add3A_42, %dma_wait3A_74] : memref<79x128xi32, #tpu.memory_space<vmem>> -> memref<1x128xi32, #tpu.memory_space<vmem>>
          %dma_wait3A_76 = tpu.memref_squeeze %dma_wait3A_75 : memref<1x128xi32, #tpu.memory_space<vmem>> -> memref<128xi32, #tpu.memory_space<vmem>>
          %dma_wait3A_77 = arith.constant 0 : i32
          %dma_wait3A_78 = arith.constant 0 : i32
          %dma_wait3A_79 = tpu.memref_slice %arg7[%dma_wait3A_77, %dma_wait3A_78] : memref<10112x128xf32, #tpu.memory_space<vmem_shared>> -> memref<10112x128xf32, #tpu.memory_space<vmem_shared>>
          tpu.wait_indirect_dma semaphore(%run_scoped3A_67 : memref<!tpu.dma_semaphore, #tpu.memory_space<semaphore_mem>>) src(%arg11 : memref<128x128xf32, #tpu.memory_space<vmem>>) dst(%dma_wait3A_79 : memref<10112x128xf32, #tpu.memory_space<vmem_shared>>)
          tpu.yield
        }) : () -> ()
      } else {
      }
      %mul3A_45 = arith.constant 2 : i32
      %mul3A_46 = arith.muli %scan3A_38, %mul3A_45 : i32
      %add3A_47 = arith.constant 1 : i32
      %add3A_48 = arith.addi %mul3A_46, %add3A_47 : i32
      %lt3A_49 = arith.constant 79 : i32
      %lt3A_50 = arith.cmpi slt, %add3A_48, %lt3A_49 : i32
      %convert_element_type3A_51 = arith.extui %lt3A_50 : i1 to i32
      %cond3A_52 = arith.constant 0 : i32
      %cond3A_53 = arith.cmpi ne, %convert_element_type3A_51, %cond3A_52 : i32
      scf.if %cond3A_53 {
        %add3A_54 = arith.constant 1 : i32
        %add3A_55 = arith.addi %add3A_48, %add3A_54 : i32
        %lt3A_56 = arith.constant 79 : i32
        %lt3A_57 = arith.cmpi slt, %add3A_55, %lt3A_56 : i32
        %convert_element_type3A_58 = arith.extui %lt3A_57 : i1 to i32
        %cond3A_59 = arith.constant 0 : i32
        %cond3A_60 = arith.cmpi ne, %convert_element_type3A_58, %cond3A_59 : i32
        scf.if %cond3A_60 {
          "tpu.region"() ({
            %run_scoped3A_74 = tpu.sem_alloc : memref<!tpu.dma_semaphore, #tpu.memory_space<semaphore_mem>>
            %dma_start3A_75 = arith.constant 0 : i32
            %dma_start3A_76 = arith.constant 0 : i32
            %dma_start3A_77 = tpu.memref_slice %arg3[%arg1, %dma_start3A_75, %dma_start3A_76] : memref<16x79x128xi32, #tpu.memory_space<hbm>> -> memref<1x79x128xi32, #tpu.memory_space<hbm>>
            %dma_start3A_78 = tpu.memref_squeeze %dma_start3A_77 : memref<1x79x128xi32, #tpu.memory_space<hbm>> -> memref<79x128xi32, #tpu.memory_space<hbm>>
            %dma_start3A_79 = arith.constant 0 : i32
            %dma_start3A_80 = tpu.memref_slice %dma_start3A_78[%add3A_55, %dma_start3A_79] : memref<79x128xi32, #tpu.memory_space<hbm>> -> memref<1x128xi32, #tpu.memory_space<hbm>>
            %dma_start3A_81 = tpu.memref_squeeze %dma_start3A_80 : memref<1x128xi32, #tpu.memory_space<hbm>> -> memref<128xi32, #tpu.memory_space<hbm>>
            %dma_start3A_82 = arith.constant 0 : i32
            %dma_start3A_83 = arith.constant 0 : i32
            %dma_start3A_84 = tpu.memref_slice %arg3[%arg1, %dma_start3A_82, %dma_start3A_83] : memref<16x79x128xi32, #tpu.memory_space<hbm>> -> memref<1x79x128xi32, #tpu.memory_space<hbm>>
            %dma_start3A_85 = tpu.memref_squeeze %dma_start3A_84 : memref<1x79x128xi32, #tpu.memory_space<hbm>> -> memref<79x128xi32, #tpu.memory_space<hbm>>
            %dma_start3A_86 = arith.constant 0 : i32
            %dma_start3A_87 = tpu.memref_slice %dma_start3A_85[%add3A_55, %dma_start3A_86] : memref<79x128xi32, #tpu.memory_space<hbm>> -> memref<1x128xi32, #tpu.memory_space<hbm>>
            %dma_start3A_88 = tpu.memref_squeeze %dma_start3A_87 : memref<1x128xi32, #tpu.memory_space<hbm>> -> memref<128xi32, #tpu.memory_space<hbm>>
            tpu.enqueue_dma source(%dma_start3A_88 : memref<128xi32, #tpu.memory_space<hbm>>) target(%arg8 : memref<128xi32, #tpu.memory_space<vmem>>) target_semaphore(%run_scoped3A_74 : memref<!tpu.dma_semaphore, #tpu.memory_space<semaphore_mem>>)
            %dma_wait3A_89 = arith.constant 0 : i32
            %dma_wait3A_90 = arith.constant 0 : i32
            %dma_wait3A_91 = tpu.memref_slice %arg3[%arg1, %dma_wait3A_89, %dma_wait3A_90] : memref<16x79x128xi32, #tpu.memory_space<hbm>> -> memref<1x79x128xi32, #tpu.memory_space<hbm>>
            %dma_wait3A_92 = tpu.memref_squeeze %dma_wait3A_91 : memref<1x79x128xi32, #tpu.memory_space<hbm>> -> memref<79x128xi32, #tpu.memory_space<hbm>>
            %dma_wait3A_93 = arith.constant 0 : i32
            %dma_wait3A_94 = tpu.memref_slice %dma_wait3A_92[%add3A_55, %dma_wait3A_93] : memref<79x128xi32, #tpu.memory_space<hbm>> -> memref<1x128xi32, #tpu.memory_space<hbm>>
            %dma_wait3A_95 = tpu.memref_squeeze %dma_wait3A_94 : memref<1x128xi32, #tpu.memory_space<hbm>> -> memref<128xi32, #tpu.memory_space<hbm>>
            %dma_wait3A_96 = arith.constant 0 : i32
            %dma_wait3A_97 = arith.constant 0 : i32
            %dma_wait3A_98 = tpu.memref_slice %arg3[%arg1, %dma_wait3A_96, %dma_wait3A_97] : memref<16x79x128xi32, #tpu.memory_space<hbm>> -> memref<1x79x128xi32, #tpu.memory_space<hbm>>
            %dma_wait3A_99 = tpu.memref_squeeze %dma_wait3A_98 : memref<1x79x128xi32, #tpu.memory_space<hbm>> -> memref<79x128xi32, #tpu.memory_space<hbm>>
            %dma_wait3A_100 = arith.constant 0 : i32
            %dma_wait3A_101 = tpu.memref_slice %dma_wait3A_99[%add3A_55, %dma_wait3A_100] : memref<79x128xi32, #tpu.memory_space<hbm>> -> memref<1x128xi32, #tpu.memory_space<hbm>>
            %dma_wait3A_102 = tpu.memref_squeeze %dma_wait3A_101 : memref<1x128xi32, #tpu.memory_space<hbm>> -> memref<128xi32, #tpu.memory_space<hbm>>
            tpu.wait_dma2 semaphore(%run_scoped3A_74 : memref<!tpu.dma_semaphore, #tpu.memory_space<semaphore_mem>>) src(%dma_wait3A_102 : memref<128xi32, #tpu.memory_space<hbm>>) dst(%arg8 : memref<128xi32, #tpu.memory_space<vmem>>)
            tpu.yield
          }) : () -> ()
          %dma_start3A_67 = arith.constant 0 : i32
          %dma_start3A_68 = arith.constant 0 : i32
          %dma_start3A_69 = tpu.memref_slice %arg2[%add3A_3, %dma_start3A_67, %dma_start3A_68] : memref<4x10000x128xf32, #tpu.memory_space<hbm>> -> memref<1x10000x128xf32, #tpu.memory_space<hbm>>
          %dma_start3A_70 = tpu.memref_squeeze %dma_start3A_69 : memref<1x10000x128xf32, #tpu.memory_space<hbm>> -> memref<10000x128xf32, #tpu.memory_space<hbm>>
          %dma_start3A_71 = arith.constant 0 : i32
          %dma_start3A_72 = arith.constant 0 : i32
          %dma_start3A_73 = tpu.memref_slice %dma_start3A_70[%dma_start3A_71, %dma_start3A_72] : memref<10000x128xf32, #tpu.memory_space<hbm>> -> memref<10000x128xf32, #tpu.memory_space<hbm>>
          tpu.enqueue_indirect_dma source(%dma_start3A_73 : memref<10000x128xf32, #tpu.memory_space<hbm>>) target(%arg11 : memref<128x128xf32, #tpu.memory_space<vmem>>) offsets(%arg8 : memref<128xi32, #tpu.memory_space<vmem>>) semaphore(%arg13 : memref<!tpu.dma_semaphore, #tpu.memory_space<semaphore_mem>>)
        } else {
        }
        %dma_wait3A = arith.constant 0 : i32
        %dma_wait3A_61 = arith.constant 0 : i32
        %dma_wait3A_62 = tpu.memref_slice %arg2[%add3A_3, %dma_wait3A, %dma_wait3A_61] : memref<4x10000x128xf32, #tpu.memory_space<hbm>> -> memref<1x10000x128xf32, #tpu.memory_space<hbm>>
        %dma_wait3A_63 = tpu.memref_squeeze %dma_wait3A_62 : memref<1x10000x128xf32, #tpu.memory_space<hbm>> -> memref<10000x128xf32, #tpu.memory_space<hbm>>
        %dma_wait3A_64 = arith.constant 0 : i32
        %dma_wait3A_65 = arith.constant 0 : i32
        %dma_wait3A_66 = tpu.memref_slice %dma_wait3A_63[%dma_wait3A_64, %dma_wait3A_65] : memref<10000x128xf32, #tpu.memory_space<hbm>> -> memref<10000x128xf32, #tpu.memory_space<hbm>>
        tpu.wait_indirect_dma semaphore(%arg14 : memref<!tpu.dma_semaphore, #tpu.memory_space<semaphore_mem>>) src(%dma_wait3A_66 : memref<10000x128xf32, #tpu.memory_space<hbm>>) dst(%arg12 : memref<128x128xf32, #tpu.memory_space<vmem>>)
        "tpu.region"() ({
          %run_scoped3A_67 = tpu.sem_alloc : memref<!tpu.dma_semaphore, #tpu.memory_space<semaphore_mem>>
          %dma_start3A_68 = arith.constant 0 : i32
          %dma_start3A_69 = tpu.memref_slice %arg10[%add3A_48, %dma_start3A_68] : memref<79x128xi32, #tpu.memory_space<vmem>> -> memref<1x128xi32, #tpu.memory_space<vmem>>
          %dma_start3A_70 = tpu.memref_squeeze %dma_start3A_69 : memref<1x128xi32, #tpu.memory_space<vmem>> -> memref<128xi32, #tpu.memory_space<vmem>>
          %dma_start3A_71 = arith.constant 0 : i32
          %dma_start3A_72 = arith.constant 0 : i32
          %dma_start3A_73 = tpu.memref_slice %arg7[%dma_start3A_71, %dma_start3A_72] : memref<10112x128xf32, #tpu.memory_space<vmem_shared>> -> memref<10112x128xf32, #tpu.memory_space<vmem_shared>>
          tpu.enqueue_indirect_dma source(%arg12 : memref<128x128xf32, #tpu.memory_space<vmem>>) target(%dma_start3A_73 : memref<10112x128xf32, #tpu.memory_space<vmem_shared>>) offsets(%dma_start3A_70 : memref<128xi32, #tpu.memory_space<vmem>>) semaphore(%run_scoped3A_67 : memref<!tpu.dma_semaphore, #tpu.memory_space<semaphore_mem>>) {add = true}
          %dma_wait3A_74 = arith.constant 0 : i32
          %dma_wait3A_75 = tpu.memref_slice %arg10[%add3A_48, %dma_wait3A_74] : memref<79x128xi32, #tpu.memory_space<vmem>> -> memref<1x128xi32, #tpu.memory_space<vmem>>
          %dma_wait3A_76 = tpu.memref_squeeze %dma_wait3A_75 : memref<1x128xi32, #tpu.memory_space<vmem>> -> memref<128xi32, #tpu.memory_space<vmem>>
          %dma_wait3A_77 = arith.constant 0 : i32
          %dma_wait3A_78 = arith.constant 0 : i32
          %dma_wait3A_79 = tpu.memref_slice %arg7[%dma_wait3A_77, %dma_wait3A_78] : memref<10112x128xf32, #tpu.memory_space<vmem_shared>> -> memref<10112x128xf32, #tpu.memory_space<vmem_shared>>
          tpu.wait_indirect_dma semaphore(%run_scoped3A_67 : memref<!tpu.dma_semaphore, #tpu.memory_space<semaphore_mem>>) src(%arg12 : memref<128x128xf32, #tpu.memory_space<vmem>>) dst(%dma_wait3A_79 : memref<10112x128xf32, #tpu.memory_space<vmem_shared>>)
          tpu.yield
        }) : () -> ()
      } else {
      }
    }
    %scan3A_14 = arith.constant 40 : i32
    %barrier3A_15 = arith.constant 0 : index
    tpu.barrier barrier_id(%barrier3A_15)
    "tpu.region"() ({
      %run_scoped3A_38 = tpu.sem_alloc : memref<!tpu.dma_semaphore, #tpu.memory_space<semaphore_mem>>
      %dma_start3A_39 = arith.constant 0 : i32
      %dma_start3A_40 = arith.constant 0 : i32
      %dma_start3A_41 = tpu.memref_slice %arg6[%add3A_3, %dma_start3A_39, %dma_start3A_40] : memref<4x10112x128xf32, #tpu.memory_space<hbm>> -> memref<1x10112x128xf32, #tpu.memory_space<hbm>>
      %dma_start3A_42 = tpu.memref_squeeze %dma_start3A_41 : memref<1x10112x128xf32, #tpu.memory_space<hbm>> -> memref<10112x128xf32, #tpu.memory_space<hbm>>
      %dma_start3A_43 = arith.constant 0 : i32
      %dma_start3A_44 = tpu.memref_slice %dma_start3A_42[%mul3A_0, %dma_start3A_43] : memref<10112x128xf32, #tpu.memory_space<hbm>> -> memref<632x128xf32, #tpu.memory_space<hbm>>
      %dma_start3A_45 = arith.constant 0 : i32
      %dma_start3A_46 = tpu.memref_slice %arg7[%mul3A_0, %dma_start3A_45] : memref<10112x128xf32, #tpu.memory_space<vmem_shared>> -> memref<632x128xf32, #tpu.memory_space<vmem_shared>>
      tpu.enqueue_dma source(%dma_start3A_46 : memref<632x128xf32, #tpu.memory_space<vmem_shared>>) target(%dma_start3A_44 : memref<632x128xf32, #tpu.memory_space<hbm>>) target_semaphore(%run_scoped3A_38 : memref<!tpu.dma_semaphore, #tpu.memory_space<semaphore_mem>>)
      %dma_wait3A = arith.constant 0 : i32
      %dma_wait3A_47 = arith.constant 0 : i32
      %dma_wait3A_48 = tpu.memref_slice %arg6[%add3A_3, %dma_wait3A, %dma_wait3A_47] : memref<4x10112x128xf32, #tpu.memory_space<hbm>> -> memref<1x10112x128xf32, #tpu.memory_space<hbm>>
      %dma_wait3A_49 = tpu.memref_squeeze %dma_wait3A_48 : memref<1x10112x128xf32, #tpu.memory_space<hbm>> -> memref<10112x128xf32, #tpu.memory_space<hbm>>
      %dma_wait3A_50 = arith.constant 0 : i32
      %dma_wait3A_51 = tpu.memref_slice %dma_wait3A_49[%mul3A_0, %dma_wait3A_50] : memref<10112x128xf32, #tpu.memory_space<hbm>> -> memref<632x128xf32, #tpu.memory_space<hbm>>
      %dma_wait3A_52 = arith.constant 0 : i32
      %dma_wait3A_53 = tpu.memref_slice %arg7[%mul3A_0, %dma_wait3A_52] : memref<10112x128xf32, #tpu.memory_space<vmem_shared>> -> memref<632x128xf32, #tpu.memory_space<vmem_shared>>
      tpu.wait_dma2 semaphore(%run_scoped3A_38 : memref<!tpu.dma_semaphore, #tpu.memory_space<semaphore_mem>>) src(%dma_wait3A_53 : memref<632x128xf32, #tpu.memory_space<vmem_shared>>) dst(%dma_wait3A_51 : memref<632x128xf32, #tpu.memory_space<hbm>>)
      tpu.yield
    }) : () -> ()
    %barrier3A_16 = arith.constant 0 : index
    tpu.barrier barrier_id(%barrier3A_16)
    %mul3A_17 = arith.constant 2 : i32
    %mul3A_18 = arith.muli %arg0, %mul3A_17 : i32
    %add3A_19 = arith.constant 1 : i32
    %add3A_20 = arith.addi %mul3A_18, %add3A_19 : i32
    "tpu.region"() ({
      %run_scoped3A_38 = tpu.sem_alloc : memref<!tpu.dma_semaphore, #tpu.memory_space<semaphore_mem>>
      %dma_start3A_39 = arith.constant 0 : i32
      %dma_start3A_40 = tpu.memref_slice %arg7[%mul3A_0, %dma_start3A_39] : memref<10112x128xf32, #tpu.memory_space<vmem_shared>> -> memref<632x128xf32, #tpu.memory_space<vmem_shared>>
      tpu.enqueue_dma source(%arg5 : memref<632x128xf32, #tpu.memory_space<hbm>>) target(%dma_start3A_40 : memref<632x128xf32, #tpu.memory_space<vmem_shared>>) target_semaphore(%run_scoped3A_38 : memref<!tpu.dma_semaphore, #tpu.memory_space<semaphore_mem>>)
      %dma_wait3A = arith.constant 0 : i32
      %dma_wait3A_41 = tpu.memref_slice %arg7[%mul3A_0, %dma_wait3A] : memref<10112x128xf32, #tpu.memory_space<vmem_shared>> -> memref<632x128xf32, #tpu.memory_space<vmem_shared>>
      tpu.wait_dma2 semaphore(%run_scoped3A_38 : memref<!tpu.dma_semaphore, #tpu.memory_space<semaphore_mem>>) src(%arg5 : memref<632x128xf32, #tpu.memory_space<hbm>>) dst(%dma_wait3A_41 : memref<632x128xf32, #tpu.memory_space<vmem_shared>>)
      tpu.yield
    }) : () -> ()
    %barrier3A_21 = arith.constant 0 : index
    tpu.barrier barrier_id(%barrier3A_21)
    %run_scoped3A_22 = arith.constant 0 : i32
    "tpu.region"() ({
      %run_scoped3A_38 = tpu.sem_alloc : memref<!tpu.dma_semaphore, #tpu.memory_space<semaphore_mem>>
      %dma_start3A_39 = arith.constant 0 : i32
      %dma_start3A_40 = arith.constant 0 : i32
      %dma_start3A_41 = tpu.memref_slice %arg3[%arg1, %dma_start3A_39, %dma_start3A_40] : memref<16x79x128xi32, #tpu.memory_space<hbm>> -> memref<1x79x128xi32, #tpu.memory_space<hbm>>
      %dma_start3A_42 = tpu.memref_squeeze %dma_start3A_41 : memref<1x79x128xi32, #tpu.memory_space<hbm>> -> memref<79x128xi32, #tpu.memory_space<hbm>>
      %dma_start3A_43 = arith.constant 0 : i32
      %dma_start3A_44 = tpu.memref_slice %dma_start3A_42[%run_scoped3A_22, %dma_start3A_43] : memref<79x128xi32, #tpu.memory_space<hbm>> -> memref<1x128xi32, #tpu.memory_space<hbm>>
      %dma_start3A_45 = tpu.memref_squeeze %dma_start3A_44 : memref<1x128xi32, #tpu.memory_space<hbm>> -> memref<128xi32, #tpu.memory_space<hbm>>
      %dma_start3A_46 = arith.constant 0 : i32
      %dma_start3A_47 = arith.constant 0 : i32
      %dma_start3A_48 = tpu.memref_slice %arg3[%arg1, %dma_start3A_46, %dma_start3A_47] : memref<16x79x128xi32, #tpu.memory_space<hbm>> -> memref<1x79x128xi32, #tpu.memory_space<hbm>>
      %dma_start3A_49 = tpu.memref_squeeze %dma_start3A_48 : memref<1x79x128xi32, #tpu.memory_space<hbm>> -> memref<79x128xi32, #tpu.memory_space<hbm>>
      %dma_start3A_50 = arith.constant 0 : i32
      %dma_start3A_51 = tpu.memref_slice %dma_start3A_49[%run_scoped3A_22, %dma_start3A_50] : memref<79x128xi32, #tpu.memory_space<hbm>> -> memref<1x128xi32, #tpu.memory_space<hbm>>
      %dma_start3A_52 = tpu.memref_squeeze %dma_start3A_51 : memref<1x128xi32, #tpu.memory_space<hbm>> -> memref<128xi32, #tpu.memory_space<hbm>>
      tpu.enqueue_dma source(%dma_start3A_52 : memref<128xi32, #tpu.memory_space<hbm>>) target(%arg8 : memref<128xi32, #tpu.memory_space<vmem>>) target_semaphore(%run_scoped3A_38 : memref<!tpu.dma_semaphore, #tpu.memory_space<semaphore_mem>>)
      %dma_wait3A = arith.constant 0 : i32
      %dma_wait3A_53 = arith.constant 0 : i32
      %dma_wait3A_54 = tpu.memref_slice %arg3[%arg1, %dma_wait3A, %dma_wait3A_53] : memref<16x79x128xi32, #tpu.memory_space<hbm>> -> memref<1x79x128xi32, #tpu.memory_space<hbm>>
      %dma_wait3A_55 = tpu.memref_squeeze %dma_wait3A_54 : memref<1x79x128xi32, #tpu.memory_space<hbm>> -> memref<79x128xi32, #tpu.memory_space<hbm>>
      %dma_wait3A_56 = arith.constant 0 : i32
      %dma_wait3A_57 = tpu.memref_slice %dma_wait3A_55[%run_scoped3A_22, %dma_wait3A_56] : memref<79x128xi32, #tpu.memory_space<hbm>> -> memref<1x128xi32, #tpu.memory_space<hbm>>
      %dma_wait3A_58 = tpu.memref_squeeze %dma_wait3A_57 : memref<1x128xi32, #tpu.memory_space<hbm>> -> memref<128xi32, #tpu.memory_space<hbm>>
      %dma_wait3A_59 = arith.constant 0 : i32
      %dma_wait3A_60 = arith.constant 0 : i32
      %dma_wait3A_61 = tpu.memref_slice %arg3[%arg1, %dma_wait3A_59, %dma_wait3A_60] : memref<16x79x128xi32, #tpu.memory_space<hbm>> -> memref<1x79x128xi32, #tpu.memory_space<hbm>>
      %dma_wait3A_62 = tpu.memref_squeeze %dma_wait3A_61 : memref<1x79x128xi32, #tpu.memory_space<hbm>> -> memref<79x128xi32, #tpu.memory_space<hbm>>
      %dma_wait3A_63 = arith.constant 0 : i32
      %dma_wait3A_64 = tpu.memref_slice %dma_wait3A_62[%run_scoped3A_22, %dma_wait3A_63] : memref<79x128xi32, #tpu.memory_space<hbm>> -> memref<1x128xi32, #tpu.memory_space<hbm>>
      %dma_wait3A_65 = tpu.memref_squeeze %dma_wait3A_64 : memref<1x128xi32, #tpu.memory_space<hbm>> -> memref<128xi32, #tpu.memory_space<hbm>>
      tpu.wait_dma2 semaphore(%run_scoped3A_38 : memref<!tpu.dma_semaphore, #tpu.memory_space<semaphore_mem>>) src(%dma_wait3A_65 : memref<128xi32, #tpu.memory_space<hbm>>) dst(%arg8 : memref<128xi32, #tpu.memory_space<vmem>>)
      tpu.yield
    }) : () -> ()
    %dma_start3A_23 = arith.constant 0 : i32
    %dma_start3A_24 = arith.constant 0 : i32
    %dma_start3A_25 = tpu.memref_slice %arg2[%add3A_20, %dma_start3A_23, %dma_start3A_24] : memref<4x10000x128xf32, #tpu.memory_space<hbm>> -> memref<1x10000x128xf32, #tpu.memory_space<hbm>>
    %dma_start3A_26 = tpu.memref_squeeze %dma_start3A_25 : memref<1x10000x128xf32, #tpu.memory_space<hbm>> -> memref<10000x128xf32, #tpu.memory_space<hbm>>
    %dma_start3A_27 = arith.constant 0 : i32
    %dma_start3A_28 = arith.constant 0 : i32
    %dma_start3A_29 = tpu.memref_slice %dma_start3A_26[%dma_start3A_27, %dma_start3A_28] : memref<10000x128xf32, #tpu.memory_space<hbm>> -> memref<10000x128xf32, #tpu.memory_space<hbm>>
    tpu.enqueue_indirect_dma source(%dma_start3A_29 : memref<10000x128xf32, #tpu.memory_space<hbm>>) target(%arg11 : memref<128x128xf32, #tpu.memory_space<vmem>>) offsets(%arg8 : memref<128xi32, #tpu.memory_space<vmem>>) semaphore(%arg13 : memref<!tpu.dma_semaphore, #tpu.memory_space<semaphore_mem>>)
    %scan3A_30 = arith.constant 0 : i32
    %scan3A_31 = arith.constant 0 : i32
    %scan3A_32 = arith.constant 40 : i32
    %scan3A_33 = arith.addi %scan3A_31, %scan3A_32 : i32
    %scan3A_34 = arith.constant 1 : i32
    scf.for %scan3A_38 = %scan3A_31 to %scan3A_33 step %scan3A_34  : i32 {
      %mul3A_39 = arith.constant 2 : i32
      %mul3A_40 = arith.muli %scan3A_38, %mul3A_39 : i32
      %add3A_41 = arith.constant 0 : i32
      %add3A_42 = arith.addi %mul3A_40, %add3A_41 : i32
      %lt3A = arith.constant 79 : i32
      %lt3A_43 = arith.cmpi slt, %add3A_42, %lt3A : i32
      %convert_element_type3A = arith.extui %lt3A_43 : i1 to i32
      %cond3A = arith.constant 0 : i32
      %cond3A_44 = arith.cmpi ne, %convert_element_type3A, %cond3A : i32
      scf.if %cond3A_44 {
        %add3A_54 = arith.constant 1 : i32
        %add3A_55 = arith.addi %add3A_42, %add3A_54 : i32
        %lt3A_56 = arith.constant 79 : i32
        %lt3A_57 = arith.cmpi slt, %add3A_55, %lt3A_56 : i32
        %convert_element_type3A_58 = arith.extui %lt3A_57 : i1 to i32
        %cond3A_59 = arith.constant 0 : i32
        %cond3A_60 = arith.cmpi ne, %convert_element_type3A_58, %cond3A_59 : i32
        scf.if %cond3A_60 {
          "tpu.region"() ({
            %run_scoped3A_74 = tpu.sem_alloc : memref<!tpu.dma_semaphore, #tpu.memory_space<semaphore_mem>>
            %dma_start3A_75 = arith.constant 0 : i32
            %dma_start3A_76 = arith.constant 0 : i32
            %dma_start3A_77 = tpu.memref_slice %arg3[%arg1, %dma_start3A_75, %dma_start3A_76] : memref<16x79x128xi32, #tpu.memory_space<hbm>> -> memref<1x79x128xi32, #tpu.memory_space<hbm>>
            %dma_start3A_78 = tpu.memref_squeeze %dma_start3A_77 : memref<1x79x128xi32, #tpu.memory_space<hbm>> -> memref<79x128xi32, #tpu.memory_space<hbm>>
            %dma_start3A_79 = arith.constant 0 : i32
            %dma_start3A_80 = tpu.memref_slice %dma_start3A_78[%add3A_55, %dma_start3A_79] : memref<79x128xi32, #tpu.memory_space<hbm>> -> memref<1x128xi32, #tpu.memory_space<hbm>>
            %dma_start3A_81 = tpu.memref_squeeze %dma_start3A_80 : memref<1x128xi32, #tpu.memory_space<hbm>> -> memref<128xi32, #tpu.memory_space<hbm>>
            %dma_start3A_82 = arith.constant 0 : i32
            %dma_start3A_83 = arith.constant 0 : i32
            %dma_start3A_84 = tpu.memref_slice %arg3[%arg1, %dma_start3A_82, %dma_start3A_83] : memref<16x79x128xi32, #tpu.memory_space<hbm>> -> memref<1x79x128xi32, #tpu.memory_space<hbm>>
            %dma_start3A_85 = tpu.memref_squeeze %dma_start3A_84 : memref<1x79x128xi32, #tpu.memory_space<hbm>> -> memref<79x128xi32, #tpu.memory_space<hbm>>
            %dma_start3A_86 = arith.constant 0 : i32
            %dma_start3A_87 = tpu.memref_slice %dma_start3A_85[%add3A_55, %dma_start3A_86] : memref<79x128xi32, #tpu.memory_space<hbm>> -> memref<1x128xi32, #tpu.memory_space<hbm>>
            %dma_start3A_88 = tpu.memref_squeeze %dma_start3A_87 : memref<1x128xi32, #tpu.memory_space<hbm>> -> memref<128xi32, #tpu.memory_space<hbm>>
            tpu.enqueue_dma source(%dma_start3A_88 : memref<128xi32, #tpu.memory_space<hbm>>) target(%arg9 : memref<128xi32, #tpu.memory_space<vmem>>) target_semaphore(%run_scoped3A_74 : memref<!tpu.dma_semaphore, #tpu.memory_space<semaphore_mem>>)
            %dma_wait3A_89 = arith.constant 0 : i32
            %dma_wait3A_90 = arith.constant 0 : i32
            %dma_wait3A_91 = tpu.memref_slice %arg3[%arg1, %dma_wait3A_89, %dma_wait3A_90] : memref<16x79x128xi32, #tpu.memory_space<hbm>> -> memref<1x79x128xi32, #tpu.memory_space<hbm>>
            %dma_wait3A_92 = tpu.memref_squeeze %dma_wait3A_91 : memref<1x79x128xi32, #tpu.memory_space<hbm>> -> memref<79x128xi32, #tpu.memory_space<hbm>>
            %dma_wait3A_93 = arith.constant 0 : i32
            %dma_wait3A_94 = tpu.memref_slice %dma_wait3A_92[%add3A_55, %dma_wait3A_93] : memref<79x128xi32, #tpu.memory_space<hbm>> -> memref<1x128xi32, #tpu.memory_space<hbm>>
            %dma_wait3A_95 = tpu.memref_squeeze %dma_wait3A_94 : memref<1x128xi32, #tpu.memory_space<hbm>> -> memref<128xi32, #tpu.memory_space<hbm>>
            %dma_wait3A_96 = arith.constant 0 : i32
            %dma_wait3A_97 = arith.constant 0 : i32
            %dma_wait3A_98 = tpu.memref_slice %arg3[%arg1, %dma_wait3A_96, %dma_wait3A_97] : memref<16x79x128xi32, #tpu.memory_space<hbm>> -> memref<1x79x128xi32, #tpu.memory_space<hbm>>
            %dma_wait3A_99 = tpu.memref_squeeze %dma_wait3A_98 : memref<1x79x128xi32, #tpu.memory_space<hbm>> -> memref<79x128xi32, #tpu.memory_space<hbm>>
            %dma_wait3A_100 = arith.constant 0 : i32
            %dma_wait3A_101 = tpu.memref_slice %dma_wait3A_99[%add3A_55, %dma_wait3A_100] : memref<79x128xi32, #tpu.memory_space<hbm>> -> memref<1x128xi32, #tpu.memory_space<hbm>>
            %dma_wait3A_102 = tpu.memref_squeeze %dma_wait3A_101 : memref<1x128xi32, #tpu.memory_space<hbm>> -> memref<128xi32, #tpu.memory_space<hbm>>
            tpu.wait_dma2 semaphore(%run_scoped3A_74 : memref<!tpu.dma_semaphore, #tpu.memory_space<semaphore_mem>>) src(%dma_wait3A_102 : memref<128xi32, #tpu.memory_space<hbm>>) dst(%arg9 : memref<128xi32, #tpu.memory_space<vmem>>)
            tpu.yield
          }) : () -> ()
          %dma_start3A_67 = arith.constant 0 : i32
          %dma_start3A_68 = arith.constant 0 : i32
          %dma_start3A_69 = tpu.memref_slice %arg2[%add3A_20, %dma_start3A_67, %dma_start3A_68] : memref<4x10000x128xf32, #tpu.memory_space<hbm>> -> memref<1x10000x128xf32, #tpu.memory_space<hbm>>
          %dma_start3A_70 = tpu.memref_squeeze %dma_start3A_69 : memref<1x10000x128xf32, #tpu.memory_space<hbm>> -> memref<10000x128xf32, #tpu.memory_space<hbm>>
          %dma_start3A_71 = arith.constant 0 : i32
          %dma_start3A_72 = arith.constant 0 : i32
          %dma_start3A_73 = tpu.memref_slice %dma_start3A_70[%dma_start3A_71, %dma_start3A_72] : memref<10000x128xf32, #tpu.memory_space<hbm>> -> memref<10000x128xf32, #tpu.memory_space<hbm>>
          tpu.enqueue_indirect_dma source(%dma_start3A_73 : memref<10000x128xf32, #tpu.memory_space<hbm>>) target(%arg12 : memref<128x128xf32, #tpu.memory_space<vmem>>) offsets(%arg9 : memref<128xi32, #tpu.memory_space<vmem>>) semaphore(%arg14 : memref<!tpu.dma_semaphore, #tpu.memory_space<semaphore_mem>>)
        } else {
        }
        %dma_wait3A = arith.constant 0 : i32
        %dma_wait3A_61 = arith.constant 0 : i32
        %dma_wait3A_62 = tpu.memref_slice %arg2[%add3A_20, %dma_wait3A, %dma_wait3A_61] : memref<4x10000x128xf32, #tpu.memory_space<hbm>> -> memref<1x10000x128xf32, #tpu.memory_space<hbm>>
        %dma_wait3A_63 = tpu.memref_squeeze %dma_wait3A_62 : memref<1x10000x128xf32, #tpu.memory_space<hbm>> -> memref<10000x128xf32, #tpu.memory_space<hbm>>
        %dma_wait3A_64 = arith.constant 0 : i32
        %dma_wait3A_65 = arith.constant 0 : i32
        %dma_wait3A_66 = tpu.memref_slice %dma_wait3A_63[%dma_wait3A_64, %dma_wait3A_65] : memref<10000x128xf32, #tpu.memory_space<hbm>> -> memref<10000x128xf32, #tpu.memory_space<hbm>>
        tpu.wait_indirect_dma semaphore(%arg13 : memref<!tpu.dma_semaphore, #tpu.memory_space<semaphore_mem>>) src(%dma_wait3A_66 : memref<10000x128xf32, #tpu.memory_space<hbm>>) dst(%arg11 : memref<128x128xf32, #tpu.memory_space<vmem>>)
        "tpu.region"() ({
          %run_scoped3A_67 = tpu.sem_alloc : memref<!tpu.dma_semaphore, #tpu.memory_space<semaphore_mem>>
          %dma_start3A_68 = arith.constant 0 : i32
          %dma_start3A_69 = tpu.memref_slice %arg10[%add3A_42, %dma_start3A_68] : memref<79x128xi32, #tpu.memory_space<vmem>> -> memref<1x128xi32, #tpu.memory_space<vmem>>
          %dma_start3A_70 = tpu.memref_squeeze %dma_start3A_69 : memref<1x128xi32, #tpu.memory_space<vmem>> -> memref<128xi32, #tpu.memory_space<vmem>>
          %dma_start3A_71 = arith.constant 0 : i32
          %dma_start3A_72 = arith.constant 0 : i32
          %dma_start3A_73 = tpu.memref_slice %arg7[%dma_start3A_71, %dma_start3A_72] : memref<10112x128xf32, #tpu.memory_space<vmem_shared>> -> memref<10112x128xf32, #tpu.memory_space<vmem_shared>>
          tpu.enqueue_indirect_dma source(%arg11 : memref<128x128xf32, #tpu.memory_space<vmem>>) target(%dma_start3A_73 : memref<10112x128xf32, #tpu.memory_space<vmem_shared>>) offsets(%dma_start3A_70 : memref<128xi32, #tpu.memory_space<vmem>>) semaphore(%run_scoped3A_67 : memref<!tpu.dma_semaphore, #tpu.memory_space<semaphore_mem>>) {add = true}
          %dma_wait3A_74 = arith.constant 0 : i32
          %dma_wait3A_75 = tpu.memref_slice %arg10[%add3A_42, %dma_wait3A_74] : memref<79x128xi32, #tpu.memory_space<vmem>> -> memref<1x128xi32, #tpu.memory_space<vmem>>
          %dma_wait3A_76 = tpu.memref_squeeze %dma_wait3A_75 : memref<1x128xi32, #tpu.memory_space<vmem>> -> memref<128xi32, #tpu.memory_space<vmem>>
          %dma_wait3A_77 = arith.constant 0 : i32
          %dma_wait3A_78 = arith.constant 0 : i32
          %dma_wait3A_79 = tpu.memref_slice %arg7[%dma_wait3A_77, %dma_wait3A_78] : memref<10112x128xf32, #tpu.memory_space<vmem_shared>> -> memref<10112x128xf32, #tpu.memory_space<vmem_shared>>
          tpu.wait_indirect_dma semaphore(%run_scoped3A_67 : memref<!tpu.dma_semaphore, #tpu.memory_space<semaphore_mem>>) src(%arg11 : memref<128x128xf32, #tpu.memory_space<vmem>>) dst(%dma_wait3A_79 : memref<10112x128xf32, #tpu.memory_space<vmem_shared>>)
          tpu.yield
        }) : () -> ()
      } else {
      }
      %mul3A_45 = arith.constant 2 : i32
      %mul3A_46 = arith.muli %scan3A_38, %mul3A_45 : i32
      %add3A_47 = arith.constant 1 : i32
      %add3A_48 = arith.addi %mul3A_46, %add3A_47 : i32
      %lt3A_49 = arith.constant 79 : i32
      %lt3A_50 = arith.cmpi slt, %add3A_48, %lt3A_49 : i32
      %convert_element_type3A_51 = arith.extui %lt3A_50 : i1 to i32
      %cond3A_52 = arith.constant 0 : i32
      %cond3A_53 = arith.cmpi ne, %convert_element_type3A_51, %cond3A_52 : i32
      scf.if %cond3A_53 {
        %add3A_54 = arith.constant 1 : i32
        %add3A_55 = arith.addi %add3A_48, %add3A_54 : i32
        %lt3A_56 = arith.constant 79 : i32
        %lt3A_57 = arith.cmpi slt, %add3A_55, %lt3A_56 : i32
        %convert_element_type3A_58 = arith.extui %lt3A_57 : i1 to i32
        %cond3A_59 = arith.constant 0 : i32
        %cond3A_60 = arith.cmpi ne, %convert_element_type3A_58, %cond3A_59 : i32
        scf.if %cond3A_60 {
          "tpu.region"() ({
            %run_scoped3A_74 = tpu.sem_alloc : memref<!tpu.dma_semaphore, #tpu.memory_space<semaphore_mem>>
            %dma_start3A_75 = arith.constant 0 : i32
            %dma_start3A_76 = arith.constant 0 : i32
            %dma_start3A_77 = tpu.memref_slice %arg3[%arg1, %dma_start3A_75, %dma_start3A_76] : memref<16x79x128xi32, #tpu.memory_space<hbm>> -> memref<1x79x128xi32, #tpu.memory_space<hbm>>
            %dma_start3A_78 = tpu.memref_squeeze %dma_start3A_77 : memref<1x79x128xi32, #tpu.memory_space<hbm>> -> memref<79x128xi32, #tpu.memory_space<hbm>>
            %dma_start3A_79 = arith.constant 0 : i32
            %dma_start3A_80 = tpu.memref_slice %dma_start3A_78[%add3A_55, %dma_start3A_79] : memref<79x128xi32, #tpu.memory_space<hbm>> -> memref<1x128xi32, #tpu.memory_space<hbm>>
            %dma_start3A_81 = tpu.memref_squeeze %dma_start3A_80 : memref<1x128xi32, #tpu.memory_space<hbm>> -> memref<128xi32, #tpu.memory_space<hbm>>
            %dma_start3A_82 = arith.constant 0 : i32
            %dma_start3A_83 = arith.constant 0 : i32
            %dma_start3A_84 = tpu.memref_slice %arg3[%arg1, %dma_start3A_82, %dma_start3A_83] : memref<16x79x128xi32, #tpu.memory_space<hbm>> -> memref<1x79x128xi32, #tpu.memory_space<hbm>>
            %dma_start3A_85 = tpu.memref_squeeze %dma_start3A_84 : memref<1x79x128xi32, #tpu.memory_space<hbm>> -> memref<79x128xi32, #tpu.memory_space<hbm>>
            %dma_start3A_86 = arith.constant 0 : i32
            %dma_start3A_87 = tpu.memref_slice %dma_start3A_85[%add3A_55, %dma_start3A_86] : memref<79x128xi32, #tpu.memory_space<hbm>> -> memref<1x128xi32, #tpu.memory_space<hbm>>
            %dma_start3A_88 = tpu.memref_squeeze %dma_start3A_87 : memref<1x128xi32, #tpu.memory_space<hbm>> -> memref<128xi32, #tpu.memory_space<hbm>>
            tpu.enqueue_dma source(%dma_start3A_88 : memref<128xi32, #tpu.memory_space<hbm>>) target(%arg8 : memref<128xi32, #tpu.memory_space<vmem>>) target_semaphore(%run_scoped3A_74 : memref<!tpu.dma_semaphore, #tpu.memory_space<semaphore_mem>>)
            %dma_wait3A_89 = arith.constant 0 : i32
            %dma_wait3A_90 = arith.constant 0 : i32
            %dma_wait3A_91 = tpu.memref_slice %arg3[%arg1, %dma_wait3A_89, %dma_wait3A_90] : memref<16x79x128xi32, #tpu.memory_space<hbm>> -> memref<1x79x128xi32, #tpu.memory_space<hbm>>
            %dma_wait3A_92 = tpu.memref_squeeze %dma_wait3A_91 : memref<1x79x128xi32, #tpu.memory_space<hbm>> -> memref<79x128xi32, #tpu.memory_space<hbm>>
            %dma_wait3A_93 = arith.constant 0 : i32
            %dma_wait3A_94 = tpu.memref_slice %dma_wait3A_92[%add3A_55, %dma_wait3A_93] : memref<79x128xi32, #tpu.memory_space<hbm>> -> memref<1x128xi32, #tpu.memory_space<hbm>>
            %dma_wait3A_95 = tpu.memref_squeeze %dma_wait3A_94 : memref<1x128xi32, #tpu.memory_space<hbm>> -> memref<128xi32, #tpu.memory_space<hbm>>
            %dma_wait3A_96 = arith.constant 0 : i32
            %dma_wait3A_97 = arith.constant 0 : i32
            %dma_wait3A_98 = tpu.memref_slice %arg3[%arg1, %dma_wait3A_96, %dma_wait3A_97] : memref<16x79x128xi32, #tpu.memory_space<hbm>> -> memref<1x79x128xi32, #tpu.memory_space<hbm>>
            %dma_wait3A_99 = tpu.memref_squeeze %dma_wait3A_98 : memref<1x79x128xi32, #tpu.memory_space<hbm>> -> memref<79x128xi32, #tpu.memory_space<hbm>>
            %dma_wait3A_100 = arith.constant 0 : i32
            %dma_wait3A_101 = tpu.memref_slice %dma_wait3A_99[%add3A_55, %dma_wait3A_100] : memref<79x128xi32, #tpu.memory_space<hbm>> -> memref<1x128xi32, #tpu.memory_space<hbm>>
            %dma_wait3A_102 = tpu.memref_squeeze %dma_wait3A_101 : memref<1x128xi32, #tpu.memory_space<hbm>> -> memref<128xi32, #tpu.memory_space<hbm>>
            tpu.wait_dma2 semaphore(%run_scoped3A_74 : memref<!tpu.dma_semaphore, #tpu.memory_space<semaphore_mem>>) src(%dma_wait3A_102 : memref<128xi32, #tpu.memory_space<hbm>>) dst(%arg8 : memref<128xi32, #tpu.memory_space<vmem>>)
            tpu.yield
          }) : () -> ()
          %dma_start3A_67 = arith.constant 0 : i32
          %dma_start3A_68 = arith.constant 0 : i32
          %dma_start3A_69 = tpu.memref_slice %arg2[%add3A_20, %dma_start3A_67, %dma_start3A_68] : memref<4x10000x128xf32, #tpu.memory_space<hbm>> -> memref<1x10000x128xf32, #tpu.memory_space<hbm>>
          %dma_start3A_70 = tpu.memref_squeeze %dma_start3A_69 : memref<1x10000x128xf32, #tpu.memory_space<hbm>> -> memref<10000x128xf32, #tpu.memory_space<hbm>>
          %dma_start3A_71 = arith.constant 0 : i32
          %dma_start3A_72 = arith.constant 0 : i32
          %dma_start3A_73 = tpu.memref_slice %dma_start3A_70[%dma_start3A_71, %dma_start3A_72] : memref<10000x128xf32, #tpu.memory_space<hbm>> -> memref<10000x128xf32, #tpu.memory_space<hbm>>
          tpu.enqueue_indirect_dma source(%dma_start3A_73 : memref<10000x128xf32, #tpu.memory_space<hbm>>) target(%arg11 : memref<128x128xf32, #tpu.memory_space<vmem>>) offsets(%arg8 : memref<128xi32, #tpu.memory_space<vmem>>) semaphore(%arg13 : memref<!tpu.dma_semaphore, #tpu.memory_space<semaphore_mem>>)
        } else {
        }
        %dma_wait3A = arith.constant 0 : i32
        %dma_wait3A_61 = arith.constant 0 : i32
        %dma_wait3A_62 = tpu.memref_slice %arg2[%add3A_20, %dma_wait3A, %dma_wait3A_61] : memref<4x10000x128xf32, #tpu.memory_space<hbm>> -> memref<1x10000x128xf32, #tpu.memory_space<hbm>>
        %dma_wait3A_63 = tpu.memref_squeeze %dma_wait3A_62 : memref<1x10000x128xf32, #tpu.memory_space<hbm>> -> memref<10000x128xf32, #tpu.memory_space<hbm>>
        %dma_wait3A_64 = arith.constant 0 : i32
        %dma_wait3A_65 = arith.constant 0 : i32
        %dma_wait3A_66 = tpu.memref_slice %dma_wait3A_63[%dma_wait3A_64, %dma_wait3A_65] : memref<10000x128xf32, #tpu.memory_space<hbm>> -> memref<10000x128xf32, #tpu.memory_space<hbm>>
        tpu.wait_indirect_dma semaphore(%arg14 : memref<!tpu.dma_semaphore, #tpu.memory_space<semaphore_mem>>) src(%dma_wait3A_66 : memref<10000x128xf32, #tpu.memory_space<hbm>>) dst(%arg12 : memref<128x128xf32, #tpu.memory_space<vmem>>)
        "tpu.region"() ({
          %run_scoped3A_67 = tpu.sem_alloc : memref<!tpu.dma_semaphore, #tpu.memory_space<semaphore_mem>>
          %dma_start3A_68 = arith.constant 0 : i32
          %dma_start3A_69 = tpu.memref_slice %arg10[%add3A_48, %dma_start3A_68] : memref<79x128xi32, #tpu.memory_space<vmem>> -> memref<1x128xi32, #tpu.memory_space<vmem>>
          %dma_start3A_70 = tpu.memref_squeeze %dma_start3A_69 : memref<1x128xi32, #tpu.memory_space<vmem>> -> memref<128xi32, #tpu.memory_space<vmem>>
          %dma_start3A_71 = arith.constant 0 : i32
          %dma_start3A_72 = arith.constant 0 : i32
          %dma_start3A_73 = tpu.memref_slice %arg7[%dma_start3A_71, %dma_start3A_72] : memref<10112x128xf32, #tpu.memory_space<vmem_shared>> -> memref<10112x128xf32, #tpu.memory_space<vmem_shared>>
          tpu.enqueue_indirect_dma source(%arg12 : memref<128x128xf32, #tpu.memory_space<vmem>>) target(%dma_start3A_73 : memref<10112x128xf32, #tpu.memory_space<vmem_shared>>) offsets(%dma_start3A_70 : memref<128xi32, #tpu.memory_space<vmem>>) semaphore(%run_scoped3A_67 : memref<!tpu.dma_semaphore, #tpu.memory_space<semaphore_mem>>) {add = true}
          %dma_wait3A_74 = arith.constant 0 : i32
          %dma_wait3A_75 = tpu.memref_slice %arg10[%add3A_48, %dma_wait3A_74] : memref<79x128xi32, #tpu.memory_space<vmem>> -> memref<1x128xi32, #tpu.memory_space<vmem>>
          %dma_wait3A_76 = tpu.memref_squeeze %dma_wait3A_75 : memref<1x128xi32, #tpu.memory_space<vmem>> -> memref<128xi32, #tpu.memory_space<vmem>>
          %dma_wait3A_77 = arith.constant 0 : i32
          %dma_wait3A_78 = arith.constant 0 : i32
          %dma_wait3A_79 = tpu.memref_slice %arg7[%dma_wait3A_77, %dma_wait3A_78] : memref<10112x128xf32, #tpu.memory_space<vmem_shared>> -> memref<10112x128xf32, #tpu.memory_space<vmem_shared>>
          tpu.wait_indirect_dma semaphore(%run_scoped3A_67 : memref<!tpu.dma_semaphore, #tpu.memory_space<semaphore_mem>>) src(%arg12 : memref<128x128xf32, #tpu.memory_space<vmem>>) dst(%dma_wait3A_79 : memref<10112x128xf32, #tpu.memory_space<vmem_shared>>)
          tpu.yield
        }) : () -> ()
      } else {
      }
    }
    %scan3A_35 = arith.constant 40 : i32
    %barrier3A_36 = arith.constant 0 : index
    tpu.barrier barrier_id(%barrier3A_36)
    "tpu.region"() ({
      %run_scoped3A_38 = tpu.sem_alloc : memref<!tpu.dma_semaphore, #tpu.memory_space<semaphore_mem>>
      %dma_start3A_39 = arith.constant 0 : i32
      %dma_start3A_40 = arith.constant 0 : i32
      %dma_start3A_41 = tpu.memref_slice %arg6[%add3A_20, %dma_start3A_39, %dma_start3A_40] : memref<4x10112x128xf32, #tpu.memory_space<hbm>> -> memref<1x10112x128xf32, #tpu.memory_space<hbm>>
      %dma_start3A_42 = tpu.memref_squeeze %dma_start3A_41 : memref<1x10112x128xf32, #tpu.memory_space<hbm>> -> memref<10112x128xf32, #tpu.memory_space<hbm>>
      %dma_start3A_43 = arith.constant 0 : i32
      %dma_start3A_44 = tpu.memref_slice %dma_start3A_42[%mul3A_0, %dma_start3A_43] : memref<10112x128xf32, #tpu.memory_space<hbm>> -> memref<632x128xf32, #tpu.memory_space<hbm>>
      %dma_start3A_45 = arith.constant 0 : i32
      %dma_start3A_46 = tpu.memref_slice %arg7[%mul3A_0, %dma_start3A_45] : memref<10112x128xf32, #tpu.memory_space<vmem_shared>> -> memref<632x128xf32, #tpu.memory_space<vmem_shared>>
      tpu.enqueue_dma source(%dma_start3A_46 : memref<632x128xf32, #tpu.memory_space<vmem_shared>>) target(%dma_start3A_44 : memref<632x128xf32, #tpu.memory_space<hbm>>) target_semaphore(%run_scoped3A_38 : memref<!tpu.dma_semaphore, #tpu.memory_space<semaphore_mem>>)
      %dma_wait3A = arith.constant 0 : i32
      %dma_wait3A_47 = arith.constant 0 : i32
      %dma_wait3A_48 = tpu.memref_slice %arg6[%add3A_20, %dma_wait3A, %dma_wait3A_47] : memref<4x10112x128xf32, #tpu.memory_space<hbm>> -> memref<1x10112x128xf32, #tpu.memory_space<hbm>>
      %dma_wait3A_49 = tpu.memref_squeeze %dma_wait3A_48 : memref<1x10112x128xf32, #tpu.memory_space<hbm>> -> memref<10112x128xf32, #tpu.memory_space<hbm>>
      %dma_wait3A_50 = arith.constant 0 : i32
      %dma_wait3A_51 = tpu.memref_slice %dma_wait3A_49[%mul3A_0, %dma_wait3A_50] : memref<10112x128xf32, #tpu.memory_space<hbm>> -> memref<632x128xf32, #tpu.memory_space<hbm>>
      %dma_wait3A_52 = arith.constant 0 : i32
      %dma_wait3A_53 = tpu.memref_slice %arg7[%mul3A_0, %dma_wait3A_52] : memref<10112x128xf32, #tpu.memory_space<vmem_shared>> -> memref<632x128xf32, #tpu.memory_space<vmem_shared>>
      tpu.wait_dma2 semaphore(%run_scoped3A_38 : memref<!tpu.dma_semaphore, #tpu.memory_space<semaphore_mem>>) src(%dma_wait3A_53 : memref<632x128xf32, #tpu.memory_space<vmem_shared>>) dst(%dma_wait3A_51 : memref<632x128xf32, #tpu.memory_space<hbm>>)
      tpu.yield
    }) : () -> ()
    %barrier3A_37 = arith.constant 0 : index
    tpu.barrier barrier_id(%barrier3A_37)
    return
  }
}

#map = affine_map<(d0, d1) -> (0, 0, 0)>
#map1 = affine_map<(d0, d1) -> (0, 0)>
module attributes {stable_mosaic.version = 14 : i64} {
  func.func @_sage_agg_body(%arg0: i32, %arg1: i32, %arg2: memref<4x10000x128xf32, #tpu.memory_space<hbm>>, %arg3: memref<16x79x128xi32, #tpu.memory_space<hbm>>, %arg4: memref<16x79x128xi32, #tpu.memory_space<hbm>>, %arg5: memref<632x128xf32, #tpu.memory_space<hbm>>, %arg6: memref<4x10112x128xf32, #tpu.memory_space<hbm>>, %arg7: memref<10112x128xf32, #tpu.memory_space<vmem_shared>>, %arg8: memref<128xi32, #tpu.memory_space<vmem>>, %arg9: memref<128xi32, #tpu.memory_space<vmem>>, %arg10: memref<79x128xi32, #tpu.memory_space<vmem>>, %arg11: memref<128x128xf32, #tpu.memory_space<vmem>>, %arg12: memref<128x128xf32, #tpu.memory_space<vmem>>, %arg13: memref<!tpu.dma_semaphore, #tpu.memory_space<semaphore_mem>>, %arg14: memref<!tpu.dma_semaphore, #tpu.memory_space<semaphore_mem>>) attributes {dimension_semantics = [#tpu.dimension_semantics<core_parallel>, #tpu.dimension_semantics<subcore_parallel>], iteration_bounds = array<i64: 2, 16>, scalar_prefetch = 0 : i64, scratch_operands = 8 : i64, tpu.core_type = #tpu.core_type<sc_vector_subcore>, window_params = [{transform_indices = #map}, {transform_indices = #map}, {transform_indices = #map}, {transform_indices = #map1}, {transform_indices = #map}]} {
    %mul3A = arith.constant 632 : i32
    %mul3A_0 = arith.muli %arg1, %mul3A : i32
    "tpu.region"() ({
      %run_scoped3A_38 = tpu.sem_alloc : memref<!tpu.dma_semaphore, #tpu.memory_space<semaphore_mem>>
      %dma_start3A_39 = arith.constant 0 : i32
      %dma_start3A_40 = arith.constant 0 : i32
      %dma_start3A_41 = tpu.memref_slice %arg4[%arg1, %dma_start3A_39, %dma_start3A_40] : memref<16x79x128xi32, #tpu.memory_space<hbm>> -> memref<1x79x128xi32, #tpu.memory_space<hbm>>
      %dma_start3A_42 = tpu.memref_squeeze %dma_start3A_41 : memref<1x79x128xi32, #tpu.memory_space<hbm>> -> memref<79x128xi32, #tpu.memory_space<hbm>>
      %dma_start3A_43 = arith.constant 0 : i32
      %dma_start3A_44 = arith.constant 0 : i32
      %dma_start3A_45 = tpu.memref_slice %arg4[%arg1, %dma_start3A_43, %dma_start3A_44] : memref<16x79x128xi32, #tpu.memory_space<hbm>> -> memref<1x79x128xi32, #tpu.memory_space<hbm>>
      %dma_start3A_46 = tpu.memref_squeeze %dma_start3A_45 : memref<1x79x128xi32, #tpu.memory_space<hbm>> -> memref<79x128xi32, #tpu.memory_space<hbm>>
      tpu.enqueue_dma source(%dma_start3A_46 : memref<79x128xi32, #tpu.memory_space<hbm>>) target(%arg10 : memref<79x128xi32, #tpu.memory_space<vmem>>) target_semaphore(%run_scoped3A_38 : memref<!tpu.dma_semaphore, #tpu.memory_space<semaphore_mem>>)
      %dma_wait3A = arith.constant 0 : i32
      %dma_wait3A_47 = arith.constant 0 : i32
      %dma_wait3A_48 = tpu.memref_slice %arg4[%arg1, %dma_wait3A, %dma_wait3A_47] : memref<16x79x128xi32, #tpu.memory_space<hbm>> -> memref<1x79x128xi32, #tpu.memory_space<hbm>>
      %dma_wait3A_49 = tpu.memref_squeeze %dma_wait3A_48 : memref<1x79x128xi32, #tpu.memory_space<hbm>> -> memref<79x128xi32, #tpu.memory_space<hbm>>
      %dma_wait3A_50 = arith.constant 0 : i32
      %dma_wait3A_51 = arith.constant 0 : i32
      %dma_wait3A_52 = tpu.memref_slice %arg4[%arg1, %dma_wait3A_50, %dma_wait3A_51] : memref<16x79x128xi32, #tpu.memory_space<hbm>> -> memref<1x79x128xi32, #tpu.memory_space<hbm>>
      %dma_wait3A_53 = tpu.memref_squeeze %dma_wait3A_52 : memref<1x79x128xi32, #tpu.memory_space<hbm>> -> memref<79x128xi32, #tpu.memory_space<hbm>>
      tpu.wait_dma2 semaphore(%run_scoped3A_38 : memref<!tpu.dma_semaphore, #tpu.memory_space<semaphore_mem>>) src(%dma_wait3A_53 : memref<79x128xi32, #tpu.memory_space<hbm>>) dst(%arg10 : memref<79x128xi32, #tpu.memory_space<vmem>>)
      tpu.yield
    }) : () -> ()
    %mul3A_1 = arith.constant 2 : i32
    %mul3A_2 = arith.muli %arg0, %mul3A_1 : i32
    %add3A = arith.constant 0 : i32
    %add3A_3 = arith.addi %mul3A_2, %add3A : i32
    "tpu.region"() ({
      %run_scoped3A_38 = tpu.sem_alloc : memref<!tpu.dma_semaphore, #tpu.memory_space<semaphore_mem>>
      %dma_start3A_39 = arith.constant 0 : i32
      %dma_start3A_40 = tpu.memref_slice %arg7[%mul3A_0, %dma_start3A_39] : memref<10112x128xf32, #tpu.memory_space<vmem_shared>> -> memref<632x128xf32, #tpu.memory_space<vmem_shared>>
      tpu.enqueue_dma source(%arg5 : memref<632x128xf32, #tpu.memory_space<hbm>>) target(%dma_start3A_40 : memref<632x128xf32, #tpu.memory_space<vmem_shared>>) target_semaphore(%run_scoped3A_38 : memref<!tpu.dma_semaphore, #tpu.memory_space<semaphore_mem>>)
      %dma_wait3A = arith.constant 0 : i32
      %dma_wait3A_41 = tpu.memref_slice %arg7[%mul3A_0, %dma_wait3A] : memref<10112x128xf32, #tpu.memory_space<vmem_shared>> -> memref<632x128xf32, #tpu.memory_space<vmem_shared>>
      tpu.wait_dma2 semaphore(%run_scoped3A_38 : memref<!tpu.dma_semaphore, #tpu.memory_space<semaphore_mem>>) src(%arg5 : memref<632x128xf32, #tpu.memory_space<hbm>>) dst(%dma_wait3A_41 : memref<632x128xf32, #tpu.memory_space<vmem_shared>>)
      tpu.yield
    }) : () -> ()
    %barrier3A = arith.constant 0 : index
    tpu.barrier barrier_id(%barrier3A)
    %run_scoped3A = arith.constant 0 : i32
    "tpu.region"() ({
      %run_scoped3A_38 = tpu.sem_alloc : memref<!tpu.dma_semaphore, #tpu.memory_space<semaphore_mem>>
      %dma_start3A_39 = arith.constant 0 : i32
      %dma_start3A_40 = arith.constant 0 : i32
      %dma_start3A_41 = tpu.memref_slice %arg3[%arg1, %dma_start3A_39, %dma_start3A_40] : memref<16x79x128xi32, #tpu.memory_space<hbm>> -> memref<1x79x128xi32, #tpu.memory_space<hbm>>
      %dma_start3A_42 = tpu.memref_squeeze %dma_start3A_41 : memref<1x79x128xi32, #tpu.memory_space<hbm>> -> memref<79x128xi32, #tpu.memory_space<hbm>>
      %dma_start3A_43 = arith.constant 0 : i32
      %dma_start3A_44 = tpu.memref_slice %dma_start3A_42[%run_scoped3A, %dma_start3A_43] : memref<79x128xi32, #tpu.memory_space<hbm>> -> memref<1x128xi32, #tpu.memory_space<hbm>>
      %dma_start3A_45 = tpu.memref_squeeze %dma_start3A_44 : memref<1x128xi32, #tpu.memory_space<hbm>> -> memref<128xi32, #tpu.memory_space<hbm>>
      %dma_start3A_46 = arith.constant 0 : i32
      %dma_start3A_47 = arith.constant 0 : i32
      %dma_start3A_48 = tpu.memref_slice %arg3[%arg1, %dma_start3A_46, %dma_start3A_47] : memref<16x79x128xi32, #tpu.memory_space<hbm>> -> memref<1x79x128xi32, #tpu.memory_space<hbm>>
      %dma_start3A_49 = tpu.memref_squeeze %dma_start3A_48 : memref<1x79x128xi32, #tpu.memory_space<hbm>> -> memref<79x128xi32, #tpu.memory_space<hbm>>
      %dma_start3A_50 = arith.constant 0 : i32
      %dma_start3A_51 = tpu.memref_slice %dma_start3A_49[%run_scoped3A, %dma_start3A_50] : memref<79x128xi32, #tpu.memory_space<hbm>> -> memref<1x128xi32, #tpu.memory_space<hbm>>
      %dma_start3A_52 = tpu.memref_squeeze %dma_start3A_51 : memref<1x128xi32, #tpu.memory_space<hbm>> -> memref<128xi32, #tpu.memory_space<hbm>>
      tpu.enqueue_dma source(%dma_start3A_52 : memref<128xi32, #tpu.memory_space<hbm>>) target(%arg8 : memref<128xi32, #tpu.memory_space<vmem>>) target_semaphore(%run_scoped3A_38 : memref<!tpu.dma_semaphore, #tpu.memory_space<semaphore_mem>>)
      %dma_wait3A = arith.constant 0 : i32
      %dma_wait3A_53 = arith.constant 0 : i32
      %dma_wait3A_54 = tpu.memref_slice %arg3[%arg1, %dma_wait3A, %dma_wait3A_53] : memref<16x79x128xi32, #tpu.memory_space<hbm>> -> memref<1x79x128xi32, #tpu.memory_space<hbm>>
      %dma_wait3A_55 = tpu.memref_squeeze %dma_wait3A_54 : memref<1x79x128xi32, #tpu.memory_space<hbm>> -> memref<79x128xi32, #tpu.memory_space<hbm>>
      %dma_wait3A_56 = arith.constant 0 : i32
      %dma_wait3A_57 = tpu.memref_slice %dma_wait3A_55[%run_scoped3A, %dma_wait3A_56] : memref<79x128xi32, #tpu.memory_space<hbm>> -> memref<1x128xi32, #tpu.memory_space<hbm>>
      %dma_wait3A_58 = tpu.memref_squeeze %dma_wait3A_57 : memref<1x128xi32, #tpu.memory_space<hbm>> -> memref<128xi32, #tpu.memory_space<hbm>>
      %dma_wait3A_59 = arith.constant 0 : i32
      %dma_wait3A_60 = arith.constant 0 : i32
      %dma_wait3A_61 = tpu.memref_slice %arg3[%arg1, %dma_wait3A_59, %dma_wait3A_60] : memref<16x79x128xi32, #tpu.memory_space<hbm>> -> memref<1x79x128xi32, #tpu.memory_space<hbm>>
      %dma_wait3A_62 = tpu.memref_squeeze %dma_wait3A_61 : memref<1x79x128xi32, #tpu.memory_space<hbm>> -> memref<79x128xi32, #tpu.memory_space<hbm>>
      %dma_wait3A_63 = arith.constant 0 : i32
      %dma_wait3A_64 = tpu.memref_slice %dma_wait3A_62[%run_scoped3A, %dma_wait3A_63] : memref<79x128xi32, #tpu.memory_space<hbm>> -> memref<1x128xi32, #tpu.memory_space<hbm>>
      %dma_wait3A_65 = tpu.memref_squeeze %dma_wait3A_64 : memref<1x128xi32, #tpu.memory_space<hbm>> -> memref<128xi32, #tpu.memory_space<hbm>>
      tpu.wait_dma2 semaphore(%run_scoped3A_38 : memref<!tpu.dma_semaphore, #tpu.memory_space<semaphore_mem>>) src(%dma_wait3A_65 : memref<128xi32, #tpu.memory_space<hbm>>) dst(%arg8 : memref<128xi32, #tpu.memory_space<vmem>>)
      tpu.yield
    }) : () -> ()
    %dma_start3A = arith.constant 0 : i32
    %dma_start3A_4 = arith.constant 0 : i32
    %dma_start3A_5 = tpu.memref_slice %arg2[%add3A_3, %dma_start3A, %dma_start3A_4] : memref<4x10000x128xf32, #tpu.memory_space<hbm>> -> memref<1x10000x128xf32, #tpu.memory_space<hbm>>
    %dma_start3A_6 = tpu.memref_squeeze %dma_start3A_5 : memref<1x10000x128xf32, #tpu.memory_space<hbm>> -> memref<10000x128xf32, #tpu.memory_space<hbm>>
    %dma_start3A_7 = arith.constant 0 : i32
    %dma_start3A_8 = arith.constant 0 : i32
    %dma_start3A_9 = tpu.memref_slice %dma_start3A_6[%dma_start3A_7, %dma_start3A_8] : memref<10000x128xf32, #tpu.memory_space<hbm>> -> memref<10000x128xf32, #tpu.memory_space<hbm>>
    tpu.enqueue_indirect_dma source(%dma_start3A_9 : memref<10000x128xf32, #tpu.memory_space<hbm>>) target(%arg11 : memref<128x128xf32, #tpu.memory_space<vmem>>) offsets(%arg8 : memref<128xi32, #tpu.memory_space<vmem>>) semaphore(%arg13 : memref<!tpu.dma_semaphore, #tpu.memory_space<semaphore_mem>>)
    %scan3A = arith.constant 0 : i32
    %scan3A_10 = arith.constant 0 : i32
    %scan3A_11 = arith.constant 40 : i32
    %scan3A_12 = arith.addi %scan3A_10, %scan3A_11 : i32
    %scan3A_13 = arith.constant 1 : i32
    scf.for %scan3A_38 = %scan3A_10 to %scan3A_12 step %scan3A_13  : i32 {
      %mul3A_39 = arith.constant 2 : i32
      %mul3A_40 = arith.muli %scan3A_38, %mul3A_39 : i32
      %add3A_41 = arith.constant 0 : i32
      %add3A_42 = arith.addi %mul3A_40, %add3A_41 : i32
      %lt3A = arith.constant 79 : i32
      %lt3A_43 = arith.cmpi slt, %add3A_42, %lt3A : i32
      %convert_element_type3A = arith.extui %lt3A_43 : i1 to i32
      %cond3A = arith.constant 0 : i32
      %cond3A_44 = arith.cmpi ne, %convert_element_type3A, %cond3A : i32
      scf.if %cond3A_44 {
        %add3A_54 = arith.constant 1 : i32
        %add3A_55 = arith.addi %add3A_42, %add3A_54 : i32
        %lt3A_56 = arith.constant 79 : i32
        %lt3A_57 = arith.cmpi slt, %add3A_55, %lt3A_56 : i32
        %convert_element_type3A_58 = arith.extui %lt3A_57 : i1 to i32
        %cond3A_59 = arith.constant 0 : i32
        %cond3A_60 = arith.cmpi ne, %convert_element_type3A_58, %cond3A_59 : i32
        scf.if %cond3A_60 {
          "tpu.region"() ({
            %run_scoped3A_74 = tpu.sem_alloc : memref<!tpu.dma_semaphore, #tpu.memory_space<semaphore_mem>>
            %dma_start3A_75 = arith.constant 0 : i32
            %dma_start3A_76 = arith.constant 0 : i32
            %dma_start3A_77 = tpu.memref_slice %arg3[%arg1, %dma_start3A_75, %dma_start3A_76] : memref<16x79x128xi32, #tpu.memory_space<hbm>> -> memref<1x79x128xi32, #tpu.memory_space<hbm>>
            %dma_start3A_78 = tpu.memref_squeeze %dma_start3A_77 : memref<1x79x128xi32, #tpu.memory_space<hbm>> -> memref<79x128xi32, #tpu.memory_space<hbm>>
            %dma_start3A_79 = arith.constant 0 : i32
            %dma_start3A_80 = tpu.memref_slice %dma_start3A_78[%add3A_55, %dma_start3A_79] : memref<79x128xi32, #tpu.memory_space<hbm>> -> memref<1x128xi32, #tpu.memory_space<hbm>>
            %dma_start3A_81 = tpu.memref_squeeze %dma_start3A_80 : memref<1x128xi32, #tpu.memory_space<hbm>> -> memref<128xi32, #tpu.memory_space<hbm>>
            %dma_start3A_82 = arith.constant 0 : i32
            %dma_start3A_83 = arith.constant 0 : i32
            %dma_start3A_84 = tpu.memref_slice %arg3[%arg1, %dma_start3A_82, %dma_start3A_83] : memref<16x79x128xi32, #tpu.memory_space<hbm>> -> memref<1x79x128xi32, #tpu.memory_space<hbm>>
            %dma_start3A_85 = tpu.memref_squeeze %dma_start3A_84 : memref<1x79x128xi32, #tpu.memory_space<hbm>> -> memref<79x128xi32, #tpu.memory_space<hbm>>
            %dma_start3A_86 = arith.constant 0 : i32
            %dma_start3A_87 = tpu.memref_slice %dma_start3A_85[%add3A_55, %dma_start3A_86] : memref<79x128xi32, #tpu.memory_space<hbm>> -> memref<1x128xi32, #tpu.memory_space<hbm>>
            %dma_start3A_88 = tpu.memref_squeeze %dma_start3A_87 : memref<1x128xi32, #tpu.memory_space<hbm>> -> memref<128xi32, #tpu.memory_space<hbm>>
            tpu.enqueue_dma source(%dma_start3A_88 : memref<128xi32, #tpu.memory_space<hbm>>) target(%arg9 : memref<128xi32, #tpu.memory_space<vmem>>) target_semaphore(%run_scoped3A_74 : memref<!tpu.dma_semaphore, #tpu.memory_space<semaphore_mem>>)
            %dma_wait3A_89 = arith.constant 0 : i32
            %dma_wait3A_90 = arith.constant 0 : i32
            %dma_wait3A_91 = tpu.memref_slice %arg3[%arg1, %dma_wait3A_89, %dma_wait3A_90] : memref<16x79x128xi32, #tpu.memory_space<hbm>> -> memref<1x79x128xi32, #tpu.memory_space<hbm>>
            %dma_wait3A_92 = tpu.memref_squeeze %dma_wait3A_91 : memref<1x79x128xi32, #tpu.memory_space<hbm>> -> memref<79x128xi32, #tpu.memory_space<hbm>>
            %dma_wait3A_93 = arith.constant 0 : i32
            %dma_wait3A_94 = tpu.memref_slice %dma_wait3A_92[%add3A_55, %dma_wait3A_93] : memref<79x128xi32, #tpu.memory_space<hbm>> -> memref<1x128xi32, #tpu.memory_space<hbm>>
            %dma_wait3A_95 = tpu.memref_squeeze %dma_wait3A_94 : memref<1x128xi32, #tpu.memory_space<hbm>> -> memref<128xi32, #tpu.memory_space<hbm>>
            %dma_wait3A_96 = arith.constant 0 : i32
            %dma_wait3A_97 = arith.constant 0 : i32
            %dma_wait3A_98 = tpu.memref_slice %arg3[%arg1, %dma_wait3A_96, %dma_wait3A_97] : memref<16x79x128xi32, #tpu.memory_space<hbm>> -> memref<1x79x128xi32, #tpu.memory_space<hbm>>
            %dma_wait3A_99 = tpu.memref_squeeze %dma_wait3A_98 : memref<1x79x128xi32, #tpu.memory_space<hbm>> -> memref<79x128xi32, #tpu.memory_space<hbm>>
            %dma_wait3A_100 = arith.constant 0 : i32
            %dma_wait3A_101 = tpu.memref_slice %dma_wait3A_99[%add3A_55, %dma_wait3A_100] : memref<79x128xi32, #tpu.memory_space<hbm>> -> memref<1x128xi32, #tpu.memory_space<hbm>>
            %dma_wait3A_102 = tpu.memref_squeeze %dma_wait3A_101 : memref<1x128xi32, #tpu.memory_space<hbm>> -> memref<128xi32, #tpu.memory_space<hbm>>
            tpu.wait_dma2 semaphore(%run_scoped3A_74 : memref<!tpu.dma_semaphore, #tpu.memory_space<semaphore_mem>>) src(%dma_wait3A_102 : memref<128xi32, #tpu.memory_space<hbm>>) dst(%arg9 : memref<128xi32, #tpu.memory_space<vmem>>)
            tpu.yield
          }) : () -> ()
          %dma_start3A_67 = arith.constant 0 : i32
          %dma_start3A_68 = arith.constant 0 : i32
          %dma_start3A_69 = tpu.memref_slice %arg2[%add3A_3, %dma_start3A_67, %dma_start3A_68] : memref<4x10000x128xf32, #tpu.memory_space<hbm>> -> memref<1x10000x128xf32, #tpu.memory_space<hbm>>
          %dma_start3A_70 = tpu.memref_squeeze %dma_start3A_69 : memref<1x10000x128xf32, #tpu.memory_space<hbm>> -> memref<10000x128xf32, #tpu.memory_space<hbm>>
          %dma_start3A_71 = arith.constant 0 : i32
          %dma_start3A_72 = arith.constant 0 : i32
          %dma_start3A_73 = tpu.memref_slice %dma_start3A_70[%dma_start3A_71, %dma_start3A_72] : memref<10000x128xf32, #tpu.memory_space<hbm>> -> memref<10000x128xf32, #tpu.memory_space<hbm>>
          tpu.enqueue_indirect_dma source(%dma_start3A_73 : memref<10000x128xf32, #tpu.memory_space<hbm>>) target(%arg12 : memref<128x128xf32, #tpu.memory_space<vmem>>) offsets(%arg9 : memref<128xi32, #tpu.memory_space<vmem>>) semaphore(%arg14 : memref<!tpu.dma_semaphore, #tpu.memory_space<semaphore_mem>>)
        } else {
        }
        %dma_wait3A = arith.constant 0 : i32
        %dma_wait3A_61 = arith.constant 0 : i32
        %dma_wait3A_62 = tpu.memref_slice %arg2[%add3A_3, %dma_wait3A, %dma_wait3A_61] : memref<4x10000x128xf32, #tpu.memory_space<hbm>> -> memref<1x10000x128xf32, #tpu.memory_space<hbm>>
        %dma_wait3A_63 = tpu.memref_squeeze %dma_wait3A_62 : memref<1x10000x128xf32, #tpu.memory_space<hbm>> -> memref<10000x128xf32, #tpu.memory_space<hbm>>
        %dma_wait3A_64 = arith.constant 0 : i32
        %dma_wait3A_65 = arith.constant 0 : i32
        %dma_wait3A_66 = tpu.memref_slice %dma_wait3A_63[%dma_wait3A_64, %dma_wait3A_65] : memref<10000x128xf32, #tpu.memory_space<hbm>> -> memref<10000x128xf32, #tpu.memory_space<hbm>>
        tpu.wait_indirect_dma semaphore(%arg13 : memref<!tpu.dma_semaphore, #tpu.memory_space<semaphore_mem>>) src(%dma_wait3A_66 : memref<10000x128xf32, #tpu.memory_space<hbm>>) dst(%arg11 : memref<128x128xf32, #tpu.memory_space<vmem>>)
        "tpu.region"() ({
          %run_scoped3A_67 = tpu.sem_alloc : memref<!tpu.dma_semaphore, #tpu.memory_space<semaphore_mem>>
          %dma_start3A_68 = arith.constant 0 : i32
          %dma_start3A_69 = tpu.memref_slice %arg10[%add3A_42, %dma_start3A_68] : memref<79x128xi32, #tpu.memory_space<vmem>> -> memref<1x128xi32, #tpu.memory_space<vmem>>
          %dma_start3A_70 = tpu.memref_squeeze %dma_start3A_69 : memref<1x128xi32, #tpu.memory_space<vmem>> -> memref<128xi32, #tpu.memory_space<vmem>>
          %dma_start3A_71 = arith.constant 0 : i32
          %dma_start3A_72 = arith.constant 0 : i32
          %dma_start3A_73 = tpu.memref_slice %arg7[%dma_start3A_71, %dma_start3A_72] : memref<10112x128xf32, #tpu.memory_space<vmem_shared>> -> memref<10112x128xf32, #tpu.memory_space<vmem_shared>>
          tpu.enqueue_indirect_dma source(%arg11 : memref<128x128xf32, #tpu.memory_space<vmem>>) target(%dma_start3A_73 : memref<10112x128xf32, #tpu.memory_space<vmem_shared>>) offsets(%dma_start3A_70 : memref<128xi32, #tpu.memory_space<vmem>>) semaphore(%run_scoped3A_67 : memref<!tpu.dma_semaphore, #tpu.memory_space<semaphore_mem>>) {add = true}
          %dma_wait3A_74 = arith.constant 0 : i32
          %dma_wait3A_75 = tpu.memref_slice %arg10[%add3A_42, %dma_wait3A_74] : memref<79x128xi32, #tpu.memory_space<vmem>> -> memref<1x128xi32, #tpu.memory_space<vmem>>
          %dma_wait3A_76 = tpu.memref_squeeze %dma_wait3A_75 : memref<1x128xi32, #tpu.memory_space<vmem>> -> memref<128xi32, #tpu.memory_space<vmem>>
          %dma_wait3A_77 = arith.constant 0 : i32
          %dma_wait3A_78 = arith.constant 0 : i32
          %dma_wait3A_79 = tpu.memref_slice %arg7[%dma_wait3A_77, %dma_wait3A_78] : memref<10112x128xf32, #tpu.memory_space<vmem_shared>> -> memref<10112x128xf32, #tpu.memory_space<vmem_shared>>
          tpu.wait_indirect_dma semaphore(%run_scoped3A_67 : memref<!tpu.dma_semaphore, #tpu.memory_space<semaphore_mem>>) src(%arg11 : memref<128x128xf32, #tpu.memory_space<vmem>>) dst(%dma_wait3A_79 : memref<10112x128xf32, #tpu.memory_space<vmem_shared>>)
          tpu.yield
        }) : () -> ()
      } else {
      }
      %mul3A_45 = arith.constant 2 : i32
      %mul3A_46 = arith.muli %scan3A_38, %mul3A_45 : i32
      %add3A_47 = arith.constant 1 : i32
      %add3A_48 = arith.addi %mul3A_46, %add3A_47 : i32
      %lt3A_49 = arith.constant 79 : i32
      %lt3A_50 = arith.cmpi slt, %add3A_48, %lt3A_49 : i32
      %convert_element_type3A_51 = arith.extui %lt3A_50 : i1 to i32
      %cond3A_52 = arith.constant 0 : i32
      %cond3A_53 = arith.cmpi ne, %convert_element_type3A_51, %cond3A_52 : i32
      scf.if %cond3A_53 {
        %add3A_54 = arith.constant 1 : i32
        %add3A_55 = arith.addi %add3A_48, %add3A_54 : i32
        %lt3A_56 = arith.constant 79 : i32
        %lt3A_57 = arith.cmpi slt, %add3A_55, %lt3A_56 : i32
        %convert_element_type3A_58 = arith.extui %lt3A_57 : i1 to i32
        %cond3A_59 = arith.constant 0 : i32
        %cond3A_60 = arith.cmpi ne, %convert_element_type3A_58, %cond3A_59 : i32
        scf.if %cond3A_60 {
          "tpu.region"() ({
            %run_scoped3A_74 = tpu.sem_alloc : memref<!tpu.dma_semaphore, #tpu.memory_space<semaphore_mem>>
            %dma_start3A_75 = arith.constant 0 : i32
            %dma_start3A_76 = arith.constant 0 : i32
            %dma_start3A_77 = tpu.memref_slice %arg3[%arg1, %dma_start3A_75, %dma_start3A_76] : memref<16x79x128xi32, #tpu.memory_space<hbm>> -> memref<1x79x128xi32, #tpu.memory_space<hbm>>
            %dma_start3A_78 = tpu.memref_squeeze %dma_start3A_77 : memref<1x79x128xi32, #tpu.memory_space<hbm>> -> memref<79x128xi32, #tpu.memory_space<hbm>>
            %dma_start3A_79 = arith.constant 0 : i32
            %dma_start3A_80 = tpu.memref_slice %dma_start3A_78[%add3A_55, %dma_start3A_79] : memref<79x128xi32, #tpu.memory_space<hbm>> -> memref<1x128xi32, #tpu.memory_space<hbm>>
            %dma_start3A_81 = tpu.memref_squeeze %dma_start3A_80 : memref<1x128xi32, #tpu.memory_space<hbm>> -> memref<128xi32, #tpu.memory_space<hbm>>
            %dma_start3A_82 = arith.constant 0 : i32
            %dma_start3A_83 = arith.constant 0 : i32
            %dma_start3A_84 = tpu.memref_slice %arg3[%arg1, %dma_start3A_82, %dma_start3A_83] : memref<16x79x128xi32, #tpu.memory_space<hbm>> -> memref<1x79x128xi32, #tpu.memory_space<hbm>>
            %dma_start3A_85 = tpu.memref_squeeze %dma_start3A_84 : memref<1x79x128xi32, #tpu.memory_space<hbm>> -> memref<79x128xi32, #tpu.memory_space<hbm>>
            %dma_start3A_86 = arith.constant 0 : i32
            %dma_start3A_87 = tpu.memref_slice %dma_start3A_85[%add3A_55, %dma_start3A_86] : memref<79x128xi32, #tpu.memory_space<hbm>> -> memref<1x128xi32, #tpu.memory_space<hbm>>
            %dma_start3A_88 = tpu.memref_squeeze %dma_start3A_87 : memref<1x128xi32, #tpu.memory_space<hbm>> -> memref<128xi32, #tpu.memory_space<hbm>>
            tpu.enqueue_dma source(%dma_start3A_88 : memref<128xi32, #tpu.memory_space<hbm>>) target(%arg8 : memref<128xi32, #tpu.memory_space<vmem>>) target_semaphore(%run_scoped3A_74 : memref<!tpu.dma_semaphore, #tpu.memory_space<semaphore_mem>>)
            %dma_wait3A_89 = arith.constant 0 : i32
            %dma_wait3A_90 = arith.constant 0 : i32
            %dma_wait3A_91 = tpu.memref_slice %arg3[%arg1, %dma_wait3A_89, %dma_wait3A_90] : memref<16x79x128xi32, #tpu.memory_space<hbm>> -> memref<1x79x128xi32, #tpu.memory_space<hbm>>
            %dma_wait3A_92 = tpu.memref_squeeze %dma_wait3A_91 : memref<1x79x128xi32, #tpu.memory_space<hbm>> -> memref<79x128xi32, #tpu.memory_space<hbm>>
            %dma_wait3A_93 = arith.constant 0 : i32
            %dma_wait3A_94 = tpu.memref_slice %dma_wait3A_92[%add3A_55, %dma_wait3A_93] : memref<79x128xi32, #tpu.memory_space<hbm>> -> memref<1x128xi32, #tpu.memory_space<hbm>>
            %dma_wait3A_95 = tpu.memref_squeeze %dma_wait3A_94 : memref<1x128xi32, #tpu.memory_space<hbm>> -> memref<128xi32, #tpu.memory_space<hbm>>
            %dma_wait3A_96 = arith.constant 0 : i32
            %dma_wait3A_97 = arith.constant 0 : i32
            %dma_wait3A_98 = tpu.memref_slice %arg3[%arg1, %dma_wait3A_96, %dma_wait3A_97] : memref<16x79x128xi32, #tpu.memory_space<hbm>> -> memref<1x79x128xi32, #tpu.memory_space<hbm>>
            %dma_wait3A_99 = tpu.memref_squeeze %dma_wait3A_98 : memref<1x79x128xi32, #tpu.memory_space<hbm>> -> memref<79x128xi32, #tpu.memory_space<hbm>>
            %dma_wait3A_100 = arith.constant 0 : i32
            %dma_wait3A_101 = tpu.memref_slice %dma_wait3A_99[%add3A_55, %dma_wait3A_100] : memref<79x128xi32, #tpu.memory_space<hbm>> -> memref<1x128xi32, #tpu.memory_space<hbm>>
            %dma_wait3A_102 = tpu.memref_squeeze %dma_wait3A_101 : memref<1x128xi32, #tpu.memory_space<hbm>> -> memref<128xi32, #tpu.memory_space<hbm>>
            tpu.wait_dma2 semaphore(%run_scoped3A_74 : memref<!tpu.dma_semaphore, #tpu.memory_space<semaphore_mem>>) src(%dma_wait3A_102 : memref<128xi32, #tpu.memory_space<hbm>>) dst(%arg8 : memref<128xi32, #tpu.memory_space<vmem>>)
            tpu.yield
          }) : () -> ()
          %dma_start3A_67 = arith.constant 0 : i32
          %dma_start3A_68 = arith.constant 0 : i32
          %dma_start3A_69 = tpu.memref_slice %arg2[%add3A_3, %dma_start3A_67, %dma_start3A_68] : memref<4x10000x128xf32, #tpu.memory_space<hbm>> -> memref<1x10000x128xf32, #tpu.memory_space<hbm>>
          %dma_start3A_70 = tpu.memref_squeeze %dma_start3A_69 : memref<1x10000x128xf32, #tpu.memory_space<hbm>> -> memref<10000x128xf32, #tpu.memory_space<hbm>>
          %dma_start3A_71 = arith.constant 0 : i32
          %dma_start3A_72 = arith.constant 0 : i32
          %dma_start3A_73 = tpu.memref_slice %dma_start3A_70[%dma_start3A_71, %dma_start3A_72] : memref<10000x128xf32, #tpu.memory_space<hbm>> -> memref<10000x128xf32, #tpu.memory_space<hbm>>
          tpu.enqueue_indirect_dma source(%dma_start3A_73 : memref<10000x128xf32, #tpu.memory_space<hbm>>) target(%arg11 : memref<128x128xf32, #tpu.memory_space<vmem>>) offsets(%arg8 : memref<128xi32, #tpu.memory_space<vmem>>) semaphore(%arg13 : memref<!tpu.dma_semaphore, #tpu.memory_space<semaphore_mem>>)
        } else {
        }
        %dma_wait3A = arith.constant 0 : i32
        %dma_wait3A_61 = arith.constant 0 : i32
        %dma_wait3A_62 = tpu.memref_slice %arg2[%add3A_3, %dma_wait3A, %dma_wait3A_61] : memref<4x10000x128xf32, #tpu.memory_space<hbm>> -> memref<1x10000x128xf32, #tpu.memory_space<hbm>>
        %dma_wait3A_63 = tpu.memref_squeeze %dma_wait3A_62 : memref<1x10000x128xf32, #tpu.memory_space<hbm>> -> memref<10000x128xf32, #tpu.memory_space<hbm>>
        %dma_wait3A_64 = arith.constant 0 : i32
        %dma_wait3A_65 = arith.constant 0 : i32
        %dma_wait3A_66 = tpu.memref_slice %dma_wait3A_63[%dma_wait3A_64, %dma_wait3A_65] : memref<10000x128xf32, #tpu.memory_space<hbm>> -> memref<10000x128xf32, #tpu.memory_space<hbm>>
        tpu.wait_indirect_dma semaphore(%arg14 : memref<!tpu.dma_semaphore, #tpu.memory_space<semaphore_mem>>) src(%dma_wait3A_66 : memref<10000x128xf32, #tpu.memory_space<hbm>>) dst(%arg12 : memref<128x128xf32, #tpu.memory_space<vmem>>)
        "tpu.region"() ({
          %run_scoped3A_67 = tpu.sem_alloc : memref<!tpu.dma_semaphore, #tpu.memory_space<semaphore_mem>>
          %dma_start3A_68 = arith.constant 0 : i32
          %dma_start3A_69 = tpu.memref_slice %arg10[%add3A_48, %dma_start3A_68] : memref<79x128xi32, #tpu.memory_space<vmem>> -> memref<1x128xi32, #tpu.memory_space<vmem>>
          %dma_start3A_70 = tpu.memref_squeeze %dma_start3A_69 : memref<1x128xi32, #tpu.memory_space<vmem>> -> memref<128xi32, #tpu.memory_space<vmem>>
          %dma_start3A_71 = arith.constant 0 : i32
          %dma_start3A_72 = arith.constant 0 : i32
          %dma_start3A_73 = tpu.memref_slice %arg7[%dma_start3A_71, %dma_start3A_72] : memref<10112x128xf32, #tpu.memory_space<vmem_shared>> -> memref<10112x128xf32, #tpu.memory_space<vmem_shared>>
          tpu.enqueue_indirect_dma source(%arg12 : memref<128x128xf32, #tpu.memory_space<vmem>>) target(%dma_start3A_73 : memref<10112x128xf32, #tpu.memory_space<vmem_shared>>) offsets(%dma_start3A_70 : memref<128xi32, #tpu.memory_space<vmem>>) semaphore(%run_scoped3A_67 : memref<!tpu.dma_semaphore, #tpu.memory_space<semaphore_mem>>) {add = true}
          %dma_wait3A_74 = arith.constant 0 : i32
          %dma_wait3A_75 = tpu.memref_slice %arg10[%add3A_48, %dma_wait3A_74] : memref<79x128xi32, #tpu.memory_space<vmem>> -> memref<1x128xi32, #tpu.memory_space<vmem>>
          %dma_wait3A_76 = tpu.memref_squeeze %dma_wait3A_75 : memref<1x128xi32, #tpu.memory_space<vmem>> -> memref<128xi32, #tpu.memory_space<vmem>>
          %dma_wait3A_77 = arith.constant 0 : i32
          %dma_wait3A_78 = arith.constant 0 : i32
          %dma_wait3A_79 = tpu.memref_slice %arg7[%dma_wait3A_77, %dma_wait3A_78] : memref<10112x128xf32, #tpu.memory_space<vmem_shared>> -> memref<10112x128xf32, #tpu.memory_space<vmem_shared>>
          tpu.wait_indirect_dma semaphore(%run_scoped3A_67 : memref<!tpu.dma_semaphore, #tpu.memory_space<semaphore_mem>>) src(%arg12 : memref<128x128xf32, #tpu.memory_space<vmem>>) dst(%dma_wait3A_79 : memref<10112x128xf32, #tpu.memory_space<vmem_shared>>)
          tpu.yield
        }) : () -> ()
      } else {
      }
    }
    %scan3A_14 = arith.constant 40 : i32
    %barrier3A_15 = arith.constant 0 : index
    tpu.barrier barrier_id(%barrier3A_15)
    "tpu.region"() ({
      %run_scoped3A_38 = tpu.sem_alloc : memref<!tpu.dma_semaphore, #tpu.memory_space<semaphore_mem>>
      %dma_start3A_39 = arith.constant 0 : i32
      %dma_start3A_40 = arith.constant 0 : i32
      %dma_start3A_41 = tpu.memref_slice %arg6[%add3A_3, %dma_start3A_39, %dma_start3A_40] : memref<4x10112x128xf32, #tpu.memory_space<hbm>> -> memref<1x10112x128xf32, #tpu.memory_space<hbm>>
      %dma_start3A_42 = tpu.memref_squeeze %dma_start3A_41 : memref<1x10112x128xf32, #tpu.memory_space<hbm>> -> memref<10112x128xf32, #tpu.memory_space<hbm>>
      %dma_start3A_43 = arith.constant 0 : i32
      %dma_start3A_44 = tpu.memref_slice %dma_start3A_42[%mul3A_0, %dma_start3A_43] : memref<10112x128xf32, #tpu.memory_space<hbm>> -> memref<632x128xf32, #tpu.memory_space<hbm>>
      %dma_start3A_45 = arith.constant 0 : i32
      %dma_start3A_46 = tpu.memref_slice %arg7[%mul3A_0, %dma_start3A_45] : memref<10112x128xf32, #tpu.memory_space<vmem_shared>> -> memref<632x128xf32, #tpu.memory_space<vmem_shared>>
      tpu.enqueue_dma source(%dma_start3A_46 : memref<632x128xf32, #tpu.memory_space<vmem_shared>>) target(%dma_start3A_44 : memref<632x128xf32, #tpu.memory_space<hbm>>) target_semaphore(%run_scoped3A_38 : memref<!tpu.dma_semaphore, #tpu.memory_space<semaphore_mem>>)
      %dma_wait3A = arith.constant 0 : i32
      %dma_wait3A_47 = arith.constant 0 : i32
      %dma_wait3A_48 = tpu.memref_slice %arg6[%add3A_3, %dma_wait3A, %dma_wait3A_47] : memref<4x10112x128xf32, #tpu.memory_space<hbm>> -> memref<1x10112x128xf32, #tpu.memory_space<hbm>>
      %dma_wait3A_49 = tpu.memref_squeeze %dma_wait3A_48 : memref<1x10112x128xf32, #tpu.memory_space<hbm>> -> memref<10112x128xf32, #tpu.memory_space<hbm>>
      %dma_wait3A_50 = arith.constant 0 : i32
      %dma_wait3A_51 = tpu.memref_slice %dma_wait3A_49[%mul3A_0, %dma_wait3A_50] : memref<10112x128xf32, #tpu.memory_space<hbm>> -> memref<632x128xf32, #tpu.memory_space<hbm>>
      %dma_wait3A_52 = arith.constant 0 : i32
      %dma_wait3A_53 = tpu.memref_slice %arg7[%mul3A_0, %dma_wait3A_52] : memref<10112x128xf32, #tpu.memory_space<vmem_shared>> -> memref<632x128xf32, #tpu.memory_space<vmem_shared>>
      tpu.wait_dma2 semaphore(%run_scoped3A_38 : memref<!tpu.dma_semaphore, #tpu.memory_space<semaphore_mem>>) src(%dma_wait3A_53 : memref<632x128xf32, #tpu.memory_space<vmem_shared>>) dst(%dma_wait3A_51 : memref<632x128xf32, #tpu.memory_space<hbm>>)
      tpu.yield
    }) : () -> ()
    %barrier3A_16 = arith.constant 0 : index
    tpu.barrier barrier_id(%barrier3A_16)
    %mul3A_17 = arith.constant 2 : i32
    %mul3A_18 = arith.muli %arg0, %mul3A_17 : i32
    %add3A_19 = arith.constant 1 : i32
    %add3A_20 = arith.addi %mul3A_18, %add3A_19 : i32
    "tpu.region"() ({
      %run_scoped3A_38 = tpu.sem_alloc : memref<!tpu.dma_semaphore, #tpu.memory_space<semaphore_mem>>
      %dma_start3A_39 = arith.constant 0 : i32
      %dma_start3A_40 = tpu.memref_slice %arg7[%mul3A_0, %dma_start3A_39] : memref<10112x128xf32, #tpu.memory_space<vmem_shared>> -> memref<632x128xf32, #tpu.memory_space<vmem_shared>>
      tpu.enqueue_dma source(%arg5 : memref<632x128xf32, #tpu.memory_space<hbm>>) target(%dma_start3A_40 : memref<632x128xf32, #tpu.memory_space<vmem_shared>>) target_semaphore(%run_scoped3A_38 : memref<!tpu.dma_semaphore, #tpu.memory_space<semaphore_mem>>)
      %dma_wait3A = arith.constant 0 : i32
      %dma_wait3A_41 = tpu.memref_slice %arg7[%mul3A_0, %dma_wait3A] : memref<10112x128xf32, #tpu.memory_space<vmem_shared>> -> memref<632x128xf32, #tpu.memory_space<vmem_shared>>
      tpu.wait_dma2 semaphore(%run_scoped3A_38 : memref<!tpu.dma_semaphore, #tpu.memory_space<semaphore_mem>>) src(%arg5 : memref<632x128xf32, #tpu.memory_space<hbm>>) dst(%dma_wait3A_41 : memref<632x128xf32, #tpu.memory_space<vmem_shared>>)
      tpu.yield
    }) : () -> ()
    %barrier3A_21 = arith.constant 0 : index
    tpu.barrier barrier_id(%barrier3A_21)
    %run_scoped3A_22 = arith.constant 0 : i32
    "tpu.region"() ({
      %run_scoped3A_38 = tpu.sem_alloc : memref<!tpu.dma_semaphore, #tpu.memory_space<semaphore_mem>>
      %dma_start3A_39 = arith.constant 0 : i32
      %dma_start3A_40 = arith.constant 0 : i32
      %dma_start3A_41 = tpu.memref_slice %arg3[%arg1, %dma_start3A_39, %dma_start3A_40] : memref<16x79x128xi32, #tpu.memory_space<hbm>> -> memref<1x79x128xi32, #tpu.memory_space<hbm>>
      %dma_start3A_42 = tpu.memref_squeeze %dma_start3A_41 : memref<1x79x128xi32, #tpu.memory_space<hbm>> -> memref<79x128xi32, #tpu.memory_space<hbm>>
      %dma_start3A_43 = arith.constant 0 : i32
      %dma_start3A_44 = tpu.memref_slice %dma_start3A_42[%run_scoped3A_22, %dma_start3A_43] : memref<79x128xi32, #tpu.memory_space<hbm>> -> memref<1x128xi32, #tpu.memory_space<hbm>>
      %dma_start3A_45 = tpu.memref_squeeze %dma_start3A_44 : memref<1x128xi32, #tpu.memory_space<hbm>> -> memref<128xi32, #tpu.memory_space<hbm>>
      %dma_start3A_46 = arith.constant 0 : i32
      %dma_start3A_47 = arith.constant 0 : i32
      %dma_start3A_48 = tpu.memref_slice %arg3[%arg1, %dma_start3A_46, %dma_start3A_47] : memref<16x79x128xi32, #tpu.memory_space<hbm>> -> memref<1x79x128xi32, #tpu.memory_space<hbm>>
      %dma_start3A_49 = tpu.memref_squeeze %dma_start3A_48 : memref<1x79x128xi32, #tpu.memory_space<hbm>> -> memref<79x128xi32, #tpu.memory_space<hbm>>
      %dma_start3A_50 = arith.constant 0 : i32
      %dma_start3A_51 = tpu.memref_slice %dma_start3A_49[%run_scoped3A_22, %dma_start3A_50] : memref<79x128xi32, #tpu.memory_space<hbm>> -> memref<1x128xi32, #tpu.memory_space<hbm>>
      %dma_start3A_52 = tpu.memref_squeeze %dma_start3A_51 : memref<1x128xi32, #tpu.memory_space<hbm>> -> memref<128xi32, #tpu.memory_space<hbm>>
      tpu.enqueue_dma source(%dma_start3A_52 : memref<128xi32, #tpu.memory_space<hbm>>) target(%arg8 : memref<128xi32, #tpu.memory_space<vmem>>) target_semaphore(%run_scoped3A_38 : memref<!tpu.dma_semaphore, #tpu.memory_space<semaphore_mem>>)
      %dma_wait3A = arith.constant 0 : i32
      %dma_wait3A_53 = arith.constant 0 : i32
      %dma_wait3A_54 = tpu.memref_slice %arg3[%arg1, %dma_wait3A, %dma_wait3A_53] : memref<16x79x128xi32, #tpu.memory_space<hbm>> -> memref<1x79x128xi32, #tpu.memory_space<hbm>>
      %dma_wait3A_55 = tpu.memref_squeeze %dma_wait3A_54 : memref<1x79x128xi32, #tpu.memory_space<hbm>> -> memref<79x128xi32, #tpu.memory_space<hbm>>
      %dma_wait3A_56 = arith.constant 0 : i32
      %dma_wait3A_57 = tpu.memref_slice %dma_wait3A_55[%run_scoped3A_22, %dma_wait3A_56] : memref<79x128xi32, #tpu.memory_space<hbm>> -> memref<1x128xi32, #tpu.memory_space<hbm>>
      %dma_wait3A_58 = tpu.memref_squeeze %dma_wait3A_57 : memref<1x128xi32, #tpu.memory_space<hbm>> -> memref<128xi32, #tpu.memory_space<hbm>>
      %dma_wait3A_59 = arith.constant 0 : i32
      %dma_wait3A_60 = arith.constant 0 : i32
      %dma_wait3A_61 = tpu.memref_slice %arg3[%arg1, %dma_wait3A_59, %dma_wait3A_60] : memref<16x79x128xi32, #tpu.memory_space<hbm>> -> memref<1x79x128xi32, #tpu.memory_space<hbm>>
      %dma_wait3A_62 = tpu.memref_squeeze %dma_wait3A_61 : memref<1x79x128xi32, #tpu.memory_space<hbm>> -> memref<79x128xi32, #tpu.memory_space<hbm>>
      %dma_wait3A_63 = arith.constant 0 : i32
      %dma_wait3A_64 = tpu.memref_slice %dma_wait3A_62[%run_scoped3A_22, %dma_wait3A_63] : memref<79x128xi32, #tpu.memory_space<hbm>> -> memref<1x128xi32, #tpu.memory_space<hbm>>
      %dma_wait3A_65 = tpu.memref_squeeze %dma_wait3A_64 : memref<1x128xi32, #tpu.memory_space<hbm>> -> memref<128xi32, #tpu.memory_space<hbm>>
      tpu.wait_dma2 semaphore(%run_scoped3A_38 : memref<!tpu.dma_semaphore, #tpu.memory_space<semaphore_mem>>) src(%dma_wait3A_65 : memref<128xi32, #tpu.memory_space<hbm>>) dst(%arg8 : memref<128xi32, #tpu.memory_space<vmem>>)
      tpu.yield
    }) : () -> ()
    %dma_start3A_23 = arith.constant 0 : i32
    %dma_start3A_24 = arith.constant 0 : i32
    %dma_start3A_25 = tpu.memref_slice %arg2[%add3A_20, %dma_start3A_23, %dma_start3A_24] : memref<4x10000x128xf32, #tpu.memory_space<hbm>> -> memref<1x10000x128xf32, #tpu.memory_space<hbm>>
    %dma_start3A_26 = tpu.memref_squeeze %dma_start3A_25 : memref<1x10000x128xf32, #tpu.memory_space<hbm>> -> memref<10000x128xf32, #tpu.memory_space<hbm>>
    %dma_start3A_27 = arith.constant 0 : i32
    %dma_start3A_28 = arith.constant 0 : i32
    %dma_start3A_29 = tpu.memref_slice %dma_start3A_26[%dma_start3A_27, %dma_start3A_28] : memref<10000x128xf32, #tpu.memory_space<hbm>> -> memref<10000x128xf32, #tpu.memory_space<hbm>>
    tpu.enqueue_indirect_dma source(%dma_start3A_29 : memref<10000x128xf32, #tpu.memory_space<hbm>>) target(%arg11 : memref<128x128xf32, #tpu.memory_space<vmem>>) offsets(%arg8 : memref<128xi32, #tpu.memory_space<vmem>>) semaphore(%arg13 : memref<!tpu.dma_semaphore, #tpu.memory_space<semaphore_mem>>)
    %scan3A_30 = arith.constant 0 : i32
    %scan3A_31 = arith.constant 0 : i32
    %scan3A_32 = arith.constant 40 : i32
    %scan3A_33 = arith.addi %scan3A_31, %scan3A_32 : i32
    %scan3A_34 = arith.constant 1 : i32
    scf.for %scan3A_38 = %scan3A_31 to %scan3A_33 step %scan3A_34  : i32 {
      %mul3A_39 = arith.constant 2 : i32
      %mul3A_40 = arith.muli %scan3A_38, %mul3A_39 : i32
      %add3A_41 = arith.constant 0 : i32
      %add3A_42 = arith.addi %mul3A_40, %add3A_41 : i32
      %lt3A = arith.constant 79 : i32
      %lt3A_43 = arith.cmpi slt, %add3A_42, %lt3A : i32
      %convert_element_type3A = arith.extui %lt3A_43 : i1 to i32
      %cond3A = arith.constant 0 : i32
      %cond3A_44 = arith.cmpi ne, %convert_element_type3A, %cond3A : i32
      scf.if %cond3A_44 {
        %add3A_54 = arith.constant 1 : i32
        %add3A_55 = arith.addi %add3A_42, %add3A_54 : i32
        %lt3A_56 = arith.constant 79 : i32
        %lt3A_57 = arith.cmpi slt, %add3A_55, %lt3A_56 : i32
        %convert_element_type3A_58 = arith.extui %lt3A_57 : i1 to i32
        %cond3A_59 = arith.constant 0 : i32
        %cond3A_60 = arith.cmpi ne, %convert_element_type3A_58, %cond3A_59 : i32
        scf.if %cond3A_60 {
          "tpu.region"() ({
            %run_scoped3A_74 = tpu.sem_alloc : memref<!tpu.dma_semaphore, #tpu.memory_space<semaphore_mem>>
            %dma_start3A_75 = arith.constant 0 : i32
            %dma_start3A_76 = arith.constant 0 : i32
            %dma_start3A_77 = tpu.memref_slice %arg3[%arg1, %dma_start3A_75, %dma_start3A_76] : memref<16x79x128xi32, #tpu.memory_space<hbm>> -> memref<1x79x128xi32, #tpu.memory_space<hbm>>
            %dma_start3A_78 = tpu.memref_squeeze %dma_start3A_77 : memref<1x79x128xi32, #tpu.memory_space<hbm>> -> memref<79x128xi32, #tpu.memory_space<hbm>>
            %dma_start3A_79 = arith.constant 0 : i32
            %dma_start3A_80 = tpu.memref_slice %dma_start3A_78[%add3A_55, %dma_start3A_79] : memref<79x128xi32, #tpu.memory_space<hbm>> -> memref<1x128xi32, #tpu.memory_space<hbm>>
            %dma_start3A_81 = tpu.memref_squeeze %dma_start3A_80 : memref<1x128xi32, #tpu.memory_space<hbm>> -> memref<128xi32, #tpu.memory_space<hbm>>
            %dma_start3A_82 = arith.constant 0 : i32
            %dma_start3A_83 = arith.constant 0 : i32
            %dma_start3A_84 = tpu.memref_slice %arg3[%arg1, %dma_start3A_82, %dma_start3A_83] : memref<16x79x128xi32, #tpu.memory_space<hbm>> -> memref<1x79x128xi32, #tpu.memory_space<hbm>>
            %dma_start3A_85 = tpu.memref_squeeze %dma_start3A_84 : memref<1x79x128xi32, #tpu.memory_space<hbm>> -> memref<79x128xi32, #tpu.memory_space<hbm>>
            %dma_start3A_86 = arith.constant 0 : i32
            %dma_start3A_87 = tpu.memref_slice %dma_start3A_85[%add3A_55, %dma_start3A_86] : memref<79x128xi32, #tpu.memory_space<hbm>> -> memref<1x128xi32, #tpu.memory_space<hbm>>
            %dma_start3A_88 = tpu.memref_squeeze %dma_start3A_87 : memref<1x128xi32, #tpu.memory_space<hbm>> -> memref<128xi32, #tpu.memory_space<hbm>>
            tpu.enqueue_dma source(%dma_start3A_88 : memref<128xi32, #tpu.memory_space<hbm>>) target(%arg9 : memref<128xi32, #tpu.memory_space<vmem>>) target_semaphore(%run_scoped3A_74 : memref<!tpu.dma_semaphore, #tpu.memory_space<semaphore_mem>>)
            %dma_wait3A_89 = arith.constant 0 : i32
            %dma_wait3A_90 = arith.constant 0 : i32
            %dma_wait3A_91 = tpu.memref_slice %arg3[%arg1, %dma_wait3A_89, %dma_wait3A_90] : memref<16x79x128xi32, #tpu.memory_space<hbm>> -> memref<1x79x128xi32, #tpu.memory_space<hbm>>
            %dma_wait3A_92 = tpu.memref_squeeze %dma_wait3A_91 : memref<1x79x128xi32, #tpu.memory_space<hbm>> -> memref<79x128xi32, #tpu.memory_space<hbm>>
            %dma_wait3A_93 = arith.constant 0 : i32
            %dma_wait3A_94 = tpu.memref_slice %dma_wait3A_92[%add3A_55, %dma_wait3A_93] : memref<79x128xi32, #tpu.memory_space<hbm>> -> memref<1x128xi32, #tpu.memory_space<hbm>>
            %dma_wait3A_95 = tpu.memref_squeeze %dma_wait3A_94 : memref<1x128xi32, #tpu.memory_space<hbm>> -> memref<128xi32, #tpu.memory_space<hbm>>
            %dma_wait3A_96 = arith.constant 0 : i32
            %dma_wait3A_97 = arith.constant 0 : i32
            %dma_wait3A_98 = tpu.memref_slice %arg3[%arg1, %dma_wait3A_96, %dma_wait3A_97] : memref<16x79x128xi32, #tpu.memory_space<hbm>> -> memref<1x79x128xi32, #tpu.memory_space<hbm>>
            %dma_wait3A_99 = tpu.memref_squeeze %dma_wait3A_98 : memref<1x79x128xi32, #tpu.memory_space<hbm>> -> memref<79x128xi32, #tpu.memory_space<hbm>>
            %dma_wait3A_100 = arith.constant 0 : i32
            %dma_wait3A_101 = tpu.memref_slice %dma_wait3A_99[%add3A_55, %dma_wait3A_100] : memref<79x128xi32, #tpu.memory_space<hbm>> -> memref<1x128xi32, #tpu.memory_space<hbm>>
            %dma_wait3A_102 = tpu.memref_squeeze %dma_wait3A_101 : memref<1x128xi32, #tpu.memory_space<hbm>> -> memref<128xi32, #tpu.memory_space<hbm>>
            tpu.wait_dma2 semaphore(%run_scoped3A_74 : memref<!tpu.dma_semaphore, #tpu.memory_space<semaphore_mem>>) src(%dma_wait3A_102 : memref<128xi32, #tpu.memory_space<hbm>>) dst(%arg9 : memref<128xi32, #tpu.memory_space<vmem>>)
            tpu.yield
          }) : () -> ()
          %dma_start3A_67 = arith.constant 0 : i32
          %dma_start3A_68 = arith.constant 0 : i32
          %dma_start3A_69 = tpu.memref_slice %arg2[%add3A_20, %dma_start3A_67, %dma_start3A_68] : memref<4x10000x128xf32, #tpu.memory_space<hbm>> -> memref<1x10000x128xf32, #tpu.memory_space<hbm>>
          %dma_start3A_70 = tpu.memref_squeeze %dma_start3A_69 : memref<1x10000x128xf32, #tpu.memory_space<hbm>> -> memref<10000x128xf32, #tpu.memory_space<hbm>>
          %dma_start3A_71 = arith.constant 0 : i32
          %dma_start3A_72 = arith.constant 0 : i32
          %dma_start3A_73 = tpu.memref_slice %dma_start3A_70[%dma_start3A_71, %dma_start3A_72] : memref<10000x128xf32, #tpu.memory_space<hbm>> -> memref<10000x128xf32, #tpu.memory_space<hbm>>
          tpu.enqueue_indirect_dma source(%dma_start3A_73 : memref<10000x128xf32, #tpu.memory_space<hbm>>) target(%arg12 : memref<128x128xf32, #tpu.memory_space<vmem>>) offsets(%arg9 : memref<128xi32, #tpu.memory_space<vmem>>) semaphore(%arg14 : memref<!tpu.dma_semaphore, #tpu.memory_space<semaphore_mem>>)
        } else {
        }
        %dma_wait3A = arith.constant 0 : i32
        %dma_wait3A_61 = arith.constant 0 : i32
        %dma_wait3A_62 = tpu.memref_slice %arg2[%add3A_20, %dma_wait3A, %dma_wait3A_61] : memref<4x10000x128xf32, #tpu.memory_space<hbm>> -> memref<1x10000x128xf32, #tpu.memory_space<hbm>>
        %dma_wait3A_63 = tpu.memref_squeeze %dma_wait3A_62 : memref<1x10000x128xf32, #tpu.memory_space<hbm>> -> memref<10000x128xf32, #tpu.memory_space<hbm>>
        %dma_wait3A_64 = arith.constant 0 : i32
        %dma_wait3A_65 = arith.constant 0 : i32
        %dma_wait3A_66 = tpu.memref_slice %dma_wait3A_63[%dma_wait3A_64, %dma_wait3A_65] : memref<10000x128xf32, #tpu.memory_space<hbm>> -> memref<10000x128xf32, #tpu.memory_space<hbm>>
        tpu.wait_indirect_dma semaphore(%arg13 : memref<!tpu.dma_semaphore, #tpu.memory_space<semaphore_mem>>) src(%dma_wait3A_66 : memref<10000x128xf32, #tpu.memory_space<hbm>>) dst(%arg11 : memref<128x128xf32, #tpu.memory_space<vmem>>)
        "tpu.region"() ({
          %run_scoped3A_67 = tpu.sem_alloc : memref<!tpu.dma_semaphore, #tpu.memory_space<semaphore_mem>>
          %dma_start3A_68 = arith.constant 0 : i32
          %dma_start3A_69 = tpu.memref_slice %arg10[%add3A_42, %dma_start3A_68] : memref<79x128xi32, #tpu.memory_space<vmem>> -> memref<1x128xi32, #tpu.memory_space<vmem>>
          %dma_start3A_70 = tpu.memref_squeeze %dma_start3A_69 : memref<1x128xi32, #tpu.memory_space<vmem>> -> memref<128xi32, #tpu.memory_space<vmem>>
          %dma_start3A_71 = arith.constant 0 : i32
          %dma_start3A_72 = arith.constant 0 : i32
          %dma_start3A_73 = tpu.memref_slice %arg7[%dma_start3A_71, %dma_start3A_72] : memref<10112x128xf32, #tpu.memory_space<vmem_shared>> -> memref<10112x128xf32, #tpu.memory_space<vmem_shared>>
          tpu.enqueue_indirect_dma source(%arg11 : memref<128x128xf32, #tpu.memory_space<vmem>>) target(%dma_start3A_73 : memref<10112x128xf32, #tpu.memory_space<vmem_shared>>) offsets(%dma_start3A_70 : memref<128xi32, #tpu.memory_space<vmem>>) semaphore(%run_scoped3A_67 : memref<!tpu.dma_semaphore, #tpu.memory_space<semaphore_mem>>) {add = true}
          %dma_wait3A_74 = arith.constant 0 : i32
          %dma_wait3A_75 = tpu.memref_slice %arg10[%add3A_42, %dma_wait3A_74] : memref<79x128xi32, #tpu.memory_space<vmem>> -> memref<1x128xi32, #tpu.memory_space<vmem>>
          %dma_wait3A_76 = tpu.memref_squeeze %dma_wait3A_75 : memref<1x128xi32, #tpu.memory_space<vmem>> -> memref<128xi32, #tpu.memory_space<vmem>>
          %dma_wait3A_77 = arith.constant 0 : i32
          %dma_wait3A_78 = arith.constant 0 : i32
          %dma_wait3A_79 = tpu.memref_slice %arg7[%dma_wait3A_77, %dma_wait3A_78] : memref<10112x128xf32, #tpu.memory_space<vmem_shared>> -> memref<10112x128xf32, #tpu.memory_space<vmem_shared>>
          tpu.wait_indirect_dma semaphore(%run_scoped3A_67 : memref<!tpu.dma_semaphore, #tpu.memory_space<semaphore_mem>>) src(%arg11 : memref<128x128xf32, #tpu.memory_space<vmem>>) dst(%dma_wait3A_79 : memref<10112x128xf32, #tpu.memory_space<vmem_shared>>)
          tpu.yield
        }) : () -> ()
      } else {
      }
      %mul3A_45 = arith.constant 2 : i32
      %mul3A_46 = arith.muli %scan3A_38, %mul3A_45 : i32
      %add3A_47 = arith.constant 1 : i32
      %add3A_48 = arith.addi %mul3A_46, %add3A_47 : i32
      %lt3A_49 = arith.constant 79 : i32
      %lt3A_50 = arith.cmpi slt, %add3A_48, %lt3A_49 : i32
      %convert_element_type3A_51 = arith.extui %lt3A_50 : i1 to i32
      %cond3A_52 = arith.constant 0 : i32
      %cond3A_53 = arith.cmpi ne, %convert_element_type3A_51, %cond3A_52 : i32
      scf.if %cond3A_53 {
        %add3A_54 = arith.constant 1 : i32
        %add3A_55 = arith.addi %add3A_48, %add3A_54 : i32
        %lt3A_56 = arith.constant 79 : i32
        %lt3A_57 = arith.cmpi slt, %add3A_55, %lt3A_56 : i32
        %convert_element_type3A_58 = arith.extui %lt3A_57 : i1 to i32
        %cond3A_59 = arith.constant 0 : i32
        %cond3A_60 = arith.cmpi ne, %convert_element_type3A_58, %cond3A_59 : i32
        scf.if %cond3A_60 {
          "tpu.region"() ({
            %run_scoped3A_74 = tpu.sem_alloc : memref<!tpu.dma_semaphore, #tpu.memory_space<semaphore_mem>>
            %dma_start3A_75 = arith.constant 0 : i32
            %dma_start3A_76 = arith.constant 0 : i32
            %dma_start3A_77 = tpu.memref_slice %arg3[%arg1, %dma_start3A_75, %dma_start3A_76] : memref<16x79x128xi32, #tpu.memory_space<hbm>> -> memref<1x79x128xi32, #tpu.memory_space<hbm>>
            %dma_start3A_78 = tpu.memref_squeeze %dma_start3A_77 : memref<1x79x128xi32, #tpu.memory_space<hbm>> -> memref<79x128xi32, #tpu.memory_space<hbm>>
            %dma_start3A_79 = arith.constant 0 : i32
            %dma_start3A_80 = tpu.memref_slice %dma_start3A_78[%add3A_55, %dma_start3A_79] : memref<79x128xi32, #tpu.memory_space<hbm>> -> memref<1x128xi32, #tpu.memory_space<hbm>>
            %dma_start3A_81 = tpu.memref_squeeze %dma_start3A_80 : memref<1x128xi32, #tpu.memory_space<hbm>> -> memref<128xi32, #tpu.memory_space<hbm>>
            %dma_start3A_82 = arith.constant 0 : i32
            %dma_start3A_83 = arith.constant 0 : i32
            %dma_start3A_84 = tpu.memref_slice %arg3[%arg1, %dma_start3A_82, %dma_start3A_83] : memref<16x79x128xi32, #tpu.memory_space<hbm>> -> memref<1x79x128xi32, #tpu.memory_space<hbm>>
            %dma_start3A_85 = tpu.memref_squeeze %dma_start3A_84 : memref<1x79x128xi32, #tpu.memory_space<hbm>> -> memref<79x128xi32, #tpu.memory_space<hbm>>
            %dma_start3A_86 = arith.constant 0 : i32
            %dma_start3A_87 = tpu.memref_slice %dma_start3A_85[%add3A_55, %dma_start3A_86] : memref<79x128xi32, #tpu.memory_space<hbm>> -> memref<1x128xi32, #tpu.memory_space<hbm>>
            %dma_start3A_88 = tpu.memref_squeeze %dma_start3A_87 : memref<1x128xi32, #tpu.memory_space<hbm>> -> memref<128xi32, #tpu.memory_space<hbm>>
            tpu.enqueue_dma source(%dma_start3A_88 : memref<128xi32, #tpu.memory_space<hbm>>) target(%arg8 : memref<128xi32, #tpu.memory_space<vmem>>) target_semaphore(%run_scoped3A_74 : memref<!tpu.dma_semaphore, #tpu.memory_space<semaphore_mem>>)
            %dma_wait3A_89 = arith.constant 0 : i32
            %dma_wait3A_90 = arith.constant 0 : i32
            %dma_wait3A_91 = tpu.memref_slice %arg3[%arg1, %dma_wait3A_89, %dma_wait3A_90] : memref<16x79x128xi32, #tpu.memory_space<hbm>> -> memref<1x79x128xi32, #tpu.memory_space<hbm>>
            %dma_wait3A_92 = tpu.memref_squeeze %dma_wait3A_91 : memref<1x79x128xi32, #tpu.memory_space<hbm>> -> memref<79x128xi32, #tpu.memory_space<hbm>>
            %dma_wait3A_93 = arith.constant 0 : i32
            %dma_wait3A_94 = tpu.memref_slice %dma_wait3A_92[%add3A_55, %dma_wait3A_93] : memref<79x128xi32, #tpu.memory_space<hbm>> -> memref<1x128xi32, #tpu.memory_space<hbm>>
            %dma_wait3A_95 = tpu.memref_squeeze %dma_wait3A_94 : memref<1x128xi32, #tpu.memory_space<hbm>> -> memref<128xi32, #tpu.memory_space<hbm>>
            %dma_wait3A_96 = arith.constant 0 : i32
            %dma_wait3A_97 = arith.constant 0 : i32
            %dma_wait3A_98 = tpu.memref_slice %arg3[%arg1, %dma_wait3A_96, %dma_wait3A_97] : memref<16x79x128xi32, #tpu.memory_space<hbm>> -> memref<1x79x128xi32, #tpu.memory_space<hbm>>
            %dma_wait3A_99 = tpu.memref_squeeze %dma_wait3A_98 : memref<1x79x128xi32, #tpu.memory_space<hbm>> -> memref<79x128xi32, #tpu.memory_space<hbm>>
            %dma_wait3A_100 = arith.constant 0 : i32
            %dma_wait3A_101 = tpu.memref_slice %dma_wait3A_99[%add3A_55, %dma_wait3A_100] : memref<79x128xi32, #tpu.memory_space<hbm>> -> memref<1x128xi32, #tpu.memory_space<hbm>>
            %dma_wait3A_102 = tpu.memref_squeeze %dma_wait3A_101 : memref<1x128xi32, #tpu.memory_space<hbm>> -> memref<128xi32, #tpu.memory_space<hbm>>
            tpu.wait_dma2 semaphore(%run_scoped3A_74 : memref<!tpu.dma_semaphore, #tpu.memory_space<semaphore_mem>>) src(%dma_wait3A_102 : memref<128xi32, #tpu.memory_space<hbm>>) dst(%arg8 : memref<128xi32, #tpu.memory_space<vmem>>)
            tpu.yield
          }) : () -> ()
          %dma_start3A_67 = arith.constant 0 : i32
          %dma_start3A_68 = arith.constant 0 : i32
          %dma_start3A_69 = tpu.memref_slice %arg2[%add3A_20, %dma_start3A_67, %dma_start3A_68] : memref<4x10000x128xf32, #tpu.memory_space<hbm>> -> memref<1x10000x128xf32, #tpu.memory_space<hbm>>
          %dma_start3A_70 = tpu.memref_squeeze %dma_start3A_69 : memref<1x10000x128xf32, #tpu.memory_space<hbm>> -> memref<10000x128xf32, #tpu.memory_space<hbm>>
          %dma_start3A_71 = arith.constant 0 : i32
          %dma_start3A_72 = arith.constant 0 : i32
          %dma_start3A_73 = tpu.memref_slice %dma_start3A_70[%dma_start3A_71, %dma_start3A_72] : memref<10000x128xf32, #tpu.memory_space<hbm>> -> memref<10000x128xf32, #tpu.memory_space<hbm>>
          tpu.enqueue_indirect_dma source(%dma_start3A_73 : memref<10000x128xf32, #tpu.memory_space<hbm>>) target(%arg11 : memref<128x128xf32, #tpu.memory_space<vmem>>) offsets(%arg8 : memref<128xi32, #tpu.memory_space<vmem>>) semaphore(%arg13 : memref<!tpu.dma_semaphore, #tpu.memory_space<semaphore_mem>>)
        } else {
        }
        %dma_wait3A = arith.constant 0 : i32
        %dma_wait3A_61 = arith.constant 0 : i32
        %dma_wait3A_62 = tpu.memref_slice %arg2[%add3A_20, %dma_wait3A, %dma_wait3A_61] : memref<4x10000x128xf32, #tpu.memory_space<hbm>> -> memref<1x10000x128xf32, #tpu.memory_space<hbm>>
        %dma_wait3A_63 = tpu.memref_squeeze %dma_wait3A_62 : memref<1x10000x128xf32, #tpu.memory_space<hbm>> -> memref<10000x128xf32, #tpu.memory_space<hbm>>
        %dma_wait3A_64 = arith.constant 0 : i32
        %dma_wait3A_65 = arith.constant 0 : i32
        %dma_wait3A_66 = tpu.memref_slice %dma_wait3A_63[%dma_wait3A_64, %dma_wait3A_65] : memref<10000x128xf32, #tpu.memory_space<hbm>> -> memref<10000x128xf32, #tpu.memory_space<hbm>>
        tpu.wait_indirect_dma semaphore(%arg14 : memref<!tpu.dma_semaphore, #tpu.memory_space<semaphore_mem>>) src(%dma_wait3A_66 : memref<10000x128xf32, #tpu.memory_space<hbm>>) dst(%arg12 : memref<128x128xf32, #tpu.memory_space<vmem>>)
        "tpu.region"() ({
          %run_scoped3A_67 = tpu.sem_alloc : memref<!tpu.dma_semaphore, #tpu.memory_space<semaphore_mem>>
          %dma_start3A_68 = arith.constant 0 : i32
          %dma_start3A_69 = tpu.memref_slice %arg10[%add3A_48, %dma_start3A_68] : memref<79x128xi32, #tpu.memory_space<vmem>> -> memref<1x128xi32, #tpu.memory_space<vmem>>
          %dma_start3A_70 = tpu.memref_squeeze %dma_start3A_69 : memref<1x128xi32, #tpu.memory_space<vmem>> -> memref<128xi32, #tpu.memory_space<vmem>>
          %dma_start3A_71 = arith.constant 0 : i32
          %dma_start3A_72 = arith.constant 0 : i32
          %dma_start3A_73 = tpu.memref_slice %arg7[%dma_start3A_71, %dma_start3A_72] : memref<10112x128xf32, #tpu.memory_space<vmem_shared>> -> memref<10112x128xf32, #tpu.memory_space<vmem_shared>>
          tpu.enqueue_indirect_dma source(%arg12 : memref<128x128xf32, #tpu.memory_space<vmem>>) target(%dma_start3A_73 : memref<10112x128xf32, #tpu.memory_space<vmem_shared>>) offsets(%dma_start3A_70 : memref<128xi32, #tpu.memory_space<vmem>>) semaphore(%run_scoped3A_67 : memref<!tpu.dma_semaphore, #tpu.memory_space<semaphore_mem>>) {add = true}
          %dma_wait3A_74 = arith.constant 0 : i32
          %dma_wait3A_75 = tpu.memref_slice %arg10[%add3A_48, %dma_wait3A_74] : memref<79x128xi32, #tpu.memory_space<vmem>> -> memref<1x128xi32, #tpu.memory_space<vmem>>
          %dma_wait3A_76 = tpu.memref_squeeze %dma_wait3A_75 : memref<1x128xi32, #tpu.memory_space<vmem>> -> memref<128xi32, #tpu.memory_space<vmem>>
          %dma_wait3A_77 = arith.constant 0 : i32
          %dma_wait3A_78 = arith.constant 0 : i32
          %dma_wait3A_79 = tpu.memref_slice %arg7[%dma_wait3A_77, %dma_wait3A_78] : memref<10112x128xf32, #tpu.memory_space<vmem_shared>> -> memref<10112x128xf32, #tpu.memory_space<vmem_shared>>
          tpu.wait_indirect_dma semaphore(%run_scoped3A_67 : memref<!tpu.dma_semaphore, #tpu.memory_space<semaphore_mem>>) src(%arg12 : memref<128x128xf32, #tpu.memory_space<vmem>>) dst(%dma_wait3A_79 : memref<10112x128xf32, #tpu.memory_space<vmem_shared>>)
          tpu.yield
        }) : () -> ()
      } else {
      }
    }
    %scan3A_35 = arith.constant 40 : i32
    %barrier3A_36 = arith.constant 0 : index
    tpu.barrier barrier_id(%barrier3A_36)
    "tpu.region"() ({
      %run_scoped3A_38 = tpu.sem_alloc : memref<!tpu.dma_semaphore, #tpu.memory_space<semaphore_mem>>
      %dma_start3A_39 = arith.constant 0 : i32
      %dma_start3A_40 = arith.constant 0 : i32
      %dma_start3A_41 = tpu.memref_slice %arg6[%add3A_20, %dma_start3A_39, %dma_start3A_40] : memref<4x10112x128xf32, #tpu.memory_space<hbm>> -> memref<1x10112x128xf32, #tpu.memory_space<hbm>>
      %dma_start3A_42 = tpu.memref_squeeze %dma_start3A_41 : memref<1x10112x128xf32, #tpu.memory_space<hbm>> -> memref<10112x128xf32, #tpu.memory_space<hbm>>
      %dma_start3A_43 = arith.constant 0 : i32
      %dma_start3A_44 = tpu.memref_slice %dma_start3A_42[%mul3A_0, %dma_start3A_43] : memref<10112x128xf32, #tpu.memory_space<hbm>> -> memref<632x128xf32, #tpu.memory_space<hbm>>
      %dma_start3A_45 = arith.constant 0 : i32
      %dma_start3A_46 = tpu.memref_slice %arg7[%mul3A_0, %dma_start3A_45] : memref<10112x128xf32, #tpu.memory_space<vmem_shared>> -> memref<632x128xf32, #tpu.memory_space<vmem_shared>>
      tpu.enqueue_dma source(%dma_start3A_46 : memref<632x128xf32, #tpu.memory_space<vmem_shared>>) target(%dma_start3A_44 : memref<632x128xf32, #tpu.memory_space<hbm>>) target_semaphore(%run_scoped3A_38 : memref<!tpu.dma_semaphore, #tpu.memory_space<semaphore_mem>>)
      %dma_wait3A = arith.constant 0 : i32
      %dma_wait3A_47 = arith.constant 0 : i32
      %dma_wait3A_48 = tpu.memref_slice %arg6[%add3A_20, %dma_wait3A, %dma_wait3A_47] : memref<4x10112x128xf32, #tpu.memory_space<hbm>> -> memref<1x10112x128xf32, #tpu.memory_space<hbm>>
      %dma_wait3A_49 = tpu.memref_squeeze %dma_wait3A_48 : memref<1x10112x128xf32, #tpu.memory_space<hbm>> -> memref<10112x128xf32, #tpu.memory_space<hbm>>
      %dma_wait3A_50 = arith.constant 0 : i32
      %dma_wait3A_51 = tpu.memref_slice %dma_wait3A_49[%mul3A_0, %dma_wait3A_50] : memref<10112x128xf32, #tpu.memory_space<hbm>> -> memref<632x128xf32, #tpu.memory_space<hbm>>
      %dma_wait3A_52 = arith.constant 0 : i32
      %dma_wait3A_53 = tpu.memref_slice %arg7[%mul3A_0, %dma_wait3A_52] : memref<10112x128xf32, #tpu.memory_space<vmem_shared>> -> memref<632x128xf32, #tpu.memory_space<vmem_shared>>
      tpu.wait_dma2 semaphore(%run_scoped3A_38 : memref<!tpu.dma_semaphore, #tpu.memory_space<semaphore_mem>>) src(%dma_wait3A_53 : memref<632x128xf32, #tpu.memory_space<vmem_shared>>) dst(%dma_wait3A_51 : memref<632x128xf32, #tpu.memory_space<hbm>>)
      tpu.yield
    }) : () -> ()
    %barrier3A_37 = arith.constant 0 : index
    tpu.barrier barrier_id(%barrier3A_37)
    return
  }
}

#map = affine_map<(d0, d1) -> (0, 0, 0)>
#map1 = affine_map<(d0, d1) -> (0, 0)>
module attributes {stable_mosaic.version = 14 : i64} {
  func.func @_cnt_body(%arg0: i32, %arg1: i32, %arg2: memref<16x79x128xi32, #tpu.memory_space<hbm>>, %arg3: memref<632x128xf32, #tpu.memory_space<hbm>>, %arg4: memref<128x128xf32, #tpu.memory_space<hbm>>, %arg5: memref<10112x128xf32, #tpu.memory_space<hbm>>, %arg6: memref<10112x128xf32, #tpu.memory_space<vmem_shared>>, %arg7: memref<79x128xi32, #tpu.memory_space<vmem>>, %arg8: memref<128x128xf32, #tpu.memory_space<vmem>>, %arg9: memref<!tpu.dma_semaphore, #tpu.memory_space<semaphore_mem>>) attributes {dimension_semantics = [#tpu.dimension_semantics<core_parallel>, #tpu.dimension_semantics<subcore_parallel>], iteration_bounds = array<i64: 2, 16>, scalar_prefetch = 0 : i64, scratch_operands = 4 : i64, tpu.core_type = #tpu.core_type<sc_vector_subcore>, window_params = [{transform_indices = #map}, {transform_indices = #map1}, {transform_indices = #map1}, {transform_indices = #map1}]} {
    %mul3A = arith.constant 632 : i32
    %mul3A_0 = arith.muli %arg1, %mul3A : i32
    "tpu.region"() ({
      %run_scoped3A = tpu.sem_alloc : memref<!tpu.dma_semaphore, #tpu.memory_space<semaphore_mem>>
      tpu.enqueue_dma source(%arg4 : memref<128x128xf32, #tpu.memory_space<hbm>>) target(%arg8 : memref<128x128xf32, #tpu.memory_space<vmem>>) target_semaphore(%run_scoped3A : memref<!tpu.dma_semaphore, #tpu.memory_space<semaphore_mem>>)
      tpu.wait_dma2 semaphore(%run_scoped3A : memref<!tpu.dma_semaphore, #tpu.memory_space<semaphore_mem>>) src(%arg4 : memref<128x128xf32, #tpu.memory_space<hbm>>) dst(%arg8 : memref<128x128xf32, #tpu.memory_space<vmem>>)
      tpu.yield
    }) : () -> ()
    "tpu.region"() ({
      %run_scoped3A = tpu.sem_alloc : memref<!tpu.dma_semaphore, #tpu.memory_space<semaphore_mem>>
      %dma_start3A = arith.constant 0 : i32
      %dma_start3A_9 = tpu.memref_slice %arg6[%mul3A_0, %dma_start3A] : memref<10112x128xf32, #tpu.memory_space<vmem_shared>> -> memref<632x128xf32, #tpu.memory_space<vmem_shared>>
      tpu.enqueue_dma source(%arg3 : memref<632x128xf32, #tpu.memory_space<hbm>>) target(%dma_start3A_9 : memref<632x128xf32, #tpu.memory_space<vmem_shared>>) target_semaphore(%run_scoped3A : memref<!tpu.dma_semaphore, #tpu.memory_space<semaphore_mem>>)
      %dma_wait3A = arith.constant 0 : i32
      %dma_wait3A_10 = tpu.memref_slice %arg6[%mul3A_0, %dma_wait3A] : memref<10112x128xf32, #tpu.memory_space<vmem_shared>> -> memref<632x128xf32, #tpu.memory_space<vmem_shared>>
      tpu.wait_dma2 semaphore(%run_scoped3A : memref<!tpu.dma_semaphore, #tpu.memory_space<semaphore_mem>>) src(%arg3 : memref<632x128xf32, #tpu.memory_space<hbm>>) dst(%dma_wait3A_10 : memref<632x128xf32, #tpu.memory_space<vmem_shared>>)
      tpu.yield
    }) : () -> ()
    %barrier3A = arith.constant 0 : index
    tpu.barrier barrier_id(%barrier3A)
    %eq3A = arith.constant 0 : i32
    %eq3A_1 = arith.cmpi eq, %arg0, %eq3A : i32
    %convert_element_type3A = arith.extui %eq3A_1 : i1 to i32
    %cond3A = arith.constant 0 : i32
    %cond3A_2 = arith.cmpi ne, %convert_element_type3A, %cond3A : i32
    scf.if %cond3A_2 {
      "tpu.region"() ({
        %run_scoped3A = tpu.sem_alloc : memref<!tpu.dma_semaphore, #tpu.memory_space<semaphore_mem>>
        %dma_start3A = arith.constant 0 : i32
        %dma_start3A_14 = arith.constant 0 : i32
        %dma_start3A_15 = tpu.memref_slice %arg2[%arg1, %dma_start3A, %dma_start3A_14] : memref<16x79x128xi32, #tpu.memory_space<hbm>> -> memref<1x79x128xi32, #tpu.memory_space<hbm>>
        %dma_start3A_16 = tpu.memref_squeeze %dma_start3A_15 : memref<1x79x128xi32, #tpu.memory_space<hbm>> -> memref<79x128xi32, #tpu.memory_space<hbm>>
        %dma_start3A_17 = arith.constant 0 : i32
        %dma_start3A_18 = arith.constant 0 : i32
        %dma_start3A_19 = tpu.memref_slice %arg2[%arg1, %dma_start3A_17, %dma_start3A_18] : memref<16x79x128xi32, #tpu.memory_space<hbm>> -> memref<1x79x128xi32, #tpu.memory_space<hbm>>
        %dma_start3A_20 = tpu.memref_squeeze %dma_start3A_19 : memref<1x79x128xi32, #tpu.memory_space<hbm>> -> memref<79x128xi32, #tpu.memory_space<hbm>>
        tpu.enqueue_dma source(%dma_start3A_20 : memref<79x128xi32, #tpu.memory_space<hbm>>) target(%arg7 : memref<79x128xi32, #tpu.memory_space<vmem>>) target_semaphore(%run_scoped3A : memref<!tpu.dma_semaphore, #tpu.memory_space<semaphore_mem>>)
        %dma_wait3A = arith.constant 0 : i32
        %dma_wait3A_21 = arith.constant 0 : i32
        %dma_wait3A_22 = tpu.memref_slice %arg2[%arg1, %dma_wait3A, %dma_wait3A_21] : memref<16x79x128xi32, #tpu.memory_space<hbm>> -> memref<1x79x128xi32, #tpu.memory_space<hbm>>
        %dma_wait3A_23 = tpu.memref_squeeze %dma_wait3A_22 : memref<1x79x128xi32, #tpu.memory_space<hbm>> -> memref<79x128xi32, #tpu.memory_space<hbm>>
        %dma_wait3A_24 = arith.constant 0 : i32
        %dma_wait3A_25 = arith.constant 0 : i32
        %dma_wait3A_26 = tpu.memref_slice %arg2[%arg1, %dma_wait3A_24, %dma_wait3A_25] : memref<16x79x128xi32, #tpu.memory_space<hbm>> -> memref<1x79x128xi32, #tpu.memory_space<hbm>>
        %dma_wait3A_27 = tpu.memref_squeeze %dma_wait3A_26 : memref<1x79x128xi32, #tpu.memory_space<hbm>> -> memref<79x128xi32, #tpu.memory_space<hbm>>
        tpu.wait_dma2 semaphore(%run_scoped3A : memref<!tpu.dma_semaphore, #tpu.memory_space<semaphore_mem>>) src(%dma_wait3A_27 : memref<79x128xi32, #tpu.memory_space<hbm>>) dst(%arg7 : memref<79x128xi32, #tpu.memory_space<vmem>>)
        tpu.yield
      }) : () -> ()
      %scan3A = arith.constant 0 : i32
      %scan3A_9 = arith.constant 0 : i32
      %scan3A_10 = arith.constant 79 : i32
      %scan3A_11 = arith.addi %scan3A_9, %scan3A_10 : i32
      %scan3A_12 = arith.constant 1 : i32
      scf.for %scan3A_14 = %scan3A_9 to %scan3A_11 step %scan3A_12  : i32 {
        "tpu.region"() ({
          %run_scoped3A = tpu.sem_alloc : memref<!tpu.dma_semaphore, #tpu.memory_space<semaphore_mem>>
          %dma_start3A = arith.constant 0 : i32
          %dma_start3A_15 = tpu.memref_slice %arg7[%scan3A_14, %dma_start3A] : memref<79x128xi32, #tpu.memory_space<vmem>> -> memref<1x128xi32, #tpu.memory_space<vmem>>
          %dma_start3A_16 = tpu.memref_squeeze %dma_start3A_15 : memref<1x128xi32, #tpu.memory_space<vmem>> -> memref<128xi32, #tpu.memory_space<vmem>>
          %dma_start3A_17 = arith.constant 0 : i32
          %dma_start3A_18 = arith.constant 0 : i32
          %dma_start3A_19 = tpu.memref_slice %arg6[%dma_start3A_17, %dma_start3A_18] : memref<10112x128xf32, #tpu.memory_space<vmem_shared>> -> memref<10112x128xf32, #tpu.memory_space<vmem_shared>>
          tpu.enqueue_indirect_dma source(%arg8 : memref<128x128xf32, #tpu.memory_space<vmem>>) target(%dma_start3A_19 : memref<10112x128xf32, #tpu.memory_space<vmem_shared>>) offsets(%dma_start3A_16 : memref<128xi32, #tpu.memory_space<vmem>>) semaphore(%run_scoped3A : memref<!tpu.dma_semaphore, #tpu.memory_space<semaphore_mem>>) {add = true}
          %dma_wait3A = arith.constant 0 : i32
          %dma_wait3A_20 = tpu.memref_slice %arg7[%scan3A_14, %dma_wait3A] : memref<79x128xi32, #tpu.memory_space<vmem>> -> memref<1x128xi32, #tpu.memory_space<vmem>>
          %dma_wait3A_21 = tpu.memref_squeeze %dma_wait3A_20 : memref<1x128xi32, #tpu.memory_space<vmem>> -> memref<128xi32, #tpu.memory_space<vmem>>
          %dma_wait3A_22 = arith.constant 0 : i32
          %dma_wait3A_23 = arith.constant 0 : i32
          %dma_wait3A_24 = tpu.memref_slice %arg6[%dma_wait3A_22, %dma_wait3A_23] : memref<10112x128xf32, #tpu.memory_space<vmem_shared>> -> memref<10112x128xf32, #tpu.memory_space<vmem_shared>>
          tpu.wait_indirect_dma semaphore(%run_scoped3A : memref<!tpu.dma_semaphore, #tpu.memory_space<semaphore_mem>>) src(%arg8 : memref<128x128xf32, #tpu.memory_space<vmem>>) dst(%dma_wait3A_24 : memref<10112x128xf32, #tpu.memory_space<vmem_shared>>)
          tpu.yield
        }) : () -> ()
      }
      %scan3A_13 = arith.constant 79 : i32
    } else {
    }
    %barrier3A_3 = arith.constant 0 : index
    tpu.barrier barrier_id(%barrier3A_3)
    %eq3A_4 = arith.constant 0 : i32
    %eq3A_5 = arith.cmpi eq, %arg0, %eq3A_4 : i32
    %convert_element_type3A_6 = arith.extui %eq3A_5 : i1 to i32
    %cond3A_7 = arith.constant 0 : i32
    %cond3A_8 = arith.cmpi ne, %convert_element_type3A_6, %cond3A_7 : i32
    scf.if %cond3A_8 {
      "tpu.region"() ({
        %run_scoped3A = tpu.sem_alloc : memref<!tpu.dma_semaphore, #tpu.memory_space<semaphore_mem>>
        %dma_start3A = arith.constant 0 : i32
        %dma_start3A_9 = tpu.memref_slice %arg5[%mul3A_0, %dma_start3A] : memref<10112x128xf32, #tpu.memory_space<hbm>> -> memref<632x128xf32, #tpu.memory_space<hbm>>
        %dma_start3A_10 = arith.constant 0 : i32
        %dma_start3A_11 = tpu.memref_slice %arg6[%mul3A_0, %dma_start3A_10] : memref<10112x128xf32, #tpu.memory_space<vmem_shared>> -> memref<632x128xf32, #tpu.memory_space<vmem_shared>>
        tpu.enqueue_dma source(%dma_start3A_11 : memref<632x128xf32, #tpu.memory_space<vmem_shared>>) target(%dma_start3A_9 : memref<632x128xf32, #tpu.memory_space<hbm>>) target_semaphore(%run_scoped3A : memref<!tpu.dma_semaphore, #tpu.memory_space<semaphore_mem>>)
        %dma_wait3A = arith.constant 0 : i32
        %dma_wait3A_12 = tpu.memref_slice %arg5[%mul3A_0, %dma_wait3A] : memref<10112x128xf32, #tpu.memory_space<hbm>> -> memref<632x128xf32, #tpu.memory_space<hbm>>
        %dma_wait3A_13 = arith.constant 0 : i32
        %dma_wait3A_14 = tpu.memref_slice %arg6[%mul3A_0, %dma_wait3A_13] : memref<10112x128xf32, #tpu.memory_space<vmem_shared>> -> memref<632x128xf32, #tpu.memory_space<vmem_shared>>
        tpu.wait_dma2 semaphore(%run_scoped3A : memref<!tpu.dma_semaphore, #tpu.memory_space<semaphore_mem>>) src(%dma_wait3A_14 : memref<632x128xf32, #tpu.memory_space<vmem_shared>>) dst(%dma_wait3A_12 : memref<632x128xf32, #tpu.memory_space<hbm>>)
        tpu.yield
      }) : () -> ()
    } else {
    }
    return
  }
}

#map = affine_map<(d0, d1) -> (0, 0, 0)>
#map1 = affine_map<(d0, d1) -> (0, 0)>
module attributes {stable_mosaic.version = 14 : i64} {
  func.func @_sage_agg_body(%arg0: i32, %arg1: i32, %arg2: memref<4x10000x128xf32, #tpu.memory_space<hbm>>, %arg3: memref<16x79x128xi32, #tpu.memory_space<hbm>>, %arg4: memref<16x79x128xi32, #tpu.memory_space<hbm>>, %arg5: memref<632x128xf32, #tpu.memory_space<hbm>>, %arg6: memref<4x10112x128xf32, #tpu.memory_space<hbm>>, %arg7: memref<10112x128xf32, #tpu.memory_space<vmem_shared>>, %arg8: memref<128xi32, #tpu.memory_space<vmem>>, %arg9: memref<128xi32, #tpu.memory_space<vmem>>, %arg10: memref<79x128xi32, #tpu.memory_space<vmem>>, %arg11: memref<128x128xf32, #tpu.memory_space<vmem>>, %arg12: memref<128x128xf32, #tpu.memory_space<vmem>>, %arg13: memref<!tpu.dma_semaphore, #tpu.memory_space<semaphore_mem>>, %arg14: memref<!tpu.dma_semaphore, #tpu.memory_space<semaphore_mem>>) attributes {dimension_semantics = [#tpu.dimension_semantics<core_parallel>, #tpu.dimension_semantics<subcore_parallel>], iteration_bounds = array<i64: 2, 16>, scalar_prefetch = 0 : i64, scratch_operands = 8 : i64, tpu.core_type = #tpu.core_type<sc_vector_subcore>, window_params = [{transform_indices = #map}, {transform_indices = #map}, {transform_indices = #map}, {transform_indices = #map1}, {transform_indices = #map}]} {
    %mul3A = arith.constant 632 : i32
    %mul3A_0 = arith.muli %arg1, %mul3A : i32
    "tpu.region"() ({
      %run_scoped3A_38 = tpu.sem_alloc : memref<!tpu.dma_semaphore, #tpu.memory_space<semaphore_mem>>
      %dma_start3A_39 = arith.constant 0 : i32
      %dma_start3A_40 = arith.constant 0 : i32
      %dma_start3A_41 = tpu.memref_slice %arg4[%arg1, %dma_start3A_39, %dma_start3A_40] : memref<16x79x128xi32, #tpu.memory_space<hbm>> -> memref<1x79x128xi32, #tpu.memory_space<hbm>>
      %dma_start3A_42 = tpu.memref_squeeze %dma_start3A_41 : memref<1x79x128xi32, #tpu.memory_space<hbm>> -> memref<79x128xi32, #tpu.memory_space<hbm>>
      %dma_start3A_43 = arith.constant 0 : i32
      %dma_start3A_44 = arith.constant 0 : i32
      %dma_start3A_45 = tpu.memref_slice %arg4[%arg1, %dma_start3A_43, %dma_start3A_44] : memref<16x79x128xi32, #tpu.memory_space<hbm>> -> memref<1x79x128xi32, #tpu.memory_space<hbm>>
      %dma_start3A_46 = tpu.memref_squeeze %dma_start3A_45 : memref<1x79x128xi32, #tpu.memory_space<hbm>> -> memref<79x128xi32, #tpu.memory_space<hbm>>
      tpu.enqueue_dma source(%dma_start3A_46 : memref<79x128xi32, #tpu.memory_space<hbm>>) target(%arg10 : memref<79x128xi32, #tpu.memory_space<vmem>>) target_semaphore(%run_scoped3A_38 : memref<!tpu.dma_semaphore, #tpu.memory_space<semaphore_mem>>)
      %dma_wait3A = arith.constant 0 : i32
      %dma_wait3A_47 = arith.constant 0 : i32
      %dma_wait3A_48 = tpu.memref_slice %arg4[%arg1, %dma_wait3A, %dma_wait3A_47] : memref<16x79x128xi32, #tpu.memory_space<hbm>> -> memref<1x79x128xi32, #tpu.memory_space<hbm>>
      %dma_wait3A_49 = tpu.memref_squeeze %dma_wait3A_48 : memref<1x79x128xi32, #tpu.memory_space<hbm>> -> memref<79x128xi32, #tpu.memory_space<hbm>>
      %dma_wait3A_50 = arith.constant 0 : i32
      %dma_wait3A_51 = arith.constant 0 : i32
      %dma_wait3A_52 = tpu.memref_slice %arg4[%arg1, %dma_wait3A_50, %dma_wait3A_51] : memref<16x79x128xi32, #tpu.memory_space<hbm>> -> memref<1x79x128xi32, #tpu.memory_space<hbm>>
      %dma_wait3A_53 = tpu.memref_squeeze %dma_wait3A_52 : memref<1x79x128xi32, #tpu.memory_space<hbm>> -> memref<79x128xi32, #tpu.memory_space<hbm>>
      tpu.wait_dma2 semaphore(%run_scoped3A_38 : memref<!tpu.dma_semaphore, #tpu.memory_space<semaphore_mem>>) src(%dma_wait3A_53 : memref<79x128xi32, #tpu.memory_space<hbm>>) dst(%arg10 : memref<79x128xi32, #tpu.memory_space<vmem>>)
      tpu.yield
    }) : () -> ()
    %mul3A_1 = arith.constant 2 : i32
    %mul3A_2 = arith.muli %arg0, %mul3A_1 : i32
    %add3A = arith.constant 0 : i32
    %add3A_3 = arith.addi %mul3A_2, %add3A : i32
    "tpu.region"() ({
      %run_scoped3A_38 = tpu.sem_alloc : memref<!tpu.dma_semaphore, #tpu.memory_space<semaphore_mem>>
      %dma_start3A_39 = arith.constant 0 : i32
      %dma_start3A_40 = tpu.memref_slice %arg7[%mul3A_0, %dma_start3A_39] : memref<10112x128xf32, #tpu.memory_space<vmem_shared>> -> memref<632x128xf32, #tpu.memory_space<vmem_shared>>
      tpu.enqueue_dma source(%arg5 : memref<632x128xf32, #tpu.memory_space<hbm>>) target(%dma_start3A_40 : memref<632x128xf32, #tpu.memory_space<vmem_shared>>) target_semaphore(%run_scoped3A_38 : memref<!tpu.dma_semaphore, #tpu.memory_space<semaphore_mem>>)
      %dma_wait3A = arith.constant 0 : i32
      %dma_wait3A_41 = tpu.memref_slice %arg7[%mul3A_0, %dma_wait3A] : memref<10112x128xf32, #tpu.memory_space<vmem_shared>> -> memref<632x128xf32, #tpu.memory_space<vmem_shared>>
      tpu.wait_dma2 semaphore(%run_scoped3A_38 : memref<!tpu.dma_semaphore, #tpu.memory_space<semaphore_mem>>) src(%arg5 : memref<632x128xf32, #tpu.memory_space<hbm>>) dst(%dma_wait3A_41 : memref<632x128xf32, #tpu.memory_space<vmem_shared>>)
      tpu.yield
    }) : () -> ()
    %barrier3A = arith.constant 0 : index
    tpu.barrier barrier_id(%barrier3A)
    %run_scoped3A = arith.constant 0 : i32
    "tpu.region"() ({
      %run_scoped3A_38 = tpu.sem_alloc : memref<!tpu.dma_semaphore, #tpu.memory_space<semaphore_mem>>
      %dma_start3A_39 = arith.constant 0 : i32
      %dma_start3A_40 = arith.constant 0 : i32
      %dma_start3A_41 = tpu.memref_slice %arg3[%arg1, %dma_start3A_39, %dma_start3A_40] : memref<16x79x128xi32, #tpu.memory_space<hbm>> -> memref<1x79x128xi32, #tpu.memory_space<hbm>>
      %dma_start3A_42 = tpu.memref_squeeze %dma_start3A_41 : memref<1x79x128xi32, #tpu.memory_space<hbm>> -> memref<79x128xi32, #tpu.memory_space<hbm>>
      %dma_start3A_43 = arith.constant 0 : i32
      %dma_start3A_44 = tpu.memref_slice %dma_start3A_42[%run_scoped3A, %dma_start3A_43] : memref<79x128xi32, #tpu.memory_space<hbm>> -> memref<1x128xi32, #tpu.memory_space<hbm>>
      %dma_start3A_45 = tpu.memref_squeeze %dma_start3A_44 : memref<1x128xi32, #tpu.memory_space<hbm>> -> memref<128xi32, #tpu.memory_space<hbm>>
      %dma_start3A_46 = arith.constant 0 : i32
      %dma_start3A_47 = arith.constant 0 : i32
      %dma_start3A_48 = tpu.memref_slice %arg3[%arg1, %dma_start3A_46, %dma_start3A_47] : memref<16x79x128xi32, #tpu.memory_space<hbm>> -> memref<1x79x128xi32, #tpu.memory_space<hbm>>
      %dma_start3A_49 = tpu.memref_squeeze %dma_start3A_48 : memref<1x79x128xi32, #tpu.memory_space<hbm>> -> memref<79x128xi32, #tpu.memory_space<hbm>>
      %dma_start3A_50 = arith.constant 0 : i32
      %dma_start3A_51 = tpu.memref_slice %dma_start3A_49[%run_scoped3A, %dma_start3A_50] : memref<79x128xi32, #tpu.memory_space<hbm>> -> memref<1x128xi32, #tpu.memory_space<hbm>>
      %dma_start3A_52 = tpu.memref_squeeze %dma_start3A_51 : memref<1x128xi32, #tpu.memory_space<hbm>> -> memref<128xi32, #tpu.memory_space<hbm>>
      tpu.enqueue_dma source(%dma_start3A_52 : memref<128xi32, #tpu.memory_space<hbm>>) target(%arg8 : memref<128xi32, #tpu.memory_space<vmem>>) target_semaphore(%run_scoped3A_38 : memref<!tpu.dma_semaphore, #tpu.memory_space<semaphore_mem>>)
      %dma_wait3A = arith.constant 0 : i32
      %dma_wait3A_53 = arith.constant 0 : i32
      %dma_wait3A_54 = tpu.memref_slice %arg3[%arg1, %dma_wait3A, %dma_wait3A_53] : memref<16x79x128xi32, #tpu.memory_space<hbm>> -> memref<1x79x128xi32, #tpu.memory_space<hbm>>
      %dma_wait3A_55 = tpu.memref_squeeze %dma_wait3A_54 : memref<1x79x128xi32, #tpu.memory_space<hbm>> -> memref<79x128xi32, #tpu.memory_space<hbm>>
      %dma_wait3A_56 = arith.constant 0 : i32
      %dma_wait3A_57 = tpu.memref_slice %dma_wait3A_55[%run_scoped3A, %dma_wait3A_56] : memref<79x128xi32, #tpu.memory_space<hbm>> -> memref<1x128xi32, #tpu.memory_space<hbm>>
      %dma_wait3A_58 = tpu.memref_squeeze %dma_wait3A_57 : memref<1x128xi32, #tpu.memory_space<hbm>> -> memref<128xi32, #tpu.memory_space<hbm>>
      %dma_wait3A_59 = arith.constant 0 : i32
      %dma_wait3A_60 = arith.constant 0 : i32
      %dma_wait3A_61 = tpu.memref_slice %arg3[%arg1, %dma_wait3A_59, %dma_wait3A_60] : memref<16x79x128xi32, #tpu.memory_space<hbm>> -> memref<1x79x128xi32, #tpu.memory_space<hbm>>
      %dma_wait3A_62 = tpu.memref_squeeze %dma_wait3A_61 : memref<1x79x128xi32, #tpu.memory_space<hbm>> -> memref<79x128xi32, #tpu.memory_space<hbm>>
      %dma_wait3A_63 = arith.constant 0 : i32
      %dma_wait3A_64 = tpu.memref_slice %dma_wait3A_62[%run_scoped3A, %dma_wait3A_63] : memref<79x128xi32, #tpu.memory_space<hbm>> -> memref<1x128xi32, #tpu.memory_space<hbm>>
      %dma_wait3A_65 = tpu.memref_squeeze %dma_wait3A_64 : memref<1x128xi32, #tpu.memory_space<hbm>> -> memref<128xi32, #tpu.memory_space<hbm>>
      tpu.wait_dma2 semaphore(%run_scoped3A_38 : memref<!tpu.dma_semaphore, #tpu.memory_space<semaphore_mem>>) src(%dma_wait3A_65 : memref<128xi32, #tpu.memory_space<hbm>>) dst(%arg8 : memref<128xi32, #tpu.memory_space<vmem>>)
      tpu.yield
    }) : () -> ()
    %dma_start3A = arith.constant 0 : i32
    %dma_start3A_4 = arith.constant 0 : i32
    %dma_start3A_5 = tpu.memref_slice %arg2[%add3A_3, %dma_start3A, %dma_start3A_4] : memref<4x10000x128xf32, #tpu.memory_space<hbm>> -> memref<1x10000x128xf32, #tpu.memory_space<hbm>>
    %dma_start3A_6 = tpu.memref_squeeze %dma_start3A_5 : memref<1x10000x128xf32, #tpu.memory_space<hbm>> -> memref<10000x128xf32, #tpu.memory_space<hbm>>
    %dma_start3A_7 = arith.constant 0 : i32
    %dma_start3A_8 = arith.constant 0 : i32
    %dma_start3A_9 = tpu.memref_slice %dma_start3A_6[%dma_start3A_7, %dma_start3A_8] : memref<10000x128xf32, #tpu.memory_space<hbm>> -> memref<10000x128xf32, #tpu.memory_space<hbm>>
    tpu.enqueue_indirect_dma source(%dma_start3A_9 : memref<10000x128xf32, #tpu.memory_space<hbm>>) target(%arg11 : memref<128x128xf32, #tpu.memory_space<vmem>>) offsets(%arg8 : memref<128xi32, #tpu.memory_space<vmem>>) semaphore(%arg13 : memref<!tpu.dma_semaphore, #tpu.memory_space<semaphore_mem>>)
    %scan3A = arith.constant 0 : i32
    %scan3A_10 = arith.constant 0 : i32
    %scan3A_11 = arith.constant 40 : i32
    %scan3A_12 = arith.addi %scan3A_10, %scan3A_11 : i32
    %scan3A_13 = arith.constant 1 : i32
    scf.for %scan3A_38 = %scan3A_10 to %scan3A_12 step %scan3A_13  : i32 {
      %mul3A_39 = arith.constant 2 : i32
      %mul3A_40 = arith.muli %scan3A_38, %mul3A_39 : i32
      %add3A_41 = arith.constant 0 : i32
      %add3A_42 = arith.addi %mul3A_40, %add3A_41 : i32
      %lt3A = arith.constant 79 : i32
      %lt3A_43 = arith.cmpi slt, %add3A_42, %lt3A : i32
      %convert_element_type3A = arith.extui %lt3A_43 : i1 to i32
      %cond3A = arith.constant 0 : i32
      %cond3A_44 = arith.cmpi ne, %convert_element_type3A, %cond3A : i32
      scf.if %cond3A_44 {
        %add3A_54 = arith.constant 1 : i32
        %add3A_55 = arith.addi %add3A_42, %add3A_54 : i32
        %lt3A_56 = arith.constant 79 : i32
        %lt3A_57 = arith.cmpi slt, %add3A_55, %lt3A_56 : i32
        %convert_element_type3A_58 = arith.extui %lt3A_57 : i1 to i32
        %cond3A_59 = arith.constant 0 : i32
        %cond3A_60 = arith.cmpi ne, %convert_element_type3A_58, %cond3A_59 : i32
        scf.if %cond3A_60 {
          "tpu.region"() ({
            %run_scoped3A_74 = tpu.sem_alloc : memref<!tpu.dma_semaphore, #tpu.memory_space<semaphore_mem>>
            %dma_start3A_75 = arith.constant 0 : i32
            %dma_start3A_76 = arith.constant 0 : i32
            %dma_start3A_77 = tpu.memref_slice %arg3[%arg1, %dma_start3A_75, %dma_start3A_76] : memref<16x79x128xi32, #tpu.memory_space<hbm>> -> memref<1x79x128xi32, #tpu.memory_space<hbm>>
            %dma_start3A_78 = tpu.memref_squeeze %dma_start3A_77 : memref<1x79x128xi32, #tpu.memory_space<hbm>> -> memref<79x128xi32, #tpu.memory_space<hbm>>
            %dma_start3A_79 = arith.constant 0 : i32
            %dma_start3A_80 = tpu.memref_slice %dma_start3A_78[%add3A_55, %dma_start3A_79] : memref<79x128xi32, #tpu.memory_space<hbm>> -> memref<1x128xi32, #tpu.memory_space<hbm>>
            %dma_start3A_81 = tpu.memref_squeeze %dma_start3A_80 : memref<1x128xi32, #tpu.memory_space<hbm>> -> memref<128xi32, #tpu.memory_space<hbm>>
            %dma_start3A_82 = arith.constant 0 : i32
            %dma_start3A_83 = arith.constant 0 : i32
            %dma_start3A_84 = tpu.memref_slice %arg3[%arg1, %dma_start3A_82, %dma_start3A_83] : memref<16x79x128xi32, #tpu.memory_space<hbm>> -> memref<1x79x128xi32, #tpu.memory_space<hbm>>
            %dma_start3A_85 = tpu.memref_squeeze %dma_start3A_84 : memref<1x79x128xi32, #tpu.memory_space<hbm>> -> memref<79x128xi32, #tpu.memory_space<hbm>>
            %dma_start3A_86 = arith.constant 0 : i32
            %dma_start3A_87 = tpu.memref_slice %dma_start3A_85[%add3A_55, %dma_start3A_86] : memref<79x128xi32, #tpu.memory_space<hbm>> -> memref<1x128xi32, #tpu.memory_space<hbm>>
            %dma_start3A_88 = tpu.memref_squeeze %dma_start3A_87 : memref<1x128xi32, #tpu.memory_space<hbm>> -> memref<128xi32, #tpu.memory_space<hbm>>
            tpu.enqueue_dma source(%dma_start3A_88 : memref<128xi32, #tpu.memory_space<hbm>>) target(%arg9 : memref<128xi32, #tpu.memory_space<vmem>>) target_semaphore(%run_scoped3A_74 : memref<!tpu.dma_semaphore, #tpu.memory_space<semaphore_mem>>)
            %dma_wait3A_89 = arith.constant 0 : i32
            %dma_wait3A_90 = arith.constant 0 : i32
            %dma_wait3A_91 = tpu.memref_slice %arg3[%arg1, %dma_wait3A_89, %dma_wait3A_90] : memref<16x79x128xi32, #tpu.memory_space<hbm>> -> memref<1x79x128xi32, #tpu.memory_space<hbm>>
            %dma_wait3A_92 = tpu.memref_squeeze %dma_wait3A_91 : memref<1x79x128xi32, #tpu.memory_space<hbm>> -> memref<79x128xi32, #tpu.memory_space<hbm>>
            %dma_wait3A_93 = arith.constant 0 : i32
            %dma_wait3A_94 = tpu.memref_slice %dma_wait3A_92[%add3A_55, %dma_wait3A_93] : memref<79x128xi32, #tpu.memory_space<hbm>> -> memref<1x128xi32, #tpu.memory_space<hbm>>
            %dma_wait3A_95 = tpu.memref_squeeze %dma_wait3A_94 : memref<1x128xi32, #tpu.memory_space<hbm>> -> memref<128xi32, #tpu.memory_space<hbm>>
            %dma_wait3A_96 = arith.constant 0 : i32
            %dma_wait3A_97 = arith.constant 0 : i32
            %dma_wait3A_98 = tpu.memref_slice %arg3[%arg1, %dma_wait3A_96, %dma_wait3A_97] : memref<16x79x128xi32, #tpu.memory_space<hbm>> -> memref<1x79x128xi32, #tpu.memory_space<hbm>>
            %dma_wait3A_99 = tpu.memref_squeeze %dma_wait3A_98 : memref<1x79x128xi32, #tpu.memory_space<hbm>> -> memref<79x128xi32, #tpu.memory_space<hbm>>
            %dma_wait3A_100 = arith.constant 0 : i32
            %dma_wait3A_101 = tpu.memref_slice %dma_wait3A_99[%add3A_55, %dma_wait3A_100] : memref<79x128xi32, #tpu.memory_space<hbm>> -> memref<1x128xi32, #tpu.memory_space<hbm>>
            %dma_wait3A_102 = tpu.memref_squeeze %dma_wait3A_101 : memref<1x128xi32, #tpu.memory_space<hbm>> -> memref<128xi32, #tpu.memory_space<hbm>>
            tpu.wait_dma2 semaphore(%run_scoped3A_74 : memref<!tpu.dma_semaphore, #tpu.memory_space<semaphore_mem>>) src(%dma_wait3A_102 : memref<128xi32, #tpu.memory_space<hbm>>) dst(%arg9 : memref<128xi32, #tpu.memory_space<vmem>>)
            tpu.yield
          }) : () -> ()
          %dma_start3A_67 = arith.constant 0 : i32
          %dma_start3A_68 = arith.constant 0 : i32
          %dma_start3A_69 = tpu.memref_slice %arg2[%add3A_3, %dma_start3A_67, %dma_start3A_68] : memref<4x10000x128xf32, #tpu.memory_space<hbm>> -> memref<1x10000x128xf32, #tpu.memory_space<hbm>>
          %dma_start3A_70 = tpu.memref_squeeze %dma_start3A_69 : memref<1x10000x128xf32, #tpu.memory_space<hbm>> -> memref<10000x128xf32, #tpu.memory_space<hbm>>
          %dma_start3A_71 = arith.constant 0 : i32
          %dma_start3A_72 = arith.constant 0 : i32
          %dma_start3A_73 = tpu.memref_slice %dma_start3A_70[%dma_start3A_71, %dma_start3A_72] : memref<10000x128xf32, #tpu.memory_space<hbm>> -> memref<10000x128xf32, #tpu.memory_space<hbm>>
          tpu.enqueue_indirect_dma source(%dma_start3A_73 : memref<10000x128xf32, #tpu.memory_space<hbm>>) target(%arg12 : memref<128x128xf32, #tpu.memory_space<vmem>>) offsets(%arg9 : memref<128xi32, #tpu.memory_space<vmem>>) semaphore(%arg14 : memref<!tpu.dma_semaphore, #tpu.memory_space<semaphore_mem>>)
        } else {
        }
        %dma_wait3A = arith.constant 0 : i32
        %dma_wait3A_61 = arith.constant 0 : i32
        %dma_wait3A_62 = tpu.memref_slice %arg2[%add3A_3, %dma_wait3A, %dma_wait3A_61] : memref<4x10000x128xf32, #tpu.memory_space<hbm>> -> memref<1x10000x128xf32, #tpu.memory_space<hbm>>
        %dma_wait3A_63 = tpu.memref_squeeze %dma_wait3A_62 : memref<1x10000x128xf32, #tpu.memory_space<hbm>> -> memref<10000x128xf32, #tpu.memory_space<hbm>>
        %dma_wait3A_64 = arith.constant 0 : i32
        %dma_wait3A_65 = arith.constant 0 : i32
        %dma_wait3A_66 = tpu.memref_slice %dma_wait3A_63[%dma_wait3A_64, %dma_wait3A_65] : memref<10000x128xf32, #tpu.memory_space<hbm>> -> memref<10000x128xf32, #tpu.memory_space<hbm>>
        tpu.wait_indirect_dma semaphore(%arg13 : memref<!tpu.dma_semaphore, #tpu.memory_space<semaphore_mem>>) src(%dma_wait3A_66 : memref<10000x128xf32, #tpu.memory_space<hbm>>) dst(%arg11 : memref<128x128xf32, #tpu.memory_space<vmem>>)
        "tpu.region"() ({
          %run_scoped3A_67 = tpu.sem_alloc : memref<!tpu.dma_semaphore, #tpu.memory_space<semaphore_mem>>
          %dma_start3A_68 = arith.constant 0 : i32
          %dma_start3A_69 = tpu.memref_slice %arg10[%add3A_42, %dma_start3A_68] : memref<79x128xi32, #tpu.memory_space<vmem>> -> memref<1x128xi32, #tpu.memory_space<vmem>>
          %dma_start3A_70 = tpu.memref_squeeze %dma_start3A_69 : memref<1x128xi32, #tpu.memory_space<vmem>> -> memref<128xi32, #tpu.memory_space<vmem>>
          %dma_start3A_71 = arith.constant 0 : i32
          %dma_start3A_72 = arith.constant 0 : i32
          %dma_start3A_73 = tpu.memref_slice %arg7[%dma_start3A_71, %dma_start3A_72] : memref<10112x128xf32, #tpu.memory_space<vmem_shared>> -> memref<10112x128xf32, #tpu.memory_space<vmem_shared>>
          tpu.enqueue_indirect_dma source(%arg11 : memref<128x128xf32, #tpu.memory_space<vmem>>) target(%dma_start3A_73 : memref<10112x128xf32, #tpu.memory_space<vmem_shared>>) offsets(%dma_start3A_70 : memref<128xi32, #tpu.memory_space<vmem>>) semaphore(%run_scoped3A_67 : memref<!tpu.dma_semaphore, #tpu.memory_space<semaphore_mem>>) {add = true}
          %dma_wait3A_74 = arith.constant 0 : i32
          %dma_wait3A_75 = tpu.memref_slice %arg10[%add3A_42, %dma_wait3A_74] : memref<79x128xi32, #tpu.memory_space<vmem>> -> memref<1x128xi32, #tpu.memory_space<vmem>>
          %dma_wait3A_76 = tpu.memref_squeeze %dma_wait3A_75 : memref<1x128xi32, #tpu.memory_space<vmem>> -> memref<128xi32, #tpu.memory_space<vmem>>
          %dma_wait3A_77 = arith.constant 0 : i32
          %dma_wait3A_78 = arith.constant 0 : i32
          %dma_wait3A_79 = tpu.memref_slice %arg7[%dma_wait3A_77, %dma_wait3A_78] : memref<10112x128xf32, #tpu.memory_space<vmem_shared>> -> memref<10112x128xf32, #tpu.memory_space<vmem_shared>>
          tpu.wait_indirect_dma semaphore(%run_scoped3A_67 : memref<!tpu.dma_semaphore, #tpu.memory_space<semaphore_mem>>) src(%arg11 : memref<128x128xf32, #tpu.memory_space<vmem>>) dst(%dma_wait3A_79 : memref<10112x128xf32, #tpu.memory_space<vmem_shared>>)
          tpu.yield
        }) : () -> ()
      } else {
      }
      %mul3A_45 = arith.constant 2 : i32
      %mul3A_46 = arith.muli %scan3A_38, %mul3A_45 : i32
      %add3A_47 = arith.constant 1 : i32
      %add3A_48 = arith.addi %mul3A_46, %add3A_47 : i32
      %lt3A_49 = arith.constant 79 : i32
      %lt3A_50 = arith.cmpi slt, %add3A_48, %lt3A_49 : i32
      %convert_element_type3A_51 = arith.extui %lt3A_50 : i1 to i32
      %cond3A_52 = arith.constant 0 : i32
      %cond3A_53 = arith.cmpi ne, %convert_element_type3A_51, %cond3A_52 : i32
      scf.if %cond3A_53 {
        %add3A_54 = arith.constant 1 : i32
        %add3A_55 = arith.addi %add3A_48, %add3A_54 : i32
        %lt3A_56 = arith.constant 79 : i32
        %lt3A_57 = arith.cmpi slt, %add3A_55, %lt3A_56 : i32
        %convert_element_type3A_58 = arith.extui %lt3A_57 : i1 to i32
        %cond3A_59 = arith.constant 0 : i32
        %cond3A_60 = arith.cmpi ne, %convert_element_type3A_58, %cond3A_59 : i32
        scf.if %cond3A_60 {
          "tpu.region"() ({
            %run_scoped3A_74 = tpu.sem_alloc : memref<!tpu.dma_semaphore, #tpu.memory_space<semaphore_mem>>
            %dma_start3A_75 = arith.constant 0 : i32
            %dma_start3A_76 = arith.constant 0 : i32
            %dma_start3A_77 = tpu.memref_slice %arg3[%arg1, %dma_start3A_75, %dma_start3A_76] : memref<16x79x128xi32, #tpu.memory_space<hbm>> -> memref<1x79x128xi32, #tpu.memory_space<hbm>>
            %dma_start3A_78 = tpu.memref_squeeze %dma_start3A_77 : memref<1x79x128xi32, #tpu.memory_space<hbm>> -> memref<79x128xi32, #tpu.memory_space<hbm>>
            %dma_start3A_79 = arith.constant 0 : i32
            %dma_start3A_80 = tpu.memref_slice %dma_start3A_78[%add3A_55, %dma_start3A_79] : memref<79x128xi32, #tpu.memory_space<hbm>> -> memref<1x128xi32, #tpu.memory_space<hbm>>
            %dma_start3A_81 = tpu.memref_squeeze %dma_start3A_80 : memref<1x128xi32, #tpu.memory_space<hbm>> -> memref<128xi32, #tpu.memory_space<hbm>>
            %dma_start3A_82 = arith.constant 0 : i32
            %dma_start3A_83 = arith.constant 0 : i32
            %dma_start3A_84 = tpu.memref_slice %arg3[%arg1, %dma_start3A_82, %dma_start3A_83] : memref<16x79x128xi32, #tpu.memory_space<hbm>> -> memref<1x79x128xi32, #tpu.memory_space<hbm>>
            %dma_start3A_85 = tpu.memref_squeeze %dma_start3A_84 : memref<1x79x128xi32, #tpu.memory_space<hbm>> -> memref<79x128xi32, #tpu.memory_space<hbm>>
            %dma_start3A_86 = arith.constant 0 : i32
            %dma_start3A_87 = tpu.memref_slice %dma_start3A_85[%add3A_55, %dma_start3A_86] : memref<79x128xi32, #tpu.memory_space<hbm>> -> memref<1x128xi32, #tpu.memory_space<hbm>>
            %dma_start3A_88 = tpu.memref_squeeze %dma_start3A_87 : memref<1x128xi32, #tpu.memory_space<hbm>> -> memref<128xi32, #tpu.memory_space<hbm>>
            tpu.enqueue_dma source(%dma_start3A_88 : memref<128xi32, #tpu.memory_space<hbm>>) target(%arg8 : memref<128xi32, #tpu.memory_space<vmem>>) target_semaphore(%run_scoped3A_74 : memref<!tpu.dma_semaphore, #tpu.memory_space<semaphore_mem>>)
            %dma_wait3A_89 = arith.constant 0 : i32
            %dma_wait3A_90 = arith.constant 0 : i32
            %dma_wait3A_91 = tpu.memref_slice %arg3[%arg1, %dma_wait3A_89, %dma_wait3A_90] : memref<16x79x128xi32, #tpu.memory_space<hbm>> -> memref<1x79x128xi32, #tpu.memory_space<hbm>>
            %dma_wait3A_92 = tpu.memref_squeeze %dma_wait3A_91 : memref<1x79x128xi32, #tpu.memory_space<hbm>> -> memref<79x128xi32, #tpu.memory_space<hbm>>
            %dma_wait3A_93 = arith.constant 0 : i32
            %dma_wait3A_94 = tpu.memref_slice %dma_wait3A_92[%add3A_55, %dma_wait3A_93] : memref<79x128xi32, #tpu.memory_space<hbm>> -> memref<1x128xi32, #tpu.memory_space<hbm>>
            %dma_wait3A_95 = tpu.memref_squeeze %dma_wait3A_94 : memref<1x128xi32, #tpu.memory_space<hbm>> -> memref<128xi32, #tpu.memory_space<hbm>>
            %dma_wait3A_96 = arith.constant 0 : i32
            %dma_wait3A_97 = arith.constant 0 : i32
            %dma_wait3A_98 = tpu.memref_slice %arg3[%arg1, %dma_wait3A_96, %dma_wait3A_97] : memref<16x79x128xi32, #tpu.memory_space<hbm>> -> memref<1x79x128xi32, #tpu.memory_space<hbm>>
            %dma_wait3A_99 = tpu.memref_squeeze %dma_wait3A_98 : memref<1x79x128xi32, #tpu.memory_space<hbm>> -> memref<79x128xi32, #tpu.memory_space<hbm>>
            %dma_wait3A_100 = arith.constant 0 : i32
            %dma_wait3A_101 = tpu.memref_slice %dma_wait3A_99[%add3A_55, %dma_wait3A_100] : memref<79x128xi32, #tpu.memory_space<hbm>> -> memref<1x128xi32, #tpu.memory_space<hbm>>
            %dma_wait3A_102 = tpu.memref_squeeze %dma_wait3A_101 : memref<1x128xi32, #tpu.memory_space<hbm>> -> memref<128xi32, #tpu.memory_space<hbm>>
            tpu.wait_dma2 semaphore(%run_scoped3A_74 : memref<!tpu.dma_semaphore, #tpu.memory_space<semaphore_mem>>) src(%dma_wait3A_102 : memref<128xi32, #tpu.memory_space<hbm>>) dst(%arg8 : memref<128xi32, #tpu.memory_space<vmem>>)
            tpu.yield
          }) : () -> ()
          %dma_start3A_67 = arith.constant 0 : i32
          %dma_start3A_68 = arith.constant 0 : i32
          %dma_start3A_69 = tpu.memref_slice %arg2[%add3A_3, %dma_start3A_67, %dma_start3A_68] : memref<4x10000x128xf32, #tpu.memory_space<hbm>> -> memref<1x10000x128xf32, #tpu.memory_space<hbm>>
          %dma_start3A_70 = tpu.memref_squeeze %dma_start3A_69 : memref<1x10000x128xf32, #tpu.memory_space<hbm>> -> memref<10000x128xf32, #tpu.memory_space<hbm>>
          %dma_start3A_71 = arith.constant 0 : i32
          %dma_start3A_72 = arith.constant 0 : i32
          %dma_start3A_73 = tpu.memref_slice %dma_start3A_70[%dma_start3A_71, %dma_start3A_72] : memref<10000x128xf32, #tpu.memory_space<hbm>> -> memref<10000x128xf32, #tpu.memory_space<hbm>>
          tpu.enqueue_indirect_dma source(%dma_start3A_73 : memref<10000x128xf32, #tpu.memory_space<hbm>>) target(%arg11 : memref<128x128xf32, #tpu.memory_space<vmem>>) offsets(%arg8 : memref<128xi32, #tpu.memory_space<vmem>>) semaphore(%arg13 : memref<!tpu.dma_semaphore, #tpu.memory_space<semaphore_mem>>)
        } else {
        }
        %dma_wait3A = arith.constant 0 : i32
        %dma_wait3A_61 = arith.constant 0 : i32
        %dma_wait3A_62 = tpu.memref_slice %arg2[%add3A_3, %dma_wait3A, %dma_wait3A_61] : memref<4x10000x128xf32, #tpu.memory_space<hbm>> -> memref<1x10000x128xf32, #tpu.memory_space<hbm>>
        %dma_wait3A_63 = tpu.memref_squeeze %dma_wait3A_62 : memref<1x10000x128xf32, #tpu.memory_space<hbm>> -> memref<10000x128xf32, #tpu.memory_space<hbm>>
        %dma_wait3A_64 = arith.constant 0 : i32
        %dma_wait3A_65 = arith.constant 0 : i32
        %dma_wait3A_66 = tpu.memref_slice %dma_wait3A_63[%dma_wait3A_64, %dma_wait3A_65] : memref<10000x128xf32, #tpu.memory_space<hbm>> -> memref<10000x128xf32, #tpu.memory_space<hbm>>
        tpu.wait_indirect_dma semaphore(%arg14 : memref<!tpu.dma_semaphore, #tpu.memory_space<semaphore_mem>>) src(%dma_wait3A_66 : memref<10000x128xf32, #tpu.memory_space<hbm>>) dst(%arg12 : memref<128x128xf32, #tpu.memory_space<vmem>>)
        "tpu.region"() ({
          %run_scoped3A_67 = tpu.sem_alloc : memref<!tpu.dma_semaphore, #tpu.memory_space<semaphore_mem>>
          %dma_start3A_68 = arith.constant 0 : i32
          %dma_start3A_69 = tpu.memref_slice %arg10[%add3A_48, %dma_start3A_68] : memref<79x128xi32, #tpu.memory_space<vmem>> -> memref<1x128xi32, #tpu.memory_space<vmem>>
          %dma_start3A_70 = tpu.memref_squeeze %dma_start3A_69 : memref<1x128xi32, #tpu.memory_space<vmem>> -> memref<128xi32, #tpu.memory_space<vmem>>
          %dma_start3A_71 = arith.constant 0 : i32
          %dma_start3A_72 = arith.constant 0 : i32
          %dma_start3A_73 = tpu.memref_slice %arg7[%dma_start3A_71, %dma_start3A_72] : memref<10112x128xf32, #tpu.memory_space<vmem_shared>> -> memref<10112x128xf32, #tpu.memory_space<vmem_shared>>
          tpu.enqueue_indirect_dma source(%arg12 : memref<128x128xf32, #tpu.memory_space<vmem>>) target(%dma_start3A_73 : memref<10112x128xf32, #tpu.memory_space<vmem_shared>>) offsets(%dma_start3A_70 : memref<128xi32, #tpu.memory_space<vmem>>) semaphore(%run_scoped3A_67 : memref<!tpu.dma_semaphore, #tpu.memory_space<semaphore_mem>>) {add = true}
          %dma_wait3A_74 = arith.constant 0 : i32
          %dma_wait3A_75 = tpu.memref_slice %arg10[%add3A_48, %dma_wait3A_74] : memref<79x128xi32, #tpu.memory_space<vmem>> -> memref<1x128xi32, #tpu.memory_space<vmem>>
          %dma_wait3A_76 = tpu.memref_squeeze %dma_wait3A_75 : memref<1x128xi32, #tpu.memory_space<vmem>> -> memref<128xi32, #tpu.memory_space<vmem>>
          %dma_wait3A_77 = arith.constant 0 : i32
          %dma_wait3A_78 = arith.constant 0 : i32
          %dma_wait3A_79 = tpu.memref_slice %arg7[%dma_wait3A_77, %dma_wait3A_78] : memref<10112x128xf32, #tpu.memory_space<vmem_shared>> -> memref<10112x128xf32, #tpu.memory_space<vmem_shared>>
          tpu.wait_indirect_dma semaphore(%run_scoped3A_67 : memref<!tpu.dma_semaphore, #tpu.memory_space<semaphore_mem>>) src(%arg12 : memref<128x128xf32, #tpu.memory_space<vmem>>) dst(%dma_wait3A_79 : memref<10112x128xf32, #tpu.memory_space<vmem_shared>>)
          tpu.yield
        }) : () -> ()
      } else {
      }
    }
    %scan3A_14 = arith.constant 40 : i32
    %barrier3A_15 = arith.constant 0 : index
    tpu.barrier barrier_id(%barrier3A_15)
    "tpu.region"() ({
      %run_scoped3A_38 = tpu.sem_alloc : memref<!tpu.dma_semaphore, #tpu.memory_space<semaphore_mem>>
      %dma_start3A_39 = arith.constant 0 : i32
      %dma_start3A_40 = arith.constant 0 : i32
      %dma_start3A_41 = tpu.memref_slice %arg6[%add3A_3, %dma_start3A_39, %dma_start3A_40] : memref<4x10112x128xf32, #tpu.memory_space<hbm>> -> memref<1x10112x128xf32, #tpu.memory_space<hbm>>
      %dma_start3A_42 = tpu.memref_squeeze %dma_start3A_41 : memref<1x10112x128xf32, #tpu.memory_space<hbm>> -> memref<10112x128xf32, #tpu.memory_space<hbm>>
      %dma_start3A_43 = arith.constant 0 : i32
      %dma_start3A_44 = tpu.memref_slice %dma_start3A_42[%mul3A_0, %dma_start3A_43] : memref<10112x128xf32, #tpu.memory_space<hbm>> -> memref<632x128xf32, #tpu.memory_space<hbm>>
      %dma_start3A_45 = arith.constant 0 : i32
      %dma_start3A_46 = tpu.memref_slice %arg7[%mul3A_0, %dma_start3A_45] : memref<10112x128xf32, #tpu.memory_space<vmem_shared>> -> memref<632x128xf32, #tpu.memory_space<vmem_shared>>
      tpu.enqueue_dma source(%dma_start3A_46 : memref<632x128xf32, #tpu.memory_space<vmem_shared>>) target(%dma_start3A_44 : memref<632x128xf32, #tpu.memory_space<hbm>>) target_semaphore(%run_scoped3A_38 : memref<!tpu.dma_semaphore, #tpu.memory_space<semaphore_mem>>)
      %dma_wait3A = arith.constant 0 : i32
      %dma_wait3A_47 = arith.constant 0 : i32
      %dma_wait3A_48 = tpu.memref_slice %arg6[%add3A_3, %dma_wait3A, %dma_wait3A_47] : memref<4x10112x128xf32, #tpu.memory_space<hbm>> -> memref<1x10112x128xf32, #tpu.memory_space<hbm>>
      %dma_wait3A_49 = tpu.memref_squeeze %dma_wait3A_48 : memref<1x10112x128xf32, #tpu.memory_space<hbm>> -> memref<10112x128xf32, #tpu.memory_space<hbm>>
      %dma_wait3A_50 = arith.constant 0 : i32
      %dma_wait3A_51 = tpu.memref_slice %dma_wait3A_49[%mul3A_0, %dma_wait3A_50] : memref<10112x128xf32, #tpu.memory_space<hbm>> -> memref<632x128xf32, #tpu.memory_space<hbm>>
      %dma_wait3A_52 = arith.constant 0 : i32
      %dma_wait3A_53 = tpu.memref_slice %arg7[%mul3A_0, %dma_wait3A_52] : memref<10112x128xf32, #tpu.memory_space<vmem_shared>> -> memref<632x128xf32, #tpu.memory_space<vmem_shared>>
      tpu.wait_dma2 semaphore(%run_scoped3A_38 : memref<!tpu.dma_semaphore, #tpu.memory_space<semaphore_mem>>) src(%dma_wait3A_53 : memref<632x128xf32, #tpu.memory_space<vmem_shared>>) dst(%dma_wait3A_51 : memref<632x128xf32, #tpu.memory_space<hbm>>)
      tpu.yield
    }) : () -> ()
    %barrier3A_16 = arith.constant 0 : index
    tpu.barrier barrier_id(%barrier3A_16)
    %mul3A_17 = arith.constant 2 : i32
    %mul3A_18 = arith.muli %arg0, %mul3A_17 : i32
    %add3A_19 = arith.constant 1 : i32
    %add3A_20 = arith.addi %mul3A_18, %add3A_19 : i32
    "tpu.region"() ({
      %run_scoped3A_38 = tpu.sem_alloc : memref<!tpu.dma_semaphore, #tpu.memory_space<semaphore_mem>>
      %dma_start3A_39 = arith.constant 0 : i32
      %dma_start3A_40 = tpu.memref_slice %arg7[%mul3A_0, %dma_start3A_39] : memref<10112x128xf32, #tpu.memory_space<vmem_shared>> -> memref<632x128xf32, #tpu.memory_space<vmem_shared>>
      tpu.enqueue_dma source(%arg5 : memref<632x128xf32, #tpu.memory_space<hbm>>) target(%dma_start3A_40 : memref<632x128xf32, #tpu.memory_space<vmem_shared>>) target_semaphore(%run_scoped3A_38 : memref<!tpu.dma_semaphore, #tpu.memory_space<semaphore_mem>>)
      %dma_wait3A = arith.constant 0 : i32
      %dma_wait3A_41 = tpu.memref_slice %arg7[%mul3A_0, %dma_wait3A] : memref<10112x128xf32, #tpu.memory_space<vmem_shared>> -> memref<632x128xf32, #tpu.memory_space<vmem_shared>>
      tpu.wait_dma2 semaphore(%run_scoped3A_38 : memref<!tpu.dma_semaphore, #tpu.memory_space<semaphore_mem>>) src(%arg5 : memref<632x128xf32, #tpu.memory_space<hbm>>) dst(%dma_wait3A_41 : memref<632x128xf32, #tpu.memory_space<vmem_shared>>)
      tpu.yield
    }) : () -> ()
    %barrier3A_21 = arith.constant 0 : index
    tpu.barrier barrier_id(%barrier3A_21)
    %run_scoped3A_22 = arith.constant 0 : i32
    "tpu.region"() ({
      %run_scoped3A_38 = tpu.sem_alloc : memref<!tpu.dma_semaphore, #tpu.memory_space<semaphore_mem>>
      %dma_start3A_39 = arith.constant 0 : i32
      %dma_start3A_40 = arith.constant 0 : i32
      %dma_start3A_41 = tpu.memref_slice %arg3[%arg1, %dma_start3A_39, %dma_start3A_40] : memref<16x79x128xi32, #tpu.memory_space<hbm>> -> memref<1x79x128xi32, #tpu.memory_space<hbm>>
      %dma_start3A_42 = tpu.memref_squeeze %dma_start3A_41 : memref<1x79x128xi32, #tpu.memory_space<hbm>> -> memref<79x128xi32, #tpu.memory_space<hbm>>
      %dma_start3A_43 = arith.constant 0 : i32
      %dma_start3A_44 = tpu.memref_slice %dma_start3A_42[%run_scoped3A_22, %dma_start3A_43] : memref<79x128xi32, #tpu.memory_space<hbm>> -> memref<1x128xi32, #tpu.memory_space<hbm>>
      %dma_start3A_45 = tpu.memref_squeeze %dma_start3A_44 : memref<1x128xi32, #tpu.memory_space<hbm>> -> memref<128xi32, #tpu.memory_space<hbm>>
      %dma_start3A_46 = arith.constant 0 : i32
      %dma_start3A_47 = arith.constant 0 : i32
      %dma_start3A_48 = tpu.memref_slice %arg3[%arg1, %dma_start3A_46, %dma_start3A_47] : memref<16x79x128xi32, #tpu.memory_space<hbm>> -> memref<1x79x128xi32, #tpu.memory_space<hbm>>
      %dma_start3A_49 = tpu.memref_squeeze %dma_start3A_48 : memref<1x79x128xi32, #tpu.memory_space<hbm>> -> memref<79x128xi32, #tpu.memory_space<hbm>>
      %dma_start3A_50 = arith.constant 0 : i32
      %dma_start3A_51 = tpu.memref_slice %dma_start3A_49[%run_scoped3A_22, %dma_start3A_50] : memref<79x128xi32, #tpu.memory_space<hbm>> -> memref<1x128xi32, #tpu.memory_space<hbm>>
      %dma_start3A_52 = tpu.memref_squeeze %dma_start3A_51 : memref<1x128xi32, #tpu.memory_space<hbm>> -> memref<128xi32, #tpu.memory_space<hbm>>
      tpu.enqueue_dma source(%dma_start3A_52 : memref<128xi32, #tpu.memory_space<hbm>>) target(%arg8 : memref<128xi32, #tpu.memory_space<vmem>>) target_semaphore(%run_scoped3A_38 : memref<!tpu.dma_semaphore, #tpu.memory_space<semaphore_mem>>)
      %dma_wait3A = arith.constant 0 : i32
      %dma_wait3A_53 = arith.constant 0 : i32
      %dma_wait3A_54 = tpu.memref_slice %arg3[%arg1, %dma_wait3A, %dma_wait3A_53] : memref<16x79x128xi32, #tpu.memory_space<hbm>> -> memref<1x79x128xi32, #tpu.memory_space<hbm>>
      %dma_wait3A_55 = tpu.memref_squeeze %dma_wait3A_54 : memref<1x79x128xi32, #tpu.memory_space<hbm>> -> memref<79x128xi32, #tpu.memory_space<hbm>>
      %dma_wait3A_56 = arith.constant 0 : i32
      %dma_wait3A_57 = tpu.memref_slice %dma_wait3A_55[%run_scoped3A_22, %dma_wait3A_56] : memref<79x128xi32, #tpu.memory_space<hbm>> -> memref<1x128xi32, #tpu.memory_space<hbm>>
      %dma_wait3A_58 = tpu.memref_squeeze %dma_wait3A_57 : memref<1x128xi32, #tpu.memory_space<hbm>> -> memref<128xi32, #tpu.memory_space<hbm>>
      %dma_wait3A_59 = arith.constant 0 : i32
      %dma_wait3A_60 = arith.constant 0 : i32
      %dma_wait3A_61 = tpu.memref_slice %arg3[%arg1, %dma_wait3A_59, %dma_wait3A_60] : memref<16x79x128xi32, #tpu.memory_space<hbm>> -> memref<1x79x128xi32, #tpu.memory_space<hbm>>
      %dma_wait3A_62 = tpu.memref_squeeze %dma_wait3A_61 : memref<1x79x128xi32, #tpu.memory_space<hbm>> -> memref<79x128xi32, #tpu.memory_space<hbm>>
      %dma_wait3A_63 = arith.constant 0 : i32
      %dma_wait3A_64 = tpu.memref_slice %dma_wait3A_62[%run_scoped3A_22, %dma_wait3A_63] : memref<79x128xi32, #tpu.memory_space<hbm>> -> memref<1x128xi32, #tpu.memory_space<hbm>>
      %dma_wait3A_65 = tpu.memref_squeeze %dma_wait3A_64 : memref<1x128xi32, #tpu.memory_space<hbm>> -> memref<128xi32, #tpu.memory_space<hbm>>
      tpu.wait_dma2 semaphore(%run_scoped3A_38 : memref<!tpu.dma_semaphore, #tpu.memory_space<semaphore_mem>>) src(%dma_wait3A_65 : memref<128xi32, #tpu.memory_space<hbm>>) dst(%arg8 : memref<128xi32, #tpu.memory_space<vmem>>)
      tpu.yield
    }) : () -> ()
    %dma_start3A_23 = arith.constant 0 : i32
    %dma_start3A_24 = arith.constant 0 : i32
    %dma_start3A_25 = tpu.memref_slice %arg2[%add3A_20, %dma_start3A_23, %dma_start3A_24] : memref<4x10000x128xf32, #tpu.memory_space<hbm>> -> memref<1x10000x128xf32, #tpu.memory_space<hbm>>
    %dma_start3A_26 = tpu.memref_squeeze %dma_start3A_25 : memref<1x10000x128xf32, #tpu.memory_space<hbm>> -> memref<10000x128xf32, #tpu.memory_space<hbm>>
    %dma_start3A_27 = arith.constant 0 : i32
    %dma_start3A_28 = arith.constant 0 : i32
    %dma_start3A_29 = tpu.memref_slice %dma_start3A_26[%dma_start3A_27, %dma_start3A_28] : memref<10000x128xf32, #tpu.memory_space<hbm>> -> memref<10000x128xf32, #tpu.memory_space<hbm>>
    tpu.enqueue_indirect_dma source(%dma_start3A_29 : memref<10000x128xf32, #tpu.memory_space<hbm>>) target(%arg11 : memref<128x128xf32, #tpu.memory_space<vmem>>) offsets(%arg8 : memref<128xi32, #tpu.memory_space<vmem>>) semaphore(%arg13 : memref<!tpu.dma_semaphore, #tpu.memory_space<semaphore_mem>>)
    %scan3A_30 = arith.constant 0 : i32
    %scan3A_31 = arith.constant 0 : i32
    %scan3A_32 = arith.constant 40 : i32
    %scan3A_33 = arith.addi %scan3A_31, %scan3A_32 : i32
    %scan3A_34 = arith.constant 1 : i32
    scf.for %scan3A_38 = %scan3A_31 to %scan3A_33 step %scan3A_34  : i32 {
      %mul3A_39 = arith.constant 2 : i32
      %mul3A_40 = arith.muli %scan3A_38, %mul3A_39 : i32
      %add3A_41 = arith.constant 0 : i32
      %add3A_42 = arith.addi %mul3A_40, %add3A_41 : i32
      %lt3A = arith.constant 79 : i32
      %lt3A_43 = arith.cmpi slt, %add3A_42, %lt3A : i32
      %convert_element_type3A = arith.extui %lt3A_43 : i1 to i32
      %cond3A = arith.constant 0 : i32
      %cond3A_44 = arith.cmpi ne, %convert_element_type3A, %cond3A : i32
      scf.if %cond3A_44 {
        %add3A_54 = arith.constant 1 : i32
        %add3A_55 = arith.addi %add3A_42, %add3A_54 : i32
        %lt3A_56 = arith.constant 79 : i32
        %lt3A_57 = arith.cmpi slt, %add3A_55, %lt3A_56 : i32
        %convert_element_type3A_58 = arith.extui %lt3A_57 : i1 to i32
        %cond3A_59 = arith.constant 0 : i32
        %cond3A_60 = arith.cmpi ne, %convert_element_type3A_58, %cond3A_59 : i32
        scf.if %cond3A_60 {
          "tpu.region"() ({
            %run_scoped3A_74 = tpu.sem_alloc : memref<!tpu.dma_semaphore, #tpu.memory_space<semaphore_mem>>
            %dma_start3A_75 = arith.constant 0 : i32
            %dma_start3A_76 = arith.constant 0 : i32
            %dma_start3A_77 = tpu.memref_slice %arg3[%arg1, %dma_start3A_75, %dma_start3A_76] : memref<16x79x128xi32, #tpu.memory_space<hbm>> -> memref<1x79x128xi32, #tpu.memory_space<hbm>>
            %dma_start3A_78 = tpu.memref_squeeze %dma_start3A_77 : memref<1x79x128xi32, #tpu.memory_space<hbm>> -> memref<79x128xi32, #tpu.memory_space<hbm>>
            %dma_start3A_79 = arith.constant 0 : i32
            %dma_start3A_80 = tpu.memref_slice %dma_start3A_78[%add3A_55, %dma_start3A_79] : memref<79x128xi32, #tpu.memory_space<hbm>> -> memref<1x128xi32, #tpu.memory_space<hbm>>
            %dma_start3A_81 = tpu.memref_squeeze %dma_start3A_80 : memref<1x128xi32, #tpu.memory_space<hbm>> -> memref<128xi32, #tpu.memory_space<hbm>>
            %dma_start3A_82 = arith.constant 0 : i32
            %dma_start3A_83 = arith.constant 0 : i32
            %dma_start3A_84 = tpu.memref_slice %arg3[%arg1, %dma_start3A_82, %dma_start3A_83] : memref<16x79x128xi32, #tpu.memory_space<hbm>> -> memref<1x79x128xi32, #tpu.memory_space<hbm>>
            %dma_start3A_85 = tpu.memref_squeeze %dma_start3A_84 : memref<1x79x128xi32, #tpu.memory_space<hbm>> -> memref<79x128xi32, #tpu.memory_space<hbm>>
            %dma_start3A_86 = arith.constant 0 : i32
            %dma_start3A_87 = tpu.memref_slice %dma_start3A_85[%add3A_55, %dma_start3A_86] : memref<79x128xi32, #tpu.memory_space<hbm>> -> memref<1x128xi32, #tpu.memory_space<hbm>>
            %dma_start3A_88 = tpu.memref_squeeze %dma_start3A_87 : memref<1x128xi32, #tpu.memory_space<hbm>> -> memref<128xi32, #tpu.memory_space<hbm>>
            tpu.enqueue_dma source(%dma_start3A_88 : memref<128xi32, #tpu.memory_space<hbm>>) target(%arg9 : memref<128xi32, #tpu.memory_space<vmem>>) target_semaphore(%run_scoped3A_74 : memref<!tpu.dma_semaphore, #tpu.memory_space<semaphore_mem>>)
            %dma_wait3A_89 = arith.constant 0 : i32
            %dma_wait3A_90 = arith.constant 0 : i32
            %dma_wait3A_91 = tpu.memref_slice %arg3[%arg1, %dma_wait3A_89, %dma_wait3A_90] : memref<16x79x128xi32, #tpu.memory_space<hbm>> -> memref<1x79x128xi32, #tpu.memory_space<hbm>>
            %dma_wait3A_92 = tpu.memref_squeeze %dma_wait3A_91 : memref<1x79x128xi32, #tpu.memory_space<hbm>> -> memref<79x128xi32, #tpu.memory_space<hbm>>
            %dma_wait3A_93 = arith.constant 0 : i32
            %dma_wait3A_94 = tpu.memref_slice %dma_wait3A_92[%add3A_55, %dma_wait3A_93] : memref<79x128xi32, #tpu.memory_space<hbm>> -> memref<1x128xi32, #tpu.memory_space<hbm>>
            %dma_wait3A_95 = tpu.memref_squeeze %dma_wait3A_94 : memref<1x128xi32, #tpu.memory_space<hbm>> -> memref<128xi32, #tpu.memory_space<hbm>>
            %dma_wait3A_96 = arith.constant 0 : i32
            %dma_wait3A_97 = arith.constant 0 : i32
            %dma_wait3A_98 = tpu.memref_slice %arg3[%arg1, %dma_wait3A_96, %dma_wait3A_97] : memref<16x79x128xi32, #tpu.memory_space<hbm>> -> memref<1x79x128xi32, #tpu.memory_space<hbm>>
            %dma_wait3A_99 = tpu.memref_squeeze %dma_wait3A_98 : memref<1x79x128xi32, #tpu.memory_space<hbm>> -> memref<79x128xi32, #tpu.memory_space<hbm>>
            %dma_wait3A_100 = arith.constant 0 : i32
            %dma_wait3A_101 = tpu.memref_slice %dma_wait3A_99[%add3A_55, %dma_wait3A_100] : memref<79x128xi32, #tpu.memory_space<hbm>> -> memref<1x128xi32, #tpu.memory_space<hbm>>
            %dma_wait3A_102 = tpu.memref_squeeze %dma_wait3A_101 : memref<1x128xi32, #tpu.memory_space<hbm>> -> memref<128xi32, #tpu.memory_space<hbm>>
            tpu.wait_dma2 semaphore(%run_scoped3A_74 : memref<!tpu.dma_semaphore, #tpu.memory_space<semaphore_mem>>) src(%dma_wait3A_102 : memref<128xi32, #tpu.memory_space<hbm>>) dst(%arg9 : memref<128xi32, #tpu.memory_space<vmem>>)
            tpu.yield
          }) : () -> ()
          %dma_start3A_67 = arith.constant 0 : i32
          %dma_start3A_68 = arith.constant 0 : i32
          %dma_start3A_69 = tpu.memref_slice %arg2[%add3A_20, %dma_start3A_67, %dma_start3A_68] : memref<4x10000x128xf32, #tpu.memory_space<hbm>> -> memref<1x10000x128xf32, #tpu.memory_space<hbm>>
          %dma_start3A_70 = tpu.memref_squeeze %dma_start3A_69 : memref<1x10000x128xf32, #tpu.memory_space<hbm>> -> memref<10000x128xf32, #tpu.memory_space<hbm>>
          %dma_start3A_71 = arith.constant 0 : i32
          %dma_start3A_72 = arith.constant 0 : i32
          %dma_start3A_73 = tpu.memref_slice %dma_start3A_70[%dma_start3A_71, %dma_start3A_72] : memref<10000x128xf32, #tpu.memory_space<hbm>> -> memref<10000x128xf32, #tpu.memory_space<hbm>>
          tpu.enqueue_indirect_dma source(%dma_start3A_73 : memref<10000x128xf32, #tpu.memory_space<hbm>>) target(%arg12 : memref<128x128xf32, #tpu.memory_space<vmem>>) offsets(%arg9 : memref<128xi32, #tpu.memory_space<vmem>>) semaphore(%arg14 : memref<!tpu.dma_semaphore, #tpu.memory_space<semaphore_mem>>)
        } else {
        }
        %dma_wait3A = arith.constant 0 : i32
        %dma_wait3A_61 = arith.constant 0 : i32
        %dma_wait3A_62 = tpu.memref_slice %arg2[%add3A_20, %dma_wait3A, %dma_wait3A_61] : memref<4x10000x128xf32, #tpu.memory_space<hbm>> -> memref<1x10000x128xf32, #tpu.memory_space<hbm>>
        %dma_wait3A_63 = tpu.memref_squeeze %dma_wait3A_62 : memref<1x10000x128xf32, #tpu.memory_space<hbm>> -> memref<10000x128xf32, #tpu.memory_space<hbm>>
        %dma_wait3A_64 = arith.constant 0 : i32
        %dma_wait3A_65 = arith.constant 0 : i32
        %dma_wait3A_66 = tpu.memref_slice %dma_wait3A_63[%dma_wait3A_64, %dma_wait3A_65] : memref<10000x128xf32, #tpu.memory_space<hbm>> -> memref<10000x128xf32, #tpu.memory_space<hbm>>
        tpu.wait_indirect_dma semaphore(%arg13 : memref<!tpu.dma_semaphore, #tpu.memory_space<semaphore_mem>>) src(%dma_wait3A_66 : memref<10000x128xf32, #tpu.memory_space<hbm>>) dst(%arg11 : memref<128x128xf32, #tpu.memory_space<vmem>>)
        "tpu.region"() ({
          %run_scoped3A_67 = tpu.sem_alloc : memref<!tpu.dma_semaphore, #tpu.memory_space<semaphore_mem>>
          %dma_start3A_68 = arith.constant 0 : i32
          %dma_start3A_69 = tpu.memref_slice %arg10[%add3A_42, %dma_start3A_68] : memref<79x128xi32, #tpu.memory_space<vmem>> -> memref<1x128xi32, #tpu.memory_space<vmem>>
          %dma_start3A_70 = tpu.memref_squeeze %dma_start3A_69 : memref<1x128xi32, #tpu.memory_space<vmem>> -> memref<128xi32, #tpu.memory_space<vmem>>
          %dma_start3A_71 = arith.constant 0 : i32
          %dma_start3A_72 = arith.constant 0 : i32
          %dma_start3A_73 = tpu.memref_slice %arg7[%dma_start3A_71, %dma_start3A_72] : memref<10112x128xf32, #tpu.memory_space<vmem_shared>> -> memref<10112x128xf32, #tpu.memory_space<vmem_shared>>
          tpu.enqueue_indirect_dma source(%arg11 : memref<128x128xf32, #tpu.memory_space<vmem>>) target(%dma_start3A_73 : memref<10112x128xf32, #tpu.memory_space<vmem_shared>>) offsets(%dma_start3A_70 : memref<128xi32, #tpu.memory_space<vmem>>) semaphore(%run_scoped3A_67 : memref<!tpu.dma_semaphore, #tpu.memory_space<semaphore_mem>>) {add = true}
          %dma_wait3A_74 = arith.constant 0 : i32
          %dma_wait3A_75 = tpu.memref_slice %arg10[%add3A_42, %dma_wait3A_74] : memref<79x128xi32, #tpu.memory_space<vmem>> -> memref<1x128xi32, #tpu.memory_space<vmem>>
          %dma_wait3A_76 = tpu.memref_squeeze %dma_wait3A_75 : memref<1x128xi32, #tpu.memory_space<vmem>> -> memref<128xi32, #tpu.memory_space<vmem>>
          %dma_wait3A_77 = arith.constant 0 : i32
          %dma_wait3A_78 = arith.constant 0 : i32
          %dma_wait3A_79 = tpu.memref_slice %arg7[%dma_wait3A_77, %dma_wait3A_78] : memref<10112x128xf32, #tpu.memory_space<vmem_shared>> -> memref<10112x128xf32, #tpu.memory_space<vmem_shared>>
          tpu.wait_indirect_dma semaphore(%run_scoped3A_67 : memref<!tpu.dma_semaphore, #tpu.memory_space<semaphore_mem>>) src(%arg11 : memref<128x128xf32, #tpu.memory_space<vmem>>) dst(%dma_wait3A_79 : memref<10112x128xf32, #tpu.memory_space<vmem_shared>>)
          tpu.yield
        }) : () -> ()
      } else {
      }
      %mul3A_45 = arith.constant 2 : i32
      %mul3A_46 = arith.muli %scan3A_38, %mul3A_45 : i32
      %add3A_47 = arith.constant 1 : i32
      %add3A_48 = arith.addi %mul3A_46, %add3A_47 : i32
      %lt3A_49 = arith.constant 79 : i32
      %lt3A_50 = arith.cmpi slt, %add3A_48, %lt3A_49 : i32
      %convert_element_type3A_51 = arith.extui %lt3A_50 : i1 to i32
      %cond3A_52 = arith.constant 0 : i32
      %cond3A_53 = arith.cmpi ne, %convert_element_type3A_51, %cond3A_52 : i32
      scf.if %cond3A_53 {
        %add3A_54 = arith.constant 1 : i32
        %add3A_55 = arith.addi %add3A_48, %add3A_54 : i32
        %lt3A_56 = arith.constant 79 : i32
        %lt3A_57 = arith.cmpi slt, %add3A_55, %lt3A_56 : i32
        %convert_element_type3A_58 = arith.extui %lt3A_57 : i1 to i32
        %cond3A_59 = arith.constant 0 : i32
        %cond3A_60 = arith.cmpi ne, %convert_element_type3A_58, %cond3A_59 : i32
        scf.if %cond3A_60 {
          "tpu.region"() ({
            %run_scoped3A_74 = tpu.sem_alloc : memref<!tpu.dma_semaphore, #tpu.memory_space<semaphore_mem>>
            %dma_start3A_75 = arith.constant 0 : i32
            %dma_start3A_76 = arith.constant 0 : i32
            %dma_start3A_77 = tpu.memref_slice %arg3[%arg1, %dma_start3A_75, %dma_start3A_76] : memref<16x79x128xi32, #tpu.memory_space<hbm>> -> memref<1x79x128xi32, #tpu.memory_space<hbm>>
            %dma_start3A_78 = tpu.memref_squeeze %dma_start3A_77 : memref<1x79x128xi32, #tpu.memory_space<hbm>> -> memref<79x128xi32, #tpu.memory_space<hbm>>
            %dma_start3A_79 = arith.constant 0 : i32
            %dma_start3A_80 = tpu.memref_slice %dma_start3A_78[%add3A_55, %dma_start3A_79] : memref<79x128xi32, #tpu.memory_space<hbm>> -> memref<1x128xi32, #tpu.memory_space<hbm>>
            %dma_start3A_81 = tpu.memref_squeeze %dma_start3A_80 : memref<1x128xi32, #tpu.memory_space<hbm>> -> memref<128xi32, #tpu.memory_space<hbm>>
            %dma_start3A_82 = arith.constant 0 : i32
            %dma_start3A_83 = arith.constant 0 : i32
            %dma_start3A_84 = tpu.memref_slice %arg3[%arg1, %dma_start3A_82, %dma_start3A_83] : memref<16x79x128xi32, #tpu.memory_space<hbm>> -> memref<1x79x128xi32, #tpu.memory_space<hbm>>
            %dma_start3A_85 = tpu.memref_squeeze %dma_start3A_84 : memref<1x79x128xi32, #tpu.memory_space<hbm>> -> memref<79x128xi32, #tpu.memory_space<hbm>>
            %dma_start3A_86 = arith.constant 0 : i32
            %dma_start3A_87 = tpu.memref_slice %dma_start3A_85[%add3A_55, %dma_start3A_86] : memref<79x128xi32, #tpu.memory_space<hbm>> -> memref<1x128xi32, #tpu.memory_space<hbm>>
            %dma_start3A_88 = tpu.memref_squeeze %dma_start3A_87 : memref<1x128xi32, #tpu.memory_space<hbm>> -> memref<128xi32, #tpu.memory_space<hbm>>
            tpu.enqueue_dma source(%dma_start3A_88 : memref<128xi32, #tpu.memory_space<hbm>>) target(%arg8 : memref<128xi32, #tpu.memory_space<vmem>>) target_semaphore(%run_scoped3A_74 : memref<!tpu.dma_semaphore, #tpu.memory_space<semaphore_mem>>)
            %dma_wait3A_89 = arith.constant 0 : i32
            %dma_wait3A_90 = arith.constant 0 : i32
            %dma_wait3A_91 = tpu.memref_slice %arg3[%arg1, %dma_wait3A_89, %dma_wait3A_90] : memref<16x79x128xi32, #tpu.memory_space<hbm>> -> memref<1x79x128xi32, #tpu.memory_space<hbm>>
            %dma_wait3A_92 = tpu.memref_squeeze %dma_wait3A_91 : memref<1x79x128xi32, #tpu.memory_space<hbm>> -> memref<79x128xi32, #tpu.memory_space<hbm>>
            %dma_wait3A_93 = arith.constant 0 : i32
            %dma_wait3A_94 = tpu.memref_slice %dma_wait3A_92[%add3A_55, %dma_wait3A_93] : memref<79x128xi32, #tpu.memory_space<hbm>> -> memref<1x128xi32, #tpu.memory_space<hbm>>
            %dma_wait3A_95 = tpu.memref_squeeze %dma_wait3A_94 : memref<1x128xi32, #tpu.memory_space<hbm>> -> memref<128xi32, #tpu.memory_space<hbm>>
            %dma_wait3A_96 = arith.constant 0 : i32
            %dma_wait3A_97 = arith.constant 0 : i32
            %dma_wait3A_98 = tpu.memref_slice %arg3[%arg1, %dma_wait3A_96, %dma_wait3A_97] : memref<16x79x128xi32, #tpu.memory_space<hbm>> -> memref<1x79x128xi32, #tpu.memory_space<hbm>>
            %dma_wait3A_99 = tpu.memref_squeeze %dma_wait3A_98 : memref<1x79x128xi32, #tpu.memory_space<hbm>> -> memref<79x128xi32, #tpu.memory_space<hbm>>
            %dma_wait3A_100 = arith.constant 0 : i32
            %dma_wait3A_101 = tpu.memref_slice %dma_wait3A_99[%add3A_55, %dma_wait3A_100] : memref<79x128xi32, #tpu.memory_space<hbm>> -> memref<1x128xi32, #tpu.memory_space<hbm>>
            %dma_wait3A_102 = tpu.memref_squeeze %dma_wait3A_101 : memref<1x128xi32, #tpu.memory_space<hbm>> -> memref<128xi32, #tpu.memory_space<hbm>>
            tpu.wait_dma2 semaphore(%run_scoped3A_74 : memref<!tpu.dma_semaphore, #tpu.memory_space<semaphore_mem>>) src(%dma_wait3A_102 : memref<128xi32, #tpu.memory_space<hbm>>) dst(%arg8 : memref<128xi32, #tpu.memory_space<vmem>>)
            tpu.yield
          }) : () -> ()
          %dma_start3A_67 = arith.constant 0 : i32
          %dma_start3A_68 = arith.constant 0 : i32
          %dma_start3A_69 = tpu.memref_slice %arg2[%add3A_20, %dma_start3A_67, %dma_start3A_68] : memref<4x10000x128xf32, #tpu.memory_space<hbm>> -> memref<1x10000x128xf32, #tpu.memory_space<hbm>>
          %dma_start3A_70 = tpu.memref_squeeze %dma_start3A_69 : memref<1x10000x128xf32, #tpu.memory_space<hbm>> -> memref<10000x128xf32, #tpu.memory_space<hbm>>
          %dma_start3A_71 = arith.constant 0 : i32
          %dma_start3A_72 = arith.constant 0 : i32
          %dma_start3A_73 = tpu.memref_slice %dma_start3A_70[%dma_start3A_71, %dma_start3A_72] : memref<10000x128xf32, #tpu.memory_space<hbm>> -> memref<10000x128xf32, #tpu.memory_space<hbm>>
          tpu.enqueue_indirect_dma source(%dma_start3A_73 : memref<10000x128xf32, #tpu.memory_space<hbm>>) target(%arg11 : memref<128x128xf32, #tpu.memory_space<vmem>>) offsets(%arg8 : memref<128xi32, #tpu.memory_space<vmem>>) semaphore(%arg13 : memref<!tpu.dma_semaphore, #tpu.memory_space<semaphore_mem>>)
        } else {
        }
        %dma_wait3A = arith.constant 0 : i32
        %dma_wait3A_61 = arith.constant 0 : i32
        %dma_wait3A_62 = tpu.memref_slice %arg2[%add3A_20, %dma_wait3A, %dma_wait3A_61] : memref<4x10000x128xf32, #tpu.memory_space<hbm>> -> memref<1x10000x128xf32, #tpu.memory_space<hbm>>
        %dma_wait3A_63 = tpu.memref_squeeze %dma_wait3A_62 : memref<1x10000x128xf32, #tpu.memory_space<hbm>> -> memref<10000x128xf32, #tpu.memory_space<hbm>>
        %dma_wait3A_64 = arith.constant 0 : i32
        %dma_wait3A_65 = arith.constant 0 : i32
        %dma_wait3A_66 = tpu.memref_slice %dma_wait3A_63[%dma_wait3A_64, %dma_wait3A_65] : memref<10000x128xf32, #tpu.memory_space<hbm>> -> memref<10000x128xf32, #tpu.memory_space<hbm>>
        tpu.wait_indirect_dma semaphore(%arg14 : memref<!tpu.dma_semaphore, #tpu.memory_space<semaphore_mem>>) src(%dma_wait3A_66 : memref<10000x128xf32, #tpu.memory_space<hbm>>) dst(%arg12 : memref<128x128xf32, #tpu.memory_space<vmem>>)
        "tpu.region"() ({
          %run_scoped3A_67 = tpu.sem_alloc : memref<!tpu.dma_semaphore, #tpu.memory_space<semaphore_mem>>
          %dma_start3A_68 = arith.constant 0 : i32
          %dma_start3A_69 = tpu.memref_slice %arg10[%add3A_48, %dma_start3A_68] : memref<79x128xi32, #tpu.memory_space<vmem>> -> memref<1x128xi32, #tpu.memory_space<vmem>>
          %dma_start3A_70 = tpu.memref_squeeze %dma_start3A_69 : memref<1x128xi32, #tpu.memory_space<vmem>> -> memref<128xi32, #tpu.memory_space<vmem>>
          %dma_start3A_71 = arith.constant 0 : i32
          %dma_start3A_72 = arith.constant 0 : i32
          %dma_start3A_73 = tpu.memref_slice %arg7[%dma_start3A_71, %dma_start3A_72] : memref<10112x128xf32, #tpu.memory_space<vmem_shared>> -> memref<10112x128xf32, #tpu.memory_space<vmem_shared>>
          tpu.enqueue_indirect_dma source(%arg12 : memref<128x128xf32, #tpu.memory_space<vmem>>) target(%dma_start3A_73 : memref<10112x128xf32, #tpu.memory_space<vmem_shared>>) offsets(%dma_start3A_70 : memref<128xi32, #tpu.memory_space<vmem>>) semaphore(%run_scoped3A_67 : memref<!tpu.dma_semaphore, #tpu.memory_space<semaphore_mem>>) {add = true}
          %dma_wait3A_74 = arith.constant 0 : i32
          %dma_wait3A_75 = tpu.memref_slice %arg10[%add3A_48, %dma_wait3A_74] : memref<79x128xi32, #tpu.memory_space<vmem>> -> memref<1x128xi32, #tpu.memory_space<vmem>>
          %dma_wait3A_76 = tpu.memref_squeeze %dma_wait3A_75 : memref<1x128xi32, #tpu.memory_space<vmem>> -> memref<128xi32, #tpu.memory_space<vmem>>
          %dma_wait3A_77 = arith.constant 0 : i32
          %dma_wait3A_78 = arith.constant 0 : i32
          %dma_wait3A_79 = tpu.memref_slice %arg7[%dma_wait3A_77, %dma_wait3A_78] : memref<10112x128xf32, #tpu.memory_space<vmem_shared>> -> memref<10112x128xf32, #tpu.memory_space<vmem_shared>>
          tpu.wait_indirect_dma semaphore(%run_scoped3A_67 : memref<!tpu.dma_semaphore, #tpu.memory_space<semaphore_mem>>) src(%arg12 : memref<128x128xf32, #tpu.memory_space<vmem>>) dst(%dma_wait3A_79 : memref<10112x128xf32, #tpu.memory_space<vmem_shared>>)
          tpu.yield
        }) : () -> ()
      } else {
      }
    }
    %scan3A_35 = arith.constant 40 : i32
    %barrier3A_36 = arith.constant 0 : index
    tpu.barrier barrier_id(%barrier3A_36)
    "tpu.region"() ({
      %run_scoped3A_38 = tpu.sem_alloc : memref<!tpu.dma_semaphore, #tpu.memory_space<semaphore_mem>>
      %dma_start3A_39 = arith.constant 0 : i32
      %dma_start3A_40 = arith.constant 0 : i32
      %dma_start3A_41 = tpu.memref_slice %arg6[%add3A_20, %dma_start3A_39, %dma_start3A_40] : memref<4x10112x128xf32, #tpu.memory_space<hbm>> -> memref<1x10112x128xf32, #tpu.memory_space<hbm>>
      %dma_start3A_42 = tpu.memref_squeeze %dma_start3A_41 : memref<1x10112x128xf32, #tpu.memory_space<hbm>> -> memref<10112x128xf32, #tpu.memory_space<hbm>>
      %dma_start3A_43 = arith.constant 0 : i32
      %dma_start3A_44 = tpu.memref_slice %dma_start3A_42[%mul3A_0, %dma_start3A_43] : memref<10112x128xf32, #tpu.memory_space<hbm>> -> memref<632x128xf32, #tpu.memory_space<hbm>>
      %dma_start3A_45 = arith.constant 0 : i32
      %dma_start3A_46 = tpu.memref_slice %arg7[%mul3A_0, %dma_start3A_45] : memref<10112x128xf32, #tpu.memory_space<vmem_shared>> -> memref<632x128xf32, #tpu.memory_space<vmem_shared>>
      tpu.enqueue_dma source(%dma_start3A_46 : memref<632x128xf32, #tpu.memory_space<vmem_shared>>) target(%dma_start3A_44 : memref<632x128xf32, #tpu.memory_space<hbm>>) target_semaphore(%run_scoped3A_38 : memref<!tpu.dma_semaphore, #tpu.memory_space<semaphore_mem>>)
      %dma_wait3A = arith.constant 0 : i32
      %dma_wait3A_47 = arith.constant 0 : i32
      %dma_wait3A_48 = tpu.memref_slice %arg6[%add3A_20, %dma_wait3A, %dma_wait3A_47] : memref<4x10112x128xf32, #tpu.memory_space<hbm>> -> memref<1x10112x128xf32, #tpu.memory_space<hbm>>
      %dma_wait3A_49 = tpu.memref_squeeze %dma_wait3A_48 : memref<1x10112x128xf32, #tpu.memory_space<hbm>> -> memref<10112x128xf32, #tpu.memory_space<hbm>>
      %dma_wait3A_50 = arith.constant 0 : i32
      %dma_wait3A_51 = tpu.memref_slice %dma_wait3A_49[%mul3A_0, %dma_wait3A_50] : memref<10112x128xf32, #tpu.memory_space<hbm>> -> memref<632x128xf32, #tpu.memory_space<hbm>>
      %dma_wait3A_52 = arith.constant 0 : i32
      %dma_wait3A_53 = tpu.memref_slice %arg7[%mul3A_0, %dma_wait3A_52] : memref<10112x128xf32, #tpu.memory_space<vmem_shared>> -> memref<632x128xf32, #tpu.memory_space<vmem_shared>>
      tpu.wait_dma2 semaphore(%run_scoped3A_38 : memref<!tpu.dma_semaphore, #tpu.memory_space<semaphore_mem>>) src(%dma_wait3A_53 : memref<632x128xf32, #tpu.memory_space<vmem_shared>>) dst(%dma_wait3A_51 : memref<632x128xf32, #tpu.memory_space<hbm>>)
      tpu.yield
    }) : () -> ()
    %barrier3A_37 = arith.constant 0 : index
    tpu.barrier barrier_id(%barrier3A_37)
    return
  }
}

module attributes {stable_mosaic.version = 14 : i64} {
  func.func @_norm_attn_body(%arg0: i32, %arg1: i32, %arg2: memref<1x1000x128xf32, #tpu.memory_space<vmem>>, %arg3: memref<1x8x128xf32, #tpu.memory_space<vmem>>, %arg4: memref<1x8x128xf32, #tpu.memory_space<vmem>>, %arg5: memref<128x16xf32, #tpu.memory_space<vmem>>, %arg6: memref<1x16xf32, #tpu.memory_space<vmem>>, %arg7: memref<16x128xf32, #tpu.memory_space<vmem>>, %arg8: memref<1x128xf32, #tpu.memory_space<vmem>>, %arg9: memref<1x1000x128xf32, #tpu.memory_space<vmem>>) attributes {dimension_semantics = [#tpu.dimension_semantics<arbitrary>, #tpu.dimension_semantics<arbitrary>], iteration_bounds = array<i64: 4, 10>, scalar_prefetch = 0 : i64, scratch_operands = 0 : i64, tpu.core_type = #tpu.core_type<tc>, window_params = [{transform_indices = @transform_0, window_bounds = array<i64: 1, 1000, 128>}, {transform_indices = @transform_1, window_bounds = array<i64: 1, 8, 128>}, {transform_indices = @transform_2, window_bounds = array<i64: 1, 8, 128>}, {pipeline_mode = #tpu.pipeline_mode<synchronous>, transform_indices = @transform_3, window_bounds = array<i64: 128, 16>}, {pipeline_mode = #tpu.pipeline_mode<synchronous>, transform_indices = @transform_4, window_bounds = array<i64: 1, 16>}, {pipeline_mode = #tpu.pipeline_mode<synchronous>, transform_indices = @transform_5, window_bounds = array<i64: 16, 128>}, {pipeline_mode = #tpu.pipeline_mode<synchronous>, transform_indices = @transform_6, window_bounds = array<i64: 1, 128>}, {transform_indices = @transform_7, window_bounds = array<i64: 1, 1000, 128>}]} {
    %get3A = arith.constant 0 : index
    %get3A_0 = arith.constant 0 : index
    %get3A_1 = arith.constant 0 : index
    %get3A_2 = vector.load %arg2[%get3A, %get3A_0, %get3A_1] : memref<1x1000x128xf32, #tpu.memory_space<vmem>>, vector<1x1000x128xf32>
    %get3A_3 = vector.shape_cast %get3A_2 : vector<1x1000x128xf32> to vector<1000x128xf32>
    %get3A_4 = arith.constant 0 : index
    %get3A_5 = arith.constant 0 : index
    %get3A_6 = arith.constant 0 : index
    %get3A_7 = vector.load %arg3[%get3A_4, %get3A_5, %get3A_6] : memref<1x8x128xf32, #tpu.memory_space<vmem>>, vector<1x1x128xf32>
    %get3A_8 = vector.shape_cast %get3A_7 : vector<1x1x128xf32> to vector<1x128xf32>
    %div3A = arith.constant 1.000000e+04 : f32
    %div3A_9 = vector.broadcast %div3A : f32 to vector<1x128xf32>
    %div3A_10 = arith.divf %get3A_8, %div3A_9 : vector<1x128xf32>
    %get3A_11 = arith.constant 0 : index
    %get3A_12 = arith.constant 0 : index
    %get3A_13 = arith.constant 0 : index
    %get3A_14 = vector.load %arg4[%get3A_11, %get3A_12, %get3A_13] : memref<1x8x128xf32, #tpu.memory_space<vmem>>, vector<1x1x128xf32>
    %get3A_15 = vector.shape_cast %get3A_14 : vector<1x1x128xf32> to vector<1x128xf32>
    %div3A_16 = arith.constant 1.000000e+04 : f32
    %div3A_17 = vector.broadcast %div3A_16 : f32 to vector<1x128xf32>
    %div3A_18 = arith.divf %get3A_15, %div3A_17 : vector<1x128xf32>
    %mul3A = arith.mulf %div3A_10, %div3A_10 : vector<1x128xf32>
    %sub3A = arith.subf %div3A_18, %mul3A : vector<1x128xf32>
    %sub3A_19 = vector.broadcast %div3A_10 : vector<1x128xf32> to vector<1000x128xf32>
    %sub3A_20 = arith.subf %get3A_3, %sub3A_19 : vector<1000x128xf32>
    %add3A = arith.constant 9.99999974E-6 : f32
    %add3A_21 = vector.broadcast %add3A : f32 to vector<1x128xf32>
    %add3A_22 = arith.addf %sub3A, %add3A_21 : vector<1x128xf32>
    %sqrt3A = math.sqrt %add3A_22 : vector<1x128xf32>
    %div3A_23 = vector.broadcast %sqrt3A : vector<1x128xf32> to vector<1000x128xf32>
    %div3A_24 = arith.divf %sub3A_20, %div3A_23 : vector<1000x128xf32>
    %get3A_25 = arith.constant 0 : index
    %get3A_26 = arith.constant 0 : index
    %get3A_27 = vector.load %arg5[%get3A_25, %get3A_26] : memref<128x16xf32, #tpu.memory_space<vmem>>, vector<128x16xf32>
    %dot_general3A = arith.constant dense<0.000000e+00> : vector<1000x16xf32>
    %dot_general3A_28 = tpu.matmul %div3A_24, %get3A_27, %dot_general3A {dimension_numbers = #tpu.dot_dimension_numbers<[1], [0], [0], [1], [0, 0, 1, 1], [], []>, transpose_lhs_hint = false} : vector<1000x128xf32>, vector<128x16xf32>, vector<1000x16xf32> -> vector<1000x16xf32>
    %get3A_29 = arith.constant 0 : index
    %get3A_30 = arith.constant 0 : index
    %get3A_31 = vector.load %arg6[%get3A_29, %get3A_30] : memref<1x16xf32, #tpu.memory_space<vmem>>, vector<1x16xf32>
    %add3A_32 = vector.broadcast %get3A_31 : vector<1x16xf32> to vector<1000x16xf32>
    %add3A_33 = arith.addf %dot_general3A_28, %add3A_32 : vector<1000x16xf32>
    %max3A = arith.constant 0.000000e+00 : f32
    %max3A_34 = vector.broadcast %max3A : f32 to vector<1000x16xf32>
    %max3A_35 = arith.maximumf %add3A_33, %max3A_34 : vector<1000x16xf32>
    %get3A_36 = arith.constant 0 : index
    %get3A_37 = arith.constant 0 : index
    %get3A_38 = vector.load %arg7[%get3A_36, %get3A_37] : memref<16x128xf32, #tpu.memory_space<vmem>>, vector<16x128xf32>
    %dot_general3A_39 = arith.constant dense<0.000000e+00> : vector<1000x128xf32>
    %dot_general3A_40 = tpu.matmul %max3A_35, %get3A_38, %dot_general3A_39 {dimension_numbers = #tpu.dot_dimension_numbers<[1], [0], [0], [1], [0, 0, 1, 1], [], []>, transpose_lhs_hint = false} : vector<1000x16xf32>, vector<16x128xf32>, vector<1000x128xf32> -> vector<1000x128xf32>
    %get3A_41 = arith.constant 0 : index
    %get3A_42 = arith.constant 0 : index
    %get3A_43 = vector.load %arg8[%get3A_41, %get3A_42] : memref<1x128xf32, #tpu.memory_space<vmem>>, vector<1x128xf32>
    %add3A_44 = vector.broadcast %get3A_43 : vector<1x128xf32> to vector<1000x128xf32>
    %add3A_45 = arith.addf %dot_general3A_40, %add3A_44 : vector<1000x128xf32>
    %logistic3A = arith.negf %add3A_45 : vector<1000x128xf32>
    %logistic3A_46 = math.exp %logistic3A : vector<1000x128xf32>
    %logistic3A_47 = arith.constant 1.000000e+00 : f32
    %logistic3A_48 = vector.broadcast %logistic3A_47 : f32 to vector<1000x128xf32>
    %logistic3A_49 = arith.addf %logistic3A_48, %logistic3A_46 : vector<1000x128xf32>
    %logistic3A_50 = arith.divf %logistic3A_48, %logistic3A_49 : vector<1000x128xf32>
    %mul3A_51 = arith.mulf %logistic3A_50, %div3A_24 : vector<1000x128xf32>
    %max3A_52 = arith.constant 0.000000e+00 : f32
    %max3A_53 = vector.broadcast %max3A_52 : f32 to vector<1000x128xf32>
    %max3A_54 = arith.maximumf %mul3A_51, %max3A_53 : vector<1000x128xf32>
    %swap3A = arith.constant 0 : index
    %swap3A_55 = arith.constant 0 : index
    %swap3A_56 = arith.constant 0 : index
    %swap3A_57 = vector.load %arg9[%swap3A, %swap3A_55, %swap3A_56] : memref<1x1000x128xf32, #tpu.memory_space<vmem>>, vector<1x1000x128xf32>
    %swap3A_58 = vector.shape_cast %swap3A_57 : vector<1x1000x128xf32> to vector<1000x128xf32>
    %swap3A_59 = vector.shape_cast %max3A_54 : vector<1000x128xf32> to vector<1x1000x128xf32>
    tpu.vector_store %arg9[%swap3A, %swap3A_55, %swap3A_56], %swap3A_59 {strides = array<i32>} : memref<1x1000x128xf32, #tpu.memory_space<vmem>>, vector<1x1000x128xf32>,
    return
  }
  func.func @transform_0(%arg0: i32, %arg1: i32) -> (i32, i32, i32) {
    %c0_i32 = arith.constant 0 : i32
    %c0_i32_0 = arith.constant 0 : i32
    return %arg0, %arg1, %c0_i32 : i32, i32, i32
  }
  func.func @transform_1(%arg0: i32, %arg1: i32) -> (i32, i32, i32) {
    %c0_i32 = arith.constant 0 : i32
    %c0_i32_0 = arith.constant 0 : i32
    %c0_i32_1 = arith.constant 0 : i32
    return %arg0, %c0_i32, %c0_i32_0 : i32, i32, i32
  }
  func.func @transform_2(%arg0: i32, %arg1: i32) -> (i32, i32, i32) {
    %c0_i32 = arith.constant 0 : i32
    %c0_i32_0 = arith.constant 0 : i32
    %c0_i32_1 = arith.constant 0 : i32
    return %arg0, %c0_i32, %c0_i32_0 : i32, i32, i32
  }
  func.func @transform_3(%arg0: i32, %arg1: i32) -> (i32, i32) {
    %c0_i32 = arith.constant 0 : i32
    %c0_i32_0 = arith.constant 0 : i32
    %c0_i32_1 = arith.constant 0 : i32
    return %c0_i32, %c0_i32_0 : i32, i32
  }
  func.func @transform_4(%arg0: i32, %arg1: i32) -> (i32, i32) {
    %c0_i32 = arith.constant 0 : i32
    %c0_i32_0 = arith.constant 0 : i32
    %c0_i32_1 = arith.constant 0 : i32
    return %c0_i32, %c0_i32_0 : i32, i32
  }
  func.func @transform_5(%arg0: i32, %arg1: i32) -> (i32, i32) {
    %c0_i32 = arith.constant 0 : i32
    %c0_i32_0 = arith.constant 0 : i32
    %c0_i32_1 = arith.constant 0 : i32
    return %c0_i32, %c0_i32_0 : i32, i32
  }
  func.func @transform_6(%arg0: i32, %arg1: i32) -> (i32, i32) {
    %c0_i32 = arith.constant 0 : i32
    %c0_i32_0 = arith.constant 0 : i32
    %c0_i32_1 = arith.constant 0 : i32
    return %c0_i32, %c0_i32_0 : i32, i32
  }
  func.func @transform_7(%arg0: i32, %arg1: i32) -> (i32, i32, i32) {
    %c0_i32 = arith.constant 0 : i32
    %c0_i32_0 = arith.constant 0 : i32
    return %arg0, %arg1, %c0_i32 : i32, i32, i32
  }
}

module attributes {stable_mosaic.version = 14 : i64} {
  func.func @_embed_lin0_body(%arg0: i32, %arg1: i32, %arg2: memref<1000x134xf32, #tpu.memory_space<vmem>>, %arg3: memref<1000x6xi32, #tpu.memory_space<vmem>>, %arg4: memref<1000x1xi32, #tpu.memory_space<vmem>>, %arg5: memref<1x1000x18xi32, #tpu.memory_space<vmem>>, %arg6: memref<1x1000xi32, #tpu.memory_space<vmem>>, %arg7: memref<1x1000xf32, #tpu.memory_space<vmem>>, %arg8: memref<134x128xf32, #tpu.memory_space<vmem>>, %arg9: memref<42x128xf32, #tpu.memory_space<vmem>>, %arg10: memref<126x128xf32, #tpu.memory_space<vmem>>, %arg11: memref<120x128xf32, #tpu.memory_space<vmem>>, %arg12: memref<1x256xf32, #tpu.memory_space<vmem>>, %arg13: memref<1x1000x128xf32, #tpu.memory_space<vmem>>, %arg14: memref<1x8x128xf32, #tpu.memory_space<vmem>>, %arg15: memref<1x8x128xf32, #tpu.memory_space<vmem>>) attributes {dimension_semantics = [#tpu.dimension_semantics<arbitrary>, #tpu.dimension_semantics<arbitrary>], iteration_bounds = array<i64: 4, 10>, scalar_prefetch = 0 : i64, scratch_operands = 0 : i64, tpu.core_type = #tpu.core_type<tc>, window_params = [{transform_indices = @transform_0, window_bounds = array<i64: 1000, 134>}, {transform_indices = @transform_1, window_bounds = array<i64: 1000, 6>}, {transform_indices = @transform_2, window_bounds = array<i64: 1000, 1>}, {transform_indices = @transform_3, window_bounds = array<i64: 1, 1000, 18>}, {pipeline_mode = #tpu.pipeline_mode<synchronous>, transform_indices = @transform_4, window_bounds = array<i64: 1, 1000>}, {pipeline_mode = #tpu.pipeline_mode<synchronous>, transform_indices = @transform_5, window_bounds = array<i64: 1, 1000>}, {pipeline_mode = #tpu.pipeline_mode<synchronous>, transform_indices = @transform_6, window_bounds = array<i64: 134, 128>}, {pipeline_mode = #tpu.pipeline_mode<synchronous>, transform_indices = @transform_7, window_bounds = array<i64: 42, 128>}, {pipeline_mode = #tpu.pipeline_mode<synchronous>, transform_indices = @transform_8, window_bounds = array<i64: 126, 128>}, {pipeline_mode = #tpu.pipeline_mode<synchronous>, transform_indices = @transform_9, window_bounds = array<i64: 120, 128>}, {pipeline_mode = #tpu.pipeline_mode<synchronous>, transform_indices = @transform_10, window_bounds = array<i64: 1, 256>}, {transform_indices = @transform_11, window_bounds = array<i64: 1, 1000, 128>}, {transform_indices = @transform_12, window_bounds = array<i64: 1, 8, 128>}, {transform_indices = @transform_13, window_bounds = array<i64: 1, 8, 128>}]} {
    %get3A = arith.constant 0 : index
    %get3A_0 = arith.constant 0 : index
    %get3A_1 = vector.load %arg2[%get3A, %get3A_0] : memref<1000x134xf32, #tpu.memory_space<vmem>>, vector<1000x134xf32>
    %get3A_2 = arith.constant 0 : index
    %get3A_3 = arith.constant 0 : index
    %get3A_4 = vector.load %arg8[%get3A_2, %get3A_3] : memref<134x128xf32, #tpu.memory_space<vmem>>, vector<134x128xf32>
    %dot_general3A = arith.constant dense<0.000000e+00> : vector<1000x128xf32>
    %dot_general3A_5 = tpu.matmul %get3A_1, %get3A_4, %dot_general3A {dimension_numbers = #tpu.dot_dimension_numbers<[1], [0], [0], [1], [0, 0, 1, 1], [], []>, transpose_lhs_hint = false} : vector<1000x134xf32>, vector<134x128xf32>, vector<1000x128xf32> -> vector<1000x128xf32>
    %get3A_6 = arith.constant 0 : index
    %get3A_7 = arith.constant 0 : index
    %get3A_8 = vector.load %arg4[%get3A_6, %get3A_7] : memref<1000x1xi32, #tpu.memory_space<vmem>>, vector<1000x1xi32>
    %iota3A = tpu.iota {dimensions = array<i32: 1>} : vector<1x120xi32>
    %eq3A = vector.broadcast %get3A_8 : vector<1000x1xi32> to vector<1000x120xi32>
    %eq3A_9 = vector.broadcast %iota3A : vector<1x120xi32> to vector<1000x120xi32>
    %eq3A_10 = arith.cmpi eq, %eq3A, %eq3A_9 : vector<1000x120xi32>
    %convert_element_type3A = arith.extui %eq3A_10 : vector<1000x120xi1> to vector<1000x120xi32>
    %convert_element_type3A_11 = arith.sitofp %convert_element_type3A : vector<1000x120xi32> to vector<1000x120xf32>
    %get3A_12 = arith.constant 0 : index
    %get3A_13 = arith.constant 0 : index
    %get3A_14 = vector.load %arg11[%get3A_12, %get3A_13] : memref<120x128xf32, #tpu.memory_space<vmem>>, vector<120x128xf32>
    %dot_general3A_15 = arith.constant dense<0.000000e+00> : vector<1000x128xf32>
    %dot_general3A_16 = tpu.matmul %convert_element_type3A_11, %get3A_14, %dot_general3A_15 {dimension_numbers = #tpu.dot_dimension_numbers<[1], [0], [0], [1], [0, 0, 1, 1], [], []>, transpose_lhs_hint = false} : vector<1000x120xf32>, vector<120x128xf32>, vector<1000x128xf32> -> vector<1000x128xf32>
    %add3A = arith.addf %dot_general3A_5, %dot_general3A_16 : vector<1000x128xf32>
    %get3A_17 = arith.constant 0 : index
    %get3A_18 = arith.constant 0 : index
    %get3A_19 = vector.load %arg3[%get3A_17, %get3A_18] : memref<1000x6xi32, #tpu.memory_space<vmem>>, vector<1000x6xi32>
    %add3A_20 = arith.constant 1 : i32
    %add3A_21 = vector.broadcast %add3A_20 : i32 to vector<1000x6xi32>
    %add3A_22 = arith.addi %get3A_19, %add3A_21 : vector<1000x6xi32>
    %slice3A = vector.extract_strided_slice %add3A_22 {offsets = [0, 0], sizes = [1000, 1], strides = [1, 1]} : vector<1000x6xi32> to vector<1000x1xi32>
    %iota3A_23 = tpu.iota {dimensions = array<i32: 1>} : vector<1x7xi32>
    %eq3A_24 = vector.broadcast %slice3A : vector<1000x1xi32> to vector<1000x7xi32>
    %eq3A_25 = vector.broadcast %iota3A_23 : vector<1x7xi32> to vector<1000x7xi32>
    %eq3A_26 = arith.cmpi eq, %eq3A_24, %eq3A_25 : vector<1000x7xi32>
    %convert_element_type3A_27 = arith.extui %eq3A_26 : vector<1000x7xi1> to vector<1000x7xi32>
    %convert_element_type3A_28 = arith.sitofp %convert_element_type3A_27 : vector<1000x7xi32> to vector<1000x7xf32>
    %get3A_29 = arith.constant 0 : index
    %get3A_30 = arith.constant 0 : index
    %get3A_31 = vector.load %arg9[%get3A_29, %get3A_30] : memref<42x128xf32, #tpu.memory_space<vmem>>, vector<7x128xf32>
    %dot_general3A_32 = arith.constant dense<0.000000e+00> : vector<1000x128xf32>
    %dot_general3A_33 = tpu.matmul %convert_element_type3A_28, %get3A_31, %dot_general3A_32 {dimension_numbers = #tpu.dot_dimension_numbers<[1], [0], [0], [1], [0, 0, 1, 1], [], []>, transpose_lhs_hint = false} : vector<1000x7xf32>, vector<7x128xf32>, vector<1000x128xf32> -> vector<1000x128xf32>
    %add3A_34 = arith.addf %add3A, %dot_general3A_33 : vector<1000x128xf32>
    %slice3A_35 = vector.extract_strided_slice %add3A_22 {offsets = [0, 1], sizes = [1000, 1], strides = [1, 1]} : vector<1000x6xi32> to vector<1000x1xi32>
    %iota3A_36 = tpu.iota {dimensions = array<i32: 1>} : vector<1x7xi32>
    %eq3A_37 = vector.broadcast %slice3A_35 : vector<1000x1xi32> to vector<1000x7xi32>
    %eq3A_38 = vector.broadcast %iota3A_36 : vector<1x7xi32> to vector<1000x7xi32>
    %eq3A_39 = arith.cmpi eq, %eq3A_37, %eq3A_38 : vector<1000x7xi32>
    %convert_element_type3A_40 = arith.extui %eq3A_39 : vector<1000x7xi1> to vector<1000x7xi32>
    %convert_element_type3A_41 = arith.sitofp %convert_element_type3A_40 : vector<1000x7xi32> to vector<1000x7xf32>
    %get3A_42 = arith.constant 7 : index
    %get3A_43 = arith.constant 0 : index
    %get3A_44 = vector.load %arg9[%get3A_42, %get3A_43] : memref<42x128xf32, #tpu.memory_space<vmem>>, vector<7x128xf32>
    %dot_general3A_45 = arith.constant dense<0.000000e+00> : vector<1000x128xf32>
    %dot_general3A_46 = tpu.matmul %convert_element_type3A_41, %get3A_44, %dot_general3A_45 {dimension_numbers = #tpu.dot_dimension_numbers<[1], [0], [0], [1], [0, 0, 1, 1], [], []>, transpose_lhs_hint = false} : vector<1000x7xf32>, vector<7x128xf32>, vector<1000x128xf32> -> vector<1000x128xf32>
    %add3A_47 = arith.addf %add3A_34, %dot_general3A_46 : vector<1000x128xf32>
    %slice3A_48 = vector.extract_strided_slice %add3A_22 {offsets = [0, 2], sizes = [1000, 1], strides = [1, 1]} : vector<1000x6xi32> to vector<1000x1xi32>
    %iota3A_49 = tpu.iota {dimensions = array<i32: 1>} : vector<1x7xi32>
    %eq3A_50 = vector.broadcast %slice3A_48 : vector<1000x1xi32> to vector<1000x7xi32>
    %eq3A_51 = vector.broadcast %iota3A_49 : vector<1x7xi32> to vector<1000x7xi32>
    %eq3A_52 = arith.cmpi eq, %eq3A_50, %eq3A_51 : vector<1000x7xi32>
    %convert_element_type3A_53 = arith.extui %eq3A_52 : vector<1000x7xi1> to vector<1000x7xi32>
    %convert_element_type3A_54 = arith.sitofp %convert_element_type3A_53 : vector<1000x7xi32> to vector<1000x7xf32>
    %get3A_55 = arith.constant 14 : index
    %get3A_56 = arith.constant 0 : index
    %get3A_57 = vector.load %arg9[%get3A_55, %get3A_56] : memref<42x128xf32, #tpu.memory_space<vmem>>, vector<7x128xf32>
    %dot_general3A_58 = arith.constant dense<0.000000e+00> : vector<1000x128xf32>
    %dot_general3A_59 = tpu.matmul %convert_element_type3A_54, %get3A_57, %dot_general3A_58 {dimension_numbers = #tpu.dot_dimension_numbers<[1], [0], [0], [1], [0, 0, 1, 1], [], []>, transpose_lhs_hint = false} : vector<1000x7xf32>, vector<7x128xf32>, vector<1000x128xf32> -> vector<1000x128xf32>
    %add3A_60 = arith.addf %add3A_47, %dot_general3A_59 : vector<1000x128xf32>
    %slice3A_61 = vector.extract_strided_slice %add3A_22 {offsets = [0, 3], sizes = [1000, 1], strides = [1, 1]} : vector<1000x6xi32> to vector<1000x1xi32>
    %iota3A_62 = tpu.iota {dimensions = array<i32: 1>} : vector<1x7xi32>
    %eq3A_63 = vector.broadcast %slice3A_61 : vector<1000x1xi32> to vector<1000x7xi32>
    %eq3A_64 = vector.broadcast %iota3A_62 : vector<1x7xi32> to vector<1000x7xi32>
    %eq3A_65 = arith.cmpi eq, %eq3A_63, %eq3A_64 : vector<1000x7xi32>
    %convert_element_type3A_66 = arith.extui %eq3A_65 : vector<1000x7xi1> to vector<1000x7xi32>
    %convert_element_type3A_67 = arith.sitofp %convert_element_type3A_66 : vector<1000x7xi32> to vector<1000x7xf32>
    %get3A_68 = arith.constant 21 : index
    %get3A_69 = arith.constant 0 : index
    %get3A_70 = vector.load %arg9[%get3A_68, %get3A_69] : memref<42x128xf32, #tpu.memory_space<vmem>>, vector<7x128xf32>
    %dot_general3A_71 = arith.constant dense<0.000000e+00> : vector<1000x128xf32>
    %dot_general3A_72 = tpu.matmul %convert_element_type3A_67, %get3A_70, %dot_general3A_71 {dimension_numbers = #tpu.dot_dimension_numbers<[1], [0], [0], [1], [0, 0, 1, 1], [], []>, transpose_lhs_hint = false} : vector<1000x7xf32>, vector<7x128xf32>, vector<1000x128xf32> -> vector<1000x128xf32>
    %add3A_73 = arith.addf %add3A_60, %dot_general3A_72 : vector<1000x128xf32>
    %slice3A_74 = vector.extract_strided_slice %add3A_22 {offsets = [0, 4], sizes = [1000, 1], strides = [1, 1]} : vector<1000x6xi32> to vector<1000x1xi32>
    %iota3A_75 = tpu.iota {dimensions = array<i32: 1>} : vector<1x7xi32>
    %eq3A_76 = vector.broadcast %slice3A_74 : vector<1000x1xi32> to vector<1000x7xi32>
    %eq3A_77 = vector.broadcast %iota3A_75 : vector<1x7xi32> to vector<1000x7xi32>
    %eq3A_78 = arith.cmpi eq, %eq3A_76, %eq3A_77 : vector<1000x7xi32>
    %convert_element_type3A_79 = arith.extui %eq3A_78 : vector<1000x7xi1> to vector<1000x7xi32>
    %convert_element_type3A_80 = arith.sitofp %convert_element_type3A_79 : vector<1000x7xi32> to vector<1000x7xf32>
    %get3A_81 = arith.constant 28 : index
    %get3A_82 = arith.constant 0 : index
    %get3A_83 = vector.load %arg9[%get3A_81, %get3A_82] : memref<42x128xf32, #tpu.memory_space<vmem>>, vector<7x128xf32>
    %dot_general3A_84 = arith.constant dense<0.000000e+00> : vector<1000x128xf32>
    %dot_general3A_85 = tpu.matmul %convert_element_type3A_80, %get3A_83, %dot_general3A_84 {dimension_numbers = #tpu.dot_dimension_numbers<[1], [0], [0], [1], [0, 0, 1, 1], [], []>, transpose_lhs_hint = false} : vector<1000x7xf32>, vector<7x128xf32>, vector<1000x128xf32> -> vector<1000x128xf32>
    %add3A_86 = arith.addf %add3A_73, %dot_general3A_85 : vector<1000x128xf32>
    %slice3A_87 = vector.extract_strided_slice %add3A_22 {offsets = [0, 5], sizes = [1000, 1], strides = [1, 1]} : vector<1000x6xi32> to vector<1000x1xi32>
    %iota3A_88 = tpu.iota {dimensions = array<i32: 1>} : vector<1x7xi32>
    %eq3A_89 = vector.broadcast %slice3A_87 : vector<1000x1xi32> to vector<1000x7xi32>
    %eq3A_90 = vector.broadcast %iota3A_88 : vector<1x7xi32> to vector<1000x7xi32>
    %eq3A_91 = arith.cmpi eq, %eq3A_89, %eq3A_90 : vector<1000x7xi32>
    %convert_element_type3A_92 = arith.extui %eq3A_91 : vector<1000x7xi1> to vector<1000x7xi32>
    %convert_element_type3A_93 = arith.sitofp %convert_element_type3A_92 : vector<1000x7xi32> to vector<1000x7xf32>
    %get3A_94 = arith.constant 35 : index
    %get3A_95 = arith.constant 0 : index
    %get3A_96 = vector.load %arg9[%get3A_94, %get3A_95] : memref<42x128xf32, #tpu.memory_space<vmem>>, vector<7x128xf32>
    %dot_general3A_97 = arith.constant dense<0.000000e+00> : vector<1000x128xf32>
    %dot_general3A_98 = tpu.matmul %convert_element_type3A_93, %get3A_96, %dot_general3A_97 {dimension_numbers = #tpu.dot_dimension_numbers<[1], [0], [0], [1], [0, 0, 1, 1], [], []>, transpose_lhs_hint = false} : vector<1000x7xf32>, vector<7x128xf32>, vector<1000x128xf32> -> vector<1000x128xf32>
    %add3A_99 = arith.addf %add3A_86, %dot_general3A_98 : vector<1000x128xf32>
    %get3A_100 = arith.constant 0 : index
    %get3A_101 = arith.constant 0 : index
    %get3A_102 = vector.load %arg12[%get3A_100, %get3A_101] : memref<1x256xf32, #tpu.memory_space<vmem>>, vector<1x256xf32>
    %slice3A_103 = vector.extract_strided_slice %get3A_102 {offsets = [0, 0], sizes = [1, 128], strides = [1, 1]} : vector<1x256xf32> to vector<1x128xf32>
    %add3A_104 = vector.broadcast %slice3A_103 : vector<1x128xf32> to vector<1000x128xf32>
    %add3A_105 = arith.addf %add3A_99, %add3A_104 : vector<1000x128xf32>
    %get3A_106 = arith.constant 0 : index
    %get3A_107 = arith.constant 0 : index
    %get3A_108 = arith.constant 0 : index
    %get3A_109 = vector.load %arg5[%get3A_106, %get3A_107, %get3A_108] : memref<1x1000x18xi32, #tpu.memory_space<vmem>>, vector<1x1000x18xi32>
    %get3A_110 = vector.shape_cast %get3A_109 : vector<1x1000x18xi32> to vector<1000x18xi32>
    %add3A_111 = arith.constant 1 : i32
    %add3A_112 = vector.broadcast %add3A_111 : i32 to vector<1000x18xi32>
    %add3A_113 = arith.addi %get3A_110, %add3A_112 : vector<1000x18xi32>
    %broadcast_in_dim3A = arith.constant 0.000000e+00 : f32
    %broadcast_in_dim3A_114 = vector.broadcast %broadcast_in_dim3A : f32 to vector<1000x128xf32>
    %get3A_115 = arith.constant 0 : index
    %get3A_116 = arith.constant 0 : index
    %get3A_117 = vector.load %arg12[%get3A_115, %get3A_116] : memref<1x256xf32, #tpu.memory_space<vmem>>, vector<1x256xf32>
    %slice3A_118 = vector.extract_strided_slice %get3A_117 {offsets = [0, 128], sizes = [1, 128], strides = [1, 1]} : vector<1x256xf32> to vector<1x128xf32>
    %sub3A = vector.broadcast %slice3A_118 : vector<1x128xf32> to vector<1000x128xf32>
    %sub3A_119 = arith.subf %broadcast_in_dim3A_114, %sub3A : vector<1000x128xf32>
    %slice3A_120 = vector.extract_strided_slice %add3A_113 {offsets = [0, 0], sizes = [1000, 1], strides = [1, 1]} : vector<1000x18xi32> to vector<1000x1xi32>
    %iota3A_121 = tpu.iota {dimensions = array<i32: 1>} : vector<1x7xi32>
    %eq3A_122 = vector.broadcast %slice3A_120 : vector<1000x1xi32> to vector<1000x7xi32>
    %eq3A_123 = vector.broadcast %iota3A_121 : vector<1x7xi32> to vector<1000x7xi32>
    %eq3A_124 = arith.cmpi eq, %eq3A_122, %eq3A_123 : vector<1000x7xi32>
    %convert_element_type3A_125 = arith.extui %eq3A_124 : vector<1000x7xi1> to vector<1000x7xi32>
    %convert_element_type3A_126 = arith.sitofp %convert_element_type3A_125 : vector<1000x7xi32> to vector<1000x7xf32>
    %get3A_127 = arith.constant 0 : index
    %get3A_128 = arith.constant 0 : index
    %get3A_129 = vector.load %arg10[%get3A_127, %get3A_128] : memref<126x128xf32, #tpu.memory_space<vmem>>, vector<7x128xf32>
    %dot_general3A_130 = arith.constant dense<0.000000e+00> : vector<1000x128xf32>
    %dot_general3A_131 = tpu.matmul %convert_element_type3A_126, %get3A_129, %dot_general3A_130 {dimension_numbers = #tpu.dot_dimension_numbers<[1], [0], [0], [1], [0, 0, 1, 1], [], []>, transpose_lhs_hint = false} : vector<1000x7xf32>, vector<7x128xf32>, vector<1000x128xf32> -> vector<1000x128xf32>
    %add3A_132 = arith.addf %sub3A_119, %dot_general3A_131 : vector<1000x128xf32>
    %slice3A_133 = vector.extract_strided_slice %add3A_113 {offsets = [0, 1], sizes = [1000, 1], strides = [1, 1]} : vector<1000x18xi32> to vector<1000x1xi32>
    %iota3A_134 = tpu.iota {dimensions = array<i32: 1>} : vector<1x7xi32>
    %eq3A_135 = vector.broadcast %slice3A_133 : vector<1000x1xi32> to vector<1000x7xi32>
    %eq3A_136 = vector.broadcast %iota3A_134 : vector<1x7xi32> to vector<1000x7xi32>
    %eq3A_137 = arith.cmpi eq, %eq3A_135, %eq3A_136 : vector<1000x7xi32>
    %convert_element_type3A_138 = arith.extui %eq3A_137 : vector<1000x7xi1> to vector<1000x7xi32>
    %convert_element_type3A_139 = arith.sitofp %convert_element_type3A_138 : vector<1000x7xi32> to vector<1000x7xf32>
    %get3A_140 = arith.constant 7 : index
    %get3A_141 = arith.constant 0 : index
    %get3A_142 = vector.load %arg10[%get3A_140, %get3A_141] : memref<126x128xf32, #tpu.memory_space<vmem>>, vector<7x128xf32>
    %dot_general3A_143 = arith.constant dense<0.000000e+00> : vector<1000x128xf32>
    %dot_general3A_144 = tpu.matmul %convert_element_type3A_139, %get3A_142, %dot_general3A_143 {dimension_numbers = #tpu.dot_dimension_numbers<[1], [0], [0], [1], [0, 0, 1, 1], [], []>, transpose_lhs_hint = false} : vector<1000x7xf32>, vector<7x128xf32>, vector<1000x128xf32> -> vector<1000x128xf32>
    %add3A_145 = arith.addf %add3A_132, %dot_general3A_144 : vector<1000x128xf32>
    %slice3A_146 = vector.extract_strided_slice %add3A_113 {offsets = [0, 2], sizes = [1000, 1], strides = [1, 1]} : vector<1000x18xi32> to vector<1000x1xi32>
    %iota3A_147 = tpu.iota {dimensions = array<i32: 1>} : vector<1x7xi32>
    %eq3A_148 = vector.broadcast %slice3A_146 : vector<1000x1xi32> to vector<1000x7xi32>
    %eq3A_149 = vector.broadcast %iota3A_147 : vector<1x7xi32> to vector<1000x7xi32>
    %eq3A_150 = arith.cmpi eq, %eq3A_148, %eq3A_149 : vector<1000x7xi32>
    %convert_element_type3A_151 = arith.extui %eq3A_150 : vector<1000x7xi1> to vector<1000x7xi32>
    %convert_element_type3A_152 = arith.sitofp %convert_element_type3A_151 : vector<1000x7xi32> to vector<1000x7xf32>
    %get3A_153 = arith.constant 14 : index
    %get3A_154 = arith.constant 0 : index
    %get3A_155 = vector.load %arg10[%get3A_153, %get3A_154] : memref<126x128xf32, #tpu.memory_space<vmem>>, vector<7x128xf32>
    %dot_general3A_156 = arith.constant dense<0.000000e+00> : vector<1000x128xf32>
    %dot_general3A_157 = tpu.matmul %convert_element_type3A_152, %get3A_155, %dot_general3A_156 {dimension_numbers = #tpu.dot_dimension_numbers<[1], [0], [0], [1], [0, 0, 1, 1], [], []>, transpose_lhs_hint = false} : vector<1000x7xf32>, vector<7x128xf32>, vector<1000x128xf32> -> vector<1000x128xf32>
    %add3A_158 = arith.addf %add3A_145, %dot_general3A_157 : vector<1000x128xf32>
    %slice3A_159 = vector.extract_strided_slice %add3A_113 {offsets = [0, 3], sizes = [1000, 1], strides = [1, 1]} : vector<1000x18xi32> to vector<1000x1xi32>
    %iota3A_160 = tpu.iota {dimensions = array<i32: 1>} : vector<1x7xi32>
    %eq3A_161 = vector.broadcast %slice3A_159 : vector<1000x1xi32> to vector<1000x7xi32>
    %eq3A_162 = vector.broadcast %iota3A_160 : vector<1x7xi32> to vector<1000x7xi32>
    %eq3A_163 = arith.cmpi eq, %eq3A_161, %eq3A_162 : vector<1000x7xi32>
    %convert_element_type3A_164 = arith.extui %eq3A_163 : vector<1000x7xi1> to vector<1000x7xi32>
    %convert_element_type3A_165 = arith.sitofp %convert_element_type3A_164 : vector<1000x7xi32> to vector<1000x7xf32>
    %get3A_166 = arith.constant 21 : index
    %get3A_167 = arith.constant 0 : index
    %get3A_168 = vector.load %arg10[%get3A_166, %get3A_167] : memref<126x128xf32, #tpu.memory_space<vmem>>, vector<7x128xf32>
    %dot_general3A_169 = arith.constant dense<0.000000e+00> : vector<1000x128xf32>
    %dot_general3A_170 = tpu.matmul %convert_element_type3A_165, %get3A_168, %dot_general3A_169 {dimension_numbers = #tpu.dot_dimension_numbers<[1], [0], [0], [1], [0, 0, 1, 1], [], []>, transpose_lhs_hint = false} : vector<1000x7xf32>, vector<7x128xf32>, vector<1000x128xf32> -> vector<1000x128xf32>
    %add3A_171 = arith.addf %add3A_158, %dot_general3A_170 : vector<1000x128xf32>
    %slice3A_172 = vector.extract_strided_slice %add3A_113 {offsets = [0, 4], sizes = [1000, 1], strides = [1, 1]} : vector<1000x18xi32> to vector<1000x1xi32>
    %iota3A_173 = tpu.iota {dimensions = array<i32: 1>} : vector<1x7xi32>
    %eq3A_174 = vector.broadcast %slice3A_172 : vector<1000x1xi32> to vector<1000x7xi32>
    %eq3A_175 = vector.broadcast %iota3A_173 : vector<1x7xi32> to vector<1000x7xi32>
    %eq3A_176 = arith.cmpi eq, %eq3A_174, %eq3A_175 : vector<1000x7xi32>
    %convert_element_type3A_177 = arith.extui %eq3A_176 : vector<1000x7xi1> to vector<1000x7xi32>
    %convert_element_type3A_178 = arith.sitofp %convert_element_type3A_177 : vector<1000x7xi32> to vector<1000x7xf32>
    %get3A_179 = arith.constant 28 : index
    %get3A_180 = arith.constant 0 : index
    %get3A_181 = vector.load %arg10[%get3A_179, %get3A_180] : memref<126x128xf32, #tpu.memory_space<vmem>>, vector<7x128xf32>
    %dot_general3A_182 = arith.constant dense<0.000000e+00> : vector<1000x128xf32>
    %dot_general3A_183 = tpu.matmul %convert_element_type3A_178, %get3A_181, %dot_general3A_182 {dimension_numbers = #tpu.dot_dimension_numbers<[1], [0], [0], [1], [0, 0, 1, 1], [], []>, transpose_lhs_hint = false} : vector<1000x7xf32>, vector<7x128xf32>, vector<1000x128xf32> -> vector<1000x128xf32>
    %add3A_184 = arith.addf %add3A_171, %dot_general3A_183 : vector<1000x128xf32>
    %slice3A_185 = vector.extract_strided_slice %add3A_113 {offsets = [0, 5], sizes = [1000, 1], strides = [1, 1]} : vector<1000x18xi32> to vector<1000x1xi32>
    %iota3A_186 = tpu.iota {dimensions = array<i32: 1>} : vector<1x7xi32>
    %eq3A_187 = vector.broadcast %slice3A_185 : vector<1000x1xi32> to vector<1000x7xi32>
    %eq3A_188 = vector.broadcast %iota3A_186 : vector<1x7xi32> to vector<1000x7xi32>
    %eq3A_189 = arith.cmpi eq, %eq3A_187, %eq3A_188 : vector<1000x7xi32>
    %convert_element_type3A_190 = arith.extui %eq3A_189 : vector<1000x7xi1> to vector<1000x7xi32>
    %convert_element_type3A_191 = arith.sitofp %convert_element_type3A_190 : vector<1000x7xi32> to vector<1000x7xf32>
    %get3A_192 = arith.constant 35 : index
    %get3A_193 = arith.constant 0 : index
    %get3A_194 = vector.load %arg10[%get3A_192, %get3A_193] : memref<126x128xf32, #tpu.memory_space<vmem>>, vector<7x128xf32>
    %dot_general3A_195 = arith.constant dense<0.000000e+00> : vector<1000x128xf32>
    %dot_general3A_196 = tpu.matmul %convert_element_type3A_191, %get3A_194, %dot_general3A_195 {dimension_numbers = #tpu.dot_dimension_numbers<[1], [0], [0], [1], [0, 0, 1, 1], [], []>, transpose_lhs_hint = false} : vector<1000x7xf32>, vector<7x128xf32>, vector<1000x128xf32> -> vector<1000x128xf32>
    %add3A_197 = arith.addf %add3A_184, %dot_general3A_196 : vector<1000x128xf32>
    %slice3A_198 = vector.extract_strided_slice %add3A_113 {offsets = [0, 6], sizes = [1000, 1], strides = [1, 1]} : vector<1000x18xi32> to vector<1000x1xi32>
    %iota3A_199 = tpu.iota {dimensions = array<i32: 1>} : vector<1x7xi32>
    %eq3A_200 = vector.broadcast %slice3A_198 : vector<1000x1xi32> to vector<1000x7xi32>
    %eq3A_201 = vector.broadcast %iota3A_199 : vector<1x7xi32> to vector<1000x7xi32>
    %eq3A_202 = arith.cmpi eq, %eq3A_200, %eq3A_201 : vector<1000x7xi32>
    %convert_element_type3A_203 = arith.extui %eq3A_202 : vector<1000x7xi1> to vector<1000x7xi32>
    %convert_element_type3A_204 = arith.sitofp %convert_element_type3A_203 : vector<1000x7xi32> to vector<1000x7xf32>
    %get3A_205 = arith.constant 42 : index
    %get3A_206 = arith.constant 0 : index
    %get3A_207 = vector.load %arg10[%get3A_205, %get3A_206] : memref<126x128xf32, #tpu.memory_space<vmem>>, vector<7x128xf32>
    %dot_general3A_208 = arith.constant dense<0.000000e+00> : vector<1000x128xf32>
    %dot_general3A_209 = tpu.matmul %convert_element_type3A_204, %get3A_207, %dot_general3A_208 {dimension_numbers = #tpu.dot_dimension_numbers<[1], [0], [0], [1], [0, 0, 1, 1], [], []>, transpose_lhs_hint = false} : vector<1000x7xf32>, vector<7x128xf32>, vector<1000x128xf32> -> vector<1000x128xf32>
    %add3A_210 = arith.addf %add3A_197, %dot_general3A_209 : vector<1000x128xf32>
    %slice3A_211 = vector.extract_strided_slice %add3A_113 {offsets = [0, 7], sizes = [1000, 1], strides = [1, 1]} : vector<1000x18xi32> to vector<1000x1xi32>
    %iota3A_212 = tpu.iota {dimensions = array<i32: 1>} : vector<1x7xi32>
    %eq3A_213 = vector.broadcast %slice3A_211 : vector<1000x1xi32> to vector<1000x7xi32>
    %eq3A_214 = vector.broadcast %iota3A_212 : vector<1x7xi32> to vector<1000x7xi32>
    %eq3A_215 = arith.cmpi eq, %eq3A_213, %eq3A_214 : vector<1000x7xi32>
    %convert_element_type3A_216 = arith.extui %eq3A_215 : vector<1000x7xi1> to vector<1000x7xi32>
    %convert_element_type3A_217 = arith.sitofp %convert_element_type3A_216 : vector<1000x7xi32> to vector<1000x7xf32>
    %get3A_218 = arith.constant 49 : index
    %get3A_219 = arith.constant 0 : index
    %get3A_220 = vector.load %arg10[%get3A_218, %get3A_219] : memref<126x128xf32, #tpu.memory_space<vmem>>, vector<7x128xf32>
    %dot_general3A_221 = arith.constant dense<0.000000e+00> : vector<1000x128xf32>
    %dot_general3A_222 = tpu.matmul %convert_element_type3A_217, %get3A_220, %dot_general3A_221 {dimension_numbers = #tpu.dot_dimension_numbers<[1], [0], [0], [1], [0, 0, 1, 1], [], []>, transpose_lhs_hint = false} : vector<1000x7xf32>, vector<7x128xf32>, vector<1000x128xf32> -> vector<1000x128xf32>
    %add3A_223 = arith.addf %add3A_210, %dot_general3A_222 : vector<1000x128xf32>
    %slice3A_224 = vector.extract_strided_slice %add3A_113 {offsets = [0, 8], sizes = [1000, 1], strides = [1, 1]} : vector<1000x18xi32> to vector<1000x1xi32>
    %iota3A_225 = tpu.iota {dimensions = array<i32: 1>} : vector<1x7xi32>
    %eq3A_226 = vector.broadcast %slice3A_224 : vector<1000x1xi32> to vector<1000x7xi32>
    %eq3A_227 = vector.broadcast %iota3A_225 : vector<1x7xi32> to vector<1000x7xi32>
    %eq3A_228 = arith.cmpi eq, %eq3A_226, %eq3A_227 : vector<1000x7xi32>
    %convert_element_type3A_229 = arith.extui %eq3A_228 : vector<1000x7xi1> to vector<1000x7xi32>
    %convert_element_type3A_230 = arith.sitofp %convert_element_type3A_229 : vector<1000x7xi32> to vector<1000x7xf32>
    %get3A_231 = arith.constant 56 : index
    %get3A_232 = arith.constant 0 : index
    %get3A_233 = vector.load %arg10[%get3A_231, %get3A_232] : memref<126x128xf32, #tpu.memory_space<vmem>>, vector<7x128xf32>
    %dot_general3A_234 = arith.constant dense<0.000000e+00> : vector<1000x128xf32>
    %dot_general3A_235 = tpu.matmul %convert_element_type3A_230, %get3A_233, %dot_general3A_234 {dimension_numbers = #tpu.dot_dimension_numbers<[1], [0], [0], [1], [0, 0, 1, 1], [], []>, transpose_lhs_hint = false} : vector<1000x7xf32>, vector<7x128xf32>, vector<1000x128xf32> -> vector<1000x128xf32>
    %add3A_236 = arith.addf %add3A_223, %dot_general3A_235 : vector<1000x128xf32>
    %slice3A_237 = vector.extract_strided_slice %add3A_113 {offsets = [0, 9], sizes = [1000, 1], strides = [1, 1]} : vector<1000x18xi32> to vector<1000x1xi32>
    %iota3A_238 = tpu.iota {dimensions = array<i32: 1>} : vector<1x7xi32>
    %eq3A_239 = vector.broadcast %slice3A_237 : vector<1000x1xi32> to vector<1000x7xi32>
    %eq3A_240 = vector.broadcast %iota3A_238 : vector<1x7xi32> to vector<1000x7xi32>
    %eq3A_241 = arith.cmpi eq, %eq3A_239, %eq3A_240 : vector<1000x7xi32>
    %convert_element_type3A_242 = arith.extui %eq3A_241 : vector<1000x7xi1> to vector<1000x7xi32>
    %convert_element_type3A_243 = arith.sitofp %convert_element_type3A_242 : vector<1000x7xi32> to vector<1000x7xf32>
    %get3A_244 = arith.constant 63 : index
    %get3A_245 = arith.constant 0 : index
    %get3A_246 = vector.load %arg10[%get3A_244, %get3A_245] : memref<126x128xf32, #tpu.memory_space<vmem>>, vector<7x128xf32>
    %dot_general3A_247 = arith.constant dense<0.000000e+00> : vector<1000x128xf32>
    %dot_general3A_248 = tpu.matmul %convert_element_type3A_243, %get3A_246, %dot_general3A_247 {dimension_numbers = #tpu.dot_dimension_numbers<[1], [0], [0], [1], [0, 0, 1, 1], [], []>, transpose_lhs_hint = false} : vector<1000x7xf32>, vector<7x128xf32>, vector<1000x128xf32> -> vector<1000x128xf32>
    %add3A_249 = arith.addf %add3A_236, %dot_general3A_248 : vector<1000x128xf32>
    %slice3A_250 = vector.extract_strided_slice %add3A_113 {offsets = [0, 10], sizes = [1000, 1], strides = [1, 1]} : vector<1000x18xi32> to vector<1000x1xi32>
    %iota3A_251 = tpu.iota {dimensions = array<i32: 1>} : vector<1x7xi32>
    %eq3A_252 = vector.broadcast %slice3A_250 : vector<1000x1xi32> to vector<1000x7xi32>
    %eq3A_253 = vector.broadcast %iota3A_251 : vector<1x7xi32> to vector<1000x7xi32>
    %eq3A_254 = arith.cmpi eq, %eq3A_252, %eq3A_253 : vector<1000x7xi32>
    %convert_element_type3A_255 = arith.extui %eq3A_254 : vector<1000x7xi1> to vector<1000x7xi32>
    %convert_element_type3A_256 = arith.sitofp %convert_element_type3A_255 : vector<1000x7xi32> to vector<1000x7xf32>
    %get3A_257 = arith.constant 70 : index
    %get3A_258 = arith.constant 0 : index
    %get3A_259 = vector.load %arg10[%get3A_257, %get3A_258] : memref<126x128xf32, #tpu.memory_space<vmem>>, vector<7x128xf32>
    %dot_general3A_260 = arith.constant dense<0.000000e+00> : vector<1000x128xf32>
    %dot_general3A_261 = tpu.matmul %convert_element_type3A_256, %get3A_259, %dot_general3A_260 {dimension_numbers = #tpu.dot_dimension_numbers<[1], [0], [0], [1], [0, 0, 1, 1], [], []>, transpose_lhs_hint = false} : vector<1000x7xf32>, vector<7x128xf32>, vector<1000x128xf32> -> vector<1000x128xf32>
    %add3A_262 = arith.addf %add3A_249, %dot_general3A_261 : vector<1000x128xf32>
    %slice3A_263 = vector.extract_strided_slice %add3A_113 {offsets = [0, 11], sizes = [1000, 1], strides = [1, 1]} : vector<1000x18xi32> to vector<1000x1xi32>
    %iota3A_264 = tpu.iota {dimensions = array<i32: 1>} : vector<1x7xi32>
    %eq3A_265 = vector.broadcast %slice3A_263 : vector<1000x1xi32> to vector<1000x7xi32>
    %eq3A_266 = vector.broadcast %iota3A_264 : vector<1x7xi32> to vector<1000x7xi32>
    %eq3A_267 = arith.cmpi eq, %eq3A_265, %eq3A_266 : vector<1000x7xi32>
    %convert_element_type3A_268 = arith.extui %eq3A_267 : vector<1000x7xi1> to vector<1000x7xi32>
    %convert_element_type3A_269 = arith.sitofp %convert_element_type3A_268 : vector<1000x7xi32> to vector<1000x7xf32>
    %get3A_270 = arith.constant 77 : index
    %get3A_271 = arith.constant 0 : index
    %get3A_272 = vector.load %arg10[%get3A_270, %get3A_271] : memref<126x128xf32, #tpu.memory_space<vmem>>, vector<7x128xf32>
    %dot_general3A_273 = arith.constant dense<0.000000e+00> : vector<1000x128xf32>
    %dot_general3A_274 = tpu.matmul %convert_element_type3A_269, %get3A_272, %dot_general3A_273 {dimension_numbers = #tpu.dot_dimension_numbers<[1], [0], [0], [1], [0, 0, 1, 1], [], []>, transpose_lhs_hint = false} : vector<1000x7xf32>, vector<7x128xf32>, vector<1000x128xf32> -> vector<1000x128xf32>
    %add3A_275 = arith.addf %add3A_262, %dot_general3A_274 : vector<1000x128xf32>
    %slice3A_276 = vector.extract_strided_slice %add3A_113 {offsets = [0, 12], sizes = [1000, 1], strides = [1, 1]} : vector<1000x18xi32> to vector<1000x1xi32>
    %iota3A_277 = tpu.iota {dimensions = array<i32: 1>} : vector<1x7xi32>
    %eq3A_278 = vector.broadcast %slice3A_276 : vector<1000x1xi32> to vector<1000x7xi32>
    %eq3A_279 = vector.broadcast %iota3A_277 : vector<1x7xi32> to vector<1000x7xi32>
    %eq3A_280 = arith.cmpi eq, %eq3A_278, %eq3A_279 : vector<1000x7xi32>
    %convert_element_type3A_281 = arith.extui %eq3A_280 : vector<1000x7xi1> to vector<1000x7xi32>
    %convert_element_type3A_282 = arith.sitofp %convert_element_type3A_281 : vector<1000x7xi32> to vector<1000x7xf32>
    %get3A_283 = arith.constant 84 : index
    %get3A_284 = arith.constant 0 : index
    %get3A_285 = vector.load %arg10[%get3A_283, %get3A_284] : memref<126x128xf32, #tpu.memory_space<vmem>>, vector<7x128xf32>
    %dot_general3A_286 = arith.constant dense<0.000000e+00> : vector<1000x128xf32>
    %dot_general3A_287 = tpu.matmul %convert_element_type3A_282, %get3A_285, %dot_general3A_286 {dimension_numbers = #tpu.dot_dimension_numbers<[1], [0], [0], [1], [0, 0, 1, 1], [], []>, transpose_lhs_hint = false} : vector<1000x7xf32>, vector<7x128xf32>, vector<1000x128xf32> -> vector<1000x128xf32>
    %add3A_288 = arith.addf %add3A_275, %dot_general3A_287 : vector<1000x128xf32>
    %slice3A_289 = vector.extract_strided_slice %add3A_113 {offsets = [0, 13], sizes = [1000, 1], strides = [1, 1]} : vector<1000x18xi32> to vector<1000x1xi32>
    %iota3A_290 = tpu.iota {dimensions = array<i32: 1>} : vector<1x7xi32>
    %eq3A_291 = vector.broadcast %slice3A_289 : vector<1000x1xi32> to vector<1000x7xi32>
    %eq3A_292 = vector.broadcast %iota3A_290 : vector<1x7xi32> to vector<1000x7xi32>
    %eq3A_293 = arith.cmpi eq, %eq3A_291, %eq3A_292 : vector<1000x7xi32>
    %convert_element_type3A_294 = arith.extui %eq3A_293 : vector<1000x7xi1> to vector<1000x7xi32>
    %convert_element_type3A_295 = arith.sitofp %convert_element_type3A_294 : vector<1000x7xi32> to vector<1000x7xf32>
    %get3A_296 = arith.constant 91 : index
    %get3A_297 = arith.constant 0 : index
    %get3A_298 = vector.load %arg10[%get3A_296, %get3A_297] : memref<126x128xf32, #tpu.memory_space<vmem>>, vector<7x128xf32>
    %dot_general3A_299 = arith.constant dense<0.000000e+00> : vector<1000x128xf32>
    %dot_general3A_300 = tpu.matmul %convert_element_type3A_295, %get3A_298, %dot_general3A_299 {dimension_numbers = #tpu.dot_dimension_numbers<[1], [0], [0], [1], [0, 0, 1, 1], [], []>, transpose_lhs_hint = false} : vector<1000x7xf32>, vector<7x128xf32>, vector<1000x128xf32> -> vector<1000x128xf32>
    %add3A_301 = arith.addf %add3A_288, %dot_general3A_300 : vector<1000x128xf32>
    %slice3A_302 = vector.extract_strided_slice %add3A_113 {offsets = [0, 14], sizes = [1000, 1], strides = [1, 1]} : vector<1000x18xi32> to vector<1000x1xi32>
    %iota3A_303 = tpu.iota {dimensions = array<i32: 1>} : vector<1x7xi32>
    %eq3A_304 = vector.broadcast %slice3A_302 : vector<1000x1xi32> to vector<1000x7xi32>
    %eq3A_305 = vector.broadcast %iota3A_303 : vector<1x7xi32> to vector<1000x7xi32>
    %eq3A_306 = arith.cmpi eq, %eq3A_304, %eq3A_305 : vector<1000x7xi32>
    %convert_element_type3A_307 = arith.extui %eq3A_306 : vector<1000x7xi1> to vector<1000x7xi32>
    %convert_element_type3A_308 = arith.sitofp %convert_element_type3A_307 : vector<1000x7xi32> to vector<1000x7xf32>
    %get3A_309 = arith.constant 98 : index
    %get3A_310 = arith.constant 0 : index
    %get3A_311 = vector.load %arg10[%get3A_309, %get3A_310] : memref<126x128xf32, #tpu.memory_space<vmem>>, vector<7x128xf32>
    %dot_general3A_312 = arith.constant dense<0.000000e+00> : vector<1000x128xf32>
    %dot_general3A_313 = tpu.matmul %convert_element_type3A_308, %get3A_311, %dot_general3A_312 {dimension_numbers = #tpu.dot_dimension_numbers<[1], [0], [0], [1], [0, 0, 1, 1], [], []>, transpose_lhs_hint = false} : vector<1000x7xf32>, vector<7x128xf32>, vector<1000x128xf32> -> vector<1000x128xf32>
    %add3A_314 = arith.addf %add3A_301, %dot_general3A_313 : vector<1000x128xf32>
    %slice3A_315 = vector.extract_strided_slice %add3A_113 {offsets = [0, 15], sizes = [1000, 1], strides = [1, 1]} : vector<1000x18xi32> to vector<1000x1xi32>
    %iota3A_316 = tpu.iota {dimensions = array<i32: 1>} : vector<1x7xi32>
    %eq3A_317 = vector.broadcast %slice3A_315 : vector<1000x1xi32> to vector<1000x7xi32>
    %eq3A_318 = vector.broadcast %iota3A_316 : vector<1x7xi32> to vector<1000x7xi32>
    %eq3A_319 = arith.cmpi eq, %eq3A_317, %eq3A_318 : vector<1000x7xi32>
    %convert_element_type3A_320 = arith.extui %eq3A_319 : vector<1000x7xi1> to vector<1000x7xi32>
    %convert_element_type3A_321 = arith.sitofp %convert_element_type3A_320 : vector<1000x7xi32> to vector<1000x7xf32>
    %get3A_322 = arith.constant 105 : index
    %get3A_323 = arith.constant 0 : index
    %get3A_324 = vector.load %arg10[%get3A_322, %get3A_323] : memref<126x128xf32, #tpu.memory_space<vmem>>, vector<7x128xf32>
    %dot_general3A_325 = arith.constant dense<0.000000e+00> : vector<1000x128xf32>
    %dot_general3A_326 = tpu.matmul %convert_element_type3A_321, %get3A_324, %dot_general3A_325 {dimension_numbers = #tpu.dot_dimension_numbers<[1], [0], [0], [1], [0, 0, 1, 1], [], []>, transpose_lhs_hint = false} : vector<1000x7xf32>, vector<7x128xf32>, vector<1000x128xf32> -> vector<1000x128xf32>
    %add3A_327 = arith.addf %add3A_314, %dot_general3A_326 : vector<1000x128xf32>
    %slice3A_328 = vector.extract_strided_slice %add3A_113 {offsets = [0, 16], sizes = [1000, 1], strides = [1, 1]} : vector<1000x18xi32> to vector<1000x1xi32>
    %iota3A_329 = tpu.iota {dimensions = array<i32: 1>} : vector<1x7xi32>
    %eq3A_330 = vector.broadcast %slice3A_328 : vector<1000x1xi32> to vector<1000x7xi32>
    %eq3A_331 = vector.broadcast %iota3A_329 : vector<1x7xi32> to vector<1000x7xi32>
    %eq3A_332 = arith.cmpi eq, %eq3A_330, %eq3A_331 : vector<1000x7xi32>
    %convert_element_type3A_333 = arith.extui %eq3A_332 : vector<1000x7xi1> to vector<1000x7xi32>
    %convert_element_type3A_334 = arith.sitofp %convert_element_type3A_333 : vector<1000x7xi32> to vector<1000x7xf32>
    %get3A_335 = arith.constant 112 : index
    %get3A_336 = arith.constant 0 : index
    %get3A_337 = vector.load %arg10[%get3A_335, %get3A_336] : memref<126x128xf32, #tpu.memory_space<vmem>>, vector<7x128xf32>
    %dot_general3A_338 = arith.constant dense<0.000000e+00> : vector<1000x128xf32>
    %dot_general3A_339 = tpu.matmul %convert_element_type3A_334, %get3A_337, %dot_general3A_338 {dimension_numbers = #tpu.dot_dimension_numbers<[1], [0], [0], [1], [0, 0, 1, 1], [], []>, transpose_lhs_hint = false} : vector<1000x7xf32>, vector<7x128xf32>, vector<1000x128xf32> -> vector<1000x128xf32>
    %add3A_340 = arith.addf %add3A_327, %dot_general3A_339 : vector<1000x128xf32>
    %slice3A_341 = vector.extract_strided_slice %add3A_113 {offsets = [0, 17], sizes = [1000, 1], strides = [1, 1]} : vector<1000x18xi32> to vector<1000x1xi32>
    %iota3A_342 = tpu.iota {dimensions = array<i32: 1>} : vector<1x7xi32>
    %eq3A_343 = vector.broadcast %slice3A_341 : vector<1000x1xi32> to vector<1000x7xi32>
    %eq3A_344 = vector.broadcast %iota3A_342 : vector<1x7xi32> to vector<1000x7xi32>
    %eq3A_345 = arith.cmpi eq, %eq3A_343, %eq3A_344 : vector<1000x7xi32>
    %convert_element_type3A_346 = arith.extui %eq3A_345 : vector<1000x7xi1> to vector<1000x7xi32>
    %convert_element_type3A_347 = arith.sitofp %convert_element_type3A_346 : vector<1000x7xi32> to vector<1000x7xf32>
    %get3A_348 = arith.constant 119 : index
    %get3A_349 = arith.constant 0 : index
    %get3A_350 = vector.load %arg10[%get3A_348, %get3A_349] : memref<126x128xf32, #tpu.memory_space<vmem>>, vector<7x128xf32>
    %dot_general3A_351 = arith.constant dense<0.000000e+00> : vector<1000x128xf32>
    %dot_general3A_352 = tpu.matmul %convert_element_type3A_347, %get3A_350, %dot_general3A_351 {dimension_numbers = #tpu.dot_dimension_numbers<[1], [0], [0], [1], [0, 0, 1, 1], [], []>, transpose_lhs_hint = false} : vector<1000x7xf32>, vector<7x128xf32>, vector<1000x128xf32> -> vector<1000x128xf32>
    %add3A_353 = arith.addf %add3A_340, %dot_general3A_352 : vector<1000x128xf32>
    %mul3A = arith.constant 1000 : i32
    %mul3A_354 = arith.muli %arg1, %mul3A : i32
    %iota3A_355 = tpu.iota {dimensions = array<i32: 0>} : vector<1000x1xi32>
    %add3A_356 = vector.broadcast %mul3A_354 : i32 to vector<1000x1xi32>
    %add3A_357 = arith.addi %add3A_356, %iota3A_355 : vector<1000x1xi32>
    %get3A_358 = arith.constant 0 : index
    %get3A_359 = arith.constant 0 : index
    %get3A_360 = vector.load %arg6[%get3A_358, %get3A_359] : memref<1x1000xi32, #tpu.memory_space<vmem>>, vector<1x1000xi32>
    %eq3A_361 = vector.broadcast %add3A_357 : vector<1000x1xi32> to vector<1000x1000xi32>
    %eq3A_362 = vector.broadcast %get3A_360 : vector<1x1000xi32> to vector<1000x1000xi32>
    %eq3A_363 = arith.cmpi eq, %eq3A_361, %eq3A_362 : vector<1000x1000xi32>
    %convert_element_type3A_364 = arith.extui %eq3A_363 : vector<1000x1000xi1> to vector<1000x1000xi32>
    %convert_element_type3A_365 = arith.sitofp %convert_element_type3A_364 : vector<1000x1000xi32> to vector<1000x1000xf32>
    %get3A_366 = arith.constant 0 : index
    %get3A_367 = arith.constant 0 : index
    %get3A_368 = vector.load %arg7[%get3A_366, %get3A_367] : memref<1x1000xf32, #tpu.memory_space<vmem>>, vector<1x1000xf32>
    %mul3A_369 = vector.broadcast %get3A_368 : vector<1x1000xf32> to vector<1000x1000xf32>
    %mul3A_370 = arith.mulf %convert_element_type3A_365, %mul3A_369 : vector<1000x1000xf32>
    %dot_general3A_371 = arith.constant dense<0.000000e+00> : vector<1000x128xf32>
    %dot_general3A_372 = tpu.matmul %mul3A_370, %add3A_353, %dot_general3A_371 {dimension_numbers = #tpu.dot_dimension_numbers<[1], [0], [0], [1], [0, 0, 1, 1], [], []>, transpose_lhs_hint = false} : vector<1000x1000xf32>, vector<1000x128xf32>, vector<1000x128xf32> -> vector<1000x128xf32>
    %add3A_373 = arith.addf %add3A_105, %dot_general3A_372 : vector<1000x128xf32>
    %swap3A = arith.constant 0 : index
    %swap3A_374 = arith.constant 0 : index
    %swap3A_375 = arith.constant 0 : index
    %swap3A_376 = vector.load %arg13[%swap3A, %swap3A_374, %swap3A_375] : memref<1x1000x128xf32, #tpu.memory_space<vmem>>, vector<1x1000x128xf32>
    %swap3A_377 = vector.shape_cast %swap3A_376 : vector<1x1000x128xf32> to vector<1000x128xf32>
    %swap3A_378 = vector.shape_cast %add3A_373 : vector<1000x128xf32> to vector<1x1000x128xf32>
    tpu.vector_store %arg13[%swap3A, %swap3A_374, %swap3A_375], %swap3A_378 {strides = array<i32>} : memref<1x1000x128xf32, #tpu.memory_space<vmem>>, vector<1x1000x128xf32>,
    %eq3A_379 = arith.constant 0 : i32
    %eq3A_380 = arith.cmpi eq, %arg1, %eq3A_379 : i32
    %convert_element_type3A_381 = arith.extui %eq3A_380 : i1 to i32
    %cond3A = arith.constant 0 : i32
    %cond3A_382 = arith.cmpi ne, %convert_element_type3A_381, %cond3A : i32
    scf.if %cond3A_382 {
      %broadcast_in_dim3A_413 = arith.constant 0.000000e+00 : f32
      %broadcast_in_dim3A_414 = vector.broadcast %broadcast_in_dim3A_413 : f32 to vector<1x8x128xf32>
      %swap3A_415 = arith.constant 0 : index
      %swap3A_416 = arith.constant 0 : index
      %swap3A_417 = arith.constant 0 : index
      %swap3A_418 = vector.load %arg14[%swap3A_415, %swap3A_416, %swap3A_417] : memref<1x8x128xf32, #tpu.memory_space<vmem>>, vector<1x8x128xf32>
      tpu.vector_store %arg14[%swap3A_415, %swap3A_416, %swap3A_417], %broadcast_in_dim3A_414 {strides = array<i32>} : memref<1x8x128xf32, #tpu.memory_space<vmem>>, vector<1x8x128xf32>,
      %broadcast_in_dim3A_419 = arith.constant 0.000000e+00 : f32
      %broadcast_in_dim3A_420 = vector.broadcast %broadcast_in_dim3A_419 : f32 to vector<1x8x128xf32>
      %swap3A_421 = arith.constant 0 : index
      %swap3A_422 = arith.constant 0 : index
      %swap3A_423 = arith.constant 0 : index
      %swap3A_424 = vector.load %arg15[%swap3A_421, %swap3A_422, %swap3A_423] : memref<1x8x128xf32, #tpu.memory_space<vmem>>, vector<1x8x128xf32>
      tpu.vector_store %arg15[%swap3A_421, %swap3A_422, %swap3A_423], %broadcast_in_dim3A_420 {strides = array<i32>} : memref<1x8x128xf32, #tpu.memory_space<vmem>>, vector<1x8x128xf32>,
    } else {
    }
    %get3A_383 = arith.constant 0 : index
    %get3A_384 = arith.constant 0 : index
    %get3A_385 = arith.constant 0 : index
    %get3A_386 = vector.load %arg14[%get3A_383, %get3A_384, %get3A_385] : memref<1x8x128xf32, #tpu.memory_space<vmem>>, vector<1x1x128xf32>
    %get3A_387 = vector.shape_cast %get3A_386 : vector<1x1x128xf32> to vector<1x128xf32>
    %reduce_sum3A = arith.constant dense<0.000000e+00> : vector<128xf32>
    %reduce_sum3A_388 = vector.multi_reduction <add>, %add3A_373, %reduce_sum3A [0] : vector<1000x128xf32> to vector<128xf32>
    %broadcast_in_dim3A_389 = vector.shape_cast %reduce_sum3A_388 : vector<128xf32> to vector<1x128xf32>
    %add3A_390 = arith.addf %get3A_387, %broadcast_in_dim3A_389 : vector<1x128xf32>
    %swap3A_391 = arith.constant 0 : index
    %swap3A_392 = arith.constant 0 : index
    %swap3A_393 = arith.constant 0 : index
    %swap3A_394 = vector.load %arg14[%swap3A_391, %swap3A_392, %swap3A_393] : memref<1x8x128xf32, #tpu.memory_space<vmem>>, vector<1x1x128xf32>
    %swap3A_395 = vector.shape_cast %swap3A_394 : vector<1x1x128xf32> to vector<1x128xf32>
    %swap3A_396 = vector.shape_cast %add3A_390 : vector<1x128xf32> to vector<1x1x128xf32>
    tpu.vector_store %arg14[%swap3A_391, %swap3A_392, %swap3A_393], %swap3A_396 {strides = array<i32>} : memref<1x8x128xf32, #tpu.memory_space<vmem>>, vector<1x1x128xf32>,
    %get3A_397 = arith.constant 0 : index
    %get3A_398 = arith.constant 0 : index
    %get3A_399 = arith.constant 0 : index
    %get3A_400 = vector.load %arg15[%get3A_397, %get3A_398, %get3A_399] : memref<1x8x128xf32, #tpu.memory_space<vmem>>, vector<1x1x128xf32>
    %get3A_401 = vector.shape_cast %get3A_400 : vector<1x1x128xf32> to vector<1x128xf32>
    %mul3A_402 = arith.mulf %add3A_373, %add3A_373 : vector<1000x128xf32>
    %reduce_sum3A_403 = arith.constant dense<0.000000e+00> : vector<128xf32>
    %reduce_sum3A_404 = vector.multi_reduction <add>, %mul3A_402, %reduce_sum3A_403 [0] : vector<1000x128xf32> to vector<128xf32>
    %broadcast_in_dim3A_405 = vector.shape_cast %reduce_sum3A_404 : vector<128xf32> to vector<1x128xf32>
    %add3A_406 = arith.addf %get3A_401, %broadcast_in_dim3A_405 : vector<1x128xf32>
    %swap3A_407 = arith.constant 0 : index
    %swap3A_408 = arith.constant 0 : index
    %swap3A_409 = arith.constant 0 : index
    %swap3A_410 = vector.load %arg15[%swap3A_407, %swap3A_408, %swap3A_409] : memref<1x8x128xf32, #tpu.memory_space<vmem>>, vector<1x1x128xf32>
    %swap3A_411 = vector.shape_cast %swap3A_410 : vector<1x1x128xf32> to vector<1x128xf32>
    %swap3A_412 = vector.shape_cast %add3A_406 : vector<1x128xf32> to vector<1x1x128xf32>
    tpu.vector_store %arg15[%swap3A_407, %swap3A_408, %swap3A_409], %swap3A_412 {strides = array<i32>} : memref<1x8x128xf32, #tpu.memory_space<vmem>>, vector<1x1x128xf32>,
    return
  }
  func.func @transform_0(%arg0: i32, %arg1: i32) -> (i32, i32) {
    %c0_i32 = arith.constant 0 : i32
    %c0_i32_0 = arith.constant 0 : i32
    return %arg1, %c0_i32 : i32, i32
  }
  func.func @transform_1(%arg0: i32, %arg1: i32) -> (i32, i32) {
    %c0_i32 = arith.constant 0 : i32
    %c0_i32_0 = arith.constant 0 : i32
    return %arg1, %c0_i32 : i32, i32
  }
  func.func @transform_2(%arg0: i32, %arg1: i32) -> (i32, i32) {
    %c0_i32 = arith.constant 0 : i32
    %c0_i32_0 = arith.constant 0 : i32
    return %arg1, %c0_i32 : i32, i32
  }
  func.func @transform_3(%arg0: i32, %arg1: i32) -> (i32, i32, i32) {
    %c0_i32 = arith.constant 0 : i32
    %c0_i32_0 = arith.constant 0 : i32
    %c0_i32_1 = arith.constant 0 : i32
    return %arg0, %c0_i32, %c0_i32_0 : i32, i32, i32
  }
  func.func @transform_4(%arg0: i32, %arg1: i32) -> (i32, i32) {
    %c0_i32 = arith.constant 0 : i32
    %c0_i32_0 = arith.constant 0 : i32
    %c0_i32_1 = arith.constant 0 : i32
    return %c0_i32, %c0_i32_0 : i32, i32
  }
  func.func @transform_5(%arg0: i32, %arg1: i32) -> (i32, i32) {
    %c0_i32 = arith.constant 0 : i32
    %c0_i32_0 = arith.constant 0 : i32
    %c0_i32_1 = arith.constant 0 : i32
    return %c0_i32, %c0_i32_0 : i32, i32
  }
  func.func @transform_6(%arg0: i32, %arg1: i32) -> (i32, i32) {
    %c0_i32 = arith.constant 0 : i32
    %c0_i32_0 = arith.constant 0 : i32
    %c0_i32_1 = arith.constant 0 : i32
    return %c0_i32, %c0_i32_0 : i32, i32
  }
  func.func @transform_7(%arg0: i32, %arg1: i32) -> (i32, i32) {
    %c0_i32 = arith.constant 0 : i32
    %c0_i32_0 = arith.constant 0 : i32
    %c0_i32_1 = arith.constant 0 : i32
    return %c0_i32, %c0_i32_0 : i32, i32
  }
  func.func @transform_8(%arg0: i32, %arg1: i32) -> (i32, i32) {
    %c0_i32 = arith.constant 0 : i32
    %c0_i32_0 = arith.constant 0 : i32
    %c0_i32_1 = arith.constant 0 : i32
    return %c0_i32, %c0_i32_0 : i32, i32
  }
  func.func @transform_9(%arg0: i32, %arg1: i32) -> (i32, i32) {
    %c0_i32 = arith.constant 0 : i32
    %c0_i32_0 = arith.constant 0 : i32
    %c0_i32_1 = arith.constant 0 : i32
    return %c0_i32, %c0_i32_0 : i32, i32
  }
  func.func @transform_10(%arg0: i32, %arg1: i32) -> (i32, i32) {
    %c0_i32 = arith.constant 0 : i32
    %c0_i32_0 = arith.constant 0 : i32
    %c0_i32_1 = arith.constant 0 : i32
    return %c0_i32, %c0_i32_0 : i32, i32
  }
  func.func @transform_11(%arg0: i32, %arg1: i32) -> (i32, i32, i32) {
    %c0_i32 = arith.constant 0 : i32
    %c0_i32_0 = arith.constant 0 : i32
    return %arg0, %arg1, %c0_i32 : i32, i32, i32
  }
  func.func @transform_12(%arg0: i32, %arg1: i32) -> (i32, i32, i32) {
    %c0_i32 = arith.constant 0 : i32
    %c0_i32_0 = arith.constant 0 : i32
    %c0_i32_1 = arith.constant 0 : i32
    return %arg0, %c0_i32, %c0_i32_0 : i32, i32, i32
  }
  func.func @transform_13(%arg0: i32, %arg1: i32) -> (i32, i32, i32) {
    %c0_i32 = arith.constant 0 : i32
    %c0_i32_0 = arith.constant 0 : i32
    %c0_i32_1 = arith.constant 0 : i32
    return %arg0, %c0_i32, %c0_i32_0 : i32, i32, i32
  }
}

module attributes {stable_mosaic.version = 14 : i64} {
  func.func @_sage_lin_body(%arg0: i32, %arg1: i32, %arg2: memref<1x1000x128xf32, #tpu.memory_space<vmem>>, %arg3: memref<1000x128xf32, #tpu.memory_space<vmem>>, %arg4: memref<1x1000x128xf32, #tpu.memory_space<vmem>>, %arg5: memref<128x128xf32, #tpu.memory_space<vmem>>, %arg6: memref<1x128xf32, #tpu.memory_space<vmem>>, %arg7: memref<128x128xf32, #tpu.memory_space<vmem>>, %arg8: memref<1x1000x128xf32, #tpu.memory_space<vmem>>, %arg9: memref<1x8x128xf32, #tpu.memory_space<vmem>>, %arg10: memref<1x8x128xf32, #tpu.memory_space<vmem>>) attributes {dimension_semantics = [#tpu.dimension_semantics<arbitrary>, #tpu.dimension_semantics<arbitrary>], iteration_bounds = array<i64: 4, 10>, scalar_prefetch = 0 : i64, scratch_operands = 0 : i64, tpu.core_type = #tpu.core_type<tc>, window_params = [{transform_indices = @transform_0, window_bounds = array<i64: 1, 1000, 128>}, {transform_indices = @transform_1, window_bounds = array<i64: 1000, 128>}, {transform_indices = @transform_2, window_bounds = array<i64: 1, 1000, 128>}, {pipeline_mode = #tpu.pipeline_mode<synchronous>, transform_indices = @transform_3, window_bounds = array<i64: 128, 128>}, {pipeline_mode = #tpu.pipeline_mode<synchronous>, transform_indices = @transform_4, window_bounds = array<i64: 1, 128>}, {pipeline_mode = #tpu.pipeline_mode<synchronous>, transform_indices = @transform_5, window_bounds = array<i64: 128, 128>}, {transform_indices = @transform_6, window_bounds = array<i64: 1, 1000, 128>}, {transform_indices = @transform_7, window_bounds = array<i64: 1, 8, 128>}, {transform_indices = @transform_8, window_bounds = array<i64: 1, 8, 128>}]} {
    %get3A = arith.constant 0 : index
    %get3A_0 = arith.constant 0 : index
    %get3A_1 = vector.load %arg3[%get3A, %get3A_0] : memref<1000x128xf32, #tpu.memory_space<vmem>>, vector<1000x128xf32>
    %slice3A = vector.extract_strided_slice %get3A_1 {offsets = [0, 0], sizes = [1000, 1], strides = [1, 1]} : vector<1000x128xf32> to vector<1000x1xf32>
    %gt3A = arith.constant 0.000000e+00 : f32
    %gt3A_2 = vector.broadcast %gt3A : f32 to vector<1000x1xf32>
    %gt3A_3 = arith.cmpf ogt, %slice3A, %gt3A_2 : vector<1000x1xf32>
    %jit3A = arith.constant 1.000000e+00 : f32
    %broadcast_in_dim3A = vector.broadcast %jit3A : f32 to vector<1000x1xf32>
    %select_n3A = arith.select %gt3A_3, %slice3A, %broadcast_in_dim3A : vector<1000x1xi1>, vector<1000x1xf32>
    %div3A = arith.constant 1.000000e+00 : f32
    %div3A_4 = vector.broadcast %div3A : f32 to vector<1000x1xf32>
    %div3A_5 = arith.divf %div3A_4, %select_n3A : vector<1000x1xf32>
    %get3A_6 = arith.constant 0 : index
    %get3A_7 = arith.constant 0 : index
    %get3A_8 = arith.constant 0 : index
    %get3A_9 = vector.load %arg2[%get3A_6, %get3A_7, %get3A_8] : memref<1x1000x128xf32, #tpu.memory_space<vmem>>, vector<1x1000x128xf32>
    %get3A_10 = vector.shape_cast %get3A_9 : vector<1x1000x128xf32> to vector<1000x128xf32>
    %mul3A = vector.broadcast %div3A_5 : vector<1000x1xf32> to vector<1000x128xf32>
    %mul3A_11 = arith.mulf %get3A_10, %mul3A : vector<1000x128xf32>
    %get3A_12 = arith.constant 0 : index
    %get3A_13 = arith.constant 0 : index
    %get3A_14 = vector.load %arg5[%get3A_12, %get3A_13] : memref<128x128xf32, #tpu.memory_space<vmem>>, vector<128x128xf32>
    %dot_general3A = arith.constant dense<0.000000e+00> : vector<1000x128xf32>
    %dot_general3A_15 = tpu.matmul %mul3A_11, %get3A_14, %dot_general3A {dimension_numbers = #tpu.dot_dimension_numbers<[1], [0], [0], [1], [0, 0, 1, 1], [], []>, transpose_lhs_hint = false} : vector<1000x128xf32>, vector<128x128xf32>, vector<1000x128xf32> -> vector<1000x128xf32>
    %get3A_16 = arith.constant 0 : index
    %get3A_17 = arith.constant 0 : index
    %get3A_18 = vector.load %arg6[%get3A_16, %get3A_17] : memref<1x128xf32, #tpu.memory_space<vmem>>, vector<1x128xf32>
    %add3A = vector.broadcast %get3A_18 : vector<1x128xf32> to vector<1000x128xf32>
    %add3A_19 = arith.addf %dot_general3A_15, %add3A : vector<1000x128xf32>
    %get3A_20 = arith.constant 0 : index
    %get3A_21 = arith.constant 0 : index
    %get3A_22 = arith.constant 0 : index
    %get3A_23 = vector.load %arg4[%get3A_20, %get3A_21, %get3A_22] : memref<1x1000x128xf32, #tpu.memory_space<vmem>>, vector<1x1000x128xf32>
    %get3A_24 = vector.shape_cast %get3A_23 : vector<1x1000x128xf32> to vector<1000x128xf32>
    %get3A_25 = arith.constant 0 : index
    %get3A_26 = arith.constant 0 : index
    %get3A_27 = vector.load %arg7[%get3A_25, %get3A_26] : memref<128x128xf32, #tpu.memory_space<vmem>>, vector<128x128xf32>
    %dot_general3A_28 = arith.constant dense<0.000000e+00> : vector<1000x128xf32>
    %dot_general3A_29 = tpu.matmul %get3A_24, %get3A_27, %dot_general3A_28 {dimension_numbers = #tpu.dot_dimension_numbers<[1], [0], [0], [1], [0, 0, 1, 1], [], []>, transpose_lhs_hint = false} : vector<1000x128xf32>, vector<128x128xf32>, vector<1000x128xf32> -> vector<1000x128xf32>
    %add3A_30 = arith.addf %add3A_19, %dot_general3A_29 : vector<1000x128xf32>
    %swap3A = arith.constant 0 : index
    %swap3A_31 = arith.constant 0 : index
    %swap3A_32 = arith.constant 0 : index
    %swap3A_33 = vector.load %arg8[%swap3A, %swap3A_31, %swap3A_32] : memref<1x1000x128xf32, #tpu.memory_space<vmem>>, vector<1x1000x128xf32>
    %swap3A_34 = vector.shape_cast %swap3A_33 : vector<1x1000x128xf32> to vector<1000x128xf32>
    %swap3A_35 = vector.shape_cast %add3A_30 : vector<1000x128xf32> to vector<1x1000x128xf32>
    tpu.vector_store %arg8[%swap3A, %swap3A_31, %swap3A_32], %swap3A_35 {strides = array<i32>} : memref<1x1000x128xf32, #tpu.memory_space<vmem>>, vector<1x1000x128xf32>,
    %eq3A = arith.constant 0 : i32
    %eq3A_36 = arith.cmpi eq, %arg1, %eq3A : i32
    %convert_element_type3A = arith.extui %eq3A_36 : i1 to i32
    %cond3A = arith.constant 0 : i32
    %cond3A_37 = arith.cmpi ne, %convert_element_type3A, %cond3A : i32
    scf.if %cond3A_37 {
      %broadcast_in_dim3A_68 = arith.constant 0.000000e+00 : f32
      %broadcast_in_dim3A_69 = vector.broadcast %broadcast_in_dim3A_68 : f32 to vector<1x8x128xf32>
      %swap3A_70 = arith.constant 0 : index
      %swap3A_71 = arith.constant 0 : index
      %swap3A_72 = arith.constant 0 : index
      %swap3A_73 = vector.load %arg9[%swap3A_70, %swap3A_71, %swap3A_72] : memref<1x8x128xf32, #tpu.memory_space<vmem>>, vector<1x8x128xf32>
      tpu.vector_store %arg9[%swap3A_70, %swap3A_71, %swap3A_72], %broadcast_in_dim3A_69 {strides = array<i32>} : memref<1x8x128xf32, #tpu.memory_space<vmem>>, vector<1x8x128xf32>,
      %broadcast_in_dim3A_74 = arith.constant 0.000000e+00 : f32
      %broadcast_in_dim3A_75 = vector.broadcast %broadcast_in_dim3A_74 : f32 to vector<1x8x128xf32>
      %swap3A_76 = arith.constant 0 : index
      %swap3A_77 = arith.constant 0 : index
      %swap3A_78 = arith.constant 0 : index
      %swap3A_79 = vector.load %arg10[%swap3A_76, %swap3A_77, %swap3A_78] : memref<1x8x128xf32, #tpu.memory_space<vmem>>, vector<1x8x128xf32>
      tpu.vector_store %arg10[%swap3A_76, %swap3A_77, %swap3A_78], %broadcast_in_dim3A_75 {strides = array<i32>} : memref<1x8x128xf32, #tpu.memory_space<vmem>>, vector<1x8x128xf32>,
    } else {
    }
    %get3A_38 = arith.constant 0 : index
    %get3A_39 = arith.constant 0 : index
    %get3A_40 = arith.constant 0 : index
    %get3A_41 = vector.load %arg9[%get3A_38, %get3A_39, %get3A_40] : memref<1x8x128xf32, #tpu.memory_space<vmem>>, vector<1x1x128xf32>
    %get3A_42 = vector.shape_cast %get3A_41 : vector<1x1x128xf32> to vector<1x128xf32>
    %reduce_sum3A = arith.constant dense<0.000000e+00> : vector<128xf32>
    %reduce_sum3A_43 = vector.multi_reduction <add>, %add3A_30, %reduce_sum3A [0] : vector<1000x128xf32> to vector<128xf32>
    %broadcast_in_dim3A_44 = vector.shape_cast %reduce_sum3A_43 : vector<128xf32> to vector<1x128xf32>
    %add3A_45 = arith.addf %get3A_42, %broadcast_in_dim3A_44 : vector<1x128xf32>
    %swap3A_46 = arith.constant 0 : index
    %swap3A_47 = arith.constant 0 : index
    %swap3A_48 = arith.constant 0 : index
    %swap3A_49 = vector.load %arg9[%swap3A_46, %swap3A_47, %swap3A_48] : memref<1x8x128xf32, #tpu.memory_space<vmem>>, vector<1x1x128xf32>
    %swap3A_50 = vector.shape_cast %swap3A_49 : vector<1x1x128xf32> to vector<1x128xf32>
    %swap3A_51 = vector.shape_cast %add3A_45 : vector<1x128xf32> to vector<1x1x128xf32>
    tpu.vector_store %arg9[%swap3A_46, %swap3A_47, %swap3A_48], %swap3A_51 {strides = array<i32>} : memref<1x8x128xf32, #tpu.memory_space<vmem>>, vector<1x1x128xf32>,
    %get3A_52 = arith.constant 0 : index
    %get3A_53 = arith.constant 0 : index
    %get3A_54 = arith.constant 0 : index
    %get3A_55 = vector.load %arg10[%get3A_52, %get3A_53, %get3A_54] : memref<1x8x128xf32, #tpu.memory_space<vmem>>, vector<1x1x128xf32>
    %get3A_56 = vector.shape_cast %get3A_55 : vector<1x1x128xf32> to vector<1x128xf32>
    %mul3A_57 = arith.mulf %add3A_30, %add3A_30 : vector<1000x128xf32>
    %reduce_sum3A_58 = arith.constant dense<0.000000e+00> : vector<128xf32>
    %reduce_sum3A_59 = vector.multi_reduction <add>, %mul3A_57, %reduce_sum3A_58 [0] : vector<1000x128xf32> to vector<128xf32>
    %broadcast_in_dim3A_60 = vector.shape_cast %reduce_sum3A_59 : vector<128xf32> to vector<1x128xf32>
    %add3A_61 = arith.addf %get3A_56, %broadcast_in_dim3A_60 : vector<1x128xf32>
    %swap3A_62 = arith.constant 0 : index
    %swap3A_63 = arith.constant 0 : index
    %swap3A_64 = arith.constant 0 : index
    %swap3A_65 = vector.load %arg10[%swap3A_62, %swap3A_63, %swap3A_64] : memref<1x8x128xf32, #tpu.memory_space<vmem>>, vector<1x1x128xf32>
    %swap3A_66 = vector.shape_cast %swap3A_65 : vector<1x1x128xf32> to vector<1x128xf32>
    %swap3A_67 = vector.shape_cast %add3A_61 : vector<1x128xf32> to vector<1x1x128xf32>
    tpu.vector_store %arg10[%swap3A_62, %swap3A_63, %swap3A_64], %swap3A_67 {strides = array<i32>} : memref<1x8x128xf32, #tpu.memory_space<vmem>>, vector<1x1x128xf32>,
    return
  }
  func.func @transform_0(%arg0: i32, %arg1: i32) -> (i32, i32, i32) {
    %c0_i32 = arith.constant 0 : i32
    %c0_i32_0 = arith.constant 0 : i32
    return %arg0, %arg1, %c0_i32 : i32, i32, i32
  }
  func.func @transform_1(%arg0: i32, %arg1: i32) -> (i32, i32) {
    %c0_i32 = arith.constant 0 : i32
    %c0_i32_0 = arith.constant 0 : i32
    return %arg1, %c0_i32 : i32, i32
  }
  func.func @transform_2(%arg0: i32, %arg1: i32) -> (i32, i32, i32) {
    %c0_i32 = arith.constant 0 : i32
    %c0_i32_0 = arith.constant 0 : i32
    return %arg0, %arg1, %c0_i32 : i32, i32, i32
  }
  func.func @transform_3(%arg0: i32, %arg1: i32) -> (i32, i32) {
    %c0_i32 = arith.constant 0 : i32
    %c0_i32_0 = arith.constant 0 : i32
    %c0_i32_1 = arith.constant 0 : i32
    return %c0_i32, %c0_i32_0 : i32, i32
  }
  func.func @transform_4(%arg0: i32, %arg1: i32) -> (i32, i32) {
    %c0_i32 = arith.constant 0 : i32
    %c0_i32_0 = arith.constant 0 : i32
    %c0_i32_1 = arith.constant 0 : i32
    return %c0_i32, %c0_i32_0 : i32, i32
  }
  func.func @transform_5(%arg0: i32, %arg1: i32) -> (i32, i32) {
    %c0_i32 = arith.constant 0 : i32
    %c0_i32_0 = arith.constant 0 : i32
    %c0_i32_1 = arith.constant 0 : i32
    return %c0_i32, %c0_i32_0 : i32, i32
  }
  func.func @transform_6(%arg0: i32, %arg1: i32) -> (i32, i32, i32) {
    %c0_i32 = arith.constant 0 : i32
    %c0_i32_0 = arith.constant 0 : i32
    return %arg0, %arg1, %c0_i32 : i32, i32, i32
  }
  func.func @transform_7(%arg0: i32, %arg1: i32) -> (i32, i32, i32) {
    %c0_i32 = arith.constant 0 : i32
    %c0_i32_0 = arith.constant 0 : i32
    %c0_i32_1 = arith.constant 0 : i32
    return %arg0, %c0_i32, %c0_i32_0 : i32, i32, i32
  }
  func.func @transform_8(%arg0: i32, %arg1: i32) -> (i32, i32, i32) {
    %c0_i32 = arith.constant 0 : i32
    %c0_i32_0 = arith.constant 0 : i32
    %c0_i32_1 = arith.constant 0 : i32
    return %arg0, %c0_i32, %c0_i32_0 : i32, i32, i32
  }
}

module attributes {stable_mosaic.version = 14 : i64} {
  func.func @_norm_attn_res_body(%arg0: i32, %arg1: i32, %arg2: memref<1x1000x128xf32, #tpu.memory_space<vmem>>, %arg3: memref<1x8x128xf32, #tpu.memory_space<vmem>>, %arg4: memref<1x8x128xf32, #tpu.memory_space<vmem>>, %arg5: memref<1x1000x128xf32, #tpu.memory_space<vmem>>, %arg6: memref<128x16xf32, #tpu.memory_space<vmem>>, %arg7: memref<1x16xf32, #tpu.memory_space<vmem>>, %arg8: memref<16x128xf32, #tpu.memory_space<vmem>>, %arg9: memref<1x128xf32, #tpu.memory_space<vmem>>, %arg10: memref<1x1000x128xf32, #tpu.memory_space<vmem>>, %arg11: memref<1x8x128xf32, #tpu.memory_space<vmem>>) attributes {dimension_semantics = [#tpu.dimension_semantics<arbitrary>, #tpu.dimension_semantics<arbitrary>], iteration_bounds = array<i64: 4, 10>, scalar_prefetch = 0 : i64, scratch_operands = 0 : i64, tpu.core_type = #tpu.core_type<tc>, window_params = [{transform_indices = @transform_0, window_bounds = array<i64: 1, 1000, 128>}, {transform_indices = @transform_1, window_bounds = array<i64: 1, 8, 128>}, {transform_indices = @transform_2, window_bounds = array<i64: 1, 8, 128>}, {transform_indices = @transform_3, window_bounds = array<i64: 1, 1000, 128>}, {pipeline_mode = #tpu.pipeline_mode<synchronous>, transform_indices = @transform_4, window_bounds = array<i64: 128, 16>}, {pipeline_mode = #tpu.pipeline_mode<synchronous>, transform_indices = @transform_5, window_bounds = array<i64: 1, 16>}, {pipeline_mode = #tpu.pipeline_mode<synchronous>, transform_indices = @transform_6, window_bounds = array<i64: 16, 128>}, {pipeline_mode = #tpu.pipeline_mode<synchronous>, transform_indices = @transform_7, window_bounds = array<i64: 1, 128>}, {transform_indices = @transform_8, window_bounds = array<i64: 1, 1000, 128>}, {transform_indices = @transform_9, window_bounds = array<i64: 1, 8, 128>}]} {
    %get3A = arith.constant 0 : index
    %get3A_0 = arith.constant 0 : index
    %get3A_1 = arith.constant 0 : index
    %get3A_2 = vector.load %arg2[%get3A, %get3A_0, %get3A_1] : memref<1x1000x128xf32, #tpu.memory_space<vmem>>, vector<1x1000x128xf32>
    %get3A_3 = vector.shape_cast %get3A_2 : vector<1x1000x128xf32> to vector<1000x128xf32>
    %get3A_4 = arith.constant 0 : index
    %get3A_5 = arith.constant 0 : index
    %get3A_6 = arith.constant 0 : index
    %get3A_7 = vector.load %arg5[%get3A_4, %get3A_5, %get3A_6] : memref<1x1000x128xf32, #tpu.memory_space<vmem>>, vector<1x1000x128xf32>
    %get3A_8 = vector.shape_cast %get3A_7 : vector<1x1000x128xf32> to vector<1000x128xf32>
    %get3A_9 = arith.constant 0 : index
    %get3A_10 = arith.constant 0 : index
    %get3A_11 = arith.constant 0 : index
    %get3A_12 = vector.load %arg3[%get3A_9, %get3A_10, %get3A_11] : memref<1x8x128xf32, #tpu.memory_space<vmem>>, vector<1x1x128xf32>
    %get3A_13 = vector.shape_cast %get3A_12 : vector<1x1x128xf32> to vector<1x128xf32>
    %div3A = arith.constant 1.000000e+04 : f32
    %div3A_14 = vector.broadcast %div3A : f32 to vector<1x128xf32>
    %div3A_15 = arith.divf %get3A_13, %div3A_14 : vector<1x128xf32>
    %get3A_16 = arith.constant 0 : index
    %get3A_17 = arith.constant 0 : index
    %get3A_18 = arith.constant 0 : index
    %get3A_19 = vector.load %arg4[%get3A_16, %get3A_17, %get3A_18] : memref<1x8x128xf32, #tpu.memory_space<vmem>>, vector<1x1x128xf32>
    %get3A_20 = vector.shape_cast %get3A_19 : vector<1x1x128xf32> to vector<1x128xf32>
    %div3A_21 = arith.constant 1.000000e+04 : f32
    %div3A_22 = vector.broadcast %div3A_21 : f32 to vector<1x128xf32>
    %div3A_23 = arith.divf %get3A_20, %div3A_22 : vector<1x128xf32>
    %mul3A = arith.mulf %div3A_15, %div3A_15 : vector<1x128xf32>
    %sub3A = arith.subf %div3A_23, %mul3A : vector<1x128xf32>
    %sub3A_24 = vector.broadcast %div3A_15 : vector<1x128xf32> to vector<1000x128xf32>
    %sub3A_25 = arith.subf %get3A_3, %sub3A_24 : vector<1000x128xf32>
    %add3A = arith.constant 9.99999974E-6 : f32
    %add3A_26 = vector.broadcast %add3A : f32 to vector<1x128xf32>
    %add3A_27 = arith.addf %sub3A, %add3A_26 : vector<1x128xf32>
    %sqrt3A = math.sqrt %add3A_27 : vector<1x128xf32>
    %div3A_28 = vector.broadcast %sqrt3A : vector<1x128xf32> to vector<1000x128xf32>
    %div3A_29 = arith.divf %sub3A_25, %div3A_28 : vector<1000x128xf32>
    %get3A_30 = arith.constant 0 : index
    %get3A_31 = arith.constant 0 : index
    %get3A_32 = vector.load %arg6[%get3A_30, %get3A_31] : memref<128x16xf32, #tpu.memory_space<vmem>>, vector<128x16xf32>
    %dot_general3A = arith.constant dense<0.000000e+00> : vector<1000x16xf32>
    %dot_general3A_33 = tpu.matmul %get3A_8, %get3A_32, %dot_general3A {dimension_numbers = #tpu.dot_dimension_numbers<[1], [0], [0], [1], [0, 0, 1, 1], [], []>, transpose_lhs_hint = false} : vector<1000x128xf32>, vector<128x16xf32>, vector<1000x16xf32> -> vector<1000x16xf32>
    %get3A_34 = arith.constant 0 : index
    %get3A_35 = arith.constant 0 : index
    %get3A_36 = vector.load %arg7[%get3A_34, %get3A_35] : memref<1x16xf32, #tpu.memory_space<vmem>>, vector<1x16xf32>
    %add3A_37 = vector.broadcast %get3A_36 : vector<1x16xf32> to vector<1000x16xf32>
    %add3A_38 = arith.addf %dot_general3A_33, %add3A_37 : vector<1000x16xf32>
    %max3A = arith.constant 0.000000e+00 : f32
    %max3A_39 = vector.broadcast %max3A : f32 to vector<1000x16xf32>
    %max3A_40 = arith.maximumf %add3A_38, %max3A_39 : vector<1000x16xf32>
    %get3A_41 = arith.constant 0 : index
    %get3A_42 = arith.constant 0 : index
    %get3A_43 = vector.load %arg8[%get3A_41, %get3A_42] : memref<16x128xf32, #tpu.memory_space<vmem>>, vector<16x128xf32>
    %dot_general3A_44 = arith.constant dense<0.000000e+00> : vector<1000x128xf32>
    %dot_general3A_45 = tpu.matmul %max3A_40, %get3A_43, %dot_general3A_44 {dimension_numbers = #tpu.dot_dimension_numbers<[1], [0], [0], [1], [0, 0, 1, 1], [], []>, transpose_lhs_hint = false} : vector<1000x16xf32>, vector<16x128xf32>, vector<1000x128xf32> -> vector<1000x128xf32>
    %get3A_46 = arith.constant 0 : index
    %get3A_47 = arith.constant 0 : index
    %get3A_48 = vector.load %arg9[%get3A_46, %get3A_47] : memref<1x128xf32, #tpu.memory_space<vmem>>, vector<1x128xf32>
    %add3A_49 = vector.broadcast %get3A_48 : vector<1x128xf32> to vector<1000x128xf32>
    %add3A_50 = arith.addf %dot_general3A_45, %add3A_49 : vector<1000x128xf32>
    %logistic3A = arith.negf %add3A_50 : vector<1000x128xf32>
    %logistic3A_51 = math.exp %logistic3A : vector<1000x128xf32>
    %logistic3A_52 = arith.constant 1.000000e+00 : f32
    %logistic3A_53 = vector.broadcast %logistic3A_52 : f32 to vector<1000x128xf32>
    %logistic3A_54 = arith.addf %logistic3A_53, %logistic3A_51 : vector<1000x128xf32>
    %logistic3A_55 = arith.divf %logistic3A_53, %logistic3A_54 : vector<1000x128xf32>
    %mul3A_56 = arith.mulf %logistic3A_55, %get3A_8 : vector<1000x128xf32>
    %add3A_57 = arith.addf %div3A_29, %mul3A_56 : vector<1000x128xf32>
    %max3A_58 = arith.constant 0.000000e+00 : f32
    %max3A_59 = vector.broadcast %max3A_58 : f32 to vector<1000x128xf32>
    %max3A_60 = arith.maximumf %add3A_57, %max3A_59 : vector<1000x128xf32>
    %swap3A = arith.constant 0 : index
    %swap3A_61 = arith.constant 0 : index
    %swap3A_62 = arith.constant 0 : index
    %swap3A_63 = vector.load %arg10[%swap3A, %swap3A_61, %swap3A_62] : memref<1x1000x128xf32, #tpu.memory_space<vmem>>, vector<1x1000x128xf32>
    %swap3A_64 = vector.shape_cast %swap3A_63 : vector<1x1000x128xf32> to vector<1000x128xf32>
    %swap3A_65 = vector.shape_cast %max3A_60 : vector<1000x128xf32> to vector<1x1000x128xf32>
    tpu.vector_store %arg10[%swap3A, %swap3A_61, %swap3A_62], %swap3A_65 {strides = array<i32>} : memref<1x1000x128xf32, #tpu.memory_space<vmem>>, vector<1x1000x128xf32>,
    %eq3A = arith.constant 0 : i32
    %eq3A_66 = arith.cmpi eq, %arg1, %eq3A : i32
    %convert_element_type3A = arith.extui %eq3A_66 : i1 to i32
    %cond3A = arith.constant 0 : i32
    %cond3A_67 = arith.cmpi ne, %convert_element_type3A, %cond3A : i32
    scf.if %cond3A_67 {
      %broadcast_in_dim3A_81 = arith.constant 0.000000e+00 : f32
      %broadcast_in_dim3A_82 = vector.broadcast %broadcast_in_dim3A_81 : f32 to vector<1x8x128xf32>
      %swap3A_83 = arith.constant 0 : index
      %swap3A_84 = arith.constant 0 : index
      %swap3A_85 = arith.constant 0 : index
      %swap3A_86 = vector.load %arg11[%swap3A_83, %swap3A_84, %swap3A_85] : memref<1x8x128xf32, #tpu.memory_space<vmem>>, vector<1x8x128xf32>
      tpu.vector_store %arg11[%swap3A_83, %swap3A_84, %swap3A_85], %broadcast_in_dim3A_82 {strides = array<i32>} : memref<1x8x128xf32, #tpu.memory_space<vmem>>, vector<1x8x128xf32>,
    } else {
    }
    %get3A_68 = arith.constant 0 : index
    %get3A_69 = arith.constant 0 : index
    %get3A_70 = arith.constant 0 : index
    %get3A_71 = vector.load %arg11[%get3A_68, %get3A_69, %get3A_70] : memref<1x8x128xf32, #tpu.memory_space<vmem>>, vector<1x1x128xf32>
    %get3A_72 = vector.shape_cast %get3A_71 : vector<1x1x128xf32> to vector<1x128xf32>
    %reduce_sum3A = arith.constant dense<0.000000e+00> : vector<128xf32>
    %reduce_sum3A_73 = vector.multi_reduction <add>, %max3A_60, %reduce_sum3A [0] : vector<1000x128xf32> to vector<128xf32>
    %broadcast_in_dim3A = vector.shape_cast %reduce_sum3A_73 : vector<128xf32> to vector<1x128xf32>
    %add3A_74 = arith.addf %get3A_72, %broadcast_in_dim3A : vector<1x128xf32>
    %swap3A_75 = arith.constant 0 : index
    %swap3A_76 = arith.constant 0 : index
    %swap3A_77 = arith.constant 0 : index
    %swap3A_78 = vector.load %arg11[%swap3A_75, %swap3A_76, %swap3A_77] : memref<1x8x128xf32, #tpu.memory_space<vmem>>, vector<1x1x128xf32>
    %swap3A_79 = vector.shape_cast %swap3A_78 : vector<1x1x128xf32> to vector<1x128xf32>
    %swap3A_80 = vector.shape_cast %add3A_74 : vector<1x128xf32> to vector<1x1x128xf32>
    tpu.vector_store %arg11[%swap3A_75, %swap3A_76, %swap3A_77], %swap3A_80 {strides = array<i32>} : memref<1x8x128xf32, #tpu.memory_space<vmem>>, vector<1x1x128xf32>,
    return
  }
  func.func @transform_0(%arg0: i32, %arg1: i32) -> (i32, i32, i32) {
    %c0_i32 = arith.constant 0 : i32
    %c0_i32_0 = arith.constant 0 : i32
    return %arg0, %arg1, %c0_i32 : i32, i32, i32
  }
  func.func @transform_1(%arg0: i32, %arg1: i32) -> (i32, i32, i32) {
    %c0_i32 = arith.constant 0 : i32
    %c0_i32_0 = arith.constant 0 : i32
    %c0_i32_1 = arith.constant 0 : i32
    return %arg0, %c0_i32, %c0_i32_0 : i32, i32, i32
  }
  func.func @transform_2(%arg0: i32, %arg1: i32) -> (i32, i32, i32) {
    %c0_i32 = arith.constant 0 : i32
    %c0_i32_0 = arith.constant 0 : i32
    %c0_i32_1 = arith.constant 0 : i32
    return %arg0, %c0_i32, %c0_i32_0 : i32, i32, i32
  }
  func.func @transform_3(%arg0: i32, %arg1: i32) -> (i32, i32, i32) {
    %c0_i32 = arith.constant 0 : i32
    %c0_i32_0 = arith.constant 0 : i32
    return %arg0, %arg1, %c0_i32 : i32, i32, i32
  }
  func.func @transform_4(%arg0: i32, %arg1: i32) -> (i32, i32) {
    %c0_i32 = arith.constant 0 : i32
    %c0_i32_0 = arith.constant 0 : i32
    %c0_i32_1 = arith.constant 0 : i32
    return %c0_i32, %c0_i32_0 : i32, i32
  }
  func.func @transform_5(%arg0: i32, %arg1: i32) -> (i32, i32) {
    %c0_i32 = arith.constant 0 : i32
    %c0_i32_0 = arith.constant 0 : i32
    %c0_i32_1 = arith.constant 0 : i32
    return %c0_i32, %c0_i32_0 : i32, i32
  }
  func.func @transform_6(%arg0: i32, %arg1: i32) -> (i32, i32) {
    %c0_i32 = arith.constant 0 : i32
    %c0_i32_0 = arith.constant 0 : i32
    %c0_i32_1 = arith.constant 0 : i32
    return %c0_i32, %c0_i32_0 : i32, i32
  }
  func.func @transform_7(%arg0: i32, %arg1: i32) -> (i32, i32) {
    %c0_i32 = arith.constant 0 : i32
    %c0_i32_0 = arith.constant 0 : i32
    %c0_i32_1 = arith.constant 0 : i32
    return %c0_i32, %c0_i32_0 : i32, i32
  }
  func.func @transform_8(%arg0: i32, %arg1: i32) -> (i32, i32, i32) {
    %c0_i32 = arith.constant 0 : i32
    %c0_i32_0 = arith.constant 0 : i32
    return %arg0, %arg1, %c0_i32 : i32, i32, i32
  }
  func.func @transform_9(%arg0: i32, %arg1: i32) -> (i32, i32, i32) {
    %c0_i32 = arith.constant 0 : i32
    %c0_i32_0 = arith.constant 0 : i32
    %c0_i32_1 = arith.constant 0 : i32
    return %arg0, %c0_i32, %c0_i32_0 : i32, i32, i32
  }
}

module attributes {stable_mosaic.version = 14 : i64} {
  func.func @_norm_attn_res_body(%arg0: i32, %arg1: i32, %arg2: memref<1x1000x128xf32, #tpu.memory_space<vmem>>, %arg3: memref<1x8x128xf32, #tpu.memory_space<vmem>>, %arg4: memref<1x8x128xf32, #tpu.memory_space<vmem>>, %arg5: memref<1x1000x128xf32, #tpu.memory_space<vmem>>, %arg6: memref<128x16xf32, #tpu.memory_space<vmem>>, %arg7: memref<1x16xf32, #tpu.memory_space<vmem>>, %arg8: memref<16x128xf32, #tpu.memory_space<vmem>>, %arg9: memref<1x128xf32, #tpu.memory_space<vmem>>, %arg10: memref<1x1000x128xf32, #tpu.memory_space<vmem>>, %arg11: memref<1x8x128xf32, #tpu.memory_space<vmem>>) attributes {dimension_semantics = [#tpu.dimension_semantics<arbitrary>, #tpu.dimension_semantics<arbitrary>], iteration_bounds = array<i64: 4, 10>, scalar_prefetch = 0 : i64, scratch_operands = 0 : i64, tpu.core_type = #tpu.core_type<tc>, window_params = [{transform_indices = @transform_0, window_bounds = array<i64: 1, 1000, 128>}, {transform_indices = @transform_1, window_bounds = array<i64: 1, 8, 128>}, {transform_indices = @transform_2, window_bounds = array<i64: 1, 8, 128>}, {transform_indices = @transform_3, window_bounds = array<i64: 1, 1000, 128>}, {pipeline_mode = #tpu.pipeline_mode<synchronous>, transform_indices = @transform_4, window_bounds = array<i64: 128, 16>}, {pipeline_mode = #tpu.pipeline_mode<synchronous>, transform_indices = @transform_5, window_bounds = array<i64: 1, 16>}, {pipeline_mode = #tpu.pipeline_mode<synchronous>, transform_indices = @transform_6, window_bounds = array<i64: 16, 128>}, {pipeline_mode = #tpu.pipeline_mode<synchronous>, transform_indices = @transform_7, window_bounds = array<i64: 1, 128>}, {transform_indices = @transform_8, window_bounds = array<i64: 1, 1000, 128>}, {transform_indices = @transform_9, window_bounds = array<i64: 1, 8, 128>}]} {
    %get3A = arith.constant 0 : index
    %get3A_0 = arith.constant 0 : index
    %get3A_1 = arith.constant 0 : index
    %get3A_2 = vector.load %arg2[%get3A, %get3A_0, %get3A_1] : memref<1x1000x128xf32, #tpu.memory_space<vmem>>, vector<1x1000x128xf32>
    %get3A_3 = vector.shape_cast %get3A_2 : vector<1x1000x128xf32> to vector<1000x128xf32>
    %get3A_4 = arith.constant 0 : index
    %get3A_5 = arith.constant 0 : index
    %get3A_6 = arith.constant 0 : index
    %get3A_7 = vector.load %arg5[%get3A_4, %get3A_5, %get3A_6] : memref<1x1000x128xf32, #tpu.memory_space<vmem>>, vector<1x1000x128xf32>
    %get3A_8 = vector.shape_cast %get3A_7 : vector<1x1000x128xf32> to vector<1000x128xf32>
    %get3A_9 = arith.constant 0 : index
    %get3A_10 = arith.constant 0 : index
    %get3A_11 = arith.constant 0 : index
    %get3A_12 = vector.load %arg3[%get3A_9, %get3A_10, %get3A_11] : memref<1x8x128xf32, #tpu.memory_space<vmem>>, vector<1x1x128xf32>
    %get3A_13 = vector.shape_cast %get3A_12 : vector<1x1x128xf32> to vector<1x128xf32>
    %div3A = arith.constant 1.000000e+04 : f32
    %div3A_14 = vector.broadcast %div3A : f32 to vector<1x128xf32>
    %div3A_15 = arith.divf %get3A_13, %div3A_14 : vector<1x128xf32>
    %get3A_16 = arith.constant 0 : index
    %get3A_17 = arith.constant 0 : index
    %get3A_18 = arith.constant 0 : index
    %get3A_19 = vector.load %arg4[%get3A_16, %get3A_17, %get3A_18] : memref<1x8x128xf32, #tpu.memory_space<vmem>>, vector<1x1x128xf32>
    %get3A_20 = vector.shape_cast %get3A_19 : vector<1x1x128xf32> to vector<1x128xf32>
    %div3A_21 = arith.constant 1.000000e+04 : f32
    %div3A_22 = vector.broadcast %div3A_21 : f32 to vector<1x128xf32>
    %div3A_23 = arith.divf %get3A_20, %div3A_22 : vector<1x128xf32>
    %mul3A = arith.mulf %div3A_15, %div3A_15 : vector<1x128xf32>
    %sub3A = arith.subf %div3A_23, %mul3A : vector<1x128xf32>
    %sub3A_24 = vector.broadcast %div3A_15 : vector<1x128xf32> to vector<1000x128xf32>
    %sub3A_25 = arith.subf %get3A_3, %sub3A_24 : vector<1000x128xf32>
    %add3A = arith.constant 9.99999974E-6 : f32
    %add3A_26 = vector.broadcast %add3A : f32 to vector<1x128xf32>
    %add3A_27 = arith.addf %sub3A, %add3A_26 : vector<1x128xf32>
    %sqrt3A = math.sqrt %add3A_27 : vector<1x128xf32>
    %div3A_28 = vector.broadcast %sqrt3A : vector<1x128xf32> to vector<1000x128xf32>
    %div3A_29 = arith.divf %sub3A_25, %div3A_28 : vector<1000x128xf32>
    %get3A_30 = arith.constant 0 : index
    %get3A_31 = arith.constant 0 : index
    %get3A_32 = vector.load %arg6[%get3A_30, %get3A_31] : memref<128x16xf32, #tpu.memory_space<vmem>>, vector<128x16xf32>
    %dot_general3A = arith.constant dense<0.000000e+00> : vector<1000x16xf32>
    %dot_general3A_33 = tpu.matmul %get3A_8, %get3A_32, %dot_general3A {dimension_numbers = #tpu.dot_dimension_numbers<[1], [0], [0], [1], [0, 0, 1, 1], [], []>, transpose_lhs_hint = false} : vector<1000x128xf32>, vector<128x16xf32>, vector<1000x16xf32> -> vector<1000x16xf32>
    %get3A_34 = arith.constant 0 : index
    %get3A_35 = arith.constant 0 : index
    %get3A_36 = vector.load %arg7[%get3A_34, %get3A_35] : memref<1x16xf32, #tpu.memory_space<vmem>>, vector<1x16xf32>
    %add3A_37 = vector.broadcast %get3A_36 : vector<1x16xf32> to vector<1000x16xf32>
    %add3A_38 = arith.addf %dot_general3A_33, %add3A_37 : vector<1000x16xf32>
    %max3A = arith.constant 0.000000e+00 : f32
    %max3A_39 = vector.broadcast %max3A : f32 to vector<1000x16xf32>
    %max3A_40 = arith.maximumf %add3A_38, %max3A_39 : vector<1000x16xf32>
    %get3A_41 = arith.constant 0 : index
    %get3A_42 = arith.constant 0 : index
    %get3A_43 = vector.load %arg8[%get3A_41, %get3A_42] : memref<16x128xf32, #tpu.memory_space<vmem>>, vector<16x128xf32>
    %dot_general3A_44 = arith.constant dense<0.000000e+00> : vector<1000x128xf32>
    %dot_general3A_45 = tpu.matmul %max3A_40, %get3A_43, %dot_general3A_44 {dimension_numbers = #tpu.dot_dimension_numbers<[1], [0], [0], [1], [0, 0, 1, 1], [], []>, transpose_lhs_hint = false} : vector<1000x16xf32>, vector<16x128xf32>, vector<1000x128xf32> -> vector<1000x128xf32>
    %get3A_46 = arith.constant 0 : index
    %get3A_47 = arith.constant 0 : index
    %get3A_48 = vector.load %arg9[%get3A_46, %get3A_47] : memref<1x128xf32, #tpu.memory_space<vmem>>, vector<1x128xf32>
    %add3A_49 = vector.broadcast %get3A_48 : vector<1x128xf32> to vector<1000x128xf32>
    %add3A_50 = arith.addf %dot_general3A_45, %add3A_49 : vector<1000x128xf32>
    %logistic3A = arith.negf %add3A_50 : vector<1000x128xf32>
    %logistic3A_51 = math.exp %logistic3A : vector<1000x128xf32>
    %logistic3A_52 = arith.constant 1.000000e+00 : f32
    %logistic3A_53 = vector.broadcast %logistic3A_52 : f32 to vector<1000x128xf32>
    %logistic3A_54 = arith.addf %logistic3A_53, %logistic3A_51 : vector<1000x128xf32>
    %logistic3A_55 = arith.divf %logistic3A_53, %logistic3A_54 : vector<1000x128xf32>
    %mul3A_56 = arith.mulf %logistic3A_55, %get3A_8 : vector<1000x128xf32>
    %add3A_57 = arith.addf %div3A_29, %mul3A_56 : vector<1000x128xf32>
    %max3A_58 = arith.constant 0.000000e+00 : f32
    %max3A_59 = vector.broadcast %max3A_58 : f32 to vector<1000x128xf32>
    %max3A_60 = arith.maximumf %add3A_57, %max3A_59 : vector<1000x128xf32>
    %swap3A = arith.constant 0 : index
    %swap3A_61 = arith.constant 0 : index
    %swap3A_62 = arith.constant 0 : index
    %swap3A_63 = vector.load %arg10[%swap3A, %swap3A_61, %swap3A_62] : memref<1x1000x128xf32, #tpu.memory_space<vmem>>, vector<1x1000x128xf32>
    %swap3A_64 = vector.shape_cast %swap3A_63 : vector<1x1000x128xf32> to vector<1000x128xf32>
    %swap3A_65 = vector.shape_cast %max3A_60 : vector<1000x128xf32> to vector<1x1000x128xf32>
    tpu.vector_store %arg10[%swap3A, %swap3A_61, %swap3A_62], %swap3A_65 {strides = array<i32>} : memref<1x1000x128xf32, #tpu.memory_space<vmem>>, vector<1x1000x128xf32>,
    %eq3A = arith.constant 0 : i32
    %eq3A_66 = arith.cmpi eq, %arg1, %eq3A : i32
    %convert_element_type3A = arith.extui %eq3A_66 : i1 to i32
    %cond3A = arith.constant 0 : i32
    %cond3A_67 = arith.cmpi ne, %convert_element_type3A, %cond3A : i32
    scf.if %cond3A_67 {
      %broadcast_in_dim3A_81 = arith.constant 0.000000e+00 : f32
      %broadcast_in_dim3A_82 = vector.broadcast %broadcast_in_dim3A_81 : f32 to vector<1x8x128xf32>
      %swap3A_83 = arith.constant 0 : index
      %swap3A_84 = arith.constant 0 : index
      %swap3A_85 = arith.constant 0 : index
      %swap3A_86 = vector.load %arg11[%swap3A_83, %swap3A_84, %swap3A_85] : memref<1x8x128xf32, #tpu.memory_space<vmem>>, vector<1x8x128xf32>
      tpu.vector_store %arg11[%swap3A_83, %swap3A_84, %swap3A_85], %broadcast_in_dim3A_82 {strides = array<i32>} : memref<1x8x128xf32, #tpu.memory_space<vmem>>, vector<1x8x128xf32>,
    } else {
    }
    %get3A_68 = arith.constant 0 : index
    %get3A_69 = arith.constant 0 : index
    %get3A_70 = arith.constant 0 : index
    %get3A_71 = vector.load %arg11[%get3A_68, %get3A_69, %get3A_70] : memref<1x8x128xf32, #tpu.memory_space<vmem>>, vector<1x1x128xf32>
    %get3A_72 = vector.shape_cast %get3A_71 : vector<1x1x128xf32> to vector<1x128xf32>
    %reduce_sum3A = arith.constant dense<0.000000e+00> : vector<128xf32>
    %reduce_sum3A_73 = vector.multi_reduction <add>, %max3A_60, %reduce_sum3A [0] : vector<1000x128xf32> to vector<128xf32>
    %broadcast_in_dim3A = vector.shape_cast %reduce_sum3A_73 : vector<128xf32> to vector<1x128xf32>
    %add3A_74 = arith.addf %get3A_72, %broadcast_in_dim3A : vector<1x128xf32>
    %swap3A_75 = arith.constant 0 : index
    %swap3A_76 = arith.constant 0 : index
    %swap3A_77 = arith.constant 0 : index
    %swap3A_78 = vector.load %arg11[%swap3A_75, %swap3A_76, %swap3A_77] : memref<1x8x128xf32, #tpu.memory_space<vmem>>, vector<1x1x128xf32>
    %swap3A_79 = vector.shape_cast %swap3A_78 : vector<1x1x128xf32> to vector<1x128xf32>
    %swap3A_80 = vector.shape_cast %add3A_74 : vector<1x128xf32> to vector<1x1x128xf32>
    tpu.vector_store %arg11[%swap3A_75, %swap3A_76, %swap3A_77], %swap3A_80 {strides = array<i32>} : memref<1x8x128xf32, #tpu.memory_space<vmem>>, vector<1x1x128xf32>,
    return
  }
  func.func @transform_0(%arg0: i32, %arg1: i32) -> (i32, i32, i32) {
    %c0_i32 = arith.constant 0 : i32
    %c0_i32_0 = arith.constant 0 : i32
    return %arg0, %arg1, %c0_i32 : i32, i32, i32
  }
  func.func @transform_1(%arg0: i32, %arg1: i32) -> (i32, i32, i32) {
    %c0_i32 = arith.constant 0 : i32
    %c0_i32_0 = arith.constant 0 : i32
    %c0_i32_1 = arith.constant 0 : i32
    return %arg0, %c0_i32, %c0_i32_0 : i32, i32, i32
  }
  func.func @transform_2(%arg0: i32, %arg1: i32) -> (i32, i32, i32) {
    %c0_i32 = arith.constant 0 : i32
    %c0_i32_0 = arith.constant 0 : i32
    %c0_i32_1 = arith.constant 0 : i32
    return %arg0, %c0_i32, %c0_i32_0 : i32, i32, i32
  }
  func.func @transform_3(%arg0: i32, %arg1: i32) -> (i32, i32, i32) {
    %c0_i32 = arith.constant 0 : i32
    %c0_i32_0 = arith.constant 0 : i32
    return %arg0, %arg1, %c0_i32 : i32, i32, i32
  }
  func.func @transform_4(%arg0: i32, %arg1: i32) -> (i32, i32) {
    %c0_i32 = arith.constant 0 : i32
    %c0_i32_0 = arith.constant 0 : i32
    %c0_i32_1 = arith.constant 0 : i32
    return %c0_i32, %c0_i32_0 : i32, i32
  }
  func.func @transform_5(%arg0: i32, %arg1: i32) -> (i32, i32) {
    %c0_i32 = arith.constant 0 : i32
    %c0_i32_0 = arith.constant 0 : i32
    %c0_i32_1 = arith.constant 0 : i32
    return %c0_i32, %c0_i32_0 : i32, i32
  }
  func.func @transform_6(%arg0: i32, %arg1: i32) -> (i32, i32) {
    %c0_i32 = arith.constant 0 : i32
    %c0_i32_0 = arith.constant 0 : i32
    %c0_i32_1 = arith.constant 0 : i32
    return %c0_i32, %c0_i32_0 : i32, i32
  }
  func.func @transform_7(%arg0: i32, %arg1: i32) -> (i32, i32) {
    %c0_i32 = arith.constant 0 : i32
    %c0_i32_0 = arith.constant 0 : i32
    %c0_i32_1 = arith.constant 0 : i32
    return %c0_i32, %c0_i32_0 : i32, i32
  }
  func.func @transform_8(%arg0: i32, %arg1: i32) -> (i32, i32, i32) {
    %c0_i32 = arith.constant 0 : i32
    %c0_i32_0 = arith.constant 0 : i32
    return %arg0, %arg1, %c0_i32 : i32, i32, i32
  }
  func.func @transform_9(%arg0: i32, %arg1: i32) -> (i32, i32, i32) {
    %c0_i32 = arith.constant 0 : i32
    %c0_i32_0 = arith.constant 0 : i32
    %c0_i32_1 = arith.constant 0 : i32
    return %arg0, %c0_i32, %c0_i32_0 : i32, i32, i32
  }
}

module attributes {stable_mosaic.version = 14 : i64} {
  func.func @_head_body(%arg0: memref<4x8x128xf32, #tpu.memory_space<vmem>>, %arg1: memref<128x128xf32, #tpu.memory_space<vmem>>, %arg2: memref<1x128xf32, #tpu.memory_space<vmem>>, %arg3: memref<128x16xf32, #tpu.memory_space<vmem>>, %arg4: memref<1x16xf32, #tpu.memory_space<vmem>>, %arg5: memref<16x128xf32, #tpu.memory_space<vmem>>, %arg6: memref<1x128xf32, #tpu.memory_space<vmem>>, %arg7: memref<128x128xf32, #tpu.memory_space<vmem>>, %arg8: memref<1x128xf32, #tpu.memory_space<vmem>>, %arg9: memref<128x16xf32, #tpu.memory_space<vmem>>, %arg10: memref<1x16xf32, #tpu.memory_space<vmem>>, %arg11: memref<16x128xf32, #tpu.memory_space<vmem>>, %arg12: memref<1x128xf32, #tpu.memory_space<vmem>>, %arg13: memref<128x1xf32, #tpu.memory_space<vmem>>, %arg14: memref<1x1xf32, #tpu.memory_space<vmem>>, %arg15: memref<4x1xf32, #tpu.memory_space<vmem>>) attributes {dimension_semantics = [], scalar_prefetch = 0 : i64, scratch_operands = 0 : i64, tpu.core_type = #tpu.core_type<tc>} {
    %get3A = arith.constant 0 : index
    %get3A_0 = arith.constant 0 : index
    %get3A_1 = arith.constant 0 : index
    %get3A_2 = vector.load %arg0[%get3A, %get3A_0, %get3A_1] : memref<4x8x128xf32, #tpu.memory_space<vmem>>, vector<4x1x128xf32>
    %get3A_3 = vector.shape_cast %get3A_2 : vector<4x1x128xf32> to vector<4x128xf32>
    %div3A = arith.constant 1.000000e+04 : f32
    %div3A_4 = vector.broadcast %div3A : f32 to vector<4x128xf32>
    %div3A_5 = arith.divf %get3A_3, %div3A_4 : vector<4x128xf32>
    %get3A_6 = arith.constant 0 : index
    %get3A_7 = arith.constant 0 : index
    %get3A_8 = vector.load %arg1[%get3A_6, %get3A_7] : memref<128x128xf32, #tpu.memory_space<vmem>>, vector<128x128xf32>
    %dot_general3A = arith.constant dense<0.000000e+00> : vector<4x128xf32>
    %dot_general3A_9 = tpu.matmul %div3A_5, %get3A_8, %dot_general3A {dimension_numbers = #tpu.dot_dimension_numbers<[1], [0], [0], [1], [0, 0, 1, 1], [], []>, transpose_lhs_hint = false} : vector<4x128xf32>, vector<128x128xf32>, vector<4x128xf32> -> vector<4x128xf32>
    %get3A_10 = arith.constant 0 : index
    %get3A_11 = arith.constant 0 : index
    %get3A_12 = vector.load %arg2[%get3A_10, %get3A_11] : memref<1x128xf32, #tpu.memory_space<vmem>>, vector<1x128xf32>
    %add3A = vector.broadcast %get3A_12 : vector<1x128xf32> to vector<4x128xf32>
    %add3A_13 = arith.addf %dot_general3A_9, %add3A : vector<4x128xf32>
    %get3A_14 = arith.constant 0 : index
    %get3A_15 = arith.constant 0 : index
    %get3A_16 = vector.load %arg3[%get3A_14, %get3A_15] : memref<128x16xf32, #tpu.memory_space<vmem>>, vector<128x16xf32>
    %dot_general3A_17 = arith.constant dense<0.000000e+00> : vector<4x16xf32>
    %dot_general3A_18 = tpu.matmul %add3A_13, %get3A_16, %dot_general3A_17 {dimension_numbers = #tpu.dot_dimension_numbers<[1], [0], [0], [1], [0, 0, 1, 1], [], []>, transpose_lhs_hint = false} : vector<4x128xf32>, vector<128x16xf32>, vector<4x16xf32> -> vector<4x16xf32>
    %get3A_19 = arith.constant 0 : index
    %get3A_20 = arith.constant 0 : index
    %get3A_21 = vector.load %arg4[%get3A_19, %get3A_20] : memref<1x16xf32, #tpu.memory_space<vmem>>, vector<1x16xf32>
    %add3A_22 = vector.broadcast %get3A_21 : vector<1x16xf32> to vector<4x16xf32>
    %add3A_23 = arith.addf %dot_general3A_18, %add3A_22 : vector<4x16xf32>
    %max3A = arith.constant 0.000000e+00 : f32
    %max3A_24 = vector.broadcast %max3A : f32 to vector<4x16xf32>
    %max3A_25 = arith.maximumf %add3A_23, %max3A_24 : vector<4x16xf32>
    %get3A_26 = arith.constant 0 : index
    %get3A_27 = arith.constant 0 : index
    %get3A_28 = vector.load %arg5[%get3A_26, %get3A_27] : memref<16x128xf32, #tpu.memory_space<vmem>>, vector<16x128xf32>
    %dot_general3A_29 = arith.constant dense<0.000000e+00> : vector<4x128xf32>
    %dot_general3A_30 = tpu.matmul %max3A_25, %get3A_28, %dot_general3A_29 {dimension_numbers = #tpu.dot_dimension_numbers<[1], [0], [0], [1], [0, 0, 1, 1], [], []>, transpose_lhs_hint = false} : vector<4x16xf32>, vector<16x128xf32>, vector<4x128xf32> -> vector<4x128xf32>
    %get3A_31 = arith.constant 0 : index
    %get3A_32 = arith.constant 0 : index
    %get3A_33 = vector.load %arg6[%get3A_31, %get3A_32] : memref<1x128xf32, #tpu.memory_space<vmem>>, vector<1x128xf32>
    %add3A_34 = vector.broadcast %get3A_33 : vector<1x128xf32> to vector<4x128xf32>
    %add3A_35 = arith.addf %dot_general3A_30, %add3A_34 : vector<4x128xf32>
    %logistic3A = arith.negf %add3A_35 : vector<4x128xf32>
    %logistic3A_36 = math.exp %logistic3A : vector<4x128xf32>
    %logistic3A_37 = arith.constant 1.000000e+00 : f32
    %logistic3A_38 = vector.broadcast %logistic3A_37 : f32 to vector<4x128xf32>
    %logistic3A_39 = arith.addf %logistic3A_38, %logistic3A_36 : vector<4x128xf32>
    %logistic3A_40 = arith.divf %logistic3A_38, %logistic3A_39 : vector<4x128xf32>
    %mul3A = arith.mulf %logistic3A_40, %add3A_13 : vector<4x128xf32>
    %max3A_41 = arith.constant 0.000000e+00 : f32
    %max3A_42 = vector.broadcast %max3A_41 : f32 to vector<4x128xf32>
    %max3A_43 = arith.maximumf %mul3A, %max3A_42 : vector<4x128xf32>
    %get3A_44 = arith.constant 0 : index
    %get3A_45 = arith.constant 0 : index
    %get3A_46 = vector.load %arg7[%get3A_44, %get3A_45] : memref<128x128xf32, #tpu.memory_space<vmem>>, vector<128x128xf32>
    %dot_general3A_47 = arith.constant dense<0.000000e+00> : vector<4x128xf32>
    %dot_general3A_48 = tpu.matmul %max3A_43, %get3A_46, %dot_general3A_47 {dimension_numbers = #tpu.dot_dimension_numbers<[1], [0], [0], [1], [0, 0, 1, 1], [], []>, transpose_lhs_hint = false} : vector<4x128xf32>, vector<128x128xf32>, vector<4x128xf32> -> vector<4x128xf32>
    %get3A_49 = arith.constant 0 : index
    %get3A_50 = arith.constant 0 : index
    %get3A_51 = vector.load %arg8[%get3A_49, %get3A_50] : memref<1x128xf32, #tpu.memory_space<vmem>>, vector<1x128xf32>
    %add3A_52 = vector.broadcast %get3A_51 : vector<1x128xf32> to vector<4x128xf32>
    %add3A_53 = arith.addf %dot_general3A_48, %add3A_52 : vector<4x128xf32>
    %get3A_54 = arith.constant 0 : index
    %get3A_55 = arith.constant 0 : index
    %get3A_56 = vector.load %arg9[%get3A_54, %get3A_55] : memref<128x16xf32, #tpu.memory_space<vmem>>, vector<128x16xf32>
    %dot_general3A_57 = arith.constant dense<0.000000e+00> : vector<4x16xf32>
    %dot_general3A_58 = tpu.matmul %add3A_53, %get3A_56, %dot_general3A_57 {dimension_numbers = #tpu.dot_dimension_numbers<[1], [0], [0], [1], [0, 0, 1, 1], [], []>, transpose_lhs_hint = false} : vector<4x128xf32>, vector<128x16xf32>, vector<4x16xf32> -> vector<4x16xf32>
    %get3A_59 = arith.constant 0 : index
    %get3A_60 = arith.constant 0 : index
    %get3A_61 = vector.load %arg10[%get3A_59, %get3A_60] : memref<1x16xf32, #tpu.memory_space<vmem>>, vector<1x16xf32>
    %add3A_62 = vector.broadcast %get3A_61 : vector<1x16xf32> to vector<4x16xf32>
    %add3A_63 = arith.addf %dot_general3A_58, %add3A_62 : vector<4x16xf32>
    %max3A_64 = arith.constant 0.000000e+00 : f32
    %max3A_65 = vector.broadcast %max3A_64 : f32 to vector<4x16xf32>
    %max3A_66 = arith.maximumf %add3A_63, %max3A_65 : vector<4x16xf32>
    %get3A_67 = arith.constant 0 : index
    %get3A_68 = arith.constant 0 : index
    %get3A_69 = vector.load %arg11[%get3A_67, %get3A_68] : memref<16x128xf32, #tpu.memory_space<vmem>>, vector<16x128xf32>
    %dot_general3A_70 = arith.constant dense<0.000000e+00> : vector<4x128xf32>
    %dot_general3A_71 = tpu.matmul %max3A_66, %get3A_69, %dot_general3A_70 {dimension_numbers = #tpu.dot_dimension_numbers<[1], [0], [0], [1], [0, 0, 1, 1], [], []>, transpose_lhs_hint = false} : vector<4x16xf32>, vector<16x128xf32>, vector<4x128xf32> -> vector<4x128xf32>
    %get3A_72 = arith.constant 0 : index
    %get3A_73 = arith.constant 0 : index
    %get3A_74 = vector.load %arg12[%get3A_72, %get3A_73] : memref<1x128xf32, #tpu.memory_space<vmem>>, vector<1x128xf32>
    %add3A_75 = vector.broadcast %get3A_74 : vector<1x128xf32> to vector<4x128xf32>
    %add3A_76 = arith.addf %dot_general3A_71, %add3A_75 : vector<4x128xf32>
    %logistic3A_77 = arith.negf %add3A_76 : vector<4x128xf32>
    %logistic3A_78 = math.exp %logistic3A_77 : vector<4x128xf32>
    %logistic3A_79 = arith.constant 1.000000e+00 : f32
    %logistic3A_80 = vector.broadcast %logistic3A_79 : f32 to vector<4x128xf32>
    %logistic3A_81 = arith.addf %logistic3A_80, %logistic3A_78 : vector<4x128xf32>
    %logistic3A_82 = arith.divf %logistic3A_80, %logistic3A_81 : vector<4x128xf32>
    %mul3A_83 = arith.mulf %logistic3A_82, %add3A_53 : vector<4x128xf32>
    %max3A_84 = arith.constant 0.000000e+00 : f32
    %max3A_85 = vector.broadcast %max3A_84 : f32 to vector<4x128xf32>
    %max3A_86 = arith.maximumf %mul3A_83, %max3A_85 : vector<4x128xf32>
    %get3A_87 = arith.constant 0 : index
    %get3A_88 = arith.constant 0 : index
    %get3A_89 = vector.load %arg13[%get3A_87, %get3A_88] : memref<128x1xf32, #tpu.memory_space<vmem>>, vector<128x1xf32>
    %dot_general3A_90 = arith.constant dense<0.000000e+00> : vector<4x1xf32>
    %dot_general3A_91 = tpu.matmul %max3A_86, %get3A_89, %dot_general3A_90 {dimension_numbers = #tpu.dot_dimension_numbers<[1], [0], [0], [1], [0, 0, 1, 1], [], []>, transpose_lhs_hint = false} : vector<4x128xf32>, vector<128x1xf32>, vector<4x1xf32> -> vector<4x1xf32>
    %get3A_92 = arith.constant 0 : index
    %get3A_93 = arith.constant 0 : index
    %get3A_94 = vector.load %arg14[%get3A_92, %get3A_93] : memref<1x1xf32, #tpu.memory_space<vmem>>, vector<1x1xf32>
    %add3A_95 = vector.broadcast %get3A_94 : vector<1x1xf32> to vector<4x1xf32>
    %add3A_96 = arith.addf %dot_general3A_91, %add3A_95 : vector<4x1xf32>
    %swap3A = arith.constant 0 : index
    %swap3A_97 = arith.constant 0 : index
    %swap3A_98 = vector.load %arg15[%swap3A, %swap3A_97] : memref<4x1xf32, #tpu.memory_space<vmem>>, vector<4x1xf32>
    tpu.vector_store %arg15[%swap3A, %swap3A_97], %add3A_96 {strides = array<i32>} : memref<4x1xf32, #tpu.memory_space<vmem>>, vector<4x1xf32>,
    return
  }
}

</mosaic_0001>

<sc_bundles>
// kernel: kernel.15.cloned.1.call-start
scs
__scs_entry_jumppad:
0x0: {  	(pc) =	sbr.rel $0x88, $3  }
0x1: {  	(tag) =	ssettag $0x0;
	lr =	simm.s32 $0x1  }
0x2: {  	[smem:$0x3F70] =	sst lr;
	_ =	strace $0xD0000000  }
0x3: {  	_ = 	snop  }
0x4: {  	_ = 	snop  }
0x5: {  	_ = 	snop  }
0x6: {  	_ = 	snop  }
0x7: {  	_ = 	snop  }
__scs_overlays_trampoline_lowered:
0x8: {  	[smem:$0x3F7F] =	sst s0  }
0x9: {  	[smem:$0x3F80] =	sst s1  }
0xa: {  	[smem:$0x3F81] =	sst s2  }
0xb: {  	[smem:$0x3F82] =	sst s3  }
0xc: {  	[smem:$0x3F83] =	sst s4  }
0xd: {  	[smem:$0x3F84] =	sst s5  }
0xe: {  	[smem:$0x3F85] =	sst s6  }
0xf: {  	[smem:$0x3F86] =	sst s7  }
0x10: {  	[smem:$0x3F87] =	sst s8  }
0x11: {  	[smem:$0x3F88] =	sst s9;
	s0 =	simm.s32 @!p0 $0x0  }
0x12: {  	s1 =	sld [smem:$0x3F6E];
	s0 =	simm.s32 @p0 $0x1  }
0x13: {  	[smem:$0x3F89] =	sst s0;
	s0 =	simm.s32 @!p1 $0x0  }
0x14: {  	s2 =	sld [smem:$0x3F6D];
	s0 =	simm.s32 @p1 $0x1  }
0x15: {  	[smem:$0x3F8A] =	sst s0;
	s0 =	simm.s32 @!p2 $0x0  }
0x16: {  	s3 =	sld [smem:$0x3FDB];
	s0 =	simm.s32 @p2 $0x1  }
0x17: {  	s4 =	simm.s32 $0x1BF5;
	[smem:$0x3F8C] =	sst s0  }
0x18: {  	s0 =	sld [smem:$0x3F6F];
	_ =	swait.ge [sflag:s4], $0x0  }
0x19: {  	s7 =	sld [smem:$0x3F70]  }
0x1a: {  	s8 =	sadd.s32 $0xFFFFE003, lr  }
0x1b: {  	s9 =	sadd.s32 $0xFFFFFEF7, lr;
	s5 =	simm.s32 $0xFFFFFFFF;
	p2 =	slt.u32 s8, $0xFFFFF086  }
0x1c: {  	p1 =	slt.u32 s9, $0xF7A;
	s5 =	simm.s32 @!p2 $0x0  }
0x1d: {  	s5 =	simm.s32 @p1 $0x1;
	p0 =	seq.s32 s7, s2  }
0x1e: {  	s7 =	smul.u32 @!p0 $0xF7A, s2;
	p2 =	seq.s32 @!p0 s5, $0x0  }
0x1f: {  	s9 =	smul.u32 $0xF7A, s1;
	s8 =	simm.s32 @!p0 $0x1BF5;
	p2 =	por !p2, p0  }
0x20: {  	[sflag:s8] =	ssyncset.s32 @!p0 $0xFFFFF086;
	s6 =	sadd.s32 @!p0 s3, s7;
	s7 =	simm.s32 @!p0 $0x108  }
0x21: {  	s3 =	sadd.s32 s3, s9;
	s6 =	sadd.s32 @!p0 $0x88, s6;
	s7 =	simm.s32 @p2 $0x1082  }
0x22: {  	[simem:s7], [sflag:s8] =	dma.local @!p0 [hbm:s6], $0xF7A  }
0x23: {  	s9 =	sor.u32 $0xD0000000, s2;
	s6 =	simm.s32 $0x108;
	_ =	swait.ge @!p0 [sflag:s8], $0x0  }
0x24: {  	s3 =	sadd.s32 $0x88, s3;
	s6 =	simm.s32 @!p1 $0x1082;
	[sflag:s4] =	ssyncset.s32 $0xFFFFF086  }
0x25: {  	[simem:s6], [sflag:s4] =	dma.local [hbm:s3], $0xF7A  }
0x26: {  	[smem:$0x3F70] =	sst s1;
	(tag) =	ssettag s2;
	_ =	strace s9  }
0x27: {  	s1 =	sld [smem:$0x3F80]  }
0x28: {  	s2 =	sld [smem:$0x3F81]  }
0x29: {  	s4 =	sld [smem:$0x3F83]  }
0x2a: {  	p0 =	seq.s32 s5, $0x0;
	s5 =	sld [smem:$0x3F84]  }
0x2b: {  	s6 =	sld [smem:$0x3F85]  }
0x2c: {  	s7 =	sld [smem:$0x3F86]  }
0x2d: {  	s3 =	simm.s32 $0x108;
	s8 =	sld [smem:$0x3F87]  }
0x2e: {  	s3 =	simm.s32 @!p0 $0x1082;
	s9 =	sld [smem:$0x3F88]  }
0x2f: {  	lr =	sadd.s32 s0, s3;
	s0 =	sld [smem:$0x3F7F]  }
0x30: {  	s3 =	sld [smem:$0x3F82]  }
0x31: {  	[smem:$0x3F8B] =	sst s10  }
0x32: {  	s10 =	sld [smem:$0x3F89];
	_ =	sdelay $0x3  }
0x33: {  	p0 =	seq.s32 s10, $0x1;
	s10 =	sld [smem:$0x3F8B];
	_ =	sdelay $0x3  }
0x34: {  	[smem:$0x3F8B] =	sst s10  }
0x35: {  	s10 =	sld [smem:$0x3F8A];
	_ =	sdelay $0x3  }
0x36: {  	p1 =	seq.s32 s10, $0x1;
	s10 =	sld [smem:$0x3F8B];
	_ =	sdelay $0x3  }
0x37: {  	[smem:$0x3F8B] =	sst s10  }
0x38: {  	s10 =	sld [smem:$0x3F8C]  }
0x39: {  	_ = 	snop;
	(pc) =	sbr.ind lr, $3  }
0x3a: {  	_ = 	snop  }
0x3b: {  	_ = 	snop  }
0x3c: {  	p2 =	seq.s32 s10, $0x1;
	s10 =	sld [smem:$0x3F8B]  }
0x3d: {  	_ =	shalt  }
0x3e: {  	_ =	shalt  }
0x3f: {  	_ =	shalt  }
0x40: {  	_ =	shalt  }
0x41: {  	_ =	shalt  }
0x42: {  	_ =	shalt  }
0x43: {  	_ =	shalt  }
0x44: {  	_ =	shalt  }
0x45: {  	_ =	shalt  }
0x46: {  	_ =	shalt  }
0x47: {  	_ =	shalt  }
0x48: {  	_ =	shalt  }
0x49: {  	_ =	shalt  }
0x4a: {  	_ =	shalt  }
0x4b: {  	_ =	shalt  }
0x4c: {  	_ =	shalt  }
0x4d: {  	_ =	shalt  }
0x4e: {  	_ =	shalt  }
0x4f: {  	_ =	shalt  }
0x50: {  	_ =	shalt  }
0x51: {  	_ =	shalt  }
0x52: {  	_ =	shalt  }
0x53: {  	_ =	shalt  }
0x54: {  	_ =	shalt  }
0x55: {  	_ =	shalt  }
0x56: {  	_ =	shalt  }
0x57: {  	_ =	shalt  }
0x58: {  	_ =	shalt  }
0x59: {  	_ =	shalt  }
0x5a: {  	_ =	shalt  }
0x5b: {  	_ =	shalt  }
0x5c: {  	_ =	shalt  }
0x5d: {  	_ =	shalt  }
0x5e: {  	_ =	shalt  }
0x5f: {  	_ =	shalt  }
0x60: {  	_ =	shalt  }
0x61: {  	_ =	shalt  }
0x62: {  	_ =	shalt  }
0x63: {  	_ =	shalt  }
0x64: {  	_ =	shalt  }
0x65: {  	_ =	shalt  }
0x66: {  	_ =	shalt  }
0x67: {  	_ =	shalt  }
0x68: {  	_ =	shalt  }
0x69: {  	_ =	shalt  }
0x6a: {  	_ =	shalt  }
0x6b: {  	_ =	shalt  }
0x6c: {  	_ =	shalt  }
0x6d: {  	_ =	shalt  }
0x6e: {  	_ =	shalt  }
0x6f: {  	_ =	shalt  }
0x70: {  	_ =	shalt  }
0x71: {  	_ =	shalt  }
0x72: {  	_ =	shalt  }
0x73: {  	_ =	shalt  }
0x74: {  	_ =	shalt  }
0x75: {  	_ =	shalt  }
0x76: {  	_ =	shalt  }
0x77: {  	_ =	shalt  }
0x78: {  	_ =	shalt  }
0x79: {  	_ =	shalt  }
0x7a: {  	_ =	shalt  }
0x7b: {  	_ =	shalt  }
0x7c: {  	_ =	shalt  }
0x7d: {  	_ =	shalt  }
0x7e: {  	_ =	shalt  }
0x7f: {  	_ =	shalt  }
0x80: {  	_ =	shalt  }
0x81: {  	_ =	shalt  }
0x82: {  	_ =	shalt  }
0x83: {  	_ =	shalt  }
0x84: {  	_ =	shalt  }
0x85: {  	_ =	shalt  }
0x86: {  	_ =	shalt  }
0x87: {  	_ =	shalt  }
.Lfunc_end0:
.L_simem_size_0:
called_computation_lowered:
.L_overlay_start_0:
0x88: {  	s2 =	sld [smem:$0x3FD9]  }
0x89: {  	s3 =	sld [smem:$0x3FFE];
	_ =	sdelay $0x1  }
0x8a: {  	s1 =	srdreg.scid  }
0x8b: {  	s0 =	sand.u32 $0x1, s1  }
0x8c: {  	s17 =	sshll.u32 s0, $0xA;
	s2 =	sadd.s32 s3, s2  }
0x8d: {  	s2 =	sadd.s32 s2, s17  }
0x8e: {  	[smem:$0x3F97] =	sst s2  }
0x8f: {  	_ = 	snop  }
0x90: {  	(tm) =	ssettm $0x1  }
0x91: {  	s18 =	sld [smem:$0x3FFB];
	_ =	sdelay $0x3  }
0x92: {  	_ =	strace s18  }
0x93: {  	s2 =	sld [smem:$0x3FFC];
	_ =	sdelay $0x3  }
0x94: {  	_ =	strace s2  }
0x95: {  	s2 =	sld [smem:$0x3FFD];
	_ =	sdelay $0x3  }
0x96: {  	_ =	strace s2  }
0x97: {  	_ =	strace $0x8FFFFFFF  }
0x98: {  	s19 =	sld [smem:$0x3FDB];
	_ =	sdelay $0x1  }
0x99: {  	s20 =	simm.s32 $_scs_section_size  }
0x9a: {  	s4 =	simm.s32 $_size__tile_overlayer_lowered;
	s5 =	simm.s32 $_tile_overlayer_lowered  }
0x9b: {  	s6 =	simm.s32 $0x1BFF;
	s21 =	sshll.u32 s5, $0x1;
	s3 =	sadd.s32 s20, s19  }
0x9c: {  	s22 =	simm.s32 $0x0;
	s4 =	sshll.u32 s4, $0x1;
	s5 =	sadd.s32 s21, s3  }
0x9d: {  	[timem:s22], [sflag:s6] =	dma.local [hbm:s5], s4  }
0x9e: {  	_ =	swait.ge [sflag:s6], s4  }
0x9f: {  	s4 =	ssub.s32 $0x0, s4;
	[sflag:s6] =	ssyncset.done $0x0  }
0xa0: {  	[sflag:s6] =	ssyncadd.s32 s4;
	_ =	sdelay $0x1  }
0xa1: {  	s23 =	simm.s32 $0x1B8B  }
0xa2: {  	_ =	swait.ge [sflag:s23], $0x1  }
0xa3: {  	[sflag:s23] =	ssyncset.done $0x0  }
0xa4: {  	[sflag:s23] =	ssyncadd.s32 $0xFFFFFFFF  }
0xa5: {  	s4 =	sld [smem:$0x0]  }
0xa6: {  	s5 =	sand.u32 $0xFFFFFFFE, s1  }
0xa7: {  	p0 =	sne.s32 s1, s5  }
0xa8: {  	s5 =	sshll.u32 @p0 s5, $0xE  }
0xa9: {  	s5 =	sadd.s32 @p0 $0x11B8D, s5;
	s6 =	sshll.u32 @p0 s4, $0x11  }
0xaa: {  	s5 =	sor.u32 @p0 s6, s5  }
0xab: {  	[sflag:s5] =	ssyncadd.remote.s32 @p0 $0x1;
	_ =	sdelay $0x1  }
0xac: {  	s5 =	simm.s32 @p0 $0x1B8D  }
0xad: {  	_ =	swait.eq @p0 [sflag:s5], $0x1  }
0xae: {  	[sflag:s5] =	ssyncadd.s32 @p0 $0xFFFFFFFF  }
0xaf: {  	s6 =	sshll.u32 @!p0 s1, $0xE  }
0xb0: {  	s6 =	sor.u32 @!p0 $0x4000, s6;
	s5 =	simm.s32 @!p0 $0x1B8D  }
0xb1: {  	s4 =	sshll.u32 @!p0 s4, $0x11;
	s6 =	sadd.s32 @!p0 $0x11B8D, s6;
	_ =	swait.eq @!p0 [sflag:s5], $0x1  }
0xb2: {  	s4 =	sor.u32 @!p0 s4, s6;
	[sflag:s5] =	ssyncadd.s32 @!p0 $0xFFFFFFFF  }
0xb3: {  	s25 =	simm.s32 $0x1B8E;
	s24 =	sld [smem:$0x3FFE];
	[sflag:s4] =	ssyncadd.remote.s32 @!p0 $0x1  }
0xb4: {  	s26 =	simm.s32 $execute0_lowered;
	[smem:$0x3FD2] =	sst s25  }
0xb5: {  	s5 =	sshll.u32 s26, $0x1;
	_ =	strace $0x80000049;
	[dreg:$0x1] =	wrdreg $0xFFFFFFFF  }
0xb6: {  	s28 =	simm.s32 $_size_execute0_lowered;
	s3 =	sadd.s32 s3, s5;
	[dreg:$0x0] =	wrdreg $0x0  }
0xb7: {  	s5 =	sshll.u32 s28, $0x1;
	[dreg:$0x2] =	wrdreg s3  }
0xb8: {  	[dreg:$0x3] =	wrdreg s5  }
0xb9: {  	[dreg:$0x4] =	wrdreg $0xC0  }
0xba: {  	_ =	task [dreg:s22], $0x5FFFF  }
0xbb: {  	[dreg:$0x1] =	wrdreg $0xFFFFFFFF  }
0xbc: {  	[dreg:$0x0] =	wrdreg $0x60  }
0xbd: {  	[dreg:$0x2] =	wrdreg s24  }
0xbe: {  	[dreg:$0x3] =	wrdreg $0x0  }
0xbf: {  	[dreg:$0x4] =	wrdreg $0x9  }
0xc0: {  	_ =	task.clear_ibuf [dreg:s22], $0x5FFFF;
	_ =	strace $0x90000049  }
0xc1: {  	s29 =	simm.s32 $0x9;
	_ =	strace $0x8000004B  }
0xc2: {  	_ =	swait.ge [sflag:s29], $0x1  }
0xc3: {  	[sflag:s29] =	ssyncadd.s32 $0xFFFFFFFF  }
0xc4: {  	_ =	strace $0x9000004B  }
0xc5: {  	_ =	sfence  }
0xc6: {  	s30 =	sld [smem:$0x0];
	_ =	sdelay $0x2  }
0xc7: {  	s31 =	sshll.u32 s1, $0xD;
	s1 =	sshrl.u32 s1, $0x2  }
0xc8: {  	s4 =	sand.u32 $0x4000, s31;
	s1 =	sadd.s32 s1, s30  }
0xc9: {  	s0 =	sor.u32 s4, s0;
	s1 =	sshll.u32 s1, $0x11  }
0xca: {  	s0 =	sor.u32 s1, s0  }
0xcb: {  	s0 =	sadd.s32 $0x8F2B, s0  }
0xcc: {  	[sflag:s0] =	ssyncadd.remote.s32 $0x1  }
0xcd: {  	_ =	sfence.sel $0xFFFF  }
0xce: {  	[dreg:$0x0] =	wrdreg $0xFFFFFFFF;
	(pc) =	sbr.abs _section_cstart, $3  }
0xcf: {  	[dreg:$0x1] =	wrdreg $0xFFFFFFFF  }
0xd0: {  	_ =	task.clear_ibuf [dreg:s22], $0x2FFFF;
	_ =	strace $0x9FFFFFFF  }
0xd1: {  	(tm) =	ssettm $0x7FFFFFFF  }
tec
execute0_lowered:
.L_overlay_start_1:
0x0: {  	(tag) =	ssettag $0x1  }
0x1: {  	s6 =	rddreg [dreg:$0x0]  }
0x2: {  	s2 =	rddreg [dreg:$0x1]  }
0x3: {  	s0 =	rddreg [dreg:$0x2];
	s3 =	simm.s32 $0x0  }
0x4: {  	s1 =	stileid.u32;
	s5 =	srdreg.scid;
	s13 =	simm.s32 $0x13C00  }
0x5: {  	s14 =	simm.s32 $0x80;
	s15 =	simm.s32 $0x0;
	s4 =	smul.u32 $0x500, s1  }
0x6: {  	[smem:$0x7FF] =	sst s3;
	s9 =	sand.u32 $0x1, s5;
	s8 =	smul.u32 $0x4F000, s1  }
0x7: {  	s10 =	smul.u32 $0x2780, s1;
	s5 =	sadd.s32 $0x14E200, s6;
	s31 =	sshll.u32 s1, $0x6  }
0x8: {  	_ =	strace $0x8000004A;
	s11 =	ssub.s32 $0x2, s9;
	p0 =	sne.s32 s9, $0x0  }
.Ltmp0:
0x9: {  	s9 =	simm.s32 $0x16400;
	s7 =	sadd.s32 s4, s6;
	(pc) =	sbr.rel .LBB2_1-.Ltmp0, $4  }
0xa: {  	s4 =	sadd.s32 $0xADA00, s6;
	s12 =	sshrl.u32 s11, $0x1;
	s8 =	sshrl.u32 s8, $0x2  }
0xb: {  	s10 =	sadd.s32 s10, s6;
	s11 =	ssub.s32 s11, s12;
	s30 =	sadd.s32 s8, s2  }
0xc: {  	s6 =	sadd.s32 $0x7600, s7;
	s7 =	sadd.s32 $0x14EA00, s10;
	s10 =	simm.s32 $0x1  }
0xd: {  	s8 =	smax.u32 s11, $0x1;
	s11 =	sor.u32 $0x1C01, s31;
	s12 =	sshrl.u32 s30, $0x3  }
.LBB2_5:
0xe: {  	[bflag:$0x0] =	sbarrier.arrive $0xFFFF  }
.LBB2_6:
0xf: {  	s15 =	sadd.s32 $0x1, s15  }
0x10: {  	p1 =	sne.s32 s15, s8  }
.Ltmp1:
0x11: {  	_ = 	snop;
	(pc) =	sbr.rel @!p1 .LBB2_7-.Ltmp1, $1  }
0x12: {  	_ =	sdelay $0x3  }
.LBB2_1:
0x13: {  	[tilespmem:s9], [sflag:$0x1] =	stream.linear.gather [hbm4b:s5+s3], $0x4000, $0x38;
	[tilespmem:$0x1A400] =	vst v63  }
0x14: {  	_ =	swait.ge [sflag:s10], $0x4000  }
0x15: {  	[sflag:s10] =	ssyncset.done $0x0  }
0x16: {  	[sflag:s10] =	ssyncadd.s32 $0xFFFFC000  }
0x17: {  	[spmem:s12], [sflag:s11] =	dma.local [hbm:s4], $0x2780  }
.Ltmp2:
0x18: {  	_ =	swait.ge [sflag:s10], $0x2780;
	(pc) =	sbr.rel @p0 .LBB2_5-.Ltmp2, $3  }
0x19: {  	[sflag:s10] =	ssyncset.done $0x0  }
0x1a: {  	[sflag:s10] =	ssyncadd.s32 $0xFFFFD880  }
0x1b: {  	[bflag:$0x0] =	sbarrier.arrive $0xFFFF;
	_ =	sdelay $0x1  }
0x1c: {  	s16 =	simm.s32 $0x0  }
0x1d: {  	[tilespmem:s13], [sflag:$0x1] =	stream.linear.gather [hbm4b:s6+s16], $0x2780, $0x38;
	[tilespmem:$0x1A400] =	vst v63  }
0x1e: {  	_ =	swait.ge [sflag:s10], $0x2780  }
0x1f: {  	[sflag:s10] =	ssyncset.done $0x0  }
0x20: {  	s31 =	simm.s32 $0x13C00;
	[sflag:s10] =	ssyncadd.s32 $0xFFFFD880  }
0x21: {  	[spmem:s2] =	stream.indirect.scatter.add.f32 [tilespmem:s9], [sflag:$0x1], $0x80, s31, s14, $0xb8;
	[tilespmem:$0x1A400] =	vst v63  }
0x22: {  	s16 =	simm.s32 $0x200;
	_ =	swait.ge [sflag:s10], $0x4000  }
.LBB2_3:
0x23: {  	s17 =	sshra.s32 s16, $0x2;
	[sflag:s10] =	ssyncset.done $0x0;
	p1 =	sne.s32 s16, $0x9C00  }
.Ltmp3:
0x24: {  	s17 =	sadd.s32 $0x13C00, s17;
	[sflag:s10] =	ssyncadd.s32 $0xFFFFC000;
	(pc) =	sbr.rel @p1 .LBB2_3-.Ltmp3, $3  }
0x25: {  	[spmem:s2] =	stream.indirect.scatter.add.f32 [tilespmem:s9], [sflag:$0x1], $0x80, s17, s14, $0xb8;
	[tilespmem:$0x1A400] =	vst v63  }
0x26: {  	s16 =	sadd.s32 $0x200, s16;
	_ =	sdelay $0x1  }
0x27: {  	_ =	swait.ge [sflag:s10], $0x4000  }
0x28: {  	[sflag:s10] =	ssyncset.done $0x0  }
0x29: {  	[sflag:s10] =	ssyncadd.s32 $0xFFFFC000  }
.Ltmp4:
0x2a: {  	[bflag:$0x0] =	sbarrier.arrive $0xFFFF;
	(pc) =	sbr.rel .LBB2_6-.Ltmp4, $4  }
0x2b: {  	[hbm:s7], [sflag:s11] =	dma.local [spmem:s12], $0x2780  }
0x2c: {  	_ =	swait.ge [sflag:s10], $0x2780  }
0x2d: {  	[sflag:s10] =	ssyncset.done $0x0  }
0x2e: {  	[sflag:s10] =	ssyncadd.s32 $0xFFFFD880  }
.LBB2_7:
0x2f: {  	_ =	sfence.sel $0x180000  }
0x30: {  	[bflag:$0x0] =	sbarrier.arrive $0xFFFF  }
0x31: {  	p0 =	sne.s32 s1, $0x0;
	_ =	strace $0x9000004A  }
0x32: {  	s0 =	sadd.s32 @!p0 $0x100000, s0;
	[bflag:$0x2] =	sbarrier.arrive $0xFFFF  }
0x33: {  	[sflag:s0] =	ssyncadd.tile.s32 @!p0 $0x1;
	_ =	shalt  }
.Lfunc_end2:
_tile_overlayer_lowered:
.L_overlay_start_2:
0x34: {  	(tag) =	ssettag $0x2  }
0x35: {  	s0 =	rddreg [dreg:$0x0];
	s2 =	stileid.u32  }
0x36: {  	s1 =	rddreg [dreg:$0x1];
	p0 =	sne.s32 s2, $0x0  }
0x37: {  	s3 =	rddreg [dreg:$0x2];
	[bflag:$0x3] =	sbarrier.arrive $0xFFFF;
	s2 =	simm.s32 @!p0 $0x1C01  }
0x38: {  	[timem:s3], [sflag:s2] =	dma.local @!p0 [hbm:s0], s1  }
0x39: {  	s0 =	simm.s32 @!p0 $0x1  }
0x3a: {  	_ =	swait.ge @!p0 [sflag:s0], s1  }
0x3b: {  	s1 =	ssub.s32 @!p0 $0x0, s1;
	[sflag:s0] =	ssyncset.done @!p0 $0x0  }
0x3c: {  	[sflag:s0] =	ssyncadd.s32 @!p0 s1  }
0x3d: {  	[bflag:$0x3] =	sbarrier.arrive $0xFFFF  }
0x3e: {  	_ =	shalt  }

// kernel: kernel.18.cloned.1.call-start
scs
__scs_entry_jumppad:
0x0: {  	(pc) =	sbr.rel $0x88, $3  }
0x1: {  	(tag) =	ssettag $0x0;
	lr =	simm.s32 $0x1  }
0x2: {  	[smem:$0x3F70] =	sst lr;
	_ =	strace $0xD0000000  }
0x3: {  	_ = 	snop  }
0x4: {  	_ = 	snop  }
0x5: {  	_ = 	snop  }
0x6: {  	_ = 	snop  }
0x7: {  	_ = 	snop  }
__scs_overlays_trampoline_lowered:
0x8: {  	[smem:$0x3F7F] =	sst s0  }
0x9: {  	[smem:$0x3F80] =	sst s1  }
0xa: {  	[smem:$0x3F81] =	sst s2  }
0xb: {  	[smem:$0x3F82] =	sst s3  }
0xc: {  	[smem:$0x3F83] =	sst s4  }
0xd: {  	[smem:$0x3F84] =	sst s5  }
0xe: {  	[smem:$0x3F85] =	sst s6  }
0xf: {  	[smem:$0x3F86] =	sst s7  }
0x10: {  	[smem:$0x3F87] =	sst s8  }
0x11: {  	[smem:$0x3F88] =	sst s9;
	s0 =	simm.s32 @!p0 $0x0  }
0x12: {  	s1 =	sld [smem:$0x3F6E];
	s0 =	simm.s32 @p0 $0x1  }
0x13: {  	[smem:$0x3F89] =	sst s0;
	s0 =	simm.s32 @!p1 $0x0  }
0x14: {  	s2 =	sld [smem:$0x3F6D];
	s0 =	simm.s32 @p1 $0x1  }
0x15: {  	[smem:$0x3F8A] =	sst s0;
	s0 =	simm.s32 @!p2 $0x0  }
0x16: {  	s3 =	sld [smem:$0x3FDB];
	s0 =	simm.s32 @p2 $0x1  }
0x17: {  	s4 =	simm.s32 $0x1BF5;
	[smem:$0x3F8C] =	sst s0  }
0x18: {  	s0 =	sld [smem:$0x3F6F];
	_ =	swait.ge [sflag:s4], $0x0  }
0x19: {  	s7 =	sld [smem:$0x3F70]  }
0x1a: {  	s8 =	sadd.s32 $0xFFFFE003, lr  }
0x1b: {  	s9 =	sadd.s32 $0xFFFFFEF7, lr;
	s5 =	simm.s32 $0xFFFFFFFF;
	p2 =	slt.u32 s8, $0xFFFFF086  }
0x1c: {  	p1 =	slt.u32 s9, $0xF7A;
	s5 =	simm.s32 @!p2 $0x0  }
0x1d: {  	s5 =	simm.s32 @p1 $0x1;
	p0 =	seq.s32 s7, s2  }
0x1e: {  	s7 =	smul.u32 @!p0 $0xF7A, s2;
	p2 =	seq.s32 @!p0 s5, $0x0  }
0x1f: {  	s9 =	smul.u32 $0xF7A, s1;
	s8 =	simm.s32 @!p0 $0x1BF5;
	p2 =	por !p2, p0  }
0x20: {  	[sflag:s8] =	ssyncset.s32 @!p0 $0xFFFFF086;
	s6 =	sadd.s32 @!p0 s3, s7;
	s7 =	simm.s32 @!p0 $0x108  }
0x21: {  	s3 =	sadd.s32 s3, s9;
	s6 =	sadd.s32 @!p0 $0x88, s6;
	s7 =	simm.s32 @p2 $0x1082  }
0x22: {  	[simem:s7], [sflag:s8] =	dma.local @!p0 [hbm:s6], $0xF7A  }
0x23: {  	s9 =	sor.u32 $0xD0000000, s2;
	s6 =	simm.s32 $0x108;
	_ =	swait.ge @!p0 [sflag:s8], $0x0  }
0x24: {  	s3 =	sadd.s32 $0x88, s3;
	s6 =	simm.s32 @!p1 $0x1082;
	[sflag:s4] =	ssyncset.s32 $0xFFFFF086  }
0x25: {  	[simem:s6], [sflag:s4] =	dma.local [hbm:s3], $0xF7A  }
0x26: {  	[smem:$0x3F70] =	sst s1;
	(tag) =	ssettag s2;
	_ =	strace s9  }
0x27: {  	s1 =	sld [smem:$0x3F80]  }
0x28: {  	s2 =	sld [smem:$0x3F81]  }
0x29: {  	s4 =	sld [smem:$0x3F83]  }
0x2a: {  	p0 =	seq.s32 s5, $0x0;
	s5 =	sld [smem:$0x3F84]  }
0x2b: {  	s6 =	sld [smem:$0x3F85]  }
0x2c: {  	s7 =	sld [smem:$0x3F86]  }
0x2d: {  	s3 =	simm.s32 $0x108;
	s8 =	sld [smem:$0x3F87]  }
0x2e: {  	s3 =	simm.s32 @!p0 $0x1082;
	s9 =	sld [smem:$0x3F88]  }
0x2f: {  	lr =	sadd.s32 s0, s3;
	s0 =	sld [smem:$0x3F7F]  }
0x30: {  	s3 =	sld [smem:$0x3F82]  }
0x31: {  	[smem:$0x3F8B] =	sst s10  }
0x32: {  	s10 =	sld [smem:$0x3F89];
	_ =	sdelay $0x3  }
0x33: {  	p0 =	seq.s32 s10, $0x1;
	s10 =	sld [smem:$0x3F8B];
	_ =	sdelay $0x3  }
0x34: {  	[smem:$0x3F8B] =	sst s10  }
0x35: {  	s10 =	sld [smem:$0x3F8A];
	_ =	sdelay $0x3  }
0x36: {  	p1 =	seq.s32 s10, $0x1;
	s10 =	sld [smem:$0x3F8B];
	_ =	sdelay $0x3  }
0x37: {  	[smem:$0x3F8B] =	sst s10  }
0x38: {  	s10 =	sld [smem:$0x3F8C]  }
0x39: {  	_ = 	snop;
	(pc) =	sbr.ind lr, $3  }
0x3a: {  	_ = 	snop  }
0x3b: {  	_ = 	snop  }
0x3c: {  	p2 =	seq.s32 s10, $0x1;
	s10 =	sld [smem:$0x3F8B]  }
0x3d: {  	_ =	shalt  }
0x3e: {  	_ =	shalt  }
0x3f: {  	_ =	shalt  }
0x40: {  	_ =	shalt  }
0x41: {  	_ =	shalt  }
0x42: {  	_ =	shalt  }
0x43: {  	_ =	shalt  }
0x44: {  	_ =	shalt  }
0x45: {  	_ =	shalt  }
0x46: {  	_ =	shalt  }
0x47: {  	_ =	shalt  }
0x48: {  	_ =	shalt  }
0x49: {  	_ =	shalt  }
0x4a: {  	_ =	shalt  }
0x4b: {  	_ =	shalt  }
0x4c: {  	_ =	shalt  }
0x4d: {  	_ =	shalt  }
0x4e: {  	_ =	shalt  }
0x4f: {  	_ =	shalt  }
0x50: {  	_ =	shalt  }
0x51: {  	_ =	shalt  }
0x52: {  	_ =	shalt  }
0x53: {  	_ =	shalt  }
0x54: {  	_ =	shalt  }
0x55: {  	_ =	shalt  }
0x56: {  	_ =	shalt  }
0x57: {  	_ =	shalt  }
0x58: {  	_ =	shalt  }
0x59: {  	_ =	shalt  }
0x5a: {  	_ =	shalt  }
0x5b: {  	_ =	shalt  }
0x5c: {  	_ =	shalt  }
0x5d: {  	_ =	shalt  }
0x5e: {  	_ =	shalt  }
0x5f: {  	_ =	shalt  }
0x60: {  	_ =	shalt  }
0x61: {  	_ =	shalt  }
0x62: {  	_ =	shalt  }
0x63: {  	_ =	shalt  }
0x64: {  	_ =	shalt  }
0x65: {  	_ =	shalt  }
0x66: {  	_ =	shalt  }
0x67: {  	_ =	shalt  }
0x68: {  	_ =	shalt  }
0x69: {  	_ =	shalt  }
0x6a: {  	_ =	shalt  }
0x6b: {  	_ =	shalt  }
0x6c: {  	_ =	shalt  }
0x6d: {  	_ =	shalt  }
0x6e: {  	_ =	shalt  }
0x6f: {  	_ =	shalt  }
0x70: {  	_ =	shalt  }
0x71: {  	_ =	shalt  }
0x72: {  	_ =	shalt  }
0x73: {  	_ =	shalt  }
0x74: {  	_ =	shalt  }
0x75: {  	_ =	shalt  }
0x76: {  	_ =	shalt  }
0x77: {  	_ =	shalt  }
0x78: {  	_ =	shalt  }
0x79: {  	_ =	shalt  }
0x7a: {  	_ =	shalt  }
0x7b: {  	_ =	shalt  }
0x7c: {  	_ =	shalt  }
0x7d: {  	_ =	shalt  }
0x7e: {  	_ =	shalt  }
0x7f: {  	_ =	shalt  }
0x80: {  	_ =	shalt  }
0x81: {  	_ =	shalt  }
0x82: {  	_ =	shalt  }
0x83: {  	_ =	shalt  }
0x84: {  	_ =	shalt  }
0x85: {  	_ =	shalt  }
0x86: {  	_ =	shalt  }
0x87: {  	_ =	shalt  }
.Lfunc_end0:
.L_simem_size_0:
called_computation.1_lowered:
.L_overlay_start_0:
0x88: {  	s2 =	sld [smem:$0x3FD9]  }
0x89: {  	s3 =	sld [smem:$0x3FFE];
	_ =	sdelay $0x1  }
0x8a: {  	s1 =	srdreg.scid  }
0x8b: {  	s0 =	sand.u32 $0x1, s1  }
0x8c: {  	s16 =	sshll.u32 s0, $0xA;
	s2 =	sadd.s32 s3, s2  }
0x8d: {  	s2 =	sadd.s32 s2, s16  }
0x8e: {  	[smem:$0x3F97] =	sst s2  }
0x8f: {  	_ = 	snop  }
0x90: {  	(tm) =	ssettm $0x1  }
0x91: {  	s17 =	sld [smem:$0x3FFB];
	_ =	sdelay $0x3  }
0x92: {  	_ =	strace s17  }
0x93: {  	s2 =	sld [smem:$0x3FFC];
	_ =	sdelay $0x3  }
0x94: {  	_ =	strace s2  }
0x95: {  	s2 =	sld [smem:$0x3FFD];
	_ =	sdelay $0x3  }
0x96: {  	_ =	strace s2  }
0x97: {  	_ =	strace $0x8FFFFFFF  }
0x98: {  	s18 =	sld [smem:$0x3FDB];
	_ =	sdelay $0x1  }
0x99: {  	s19 =	simm.s32 $_scs_section_size  }
0x9a: {  	s4 =	simm.s32 $_size__tile_overlayer_lowered;
	s5 =	simm.s32 $_tile_overlayer_lowered  }
0x9b: {  	s22 =	simm.s32 $0x1BFF;
	s21 =	sshll.u32 s5, $0x1;
	s2 =	sadd.s32 s19, s18  }
0x9c: {  	s6 =	simm.s32 $0x0;
	s20 =	sshll.u32 s4, $0x1;
	s4 =	sadd.s32 s21, s2  }
0x9d: {  	[timem:s6], [sflag:s22] =	dma.local [hbm:s4], s20  }
0x9e: {  	_ =	swait.ge [sflag:s22], s20  }
0x9f: {  	s3 =	ssub.s32 $0x0, s20;
	[sflag:s22] =	ssyncset.done $0x0  }
0xa0: {  	[sflag:s22] =	ssyncadd.s32 s3;
	_ =	sdelay $0x1  }
0xa1: {  	s23 =	simm.s32 $0x1B8B  }
0xa2: {  	_ =	swait.ge [sflag:s23], $0x1  }
0xa3: {  	[sflag:s23] =	ssyncset.done $0x0  }
0xa4: {  	s25 =	simm.s32 $0x1B8E;
	s24 =	sld [smem:$0x3FFE];
	[sflag:s23] =	ssyncadd.s32 $0xFFFFFFFF  }
0xa5: {  	s26 =	simm.s32 $execute0_lowered;
	[smem:$0x3FD2] =	sst s25  }
0xa6: {  	s4 =	sshll.u32 s26, $0x1;
	_ =	strace $0x80000046;
	[dreg:$0x1] =	wrdreg $0xFFFFFFFF  }
0xa7: {  	s28 =	simm.s32 $_size_execute0_lowered;
	s2 =	sadd.s32 s2, s4;
	[dreg:$0x0] =	wrdreg $0x0  }
0xa8: {  	s4 =	sshll.u32 s28, $0x1;
	[dreg:$0x2] =	wrdreg s2  }
0xa9: {  	[dreg:$0x3] =	wrdreg s4  }
0xaa: {  	[dreg:$0x4] =	wrdreg $0xC0  }
0xab: {  	_ =	task [dreg:s6], $0x5FFFF  }
0xac: {  	[dreg:$0x1] =	wrdreg $0xFFFFFFFF  }
0xad: {  	[dreg:$0x0] =	wrdreg $0x60  }
0xae: {  	[dreg:$0x2] =	wrdreg s24  }
0xaf: {  	[dreg:$0x3] =	wrdreg $0x0  }
0xb0: {  	[dreg:$0x4] =	wrdreg $0xA  }
0xb1: {  	_ =	task.clear_ibuf [dreg:s6], $0x5FFFF;
	_ =	strace $0x90000046  }
0xb2: {  	s29 =	simm.s32 $0xA;
	_ =	strace $0x80000048  }
0xb3: {  	_ =	swait.ge [sflag:s29], $0x1  }
0xb4: {  	[sflag:s29] =	ssyncadd.s32 $0xFFFFFFFF  }
0xb5: {  	_ =	strace $0x90000048  }
0xb6: {  	_ =	sfence  }
0xb7: {  	s30 =	sld [smem:$0x0];
	_ =	sdelay $0x2  }
0xb8: {  	s31 =	sshll.u32 s1, $0xD;
	s1 =	sshrl.u32 s1, $0x2  }
0xb9: {  	s3 =	sand.u32 $0x4000, s31;
	s1 =	sadd.s32 s1, s30  }
0xba: {  	s0 =	sor.u32 s3, s0;
	s1 =	sshll.u32 s1, $0x11  }
0xbb: {  	s0 =	sor.u32 s1, s0  }
0xbc: {  	s0 =	sadd.s32 $0x8F2B, s0  }
0xbd: {  	[sflag:s0] =	ssyncadd.remote.s32 $0x1  }
0xbe: {  	_ =	sfence.sel $0xFFFF  }
0xbf: {  	[dreg:$0x0] =	wrdreg $0xFFFFFFFF;
	(pc) =	sbr.abs _section_cstart, $3  }
0xc0: {  	[dreg:$0x1] =	wrdreg $0xFFFFFFFF  }
0xc1: {  	_ =	task.clear_ibuf [dreg:s6], $0x2FFFF;
	_ =	strace $0x9FFFFFFF  }
0xc2: {  	(tm) =	ssettm $0x7FFFFFFF  }
0xc3: {  	_ =	shalt  }
tec
execute0_lowered:
.L_overlay_start_1:
0x0: {  	(tag) =	ssettag $0x1  }
0x1: {  	s5 =	rddreg [dreg:$0x0]  }
0x2: {  	s2 =	rddreg [dreg:$0x1];
	s3 =	simm.s32 $0x0;
	s0 =	stileid.u32  }
0x3: {  	s7 =	srdreg.scid;
	s17 =	simm.s32 $0x13C80;
	s18 =	simm.s32 $0x4  }
0x4: {  	s19 =	simm.s32 $0x1A500;
	s20 =	simm.s32 $0x1;
	s21 =	simm.s32 $0x2  }
0x5: {  	s22 =	simm.s32 $0x16400;
	[smem:$0x7FF] =	sst s3;
	s4 =	smul.u32 $0x500, s0  }
0x6: {  	s8 =	sadd.s32 $0x11600, s5;
	s7 =	sand.u32 $0x1, s7;
	s9 =	smul.u32 $0x4F000, s0  }
0x7: {  	s10 =	sadd.s32 $0xB0200, s5;
	s24 =	smul.u32 $0x2780, s0;
	s31 =	sshll.u32 s0, $0x6  }
0x8: {  	_ =	strace $0x80000047;
	s29 =	ssub.s32 $0x2, s7;
	s11 =	smul.u32 $0x4E200, s7  }
0x9: {  	s13 =	smul.u32 $0x4F000, s7;
	s7 =	sshllo.u32 s7, $0x1;
	s6 =	sadd.s32 s4, s5  }
0xa: {  	s4 =	sadd.s32 $0xADA00, s5;
	s12 =	sshrl.u32 s29, $0x1;
	s14 =	smul.u32 $0x27100, s7  }
0xb: {  	s9 =	sshrl.u32 s9, $0x2;
	s30 =	smul.u32 $0x27800, s7;
	s12 =	ssub.s32 s29, s12  }
0xc: {  	s5 =	sadd.s32 $0x7600, s6;
	s15 =	sadd.s32 s9, s2;
	s6 =	sadd.s32 $0xC600, s6  }
0xd: {  	s7 =	sadd.s32 s8, s11;
	s23 =	sadd.s32 s10, s13;
	s11 =	sor.u32 $0x1C03, s31  }
0xe: {  	s13 =	simm.s32 $0x13C00;
	s8 =	sadd.s32 s8, s14;
	s25 =	sadd.s32 s10, s30  }
0xf: {  	s9 =	smax.u32 s12, $0x1;
	s10 =	simm.s32 $0x3;
	s12 =	sshrl.u32 s15, $0x3  }
0x10: {  	s14 =	simm.s32 $0x80;
	s15 =	simm.s32 $0x16500;
	s16 =	sadd.s32 $0x20, s6  }
0x11: {  	s23 =	sadd.s32 s24, s23;
	s24 =	sadd.s32 s24, s25;
	s25 =	simm.s32 $0x0  }
.LBB2_1:
0x12: {  	s26 =	simm.s32 $0x13D00  }
0x13: {  	[tilespmem:s26], [sflag:$0x3] =	stream.linear.gather [hbm4b:s5+s3], $0x2780, $0x38;
	[tilespmem:$0x1E500] =	vst v63  }
0x14: {  	_ =	swait.ge [sflag:s10], $0x2780  }
0x15: {  	[sflag:s10] =	ssyncset.done $0x0  }
0x16: {  	[sflag:s10] =	ssyncadd.s32 $0xFFFFD880  }
0x17: {  	[spmem:s12], [sflag:s11] =	dma.local [hbm:s4], $0x2780  }
0x18: {  	_ =	swait.ge [sflag:s10], $0x2780  }
0x19: {  	[sflag:s10] =	ssyncset.done $0x0  }
0x1a: {  	[sflag:s10] =	ssyncadd.s32 $0xFFFFD880  }
0x1b: {  	[bflag:$0x0] =	sbarrier.arrive $0xFFFF  }
0x1c: {  	[tilespmem:s13], [sflag:$0x3] =	stream.linear.gather [hbm4b:s6+s3], $0x80, $0x38;
	[tilespmem:$0x1E500] =	vst v63  }
0x1d: {  	_ =	swait.ge [sflag:s10], $0x80  }
0x1e: {  	s28 =	sand.u32 $0x780, s3;
	s29 =	simm.s32 $0x10;
	[sflag:s10] =	ssyncset.done $0x0  }
0x1f: {  	s29 =	sand.u32 $0x70, s29;
	s28 =	sadd.s32 s6, s28;
	[sflag:s10] =	ssyncadd.s32 $0xFFFFFF80  }
0x20: {  	[tilespmem:s15], [sflag:$0x1] =	stream.indirect.gather [hbm4b:s7+s14], $0x80, s13, s14, $0xb8;
	[tilespmem:$0x1E500] =	vst v63  }
0x21: {  	s28 =	sadd.s32 s29, s28  }
0x22: {  	[tilespmem:s17], [sflag:$0x4] =	stream.linear.gather [hbm4b:s28+s3], $0x80, $0x38;
	[tilespmem:$0x1E500] =	vst v63  }
0x23: {  	_ =	swait.ge [sflag:s18], $0x80  }
0x24: {  	[sflag:s18] =	ssyncset.done $0x0  }
0x25: {  	[sflag:s18] =	ssyncadd.s32 $0xFFFFFF80  }
0x26: {  	[tilespmem:s19], [sflag:$0x2] =	stream.indirect.gather [hbm4b:s7+s14], $0x80, s17, s14, $0xb8;
	[tilespmem:$0x1E500] =	vst v63  }
0x27: {  	_ =	swait.ge [sflag:s20], $0x4000  }
0x28: {  	[sflag:s20] =	ssyncset.done $0x0  }
0x29: {  	[sflag:s20] =	ssyncadd.s32 $0xFFFFC000  }
0x2a: {  	[spmem:s2] =	stream.indirect.scatter.add.f32 [tilespmem:s15], [sflag:$0x4], $0x80, s26, s14, $0xb8;
	[tilespmem:$0x1E500] =	vst v63  }
0x2b: {  	_ =	swait.ge [sflag:s18], $0x4000  }
0x2c: {  	[sflag:s18] =	ssyncset.done $0x0  }
0x2d: {  	s1 =	sadd.s32 $0x0, s16;
	[sflag:s18] =	ssyncadd.s32 $0xFFFFC000  }
0x2e: {  	[tilespmem:s13], [sflag:$0x4] =	stream.linear.gather [hbm4b:s1+s3], $0x80, $0x38;
	[tilespmem:$0x1E500] =	vst v63  }
0x2f: {  	_ =	swait.ge [sflag:s18], $0x80  }
0x30: {  	[sflag:s18] =	ssyncset.done $0x0  }
0x31: {  	[sflag:s18] =	ssyncadd.s32 $0xFFFFFF80  }
0x32: {  	[tilespmem:s15], [sflag:$0x1] =	stream.indirect.gather [hbm4b:s7+s14], $0x80, s13, s14, $0xb8;
	[tilespmem:$0x1E500] =	vst v63  }
0x33: {  	_ =	swait.ge [sflag:s21], $0x4000  }
0x34: {  	s30 =	simm.s32 $0x13D80;
	s28 =	simm.s32 $0x20;
	[sflag:s21] =	ssyncset.done $0x0  }
0x35: {  	s29 =	simm.s32 $0x40;
	s31 =	sand.u32 $0x780, s28;
	[sflag:s21] =	ssyncadd.s32 $0xFFFFC000  }
0x36: {  	[spmem:s2] =	stream.indirect.scatter.add.f32 [tilespmem:s19], [sflag:$0x3], $0x80, s30, s14, $0xb8;
	[tilespmem:$0x1E500] =	vst v63  }
0x37: {  	s31 =	sadd.s32 s6, s31;
	s30 =	simm.s32 $0x30;
	_ =	swait.ge [sflag:s10], $0x4000  }
0x38: {  	s26 =	simm.s32 $0x13E00;
	s30 =	sand.u32 $0x70, s30;
	[sflag:s10] =	ssyncset.done $0x0  }
.LBB2_2:
0x39: {  	s30 =	sadd.s32 s30, s31  }
0x3a: {  	[sflag:s10] =	ssyncadd.s32 $0xFFFFC000;
	s31 =	smov.u32 s29;
	s0 =	sadd.s32 $0x20, s29  }
0x3b: {  	[tilespmem:s17], [sflag:$0x4] =	stream.linear.gather [hbm4b:s30+s3], $0x80, $0x38;
	[tilespmem:$0x1E500] =	vst v63  }
0x3c: {  	p0 =	sne.s32 s29, $0x4C0;
	_ =	swait.ge [sflag:s18], $0x80  }
0x3d: {  	[sflag:s18] =	ssyncset.done $0x0  }
0x3e: {  	[sflag:s18] =	ssyncadd.s32 $0xFFFFFF80  }
0x3f: {  	[tilespmem:s19], [sflag:$0x2] =	stream.indirect.gather [hbm4b:s7+s14], $0x80, s17, s14, $0xb8;
	[tilespmem:$0x1E500] =	vst v63  }
0x40: {  	_ =	swait.ge [sflag:s20], $0x4000  }
0x41: {  	[sflag:s20] =	ssyncset.done $0x0  }
0x42: {  	[sflag:s20] =	ssyncadd.s32 $0xFFFFC000  }
0x43: {  	[spmem:s2] =	stream.indirect.scatter.add.f32 [tilespmem:s15], [sflag:$0x4], $0x80, s26, s14, $0xb8;
	[tilespmem:$0x1E500] =	vst v63  }
0x44: {  	_ =	swait.ge [sflag:s18], $0x4000  }
0x45: {  	[sflag:s18] =	ssyncset.done $0x0  }
0x46: {  	s29 =	sadd.s32 s28, s16;
	s28 =	smov.u32 s31;
	[sflag:s18] =	ssyncadd.s32 $0xFFFFC000  }
0x47: {  	[tilespmem:s13], [sflag:$0x4] =	stream.linear.gather [hbm4b:s29+s3], $0x80, $0x38;
	[tilespmem:$0x1E500] =	vst v63  }
0x48: {  	_ =	swait.ge [sflag:s18], $0x80  }
0x49: {  	[sflag:s18] =	ssyncset.done $0x0  }
0x4a: {  	[sflag:s18] =	ssyncadd.s32 $0xFFFFFF80  }
0x4b: {  	[tilespmem:s15], [sflag:$0x1] =	stream.indirect.gather [hbm4b:s7+s14], $0x80, s13, s14, $0xb8;
	[tilespmem:$0x1E500] =	vst v63  }
0x4c: {  	_ =	swait.ge [sflag:s21], $0x4000  }
.Ltmp0:
0x4d: {  	s30 =	sadd.s32 $0x10, s28;
	[sflag:s21] =	ssyncset.done $0x0;
	(pc) =	sbr.rel @p0 .LBB2_2-.Ltmp0, $4  }
0x4e: {  	s29 =	sadd.s32 $0x80, s26;
	s26 =	sadd.s32 $0x100, s26;
	[sflag:s21] =	ssyncadd.s32 $0xFFFFC000  }
0x4f: {  	[spmem:s2] =	stream.indirect.scatter.add.f32 [tilespmem:s19], [sflag:$0x3], $0x80, s29, s14, $0xb8;
	[tilespmem:$0x1E500] =	vst v63  }
0x50: {  	s30 =	sand.u32 $0x70, s30;
	s29 =	sand.u32 $0x780, s28;
	_ =	swait.ge [sflag:s10], $0x4000  }
0x51: {  	s31 =	sadd.s32 s6, s29;
	s29 =	smov.u32 s0;
	[sflag:s10] =	ssyncset.done $0x0  }
0x52: {  	s0 =	sadd.s32 s30, s31;
	[sflag:s10] =	ssyncadd.s32 $0xFFFFC000  }
0x53: {  	[tilespmem:s17], [sflag:$0x4] =	stream.linear.gather [hbm4b:s0+s3], $0x80, $0x38;
	[tilespmem:$0x1E500] =	vst v63  }
0x54: {  	_ =	swait.ge [sflag:s18], $0x80  }
0x55: {  	[sflag:s18] =	ssyncset.done $0x0  }
0x56: {  	[sflag:s18] =	ssyncadd.s32 $0xFFFFFF80  }
0x57: {  	[tilespmem:s19], [sflag:$0x2] =	stream.indirect.gather [hbm4b:s7+s14], $0x80, s17, s14, $0xb8;
	[tilespmem:$0x1E500] =	vst v63  }
0x58: {  	_ =	swait.ge [sflag:s20], $0x4000  }
0x59: {  	[sflag:s20] =	ssyncset.done $0x0  }
0x5a: {  	[sflag:s20] =	ssyncadd.s32 $0xFFFFC000  }
0x5b: {  	[spmem:s2] =	stream.indirect.scatter.add.f32 [tilespmem:s15], [sflag:$0x4], $0x80, s26, s14, $0xb8;
	[tilespmem:$0x1E500] =	vst v63  }
0x5c: {  	_ =	swait.ge [sflag:s18], $0x4000  }
0x5d: {  	[sflag:s18] =	ssyncset.done $0x0  }
0x5e: {  	s1 =	sadd.s32 s28, s16;
	[sflag:s18] =	ssyncadd.s32 $0xFFFFC000  }
0x5f: {  	[tilespmem:s13], [sflag:$0x4] =	stream.linear.gather [hbm4b:s1+s3], $0x80, $0x38;
	[tilespmem:$0x1E500] =	vst v63  }
0x60: {  	_ =	swait.ge [sflag:s18], $0x80  }
0x61: {  	[sflag:s18] =	ssyncset.done $0x0  }
0x62: {  	[sflag:s18] =	ssyncadd.s32 $0xFFFFFF80  }
0x63: {  	[tilespmem:s15], [sflag:$0x1] =	stream.indirect.gather [hbm4b:s7+s14], $0x80, s13, s14, $0xb8;
	[tilespmem:$0x1E500] =	vst v63  }
0x64: {  	_ =	swait.ge [sflag:s21], $0x4000  }
0x65: {  	[sflag:s21] =	ssyncset.done $0x0  }
0x66: {  	s1 =	sadd.s32 $0x80, s26;
	[sflag:s21] =	ssyncadd.s32 $0xFFFFC000  }
0x67: {  	[spmem:s2] =	stream.indirect.scatter.add.f32 [tilespmem:s19], [sflag:$0x3], $0x80, s1, s14, $0xb8;
	[tilespmem:$0x1E500] =	vst v63  }
0x68: {  	_ =	swait.ge [sflag:s10], $0x4000  }
0x69: {  	[sflag:s10] =	ssyncset.done $0x0  }
0x6a: {  	[sflag:s10] =	ssyncadd.s32 $0xFFFFC000  }
0x6b: {  	_ =	swait.ge [sflag:s20], $0x4000  }
0x6c: {  	[sflag:s20] =	ssyncset.done $0x0  }
0x6d: {  	[sflag:s20] =	ssyncadd.s32 $0xFFFFC000  }
0x6e: {  	[spmem:s2] =	stream.indirect.scatter.add.f32 [tilespmem:s15], [sflag:$0x4], $0x80, s22, s14, $0xb8;
	[tilespmem:$0x1E500] =	vst v63  }
0x6f: {  	_ =	swait.ge [sflag:s18], $0x4000  }
0x70: {  	[sflag:s18] =	ssyncset.done $0x0  }
0x71: {  	[sflag:s18] =	ssyncadd.s32 $0xFFFFC000  }
0x72: {  	[bflag:$0x0] =	sbarrier.arrive $0xFFFF  }
0x73: {  	[hbm:s23], [sflag:s11] =	dma.local [spmem:s12], $0x2780  }
0x74: {  	_ =	swait.ge [sflag:s10], $0x2780  }
0x75: {  	[sflag:s10] =	ssyncset.done $0x0  }
0x76: {  	[sflag:s10] =	ssyncadd.s32 $0xFFFFD880  }
0x77: {  	[bflag:$0x0] =	sbarrier.arrive $0xFFFF  }
0x78: {  	[spmem:s12], [sflag:s11] =	dma.local [hbm:s4], $0x2780  }
0x79: {  	_ =	swait.ge [sflag:s10], $0x2780  }
0x7a: {  	[sflag:s10] =	ssyncset.done $0x0  }
0x7b: {  	[sflag:s10] =	ssyncadd.s32 $0xFFFFD880  }
0x7c: {  	s26 =	simm.s32 $0x0;
	[bflag:$0x0] =	sbarrier.arrive $0xFFFF  }
0x7d: {  	[tilespmem:s13], [sflag:$0x3] =	stream.linear.gather [hbm4b:s6+s26], $0x80, $0x38;
	[tilespmem:$0x1E500] =	vst v63  }
0x7e: {  	_ =	swait.ge [sflag:s10], $0x80  }
0x7f: {  	s0 =	sand.u32 $0x780, s26;
	s1 =	simm.s32 $0x10;
	[sflag:s10] =	ssyncset.done $0x0  }
0x80: {  	s0 =	sadd.s32 s6, s0;
	s26 =	sand.u32 $0x70, s1;
	[sflag:s10] =	ssyncadd.s32 $0xFFFFFF80  }
0x81: {  	[tilespmem:s15], [sflag:$0x1] =	stream.indirect.gather [hbm4b:s8+s14], $0x80, s13, s14, $0xb8;
	[tilespmem:$0x1E500] =	vst v63  }
0x82: {  	s0 =	sadd.s32 s26, s0  }
0x83: {  	[tilespmem:s17], [sflag:$0x4] =	stream.linear.gather [hbm4b:s0+s3], $0x80, $0x38;
	[tilespmem:$0x1E500] =	vst v63  }
0x84: {  	_ =	swait.ge [sflag:s18], $0x80  }
0x85: {  	[sflag:s18] =	ssyncset.done $0x0  }
0x86: {  	[sflag:s18] =	ssyncadd.s32 $0xFFFFFF80  }
0x87: {  	[tilespmem:s19], [sflag:$0x2] =	stream.indirect.gather [hbm4b:s8+s14], $0x80, s17, s14, $0xb8;
	[tilespmem:$0x1E500] =	vst v63  }
0x88: {  	_ =	swait.ge [sflag:s20], $0x4000  }
0x89: {  	[sflag:s20] =	ssyncset.done $0x0  }
0x8a: {  	s1 =	simm.s32 $0x13D00;
	[sflag:s20] =	ssyncadd.s32 $0xFFFFC000  }
0x8b: {  	[spmem:s2] =	stream.indirect.scatter.add.f32 [tilespmem:s15], [sflag:$0x4], $0x80, s1, s14, $0xb8;
	[tilespmem:$0x1E500] =	vst v63  }
0x8c: {  	_ =	swait.ge [sflag:s18], $0x4000  }
0x8d: {  	[sflag:s18] =	ssyncset.done $0x0  }
0x8e: {  	s26 =	sadd.s32 $0x0, s16;
	[sflag:s18] =	ssyncadd.s32 $0xFFFFC000  }
0x8f: {  	[tilespmem:s13], [sflag:$0x4] =	stream.linear.gather [hbm4b:s26+s3], $0x80, $0x38;
	[tilespmem:$0x1E500] =	vst v63  }
0x90: {  	_ =	swait.ge [sflag:s18], $0x80  }
0x91: {  	[sflag:s18] =	ssyncset.done $0x0  }
0x92: {  	[sflag:s18] =	ssyncadd.s32 $0xFFFFFF80  }
0x93: {  	[tilespmem:s15], [sflag:$0x1] =	stream.indirect.gather [hbm4b:s8+s14], $0x80, s13, s14, $0xb8;
	[tilespmem:$0x1E500] =	vst v63  }
0x94: {  	_ =	swait.ge [sflag:s21], $0x4000  }
0x95: {  	s28 =	simm.s32 $0x20;
	s29 =	simm.s32 $0x40;
	[sflag:s21] =	ssyncset.done $0x0  }
0x96: {  	s30 =	simm.s32 $0x30;
	s1 =	simm.s32 $0x13D80;
	[sflag:s21] =	ssyncadd.s32 $0xFFFFC000  }
0x97: {  	[spmem:s2] =	stream.indirect.scatter.add.f32 [tilespmem:s19], [sflag:$0x3], $0x80, s1, s14, $0xb8;
	[tilespmem:$0x1E500] =	vst v63  }
0x98: {  	s30 =	sand.u32 $0x70, s30;
	s1 =	sand.u32 $0x780, s28;
	_ =	swait.ge [sflag:s10], $0x4000  }
0x99: {  	s26 =	simm.s32 $0x13E00;
	s31 =	sadd.s32 s6, s1;
	[sflag:s10] =	ssyncset.done $0x0  }
.LBB2_4:
0x9a: {  	s0 =	sadd.s32 s30, s31  }
0x9b: {  	[sflag:s10] =	ssyncadd.s32 $0xFFFFC000;
	s30 =	smov.u32 s29;
	s1 =	sadd.s32 $0x20, s29  }
0x9c: {  	[tilespmem:s17], [sflag:$0x4] =	stream.linear.gather [hbm4b:s0+s3], $0x80, $0x38;
	[tilespmem:$0x1E500] =	vst v63  }
0x9d: {  	p0 =	sne.s32 s29, $0x4C0;
	_ =	swait.ge [sflag:s18], $0x80  }
0x9e: {  	[sflag:s18] =	ssyncset.done $0x0  }
0x9f: {  	[sflag:s18] =	ssyncadd.s32 $0xFFFFFF80  }
0xa0: {  	[tilespmem:s19], [sflag:$0x2] =	stream.indirect.gather [hbm4b:s8+s14], $0x80, s17, s14, $0xb8;
	[tilespmem:$0x1E500] =	vst v63  }
0xa1: {  	_ =	swait.ge [sflag:s20], $0x4000  }
0xa2: {  	[sflag:s20] =	ssyncset.done $0x0  }
0xa3: {  	[sflag:s20] =	ssyncadd.s32 $0xFFFFC000  }
0xa4: {  	[spmem:s2] =	stream.indirect.scatter.add.f32 [tilespmem:s15], [sflag:$0x4], $0x80, s26, s14, $0xb8;
	[tilespmem:$0x1E500] =	vst v63  }
0xa5: {  	_ =	swait.ge [sflag:s18], $0x4000  }
0xa6: {  	[sflag:s18] =	ssyncset.done $0x0  }
0xa7: {  	s0 =	sadd.s32 s28, s16;
	s28 =	smov.u32 s30;
	[sflag:s18] =	ssyncadd.s32 $0xFFFFC000  }
0xa8: {  	[tilespmem:s13], [sflag:$0x4] =	stream.linear.gather [hbm4b:s0+s3], $0x80, $0x38;
	[tilespmem:$0x1E500] =	vst v63  }
0xa9: {  	_ =	swait.ge [sflag:s18], $0x80  }
0xaa: {  	[sflag:s18] =	ssyncset.done $0x0  }
0xab: {  	[sflag:s18] =	ssyncadd.s32 $0xFFFFFF80  }
0xac: {  	[tilespmem:s15], [sflag:$0x1] =	stream.indirect.gather [hbm4b:s8+s14], $0x80, s13, s14, $0xb8;
	[tilespmem:$0x1E500] =	vst v63  }
0xad: {  	_ =	swait.ge [sflag:s21], $0x4000  }
.Ltmp1:
0xae: {  	s29 =	sadd.s32 $0x10, s28;
	[sflag:s21] =	ssyncset.done $0x0;
	(pc) =	sbr.rel @p0 .LBB2_4-.Ltmp1, $4  }
0xaf: {  	s0 =	sadd.s32 $0x80, s26;
	s26 =	sadd.s32 $0x100, s26;
	[sflag:s21] =	ssyncadd.s32 $0xFFFFC000  }
0xb0: {  	[spmem:s2] =	stream.indirect.scatter.add.f32 [tilespmem:s19], [sflag:$0x3], $0x80, s0, s14, $0xb8;
	[tilespmem:$0x1E500] =	vst v63  }
0xb1: {  	s30 =	sand.u32 $0x70, s29;
	s0 =	sand.u32 $0x780, s28;
	_ =	swait.ge [sflag:s10], $0x4000  }
0xb2: {  	s29 =	smov.u32 s1;
	s31 =	sadd.s32 s6, s0;
	[sflag:s10] =	ssyncset.done $0x0  }
0xb3: {  	s0 =	sadd.s32 s30, s31;
	[sflag:s10] =	ssyncadd.s32 $0xFFFFC000  }
0xb4: {  	[tilespmem:s17], [sflag:$0x4] =	stream.linear.gather [hbm4b:s0+s3], $0x80, $0x38;
	[tilespmem:$0x1E500] =	vst v63  }
0xb5: {  	_ =	swait.ge [sflag:s18], $0x80  }
0xb6: {  	[sflag:s18] =	ssyncset.done $0x0  }
0xb7: {  	[sflag:s18] =	ssyncadd.s32 $0xFFFFFF80  }
0xb8: {  	[tilespmem:s19], [sflag:$0x2] =	stream.indirect.gather [hbm4b:s8+s14], $0x80, s17, s14, $0xb8;
	[tilespmem:$0x1E500] =	vst v63  }
0xb9: {  	_ =	swait.ge [sflag:s20], $0x4000  }
0xba: {  	[sflag:s20] =	ssyncset.done $0x0  }
0xbb: {  	[sflag:s20] =	ssyncadd.s32 $0xFFFFC000  }
0xbc: {  	[spmem:s2] =	stream.indirect.scatter.add.f32 [tilespmem:s15], [sflag:$0x4], $0x80, s26, s14, $0xb8;
	[tilespmem:$0x1E500] =	vst v63  }
0xbd: {  	_ =	swait.ge [sflag:s18], $0x4000  }
0xbe: {  	[sflag:s18] =	ssyncset.done $0x0  }
0xbf: {  	s30 =	sadd.s32 s28, s16;
	[sflag:s18] =	ssyncadd.s32 $0xFFFFC000  }
0xc0: {  	[tilespmem:s13], [sflag:$0x4] =	stream.linear.gather [hbm4b:s30+s3], $0x80, $0x38;
	[tilespmem:$0x1E500] =	vst v63  }
0xc1: {  	_ =	swait.ge [sflag:s18], $0x80  }
0xc2: {  	[sflag:s18] =	ssyncset.done $0x0  }
0xc3: {  	[sflag:s18] =	ssyncadd.s32 $0xFFFFFF80  }
0xc4: {  	[tilespmem:s15], [sflag:$0x1] =	stream.indirect.gather [hbm4b:s8+s14], $0x80, s13, s14, $0xb8;
	[tilespmem:$0x1E500] =	vst v63  }
0xc5: {  	_ =	swait.ge [sflag:s21], $0x4000  }
0xc6: {  	[sflag:s21] =	ssyncset.done $0x0  }
0xc7: {  	s31 =	sadd.s32 $0x80, s26;
	[sflag:s21] =	ssyncadd.s32 $0xFFFFC000  }
0xc8: {  	[spmem:s2] =	stream.indirect.scatter.add.f32 [tilespmem:s19], [sflag:$0x3], $0x80, s31, s14, $0xb8;
	[tilespmem:$0x1E500] =	vst v63  }
0xc9: {  	_ =	swait.ge [sflag:s10], $0x4000  }
0xca: {  	[sflag:s10] =	ssyncset.done $0x0  }
0xcb: {  	[sflag:s10] =	ssyncadd.s32 $0xFFFFC000  }
0xcc: {  	_ =	swait.ge [sflag:s20], $0x4000  }
0xcd: {  	[sflag:s20] =	ssyncset.done $0x0  }
0xce: {  	[sflag:s20] =	ssyncadd.s32 $0xFFFFC000  }
0xcf: {  	[spmem:s2] =	stream.indirect.scatter.add.f32 [tilespmem:s15], [sflag:$0x4], $0x80, s22, s14, $0xb8;
	[tilespmem:$0x1E500] =	vst v63  }
0xd0: {  	_ =	swait.ge [sflag:s18], $0x4000  }
0xd1: {  	[sflag:s18] =	ssyncset.done $0x0  }
0xd2: {  	s25 =	sadd.s32 $0x1, s25;
	[sflag:s18] =	ssyncadd.s32 $0xFFFFC000  }
0xd3: {  	p0 =	sne.s32 s25, s9;
	[bflag:$0x0] =	sbarrier.arrive $0xFFFF  }
0xd4: {  	[hbm:s24], [sflag:s11] =	dma.local [spmem:s12], $0x2780  }
.Ltmp2:
0xd5: {  	_ =	swait.ge [sflag:s10], $0x2780;
	(pc) =	sbr.rel @p0 .LBB2_1-.Ltmp2, $3  }
0xd6: {  	[sflag:s10] =	ssyncset.done $0x0  }
0xd7: {  	[sflag:s10] =	ssyncadd.s32 $0xFFFFD880  }
0xd8: {  	[bflag:$0x0] =	sbarrier.arrive $0xFFFF;
	_ =	sdelay $0x1  }
0xd9: {  	_ =	sfence.sel $0x180000  }
0xda: {  	[bflag:$0x0] =	sbarrier.arrive $0xFFFF  }
0xdb: {  	_ =	strace $0x90000047  }
0xdc: {  	s0 =	stileid.u32;
	[bflag:$0x2] =	sbarrier.arrive $0xFFFF  }
0xdd: {  	p0 =	sne.s32 s0, $0x0;
	s0 =	rddreg [dreg:$0x2]  }
0xde: {  	s0 =	sadd.s32 @!p0 $0x100000, s0  }
0xdf: {  	[sflag:s0] =	ssyncadd.tile.s32 @!p0 $0x1;
	_ =	shalt  }
.Lfunc_end2:
_tile_overlayer_lowered:
.L_overlay_start_2:
0xe0: {  	(tag) =	ssettag $0x2  }
0xe1: {  	s0 =	rddreg [dreg:$0x0];
	s2 =	stileid.u32  }
0xe2: {  	s1 =	rddreg [dreg:$0x1];
	p0 =	sne.s32 s2, $0x0  }
0xe3: {  	s3 =	rddreg [dreg:$0x2];
	[bflag:$0x3] =	sbarrier.arrive $0xFFFF;
	s2 =	simm.s32 @!p0 $0x1C03  }
0xe4: {  	[timem:s3], [sflag:s2] =	dma.local @!p0 [hbm:s0], s1  }
0xe5: {  	s0 =	simm.s32 @!p0 $0x3  }
0xe6: {  	_ =	swait.ge @!p0 [sflag:s0], s1  }
0xe7: {  	s1 =	ssub.s32 @!p0 $0x0, s1;
	[sflag:s0] =	ssyncset.done @!p0 $0x0  }
0xe8: {  	[sflag:s0] =	ssyncadd.s32 @!p0 s1  }
0xe9: {  	[bflag:$0x3] =	sbarrier.arrive $0xFFFF  }
0xea: {  	_ =	shalt  }

// kernel: kernel.21.cloned.1.call-start
scs
__scs_entry_jumppad:
0x0: {  	(pc) =	sbr.rel $0x88, $3  }
0x1: {  	(tag) =	ssettag $0x0;
	lr =	simm.s32 $0x1  }
0x2: {  	[smem:$0x3F70] =	sst lr;
	_ =	strace $0xD0000000  }
0x3: {  	_ = 	snop  }
0x4: {  	_ = 	snop  }
0x5: {  	_ = 	snop  }
0x6: {  	_ = 	snop  }
0x7: {  	_ = 	snop  }
__scs_overlays_trampoline_lowered:
0x8: {  	[smem:$0x3F7F] =	sst s0  }
0x9: {  	[smem:$0x3F80] =	sst s1  }
0xa: {  	[smem:$0x3F81] =	sst s2  }
0xb: {  	[smem:$0x3F82] =	sst s3  }
0xc: {  	[smem:$0x3F83] =	sst s4  }
0xd: {  	[smem:$0x3F84] =	sst s5  }
0xe: {  	[smem:$0x3F85] =	sst s6  }
0xf: {  	[smem:$0x3F86] =	sst s7  }
0x10: {  	[smem:$0x3F87] =	sst s8  }
0x11: {  	[smem:$0x3F88] =	sst s9;
	s0 =	simm.s32 @!p0 $0x0  }
0x12: {  	s1 =	sld [smem:$0x3F6E];
	s0 =	simm.s32 @p0 $0x1  }
0x13: {  	[smem:$0x3F89] =	sst s0;
	s0 =	simm.s32 @!p1 $0x0  }
0x14: {  	s2 =	sld [smem:$0x3F6D];
	s0 =	simm.s32 @p1 $0x1  }
0x15: {  	[smem:$0x3F8A] =	sst s0;
	s0 =	simm.s32 @!p2 $0x0  }
0x16: {  	s3 =	sld [smem:$0x3FDB];
	s0 =	simm.s32 @p2 $0x1  }
0x17: {  	s4 =	simm.s32 $0x1BF5;
	[smem:$0x3F8C] =	sst s0  }
0x18: {  	s0 =	sld [smem:$0x3F6F];
	_ =	swait.ge [sflag:s4], $0x0  }
0x19: {  	s7 =	sld [smem:$0x3F70]  }
0x1a: {  	s8 =	sadd.s32 $0xFFFFE003, lr  }
0x1b: {  	s9 =	sadd.s32 $0xFFFFFEF7, lr;
	s5 =	simm.s32 $0xFFFFFFFF;
	p2 =	slt.u32 s8, $0xFFFFF086  }
0x1c: {  	p1 =	slt.u32 s9, $0xF7A;
	s5 =	simm.s32 @!p2 $0x0  }
0x1d: {  	s5 =	simm.s32 @p1 $0x1;
	p0 =	seq.s32 s7, s2  }
0x1e: {  	s7 =	smul.u32 @!p0 $0xF7A, s2;
	p2 =	seq.s32 @!p0 s5, $0x0  }
0x1f: {  	s9 =	smul.u32 $0xF7A, s1;
	s8 =	simm.s32 @!p0 $0x1BF5;
	p2 =	por !p2, p0  }
0x20: {  	[sflag:s8] =	ssyncset.s32 @!p0 $0xFFFFF086;
	s6 =	sadd.s32 @!p0 s3, s7;
	s7 =	simm.s32 @!p0 $0x108  }
0x21: {  	s3 =	sadd.s32 s3, s9;
	s6 =	sadd.s32 @!p0 $0x88, s6;
	s7 =	simm.s32 @p2 $0x1082  }
0x22: {  	[simem:s7], [sflag:s8] =	dma.local @!p0 [hbm:s6], $0xF7A  }
0x23: {  	s9 =	sor.u32 $0xD0000000, s2;
	s6 =	simm.s32 $0x108;
	_ =	swait.ge @!p0 [sflag:s8], $0x0  }
0x24: {  	s3 =	sadd.s32 $0x88, s3;
	s6 =	simm.s32 @!p1 $0x1082;
	[sflag:s4] =	ssyncset.s32 $0xFFFFF086  }
0x25: {  	[simem:s6], [sflag:s4] =	dma.local [hbm:s3], $0xF7A  }
0x26: {  	[smem:$0x3F70] =	sst s1;
	(tag) =	ssettag s2;
	_ =	strace s9  }
0x27: {  	s1 =	sld [smem:$0x3F80]  }
0x28: {  	s2 =	sld [smem:$0x3F81]  }
0x29: {  	s4 =	sld [smem:$0x3F83]  }
0x2a: {  	p0 =	seq.s32 s5, $0x0;
	s5 =	sld [smem:$0x3F84]  }
0x2b: {  	s6 =	sld [smem:$0x3F85]  }
0x2c: {  	s7 =	sld [smem:$0x3F86]  }
0x2d: {  	s3 =	simm.s32 $0x108;
	s8 =	sld [smem:$0x3F87]  }
0x2e: {  	s3 =	simm.s32 @!p0 $0x1082;
	s9 =	sld [smem:$0x3F88]  }
0x2f: {  	lr =	sadd.s32 s0, s3;
	s0 =	sld [smem:$0x3F7F]  }
0x30: {  	s3 =	sld [smem:$0x3F82]  }
0x31: {  	[smem:$0x3F8B] =	sst s10  }
0x32: {  	s10 =	sld [smem:$0x3F89];
	_ =	sdelay $0x3  }
0x33: {  	p0 =	seq.s32 s10, $0x1;
	s10 =	sld [smem:$0x3F8B];
	_ =	sdelay $0x3  }
0x34: {  	[smem:$0x3F8B] =	sst s10  }
0x35: {  	s10 =	sld [smem:$0x3F8A];
	_ =	sdelay $0x3  }
0x36: {  	p1 =	seq.s32 s10, $0x1;
	s10 =	sld [smem:$0x3F8B];
	_ =	sdelay $0x3  }
0x37: {  	[smem:$0x3F8B] =	sst s10  }
0x38: {  	s10 =	sld [smem:$0x3F8C]  }
0x39: {  	_ = 	snop;
	(pc) =	sbr.ind lr, $3  }
0x3a: {  	_ = 	snop  }
0x3b: {  	_ = 	snop  }
0x3c: {  	p2 =	seq.s32 s10, $0x1;
	s10 =	sld [smem:$0x3F8B]  }
0x3d: {  	_ =	shalt  }
0x3e: {  	_ =	shalt  }
0x3f: {  	_ =	shalt  }
0x40: {  	_ =	shalt  }
0x41: {  	_ =	shalt  }
0x42: {  	_ =	shalt  }
0x43: {  	_ =	shalt  }
0x44: {  	_ =	shalt  }
0x45: {  	_ =	shalt  }
0x46: {  	_ =	shalt  }
0x47: {  	_ =	shalt  }
0x48: {  	_ =	shalt  }
0x49: {  	_ =	shalt  }
0x4a: {  	_ =	shalt  }
0x4b: {  	_ =	shalt  }
0x4c: {  	_ =	shalt  }
0x4d: {  	_ =	shalt  }
0x4e: {  	_ =	shalt  }
0x4f: {  	_ =	shalt  }
0x50: {  	_ =	shalt  }
0x51: {  	_ =	shalt  }
0x52: {  	_ =	shalt  }
0x53: {  	_ =	shalt  }
0x54: {  	_ =	shalt  }
0x55: {  	_ =	shalt  }
0x56: {  	_ =	shalt  }
0x57: {  	_ =	shalt  }
0x58: {  	_ =	shalt  }
0x59: {  	_ =	shalt  }
0x5a: {  	_ =	shalt  }
0x5b: {  	_ =	shalt  }
0x5c: {  	_ =	shalt  }
0x5d: {  	_ =	shalt  }
0x5e: {  	_ =	shalt  }
0x5f: {  	_ =	shalt  }
0x60: {  	_ =	shalt  }
0x61: {  	_ =	shalt  }
0x62: {  	_ =	shalt  }
0x63: {  	_ =	shalt  }
0x64: {  	_ =	shalt  }
0x65: {  	_ =	shalt  }
0x66: {  	_ =	shalt  }
0x67: {  	_ =	shalt  }
0x68: {  	_ =	shalt  }
0x69: {  	_ =	shalt  }
0x6a: {  	_ =	shalt  }
0x6b: {  	_ =	shalt  }
0x6c: {  	_ =	shalt  }
0x6d: {  	_ =	shalt  }
0x6e: {  	_ =	shalt  }
0x6f: {  	_ =	shalt  }
0x70: {  	_ =	shalt  }
0x71: {  	_ =	shalt  }
0x72: {  	_ =	shalt  }
0x73: {  	_ =	shalt  }
0x74: {  	_ =	shalt  }
0x75: {  	_ =	shalt  }
0x76: {  	_ =	shalt  }
0x77: {  	_ =	shalt  }
0x78: {  	_ =	shalt  }
0x79: {  	_ =	shalt  }
0x7a: {  	_ =	shalt  }
0x7b: {  	_ =	shalt  }
0x7c: {  	_ =	shalt  }
0x7d: {  	_ =	shalt  }
0x7e: {  	_ =	shalt  }
0x7f: {  	_ =	shalt  }
0x80: {  	_ =	shalt  }
0x81: {  	_ =	shalt  }
0x82: {  	_ =	shalt  }
0x83: {  	_ =	shalt  }
0x84: {  	_ =	shalt  }
0x85: {  	_ =	shalt  }
0x86: {  	_ =	shalt  }
0x87: {  	_ =	shalt  }
.Lfunc_end0:
.L_simem_size_0:
called_computation.2_lowered:
.L_overlay_start_0:
0x88: {  	s2 =	sld [smem:$0x3FD9]  }
0x89: {  	s3 =	sld [smem:$0x3FFE];
	_ =	sdelay $0x1  }
0x8a: {  	s1 =	srdreg.scid  }
0x8b: {  	s0 =	sand.u32 $0x1, s1  }
0x8c: {  	s16 =	sshll.u32 s0, $0xA;
	s2 =	sadd.s32 s3, s2  }
0x8d: {  	s2 =	sadd.s32 s2, s16  }
0x8e: {  	[smem:$0x3F97] =	sst s2  }
0x8f: {  	_ = 	snop  }
0x90: {  	(tm) =	ssettm $0x1  }
0x91: {  	s17 =	sld [smem:$0x3FFB];
	_ =	sdelay $0x3  }
0x92: {  	_ =	strace s17  }
0x93: {  	s2 =	sld [smem:$0x3FFC];
	_ =	sdelay $0x3  }
0x94: {  	_ =	strace s2  }
0x95: {  	s2 =	sld [smem:$0x3FFD];
	_ =	sdelay $0x3  }
0x96: {  	_ =	strace s2  }
0x97: {  	_ =	strace $0x8FFFFFFF  }
0x98: {  	s18 =	sld [smem:$0x3FDB];
	_ =	sdelay $0x1  }
0x99: {  	s19 =	simm.s32 $_scs_section_size  }
0x9a: {  	s4 =	simm.s32 $_size__tile_overlayer_lowered;
	s5 =	simm.s32 $_tile_overlayer_lowered  }
0x9b: {  	s22 =	simm.s32 $0x1BFF;
	s21 =	sshll.u32 s5, $0x1;
	s2 =	sadd.s32 s19, s18  }
0x9c: {  	s6 =	simm.s32 $0x0;
	s20 =	sshll.u32 s4, $0x1;
	s4 =	sadd.s32 s21, s2  }
0x9d: {  	[timem:s6], [sflag:s22] =	dma.local [hbm:s4], s20  }
0x9e: {  	_ =	swait.ge [sflag:s22], s20  }
0x9f: {  	s3 =	ssub.s32 $0x0, s20;
	[sflag:s22] =	ssyncset.done $0x0  }
0xa0: {  	[sflag:s22] =	ssyncadd.s32 s3;
	_ =	sdelay $0x1  }
0xa1: {  	s23 =	simm.s32 $0x1B8B  }
0xa2: {  	_ =	swait.ge [sflag:s23], $0x1  }
0xa3: {  	[sflag:s23] =	ssyncset.done $0x0  }
0xa4: {  	s25 =	simm.s32 $0x1B8E;
	s24 =	sld [smem:$0x3FFE];
	[sflag:s23] =	ssyncadd.s32 $0xFFFFFFFF  }
0xa5: {  	s26 =	simm.s32 $execute0_lowered;
	[smem:$0x3FD2] =	sst s25  }
0xa6: {  	s4 =	sshll.u32 s26, $0x1;
	_ =	strace $0x8000004C;
	[dreg:$0x1] =	wrdreg $0xFFFFFFFF  }
0xa7: {  	s28 =	simm.s32 $_size_execute0_lowered;
	s2 =	sadd.s32 s2, s4;
	[dreg:$0x0] =	wrdreg $0x0  }
0xa8: {  	s4 =	sshll.u32 s28, $0x1;
	[dreg:$0x2] =	wrdreg s2  }
0xa9: {  	[dreg:$0x3] =	wrdreg s4  }
0xaa: {  	[dreg:$0x4] =	wrdreg $0xC0  }
0xab: {  	_ =	task [dreg:s6], $0x5FFFF  }
0xac: {  	[dreg:$0x1] =	wrdreg $0xFFFFFFFF  }
0xad: {  	[dreg:$0x0] =	wrdreg $0x60  }
0xae: {  	[dreg:$0x2] =	wrdreg s24  }
0xaf: {  	[dreg:$0x3] =	wrdreg $0x0  }
0xb0: {  	[dreg:$0x4] =	wrdreg $0x9  }
0xb1: {  	_ =	task.clear_ibuf [dreg:s6], $0x5FFFF;
	_ =	strace $0x9000004C  }
0xb2: {  	s29 =	simm.s32 $0x9;
	_ =	strace $0x8000004E  }
0xb3: {  	_ =	swait.ge [sflag:s29], $0x1  }
0xb4: {  	[sflag:s29] =	ssyncadd.s32 $0xFFFFFFFF  }
0xb5: {  	_ =	strace $0x9000004E  }
0xb6: {  	_ =	sfence  }
0xb7: {  	s30 =	sld [smem:$0x0];
	_ =	sdelay $0x2  }
0xb8: {  	s31 =	sshll.u32 s1, $0xD;
	s1 =	sshrl.u32 s1, $0x2  }
0xb9: {  	s3 =	sand.u32 $0x4000, s31;
	s1 =	sadd.s32 s1, s30  }
0xba: {  	s0 =	sor.u32 s3, s0;
	s1 =	sshll.u32 s1, $0x11  }
0xbb: {  	s0 =	sor.u32 s1, s0  }
0xbc: {  	s0 =	sadd.s32 $0x8F2B, s0  }
0xbd: {  	[sflag:s0] =	ssyncadd.remote.s32 $0x1  }
0xbe: {  	_ =	sfence.sel $0xFFFF  }
0xbf: {  	[dreg:$0x0] =	wrdreg $0xFFFFFFFF;
	(pc) =	sbr.abs _section_cstart, $3  }
0xc0: {  	[dreg:$0x1] =	wrdreg $0xFFFFFFFF  }
0xc1: {  	_ =	task.clear_ibuf [dreg:s6], $0x2FFFF;
	_ =	strace $0x9FFFFFFF  }
0xc2: {  	(tm) =	ssettm $0x7FFFFFFF  }
0xc3: {  	_ =	shalt  }
tec
execute0_lowered:
.L_overlay_start_1:
0x0: {  	(tag) =	ssettag $0x1  }
0x1: {  	s5 =	rddreg [dreg:$0x0]  }
0x2: {  	s2 =	rddreg [dreg:$0x1];
	s3 =	simm.s32 $0x0;
	s0 =	stileid.u32  }
0x3: {  	s7 =	srdreg.scid;
	s17 =	simm.s32 $0x13C80;
	s18 =	simm.s32 $0x4  }
0x4: {  	s19 =	simm.s32 $0x1A500;
	s20 =	simm.s32 $0x1;
	s21 =	simm.s32 $0x2  }
0x5: {  	s22 =	simm.s32 $0x16400;
	[smem:$0x7FF] =	sst s3;
	s4 =	smul.u32 $0x500, s0  }
0x6: {  	s8 =	sadd.s32 $0x11600, s5;
	s7 =	sand.u32 $0x1, s7;
	s9 =	smul.u32 $0x4F000, s0  }
0x7: {  	s10 =	sadd.s32 $0xB0200, s5;
	s24 =	smul.u32 $0x2780, s0;
	s31 =	sshll.u32 s0, $0x6  }
0x8: {  	_ =	strace $0x8000004D;
	s29 =	ssub.s32 $0x2, s7;
	s11 =	smul.u32 $0x4E200, s7  }
0x9: {  	s13 =	smul.u32 $0x4F000, s7;
	s7 =	sshllo.u32 s7, $0x1;
	s6 =	sadd.s32 s4, s5  }
0xa: {  	s4 =	sadd.s32 $0xADA00, s5;
	s12 =	sshrl.u32 s29, $0x1;
	s14 =	smul.u32 $0x27100, s7  }
0xb: {  	s9 =	sshrl.u32 s9, $0x2;
	s30 =	smul.u32 $0x27800, s7;
	s12 =	ssub.s32 s29, s12  }
0xc: {  	s5 =	sadd.s32 $0x7600, s6;
	s15 =	sadd.s32 s9, s2;
	s6 =	sadd.s32 $0xC600, s6  }
0xd: {  	s7 =	sadd.s32 s8, s11;
	s23 =	sadd.s32 s10, s13;
	s11 =	sor.u32 $0x1C03, s31  }
0xe: {  	s13 =	simm.s32 $0x13C00;
	s8 =	sadd.s32 s8, s14;
	s25 =	sadd.s32 s10, s30  }
0xf: {  	s9 =	smax.u32 s12, $0x1;
	s10 =	simm.s32 $0x3;
	s12 =	sshrl.u32 s15, $0x3  }
0x10: {  	s14 =	simm.s32 $0x80;
	s15 =	simm.s32 $0x16500;
	s16 =	sadd.s32 $0x20, s6  }
0x11: {  	s23 =	sadd.s32 s24, s23;
	s24 =	sadd.s32 s24, s25;
	s25 =	simm.s32 $0x0  }
.LBB2_1:
0x12: {  	s26 =	simm.s32 $0x13D00  }
0x13: {  	[tilespmem:s26], [sflag:$0x3] =	stream.linear.gather [hbm4b:s5+s3], $0x2780, $0x38;
	[tilespmem:$0x1E500] =	vst v63  }
0x14: {  	_ =	swait.ge [sflag:s10], $0x2780  }
0x15: {  	[sflag:s10] =	ssyncset.done $0x0  }
0x16: {  	[sflag:s10] =	ssyncadd.s32 $0xFFFFD880  }
0x17: {  	[spmem:s12], [sflag:s11] =	dma.local [hbm:s4], $0x2780  }
0x18: {  	_ =	swait.ge [sflag:s10], $0x2780  }
0x19: {  	[sflag:s10] =	ssyncset.done $0x0  }
0x1a: {  	[sflag:s10] =	ssyncadd.s32 $0xFFFFD880  }
0x1b: {  	[bflag:$0x0] =	sbarrier.arrive $0xFFFF  }
0x1c: {  	[tilespmem:s13], [sflag:$0x3] =	stream.linear.gather [hbm4b:s6+s3], $0x80, $0x38;
	[tilespmem:$0x1E500] =	vst v63  }
0x1d: {  	_ =	swait.ge [sflag:s10], $0x80  }
0x1e: {  	s28 =	sand.u32 $0x780, s3;
	s29 =	simm.s32 $0x10;
	[sflag:s10] =	ssyncset.done $0x0  }
0x1f: {  	s29 =	sand.u32 $0x70, s29;
	s28 =	sadd.s32 s6, s28;
	[sflag:s10] =	ssyncadd.s32 $0xFFFFFF80  }
0x20: {  	[tilespmem:s15], [sflag:$0x1] =	stream.indirect.gather [hbm4b:s7+s14], $0x80, s13, s14, $0xb8;
	[tilespmem:$0x1E500] =	vst v63  }
0x21: {  	s28 =	sadd.s32 s29, s28  }
0x22: {  	[tilespmem:s17], [sflag:$0x4] =	stream.linear.gather [hbm4b:s28+s3], $0x80, $0x38;
	[tilespmem:$0x1E500] =	vst v63  }
0x23: {  	_ =	swait.ge [sflag:s18], $0x80  }
0x24: {  	[sflag:s18] =	ssyncset.done $0x0  }
0x25: {  	[sflag:s18] =	ssyncadd.s32 $0xFFFFFF80  }
0x26: {  	[tilespmem:s19], [sflag:$0x2] =	stream.indirect.gather [hbm4b:s7+s14], $0x80, s17, s14, $0xb8;
	[tilespmem:$0x1E500] =	vst v63  }
0x27: {  	_ =	swait.ge [sflag:s20], $0x4000  }
0x28: {  	[sflag:s20] =	ssyncset.done $0x0  }
0x29: {  	[sflag:s20] =	ssyncadd.s32 $0xFFFFC000  }
0x2a: {  	[spmem:s2] =	stream.indirect.scatter.add.f32 [tilespmem:s15], [sflag:$0x4], $0x80, s26, s14, $0xb8;
	[tilespmem:$0x1E500] =	vst v63  }
0x2b: {  	_ =	swait.ge [sflag:s18], $0x4000  }
0x2c: {  	[sflag:s18] =	ssyncset.done $0x0  }
0x2d: {  	s1 =	sadd.s32 $0x0, s16;
	[sflag:s18] =	ssyncadd.s32 $0xFFFFC000  }
0x2e: {  	[tilespmem:s13], [sflag:$0x4] =	stream.linear.gather [hbm4b:s1+s3], $0x80, $0x38;
	[tilespmem:$0x1E500] =	vst v63  }
0x2f: {  	_ =	swait.ge [sflag:s18], $0x80  }
0x30: {  	[sflag:s18] =	ssyncset.done $0x0  }
0x31: {  	[sflag:s18] =	ssyncadd.s32 $0xFFFFFF80  }
0x32: {  	[tilespmem:s15], [sflag:$0x1] =	stream.indirect.gather [hbm4b:s7+s14], $0x80, s13, s14, $0xb8;
	[tilespmem:$0x1E500] =	vst v63  }
0x33: {  	_ =	swait.ge [sflag:s21], $0x4000  }
0x34: {  	s30 =	simm.s32 $0x13D80;
	s28 =	simm.s32 $0x20;
	[sflag:s21] =	ssyncset.done $0x0  }
0x35: {  	s29 =	simm.s32 $0x40;
	s31 =	sand.u32 $0x780, s28;
	[sflag:s21] =	ssyncadd.s32 $0xFFFFC000  }
0x36: {  	[spmem:s2] =	stream.indirect.scatter.add.f32 [tilespmem:s19], [sflag:$0x3], $0x80, s30, s14, $0xb8;
	[tilespmem:$0x1E500] =	vst v63  }
0x37: {  	s31 =	sadd.s32 s6, s31;
	s30 =	simm.s32 $0x30;
	_ =	swait.ge [sflag:s10], $0x4000  }
0x38: {  	s26 =	simm.s32 $0x13E00;
	s30 =	sand.u32 $0x70, s30;
	[sflag:s10] =	ssyncset.done $0x0  }
.LBB2_2:
0x39: {  	s30 =	sadd.s32 s30, s31  }
0x3a: {  	[sflag:s10] =	ssyncadd.s32 $0xFFFFC000;
	s31 =	smov.u32 s29;
	s0 =	sadd.s32 $0x20, s29  }
0x3b: {  	[tilespmem:s17], [sflag:$0x4] =	stream.linear.gather [hbm4b:s30+s3], $0x80, $0x38;
	[tilespmem:$0x1E500] =	vst v63  }
0x3c: {  	p0 =	sne.s32 s29, $0x4C0;
	_ =	swait.ge [sflag:s18], $0x80  }
0x3d: {  	[sflag:s18] =	ssyncset.done $0x0  }
0x3e: {  	[sflag:s18] =	ssyncadd.s32 $0xFFFFFF80  }
0x3f: {  	[tilespmem:s19], [sflag:$0x2] =	stream.indirect.gather [hbm4b:s7+s14], $0x80, s17, s14, $0xb8;
	[tilespmem:$0x1E500] =	vst v63  }
0x40: {  	_ =	swait.ge [sflag:s20], $0x4000  }
0x41: {  	[sflag:s20] =	ssyncset.done $0x0  }
0x42: {  	[sflag:s20] =	ssyncadd.s32 $0xFFFFC000  }
0x43: {  	[spmem:s2] =	stream.indirect.scatter.add.f32 [tilespmem:s15], [sflag:$0x4], $0x80, s26, s14, $0xb8;
	[tilespmem:$0x1E500] =	vst v63  }
0x44: {  	_ =	swait.ge [sflag:s18], $0x4000  }
0x45: {  	[sflag:s18] =	ssyncset.done $0x0  }
0x46: {  	s29 =	sadd.s32 s28, s16;
	s28 =	smov.u32 s31;
	[sflag:s18] =	ssyncadd.s32 $0xFFFFC000  }
0x47: {  	[tilespmem:s13], [sflag:$0x4] =	stream.linear.gather [hbm4b:s29+s3], $0x80, $0x38;
	[tilespmem:$0x1E500] =	vst v63  }
0x48: {  	_ =	swait.ge [sflag:s18], $0x80  }
0x49: {  	[sflag:s18] =	ssyncset.done $0x0  }
0x4a: {  	[sflag:s18] =	ssyncadd.s32 $0xFFFFFF80  }
0x4b: {  	[tilespmem:s15], [sflag:$0x1] =	stream.indirect.gather [hbm4b:s7+s14], $0x80, s13, s14, $0xb8;
	[tilespmem:$0x1E500] =	vst v63  }
0x4c: {  	_ =	swait.ge [sflag:s21], $0x4000  }
.Ltmp0:
0x4d: {  	s30 =	sadd.s32 $0x10, s28;
	[sflag:s21] =	ssyncset.done $0x0;
	(pc) =	sbr.rel @p0 .LBB2_2-.Ltmp0, $4  }
0x4e: {  	s29 =	sadd.s32 $0x80, s26;
	s26 =	sadd.s32 $0x100, s26;
	[sflag:s21] =	ssyncadd.s32 $0xFFFFC000  }
0x4f: {  	[spmem:s2] =	stream.indirect.scatter.add.f32 [tilespmem:s19], [sflag:$0x3], $0x80, s29, s14, $0xb8;
	[tilespmem:$0x1E500] =	vst v63  }
0x50: {  	s30 =	sand.u32 $0x70, s30;
	s29 =	sand.u32 $0x780, s28;
	_ =	swait.ge [sflag:s10], $0x4000  }
0x51: {  	s31 =	sadd.s32 s6, s29;
	s29 =	smov.u32 s0;
	[sflag:s10] =	ssyncset.done $0x0  }
0x52: {  	s0 =	sadd.s32 s30, s31;
	[sflag:s10] =	ssyncadd.s32 $0xFFFFC000  }
0x53: {  	[tilespmem:s17], [sflag:$0x4] =	stream.linear.gather [hbm4b:s0+s3], $0x80, $0x38;
	[tilespmem:$0x1E500] =	vst v63  }
0x54: {  	_ =	swait.ge [sflag:s18], $0x80  }
0x55: {  	[sflag:s18] =	ssyncset.done $0x0  }
0x56: {  	[sflag:s18] =	ssyncadd.s32 $0xFFFFFF80  }
0x57: {  	[tilespmem:s19], [sflag:$0x2] =	stream.indirect.gather [hbm4b:s7+s14], $0x80, s17, s14, $0xb8;
	[tilespmem:$0x1E500] =	vst v63  }
0x58: {  	_ =	swait.ge [sflag:s20], $0x4000  }
0x59: {  	[sflag:s20] =	ssyncset.done $0x0  }
0x5a: {  	[sflag:s20] =	ssyncadd.s32 $0xFFFFC000  }
0x5b: {  	[spmem:s2] =	stream.indirect.scatter.add.f32 [tilespmem:s15], [sflag:$0x4], $0x80, s26, s14, $0xb8;
	[tilespmem:$0x1E500] =	vst v63  }
0x5c: {  	_ =	swait.ge [sflag:s18], $0x4000  }
0x5d: {  	[sflag:s18] =	ssyncset.done $0x0  }
0x5e: {  	s1 =	sadd.s32 s28, s16;
	[sflag:s18] =	ssyncadd.s32 $0xFFFFC000  }
0x5f: {  	[tilespmem:s13], [sflag:$0x4] =	stream.linear.gather [hbm4b:s1+s3], $0x80, $0x38;
	[tilespmem:$0x1E500] =	vst v63  }
0x60: {  	_ =	swait.ge [sflag:s18], $0x80  }
0x61: {  	[sflag:s18] =	ssyncset.done $0x0  }
0x62: {  	[sflag:s18] =	ssyncadd.s32 $0xFFFFFF80  }
0x63: {  	[tilespmem:s15], [sflag:$0x1] =	stream.indirect.gather [hbm4b:s7+s14], $0x80, s13, s14, $0xb8;
	[tilespmem:$0x1E500] =	vst v63  }
0x64: {  	_ =	swait.ge [sflag:s21], $0x4000  }
0x65: {  	[sflag:s21] =	ssyncset.done $0x0  }
0x66: {  	s1 =	sadd.s32 $0x80, s26;
	[sflag:s21] =	ssyncadd.s32 $0xFFFFC000  }
0x67: {  	[spmem:s2] =	stream.indirect.scatter.add.f32 [tilespmem:s19], [sflag:$0x3], $0x80, s1, s14, $0xb8;
	[tilespmem:$0x1E500] =	vst v63  }
0x68: {  	_ =	swait.ge [sflag:s10], $0x4000  }
0x69: {  	[sflag:s10] =	ssyncset.done $0x0  }
0x6a: {  	[sflag:s10] =	ssyncadd.s32 $0xFFFFC000  }
0x6b: {  	_ =	swait.ge [sflag:s20], $0x4000  }
0x6c: {  	[sflag:s20] =	ssyncset.done $0x0  }
0x6d: {  	[sflag:s20] =	ssyncadd.s32 $0xFFFFC000  }
0x6e: {  	[spmem:s2] =	stream.indirect.scatter.add.f32 [tilespmem:s15], [sflag:$0x4], $0x80, s22, s14, $0xb8;
	[tilespmem:$0x1E500] =	vst v63  }
0x6f: {  	_ =	swait.ge [sflag:s18], $0x4000  }
0x70: {  	[sflag:s18] =	ssyncset.done $0x0  }
0x71: {  	[sflag:s18] =	ssyncadd.s32 $0xFFFFC000  }
0x72: {  	[bflag:$0x0] =	sbarrier.arrive $0xFFFF  }
0x73: {  	[hbm:s23], [sflag:s11] =	dma.local [spmem:s12], $0x2780  }
0x74: {  	_ =	swait.ge [sflag:s10], $0x2780  }
0x75: {  	[sflag:s10] =	ssyncset.done $0x0  }
0x76: {  	[sflag:s10] =	ssyncadd.s32 $0xFFFFD880  }
0x77: {  	[bflag:$0x0] =	sbarrier.arrive $0xFFFF  }
0x78: {  	[spmem:s12], [sflag:s11] =	dma.local [hbm:s4], $0x2780  }
0x79: {  	_ =	swait.ge [sflag:s10], $0x2780  }
0x7a: {  	[sflag:s10] =	ssyncset.done $0x0  }
0x7b: {  	[sflag:s10] =	ssyncadd.s32 $0xFFFFD880  }
0x7c: {  	s26 =	simm.s32 $0x0;
	[bflag:$0x0] =	sbarrier.arrive $0xFFFF  }
0x7d: {  	[tilespmem:s13], [sflag:$0x3] =	stream.linear.gather [hbm4b:s6+s26], $0x80, $0x38;
	[tilespmem:$0x1E500] =	vst v63  }
0x7e: {  	_ =	swait.ge [sflag:s10], $0x80  }
0x7f: {  	s0 =	sand.u32 $0x780, s26;
	s1 =	simm.s32 $0x10;
	[sflag:s10] =	ssyncset.done $0x0  }
0x80: {  	s0 =	sadd.s32 s6, s0;
	s26 =	sand.u32 $0x70, s1;
	[sflag:s10] =	ssyncadd.s32 $0xFFFFFF80  }
0x81: {  	[tilespmem:s15], [sflag:$0x1] =	stream.indirect.gather [hbm4b:s8+s14], $0x80, s13, s14, $0xb8;
	[tilespmem:$0x1E500] =	vst v63  }
0x82: {  	s0 =	sadd.s32 s26, s0  }
0x83: {  	[tilespmem:s17], [sflag:$0x4] =	stream.linear.gather [hbm4b:s0+s3], $0x80, $0x38;
	[tilespmem:$0x1E500] =	vst v63  }
0x84: {  	_ =	swait.ge [sflag:s18], $0x80  }
0x85: {  	[sflag:s18] =	ssyncset.done $0x0  }
0x86: {  	[sflag:s18] =	ssyncadd.s32 $0xFFFFFF80  }
0x87: {  	[tilespmem:s19], [sflag:$0x2] =	stream.indirect.gather [hbm4b:s8+s14], $0x80, s17, s14, $0xb8;
	[tilespmem:$0x1E500] =	vst v63  }
0x88: {  	_ =	swait.ge [sflag:s20], $0x4000  }
0x89: {  	[sflag:s20] =	ssyncset.done $0x0  }
0x8a: {  	s1 =	simm.s32 $0x13D00;
	[sflag:s20] =	ssyncadd.s32 $0xFFFFC000  }
0x8b: {  	[spmem:s2] =	stream.indirect.scatter.add.f32 [tilespmem:s15], [sflag:$0x4], $0x80, s1, s14, $0xb8;
	[tilespmem:$0x1E500] =	vst v63  }
0x8c: {  	_ =	swait.ge [sflag:s18], $0x4000  }
0x8d: {  	[sflag:s18] =	ssyncset.done $0x0  }
0x8e: {  	s26 =	sadd.s32 $0x0, s16;
	[sflag:s18] =	ssyncadd.s32 $0xFFFFC000  }
0x8f: {  	[tilespmem:s13], [sflag:$0x4] =	stream.linear.gather [hbm4b:s26+s3], $0x80, $0x38;
	[tilespmem:$0x1E500] =	vst v63  }
0x90: {  	_ =	swait.ge [sflag:s18], $0x80  }
0x91: {  	[sflag:s18] =	ssyncset.done $0x0  }
0x92: {  	[sflag:s18] =	ssyncadd.s32 $0xFFFFFF80  }
0x93: {  	[tilespmem:s15], [sflag:$0x1] =	stream.indirect.gather [hbm4b:s8+s14], $0x80, s13, s14, $0xb8;
	[tilespmem:$0x1E500] =	vst v63  }
0x94: {  	_ =	swait.ge [sflag:s21], $0x4000  }
0x95: {  	s28 =	simm.s32 $0x20;
	s29 =	simm.s32 $0x40;
	[sflag:s21] =	ssyncset.done $0x0  }
0x96: {  	s30 =	simm.s32 $0x30;
	s1 =	simm.s32 $0x13D80;
	[sflag:s21] =	ssyncadd.s32 $0xFFFFC000  }
0x97: {  	[spmem:s2] =	stream.indirect.scatter.add.f32 [tilespmem:s19], [sflag:$0x3], $0x80, s1, s14, $0xb8;
	[tilespmem:$0x1E500] =	vst v63  }
0x98: {  	s30 =	sand.u32 $0x70, s30;
	s1 =	sand.u32 $0x780, s28;
	_ =	swait.ge [sflag:s10], $0x4000  }
0x99: {  	s26 =	simm.s32 $0x13E00;
	s31 =	sadd.s32 s6, s1;
	[sflag:s10] =	ssyncset.done $0x0  }
.LBB2_4:
0x9a: {  	s0 =	sadd.s32 s30, s31  }
0x9b: {  	[sflag:s10] =	ssyncadd.s32 $0xFFFFC000;
	s30 =	smov.u32 s29;
	s1 =	sadd.s32 $0x20, s29  }
0x9c: {  	[tilespmem:s17], [sflag:$0x4] =	stream.linear.gather [hbm4b:s0+s3], $0x80, $0x38;
	[tilespmem:$0x1E500] =	vst v63  }
0x9d: {  	p0 =	sne.s32 s29, $0x4C0;
	_ =	swait.ge [sflag:s18], $0x80  }
0x9e: {  	[sflag:s18] =	ssyncset.done $0x0  }
0x9f: {  	[sflag:s18] =	ssyncadd.s32 $0xFFFFFF80  }
0xa0: {  	[tilespmem:s19], [sflag:$0x2] =	stream.indirect.gather [hbm4b:s8+s14], $0x80, s17, s14, $0xb8;
	[tilespmem:$0x1E500] =	vst v63  }
0xa1: {  	_ =	swait.ge [sflag:s20], $0x4000  }
0xa2: {  	[sflag:s20] =	ssyncset.done $0x0  }
0xa3: {  	[sflag:s20] =	ssyncadd.s32 $0xFFFFC000  }
0xa4: {  	[spmem:s2] =	stream.indirect.scatter.add.f32 [tilespmem:s15], [sflag:$0x4], $0x80, s26, s14, $0xb8;
	[tilespmem:$0x1E500] =	vst v63  }
0xa5: {  	_ =	swait.ge [sflag:s18], $0x4000  }
0xa6: {  	[sflag:s18] =	ssyncset.done $0x0  }
0xa7: {  	s0 =	sadd.s32 s28, s16;
	s28 =	smov.u32 s30;
	[sflag:s18] =	ssyncadd.s32 $0xFFFFC000  }
0xa8: {  	[tilespmem:s13], [sflag:$0x4] =	stream.linear.gather [hbm4b:s0+s3], $0x80, $0x38;
	[tilespmem:$0x1E500] =	vst v63  }
0xa9: {  	_ =	swait.ge [sflag:s18], $0x80  }
0xaa: {  	[sflag:s18] =	ssyncset.done $0x0  }
0xab: {  	[sflag:s18] =	ssyncadd.s32 $0xFFFFFF80  }
0xac: {  	[tilespmem:s15], [sflag:$0x1] =	stream.indirect.gather [hbm4b:s8+s14], $0x80, s13, s14, $0xb8;
	[tilespmem:$0x1E500] =	vst v63  }
0xad: {  	_ =	swait.ge [sflag:s21], $0x4000  }
.Ltmp1:
0xae: {  	s29 =	sadd.s32 $0x10, s28;
	[sflag:s21] =	ssyncset.done $0x0;
	(pc) =	sbr.rel @p0 .LBB2_4-.Ltmp1, $4  }
0xaf: {  	s0 =	sadd.s32 $0x80, s26;
	s26 =	sadd.s32 $0x100, s26;
	[sflag:s21] =	ssyncadd.s32 $0xFFFFC000  }
0xb0: {  	[spmem:s2] =	stream.indirect.scatter.add.f32 [tilespmem:s19], [sflag:$0x3], $0x80, s0, s14, $0xb8;
	[tilespmem:$0x1E500] =	vst v63  }
0xb1: {  	s30 =	sand.u32 $0x70, s29;
	s0 =	sand.u32 $0x780, s28;
	_ =	swait.ge [sflag:s10], $0x4000  }
0xb2: {  	s29 =	smov.u32 s1;
	s31 =	sadd.s32 s6, s0;
	[sflag:s10] =	ssyncset.done $0x0  }
0xb3: {  	s0 =	sadd.s32 s30, s31;
	[sflag:s10] =	ssyncadd.s32 $0xFFFFC000  }
0xb4: {  	[tilespmem:s17], [sflag:$0x4] =	stream.linear.gather [hbm4b:s0+s3], $0x80, $0x38;
	[tilespmem:$0x1E500] =	vst v63  }
0xb5: {  	_ =	swait.ge [sflag:s18], $0x80  }
0xb6: {  	[sflag:s18] =	ssyncset.done $0x0  }
0xb7: {  	[sflag:s18] =	ssyncadd.s32 $0xFFFFFF80  }
0xb8: {  	[tilespmem:s19], [sflag:$0x2] =	stream.indirect.gather [hbm4b:s8+s14], $0x80, s17, s14, $0xb8;
	[tilespmem:$0x1E500] =	vst v63  }
0xb9: {  	_ =	swait.ge [sflag:s20], $0x4000  }
0xba: {  	[sflag:s20] =	ssyncset.done $0x0  }
0xbb: {  	[sflag:s20] =	ssyncadd.s32 $0xFFFFC000  }
0xbc: {  	[spmem:s2] =	stream.indirect.scatter.add.f32 [tilespmem:s15], [sflag:$0x4], $0x80, s26, s14, $0xb8;
	[tilespmem:$0x1E500] =	vst v63  }
0xbd: {  	_ =	swait.ge [sflag:s18], $0x4000  }
0xbe: {  	[sflag:s18] =	ssyncset.done $0x0  }
0xbf: {  	s30 =	sadd.s32 s28, s16;
	[sflag:s18] =	ssyncadd.s32 $0xFFFFC000  }
0xc0: {  	[tilespmem:s13], [sflag:$0x4] =	stream.linear.gather [hbm4b:s30+s3], $0x80, $0x38;
	[tilespmem:$0x1E500] =	vst v63  }
0xc1: {  	_ =	swait.ge [sflag:s18], $0x80  }
0xc2: {  	[sflag:s18] =	ssyncset.done $0x0  }
0xc3: {  	[sflag:s18] =	ssyncadd.s32 $0xFFFFFF80  }
0xc4: {  	[tilespmem:s15], [sflag:$0x1] =	stream.indirect.gather [hbm4b:s8+s14], $0x80, s13, s14, $0xb8;
	[tilespmem:$0x1E500] =	vst v63  }
0xc5: {  	_ =	swait.ge [sflag:s21], $0x4000  }
0xc6: {  	[sflag:s21] =	ssyncset.done $0x0  }
0xc7: {  	s31 =	sadd.s32 $0x80, s26;
	[sflag:s21] =	ssyncadd.s32 $0xFFFFC000  }
0xc8: {  	[spmem:s2] =	stream.indirect.scatter.add.f32 [tilespmem:s19], [sflag:$0x3], $0x80, s31, s14, $0xb8;
	[tilespmem:$0x1E500] =	vst v63  }
0xc9: {  	_ =	swait.ge [sflag:s10], $0x4000  }
0xca: {  	[sflag:s10] =	ssyncset.done $0x0  }
0xcb: {  	[sflag:s10] =	ssyncadd.s32 $0xFFFFC000  }
0xcc: {  	_ =	swait.ge [sflag:s20], $0x4000  }
0xcd: {  	[sflag:s20] =	ssyncset.done $0x0  }
0xce: {  	[sflag:s20] =	ssyncadd.s32 $0xFFFFC000  }
0xcf: {  	[spmem:s2] =	stream.indirect.scatter.add.f32 [tilespmem:s15], [sflag:$0x4], $0x80, s22, s14, $0xb8;
	[tilespmem:$0x1E500] =	vst v63  }
0xd0: {  	_ =	swait.ge [sflag:s18], $0x4000  }
0xd1: {  	[sflag:s18] =	ssyncset.done $0x0  }
0xd2: {  	s25 =	sadd.s32 $0x1, s25;
	[sflag:s18] =	ssyncadd.s32 $0xFFFFC000  }
0xd3: {  	p0 =	sne.s32 s25, s9;
	[bflag:$0x0] =	sbarrier.arrive $0xFFFF  }
0xd4: {  	[hbm:s24], [sflag:s11] =	dma.local [spmem:s12], $0x2780  }
.Ltmp2:
0xd5: {  	_ =	swait.ge [sflag:s10], $0x2780;
	(pc) =	sbr.rel @p0 .LBB2_1-.Ltmp2, $3  }
0xd6: {  	[sflag:s10] =	ssyncset.done $0x0  }
0xd7: {  	[sflag:s10] =	ssyncadd.s32 $0xFFFFD880  }
0xd8: {  	[bflag:$0x0] =	sbarrier.arrive $0xFFFF;
	_ =	sdelay $0x1  }
0xd9: {  	_ =	sfence.sel $0x180000  }
0xda: {  	[bflag:$0x0] =	sbarrier.arrive $0xFFFF  }
0xdb: {  	_ =	strace $0x9000004D  }
0xdc: {  	s0 =	stileid.u32;
	[bflag:$0x2] =	sbarrier.arrive $0xFFFF  }
0xdd: {  	p0 =	sne.s32 s0, $0x0;
	s0 =	rddreg [dreg:$0x2]  }
0xde: {  	s0 =	sadd.s32 @!p0 $0x100000, s0  }
0xdf: {  	[sflag:s0] =	ssyncadd.tile.s32 @!p0 $0x1;
	_ =	shalt  }
.Lfunc_end2:
_tile_overlayer_lowered:
.L_overlay_start_2:
0xe0: {  	(tag) =	ssettag $0x2  }
0xe1: {  	s0 =	rddreg [dreg:$0x0];
	s2 =	stileid.u32  }
0xe2: {  	s1 =	rddreg [dreg:$0x1];
	p0 =	sne.s32 s2, $0x0  }
0xe3: {  	s3 =	rddreg [dreg:$0x2];
	[bflag:$0x3] =	sbarrier.arrive $0xFFFF;
	s2 =	simm.s32 @!p0 $0x1C03  }
0xe4: {  	[timem:s3], [sflag:s2] =	dma.local @!p0 [hbm:s0], s1  }
0xe5: {  	s0 =	simm.s32 @!p0 $0x3  }
0xe6: {  	_ =	swait.ge @!p0 [sflag:s0], s1  }
0xe7: {  	s1 =	ssub.s32 @!p0 $0x0, s1;
	[sflag:s0] =	ssyncset.done @!p0 $0x0  }
0xe8: {  	[sflag:s0] =	ssyncadd.s32 @!p0 s1  }
0xe9: {  	[bflag:$0x3] =	sbarrier.arrive $0xFFFF  }
0xea: {  	_ =	shalt  }

// kernel: kernel.24.cloned.1.call-start
scs
__scs_entry_jumppad:
0x0: {  	(pc) =	sbr.rel $0x88, $3  }
0x1: {  	(tag) =	ssettag $0x0;
	lr =	simm.s32 $0x1  }
0x2: {  	[smem:$0x3F70] =	sst lr;
	_ =	strace $0xD0000000  }
0x3: {  	_ = 	snop  }
0x4: {  	_ = 	snop  }
0x5: {  	_ = 	snop  }
0x6: {  	_ = 	snop  }
0x7: {  	_ = 	snop  }
__scs_overlays_trampoline_lowered:
0x8: {  	[smem:$0x3F7F] =	sst s0  }
0x9: {  	[smem:$0x3F80] =	sst s1  }
0xa: {  	[smem:$0x3F81] =	sst s2  }
0xb: {  	[smem:$0x3F82] =	sst s3  }
0xc: {  	[smem:$0x3F83] =	sst s4  }
0xd: {  	[smem:$0x3F84] =	sst s5  }
0xe: {  	[smem:$0x3F85] =	sst s6  }
0xf: {  	[smem:$0x3F86] =	sst s7  }
0x10: {  	[smem:$0x3F87] =	sst s8  }
0x11: {  	[smem:$0x3F88] =	sst s9;
	s0 =	simm.s32 @!p0 $0x0  }
0x12: {  	s1 =	sld [smem:$0x3F6E];
	s0 =	simm.s32 @p0 $0x1  }
0x13: {  	[smem:$0x3F89] =	sst s0;
	s0 =	simm.s32 @!p1 $0x0  }
0x14: {  	s2 =	sld [smem:$0x3F6D];
	s0 =	simm.s32 @p1 $0x1  }
0x15: {  	[smem:$0x3F8A] =	sst s0;
	s0 =	simm.s32 @!p2 $0x0  }
0x16: {  	s3 =	sld [smem:$0x3FDB];
	s0 =	simm.s32 @p2 $0x1  }
0x17: {  	s4 =	simm.s32 $0x1BF5;
	[smem:$0x3F8C] =	sst s0  }
0x18: {  	s0 =	sld [smem:$0x3F6F];
	_ =	swait.ge [sflag:s4], $0x0  }
0x19: {  	s7 =	sld [smem:$0x3F70]  }
0x1a: {  	s8 =	sadd.s32 $0xFFFFE003, lr  }
0x1b: {  	s9 =	sadd.s32 $0xFFFFFEF7, lr;
	s5 =	simm.s32 $0xFFFFFFFF;
	p2 =	slt.u32 s8, $0xFFFFF086  }
0x1c: {  	p1 =	slt.u32 s9, $0xF7A;
	s5 =	simm.s32 @!p2 $0x0  }
0x1d: {  	s5 =	simm.s32 @p1 $0x1;
	p0 =	seq.s32 s7, s2  }
0x1e: {  	s7 =	smul.u32 @!p0 $0xF7A, s2;
	p2 =	seq.s32 @!p0 s5, $0x0  }
0x1f: {  	s9 =	smul.u32 $0xF7A, s1;
	s8 =	simm.s32 @!p0 $0x1BF5;
	p2 =	por !p2, p0  }
0x20: {  	[sflag:s8] =	ssyncset.s32 @!p0 $0xFFFFF086;
	s6 =	sadd.s32 @!p0 s3, s7;
	s7 =	simm.s32 @!p0 $0x108  }
0x21: {  	s3 =	sadd.s32 s3, s9;
	s6 =	sadd.s32 @!p0 $0x88, s6;
	s7 =	simm.s32 @p2 $0x1082  }
0x22: {  	[simem:s7], [sflag:s8] =	dma.local @!p0 [hbm:s6], $0xF7A  }
0x23: {  	s9 =	sor.u32 $0xD0000000, s2;
	s6 =	simm.s32 $0x108;
	_ =	swait.ge @!p0 [sflag:s8], $0x0  }
0x24: {  	s3 =	sadd.s32 $0x88, s3;
	s6 =	simm.s32 @!p1 $0x1082;
	[sflag:s4] =	ssyncset.s32 $0xFFFFF086  }
0x25: {  	[simem:s6], [sflag:s4] =	dma.local [hbm:s3], $0xF7A  }
0x26: {  	[smem:$0x3F70] =	sst s1;
	(tag) =	ssettag s2;
	_ =	strace s9  }
0x27: {  	s1 =	sld [smem:$0x3F80]  }
0x28: {  	s2 =	sld [smem:$0x3F81]  }
0x29: {  	s4 =	sld [smem:$0x3F83]  }
0x2a: {  	p0 =	seq.s32 s5, $0x0;
	s5 =	sld [smem:$0x3F84]  }
0x2b: {  	s6 =	sld [smem:$0x3F85]  }
0x2c: {  	s7 =	sld [smem:$0x3F86]  }
0x2d: {  	s3 =	simm.s32 $0x108;
	s8 =	sld [smem:$0x3F87]  }
0x2e: {  	s3 =	simm.s32 @!p0 $0x1082;
	s9 =	sld [smem:$0x3F88]  }
0x2f: {  	lr =	sadd.s32 s0, s3;
	s0 =	sld [smem:$0x3F7F]  }
0x30: {  	s3 =	sld [smem:$0x3F82]  }
0x31: {  	[smem:$0x3F8B] =	sst s10  }
0x32: {  	s10 =	sld [smem:$0x3F89];
	_ =	sdelay $0x3  }
0x33: {  	p0 =	seq.s32 s10, $0x1;
	s10 =	sld [smem:$0x3F8B];
	_ =	sdelay $0x3  }
0x34: {  	[smem:$0x3F8B] =	sst s10  }
0x35: {  	s10 =	sld [smem:$0x3F8A];
	_ =	sdelay $0x3  }
0x36: {  	p1 =	seq.s32 s10, $0x1;
	s10 =	sld [smem:$0x3F8B];
	_ =	sdelay $0x3  }
0x37: {  	[smem:$0x3F8B] =	sst s10  }
0x38: {  	s10 =	sld [smem:$0x3F8C]  }
0x39: {  	_ = 	snop;
	(pc) =	sbr.ind lr, $3  }
0x3a: {  	_ = 	snop  }
0x3b: {  	_ = 	snop  }
0x3c: {  	p2 =	seq.s32 s10, $0x1;
	s10 =	sld [smem:$0x3F8B]  }
0x3d: {  	_ =	shalt  }
0x3e: {  	_ =	shalt  }
0x3f: {  	_ =	shalt  }
0x40: {  	_ =	shalt  }
0x41: {  	_ =	shalt  }
0x42: {  	_ =	shalt  }
0x43: {  	_ =	shalt  }
0x44: {  	_ =	shalt  }
0x45: {  	_ =	shalt  }
0x46: {  	_ =	shalt  }
0x47: {  	_ =	shalt  }
0x48: {  	_ =	shalt  }
0x49: {  	_ =	shalt  }
0x4a: {  	_ =	shalt  }
0x4b: {  	_ =	shalt  }
0x4c: {  	_ =	shalt  }
0x4d: {  	_ =	shalt  }
0x4e: {  	_ =	shalt  }
0x4f: {  	_ =	shalt  }
0x50: {  	_ =	shalt  }
0x51: {  	_ =	shalt  }
0x52: {  	_ =	shalt  }
0x53: {  	_ =	shalt  }
0x54: {  	_ =	shalt  }
0x55: {  	_ =	shalt  }
0x56: {  	_ =	shalt  }
0x57: {  	_ =	shalt  }
0x58: {  	_ =	shalt  }
0x59: {  	_ =	shalt  }
0x5a: {  	_ =	shalt  }
0x5b: {  	_ =	shalt  }
0x5c: {  	_ =	shalt  }
0x5d: {  	_ =	shalt  }
0x5e: {  	_ =	shalt  }
0x5f: {  	_ =	shalt  }
0x60: {  	_ =	shalt  }
0x61: {  	_ =	shalt  }
0x62: {  	_ =	shalt  }
0x63: {  	_ =	shalt  }
0x64: {  	_ =	shalt  }
0x65: {  	_ =	shalt  }
0x66: {  	_ =	shalt  }
0x67: {  	_ =	shalt  }
0x68: {  	_ =	shalt  }
0x69: {  	_ =	shalt  }
0x6a: {  	_ =	shalt  }
0x6b: {  	_ =	shalt  }
0x6c: {  	_ =	shalt  }
0x6d: {  	_ =	shalt  }
0x6e: {  	_ =	shalt  }
0x6f: {  	_ =	shalt  }
0x70: {  	_ =	shalt  }
0x71: {  	_ =	shalt  }
0x72: {  	_ =	shalt  }
0x73: {  	_ =	shalt  }
0x74: {  	_ =	shalt  }
0x75: {  	_ =	shalt  }
0x76: {  	_ =	shalt  }
0x77: {  	_ =	shalt  }
0x78: {  	_ =	shalt  }
0x79: {  	_ =	shalt  }
0x7a: {  	_ =	shalt  }
0x7b: {  	_ =	shalt  }
0x7c: {  	_ =	shalt  }
0x7d: {  	_ =	shalt  }
0x7e: {  	_ =	shalt  }
0x7f: {  	_ =	shalt  }
0x80: {  	_ =	shalt  }
0x81: {  	_ =	shalt  }
0x82: {  	_ =	shalt  }
0x83: {  	_ =	shalt  }
0x84: {  	_ =	shalt  }
0x85: {  	_ =	shalt  }
0x86: {  	_ =	shalt  }
0x87: {  	_ =	shalt  }
.Lfunc_end0:
.L_simem_size_0:
called_computation.3_lowered:
.L_overlay_start_0:
0x88: {  	s2 =	sld [smem:$0x3FD9]  }
0x89: {  	s3 =	sld [smem:$0x3FFE];
	_ =	sdelay $0x1  }
0x8a: {  	s1 =	srdreg.scid  }
0x8b: {  	s0 =	sand.u32 $0x1, s1  }
0x8c: {  	s16 =	sshll.u32 s0, $0xA;
	s2 =	sadd.s32 s3, s2  }
0x8d: {  	s2 =	sadd.s32 s2, s16  }
0x8e: {  	[smem:$0x3F97] =	sst s2  }
0x8f: {  	_ = 	snop  }
0x90: {  	(tm) =	ssettm $0x1  }
0x91: {  	s17 =	sld [smem:$0x3FFB];
	_ =	sdelay $0x3  }
0x92: {  	_ =	strace s17  }
0x93: {  	s2 =	sld [smem:$0x3FFC];
	_ =	sdelay $0x3  }
0x94: {  	_ =	strace s2  }
0x95: {  	s2 =	sld [smem:$0x3FFD];
	_ =	sdelay $0x3  }
0x96: {  	_ =	strace s2  }
0x97: {  	_ =	strace $0x8FFFFFFF  }
0x98: {  	s18 =	sld [smem:$0x3FDB];
	_ =	sdelay $0x1  }
0x99: {  	s19 =	simm.s32 $_scs_section_size  }
0x9a: {  	s4 =	simm.s32 $_size__tile_overlayer_lowered;
	s5 =	simm.s32 $_tile_overlayer_lowered  }
0x9b: {  	s22 =	simm.s32 $0x1BFF;
	s21 =	sshll.u32 s5, $0x1;
	s2 =	sadd.s32 s19, s18  }
0x9c: {  	s6 =	simm.s32 $0x0;
	s20 =	sshll.u32 s4, $0x1;
	s4 =	sadd.s32 s21, s2  }
0x9d: {  	[timem:s6], [sflag:s22] =	dma.local [hbm:s4], s20  }
0x9e: {  	_ =	swait.ge [sflag:s22], s20  }
0x9f: {  	s3 =	ssub.s32 $0x0, s20;
	[sflag:s22] =	ssyncset.done $0x0  }
0xa0: {  	[sflag:s22] =	ssyncadd.s32 s3;
	_ =	sdelay $0x1  }
0xa1: {  	s23 =	simm.s32 $0x1B8B  }
0xa2: {  	_ =	swait.ge [sflag:s23], $0x1  }
0xa3: {  	[sflag:s23] =	ssyncset.done $0x0  }
0xa4: {  	s25 =	simm.s32 $0x1B8E;
	s24 =	sld [smem:$0x3FFE];
	[sflag:s23] =	ssyncadd.s32 $0xFFFFFFFF  }
0xa5: {  	s26 =	simm.s32 $execute0_lowered;
	[smem:$0x3FD2] =	sst s25  }
0xa6: {  	s4 =	sshll.u32 s26, $0x1;
	_ =	strace $0x8000004F;
	[dreg:$0x1] =	wrdreg $0xFFFFFFFF  }
0xa7: {  	s28 =	simm.s32 $_size_execute0_lowered;
	s2 =	sadd.s32 s2, s4;
	[dreg:$0x0] =	wrdreg $0x0  }
0xa8: {  	s4 =	sshll.u32 s28, $0x1;
	[dreg:$0x2] =	wrdreg s2  }
0xa9: {  	[dreg:$0x3] =	wrdreg s4  }
0xaa: {  	[dreg:$0x4] =	wrdreg $0xC0  }
0xab: {  	_ =	task [dreg:s6], $0x5FFFF  }
0xac: {  	[dreg:$0x1] =	wrdreg $0xFFFFFFFF  }
0xad: {  	[dreg:$0x0] =	wrdreg $0x60  }
0xae: {  	[dreg:$0x2] =	wrdreg s24  }
0xaf: {  	[dreg:$0x3] =	wrdreg $0x0  }
0xb0: {  	[dreg:$0x4] =	wrdreg $0x9  }
0xb1: {  	_ =	task.clear_ibuf [dreg:s6], $0x5FFFF;
	_ =	strace $0x9000004F  }
0xb2: {  	s29 =	simm.s32 $0x9;
	_ =	strace $0x80000051  }
0xb3: {  	_ =	swait.ge [sflag:s29], $0x1  }
0xb4: {  	[sflag:s29] =	ssyncadd.s32 $0xFFFFFFFF  }
0xb5: {  	_ =	strace $0x90000051  }
0xb6: {  	_ =	sfence  }
0xb7: {  	s30 =	sld [smem:$0x0];
	_ =	sdelay $0x2  }
0xb8: {  	s31 =	sshll.u32 s1, $0xD;
	s1 =	sshrl.u32 s1, $0x2  }
0xb9: {  	s3 =	sand.u32 $0x4000, s31;
	s1 =	sadd.s32 s1, s30  }
0xba: {  	s0 =	sor.u32 s3, s0;
	s1 =	sshll.u32 s1, $0x11  }
0xbb: {  	s0 =	sor.u32 s1, s0  }
0xbc: {  	s0 =	sadd.s32 $0x8F2B, s0  }
0xbd: {  	[sflag:s0] =	ssyncadd.remote.s32 $0x1  }
0xbe: {  	_ =	sfence.sel $0xFFFF  }
0xbf: {  	[dreg:$0x0] =	wrdreg $0xFFFFFFFF;
	(pc) =	sbr.abs _section_cstart, $3  }
0xc0: {  	[dreg:$0x1] =	wrdreg $0xFFFFFFFF  }
0xc1: {  	_ =	task.clear_ibuf [dreg:s6], $0x2FFFF;
	_ =	strace $0x9FFFFFFF  }
0xc2: {  	(tm) =	ssettm $0x7FFFFFFF  }
0xc3: {  	_ =	shalt  }
tec
execute0_lowered:
.L_overlay_start_1:
0x0: {  	(tag) =	ssettag $0x1  }
0x1: {  	s5 =	rddreg [dreg:$0x0]  }
0x2: {  	s2 =	rddreg [dreg:$0x1];
	s3 =	simm.s32 $0x0;
	s0 =	stileid.u32  }
0x3: {  	s7 =	srdreg.scid;
	s17 =	simm.s32 $0x13C80;
	s18 =	simm.s32 $0x4  }
0x4: {  	s19 =	simm.s32 $0x1A500;
	s20 =	simm.s32 $0x1;
	s21 =	simm.s32 $0x2  }
0x5: {  	s22 =	simm.s32 $0x16400;
	[smem:$0x7FF] =	sst s3;
	s4 =	smul.u32 $0x500, s0  }
0x6: {  	s8 =	sadd.s32 $0x11600, s5;
	s7 =	sand.u32 $0x1, s7;
	s9 =	smul.u32 $0x4F000, s0  }
0x7: {  	s10 =	sadd.s32 $0xB0200, s5;
	s24 =	smul.u32 $0x2780, s0;
	s31 =	sshll.u32 s0, $0x6  }
0x8: {  	_ =	strace $0x80000050;
	s29 =	ssub.s32 $0x2, s7;
	s11 =	smul.u32 $0x4E200, s7  }
0x9: {  	s13 =	smul.u32 $0x4F000, s7;
	s7 =	sshllo.u32 s7, $0x1;
	s6 =	sadd.s32 s4, s5  }
0xa: {  	s4 =	sadd.s32 $0xADA00, s5;
	s12 =	sshrl.u32 s29, $0x1;
	s14 =	smul.u32 $0x27100, s7  }
0xb: {  	s9 =	sshrl.u32 s9, $0x2;
	s30 =	smul.u32 $0x27800, s7;
	s12 =	ssub.s32 s29, s12  }
0xc: {  	s5 =	sadd.s32 $0x7600, s6;
	s15 =	sadd.s32 s9, s2;
	s6 =	sadd.s32 $0xC600, s6  }
0xd: {  	s7 =	sadd.s32 s8, s11;
	s23 =	sadd.s32 s10, s13;
	s11 =	sor.u32 $0x1C03, s31  }
0xe: {  	s13 =	simm.s32 $0x13C00;
	s8 =	sadd.s32 s8, s14;
	s25 =	sadd.s32 s10, s30  }
0xf: {  	s9 =	smax.u32 s12, $0x1;
	s10 =	simm.s32 $0x3;
	s12 =	sshrl.u32 s15, $0x3  }
0x10: {  	s14 =	simm.s32 $0x80;
	s15 =	simm.s32 $0x16500;
	s16 =	sadd.s32 $0x20, s6  }
0x11: {  	s23 =	sadd.s32 s24, s23;
	s24 =	sadd.s32 s24, s25;
	s25 =	simm.s32 $0x0  }
.LBB2_1:
0x12: {  	s26 =	simm.s32 $0x13D00  }
0x13: {  	[tilespmem:s26], [sflag:$0x3] =	stream.linear.gather [hbm4b:s5+s3], $0x2780, $0x38;
	[tilespmem:$0x1E500] =	vst v63  }
0x14: {  	_ =	swait.ge [sflag:s10], $0x2780  }
0x15: {  	[sflag:s10] =	ssyncset.done $0x0  }
0x16: {  	[sflag:s10] =	ssyncadd.s32 $0xFFFFD880  }
0x17: {  	[spmem:s12], [sflag:s11] =	dma.local [hbm:s4], $0x2780  }
0x18: {  	_ =	swait.ge [sflag:s10], $0x2780  }
0x19: {  	[sflag:s10] =	ssyncset.done $0x0  }
0x1a: {  	[sflag:s10] =	ssyncadd.s32 $0xFFFFD880  }
0x1b: {  	[bflag:$0x0] =	sbarrier.arrive $0xFFFF  }
0x1c: {  	[tilespmem:s13], [sflag:$0x3] =	stream.linear.gather [hbm4b:s6+s3], $0x80, $0x38;
	[tilespmem:$0x1E500] =	vst v63  }
0x1d: {  	_ =	swait.ge [sflag:s10], $0x80  }
0x1e: {  	s28 =	sand.u32 $0x780, s3;
	s29 =	simm.s32 $0x10;
	[sflag:s10] =	ssyncset.done $0x0  }
0x1f: {  	s29 =	sand.u32 $0x70, s29;
	s28 =	sadd.s32 s6, s28;
	[sflag:s10] =	ssyncadd.s32 $0xFFFFFF80  }
0x20: {  	[tilespmem:s15], [sflag:$0x1] =	stream.indirect.gather [hbm4b:s7+s14], $0x80, s13, s14, $0xb8;
	[tilespmem:$0x1E500] =	vst v63  }
0x21: {  	s28 =	sadd.s32 s29, s28  }
0x22: {  	[tilespmem:s17], [sflag:$0x4] =	stream.linear.gather [hbm4b:s28+s3], $0x80, $0x38;
	[tilespmem:$0x1E500] =	vst v63  }
0x23: {  	_ =	swait.ge [sflag:s18], $0x80  }
0x24: {  	[sflag:s18] =	ssyncset.done $0x0  }
0x25: {  	[sflag:s18] =	ssyncadd.s32 $0xFFFFFF80  }
0x26: {  	[tilespmem:s19], [sflag:$0x2] =	stream.indirect.gather [hbm4b:s7+s14], $0x80, s17, s14, $0xb8;
	[tilespmem:$0x1E500] =	vst v63  }
0x27: {  	_ =	swait.ge [sflag:s20], $0x4000  }
0x28: {  	[sflag:s20] =	ssyncset.done $0x0  }
0x29: {  	[sflag:s20] =	ssyncadd.s32 $0xFFFFC000  }
0x2a: {  	[spmem:s2] =	stream.indirect.scatter.add.f32 [tilespmem:s15], [sflag:$0x4], $0x80, s26, s14, $0xb8;
	[tilespmem:$0x1E500] =	vst v63  }
0x2b: {  	_ =	swait.ge [sflag:s18], $0x4000  }
0x2c: {  	[sflag:s18] =	ssyncset.done $0x0  }
0x2d: {  	s1 =	sadd.s32 $0x0, s16;
	[sflag:s18] =	ssyncadd.s32 $0xFFFFC000  }
0x2e: {  	[tilespmem:s13], [sflag:$0x4] =	stream.linear.gather [hbm4b:s1+s3], $0x80, $0x38;
	[tilespmem:$0x1E500] =	vst v63  }
0x2f: {  	_ =	swait.ge [sflag:s18], $0x80  }
0x30: {  	[sflag:s18] =	ssyncset.done $0x0  }
0x31: {  	[sflag:s18] =	ssyncadd.s32 $0xFFFFFF80  }
0x32: {  	[tilespmem:s15], [sflag:$0x1] =	stream.indirect.gather [hbm4b:s7+s14], $0x80, s13, s14, $0xb8;
	[tilespmem:$0x1E500] =	vst v63  }
0x33: {  	_ =	swait.ge [sflag:s21], $0x4000  }
0x34: {  	s30 =	simm.s32 $0x13D80;
	s28 =	simm.s32 $0x20;
	[sflag:s21] =	ssyncset.done $0x0  }
0x35: {  	s29 =	simm.s32 $0x40;
	s31 =	sand.u32 $0x780, s28;
	[sflag:s21] =	ssyncadd.s32 $0xFFFFC000  }
0x36: {  	[spmem:s2] =	stream.indirect.scatter.add.f32 [tilespmem:s19], [sflag:$0x3], $0x80, s30, s14, $0xb8;
	[tilespmem:$0x1E500] =	vst v63  }
0x37: {  	s31 =	sadd.s32 s6, s31;
	s30 =	simm.s32 $0x30;
	_ =	swait.ge [sflag:s10], $0x4000  }
0x38: {  	s26 =	simm.s32 $0x13E00;
	s30 =	sand.u32 $0x70, s30;
	[sflag:s10] =	ssyncset.done $0x0  }
.LBB2_2:
0x39: {  	s30 =	sadd.s32 s30, s31  }
0x3a: {  	[sflag:s10] =	ssyncadd.s32 $0xFFFFC000;
	s31 =	smov.u32 s29;
	s0 =	sadd.s32 $0x20, s29  }
0x3b: {  	[tilespmem:s17], [sflag:$0x4] =	stream.linear.gather [hbm4b:s30+s3], $0x80, $0x38;
	[tilespmem:$0x1E500] =	vst v63  }
0x3c: {  	p0 =	sne.s32 s29, $0x4C0;
	_ =	swait.ge [sflag:s18], $0x80  }
0x3d: {  	[sflag:s18] =	ssyncset.done $0x0  }
0x3e: {  	[sflag:s18] =	ssyncadd.s32 $0xFFFFFF80  }
0x3f: {  	[tilespmem:s19], [sflag:$0x2] =	stream.indirect.gather [hbm4b:s7+s14], $0x80, s17, s14, $0xb8;
	[tilespmem:$0x1E500] =	vst v63  }
0x40: {  	_ =	swait.ge [sflag:s20], $0x4000  }
0x41: {  	[sflag:s20] =	ssyncset.done $0x0  }
0x42: {  	[sflag:s20] =	ssyncadd.s32 $0xFFFFC000  }
0x43: {  	[spmem:s2] =	stream.indirect.scatter.add.f32 [tilespmem:s15], [sflag:$0x4], $0x80, s26, s14, $0xb8;
	[tilespmem:$0x1E500] =	vst v63  }
0x44: {  	_ =	swait.ge [sflag:s18], $0x4000  }
0x45: {  	[sflag:s18] =	ssyncset.done $0x0  }
0x46: {  	s29 =	sadd.s32 s28, s16;
	s28 =	smov.u32 s31;
	[sflag:s18] =	ssyncadd.s32 $0xFFFFC000  }
0x47: {  	[tilespmem:s13], [sflag:$0x4] =	stream.linear.gather [hbm4b:s29+s3], $0x80, $0x38;
	[tilespmem:$0x1E500] =	vst v63  }
0x48: {  	_ =	swait.ge [sflag:s18], $0x80  }
0x49: {  	[sflag:s18] =	ssyncset.done $0x0  }
0x4a: {  	[sflag:s18] =	ssyncadd.s32 $0xFFFFFF80  }
0x4b: {  	[tilespmem:s15], [sflag:$0x1] =	stream.indirect.gather [hbm4b:s7+s14], $0x80, s13, s14, $0xb8;
	[tilespmem:$0x1E500] =	vst v63  }
0x4c: {  	_ =	swait.ge [sflag:s21], $0x4000  }
.Ltmp0:
0x4d: {  	s30 =	sadd.s32 $0x10, s28;
	[sflag:s21] =	ssyncset.done $0x0;
	(pc) =	sbr.rel @p0 .LBB2_2-.Ltmp0, $4  }
0x4e: {  	s29 =	sadd.s32 $0x80, s26;
	s26 =	sadd.s32 $0x100, s26;
	[sflag:s21] =	ssyncadd.s32 $0xFFFFC000  }
0x4f: {  	[spmem:s2] =	stream.indirect.scatter.add.f32 [tilespmem:s19], [sflag:$0x3], $0x80, s29, s14, $0xb8;
	[tilespmem:$0x1E500] =	vst v63  }
0x50: {  	s30 =	sand.u32 $0x70, s30;
	s29 =	sand.u32 $0x780, s28;
	_ =	swait.ge [sflag:s10], $0x4000  }
0x51: {  	s31 =	sadd.s32 s6, s29;
	s29 =	smov.u32 s0;
	[sflag:s10] =	ssyncset.done $0x0  }
0x52: {  	s0 =	sadd.s32 s30, s31;
	[sflag:s10] =	ssyncadd.s32 $0xFFFFC000  }
0x53: {  	[tilespmem:s17], [sflag:$0x4] =	stream.linear.gather [hbm4b:s0+s3], $0x80, $0x38;
	[tilespmem:$0x1E500] =	vst v63  }
0x54: {  	_ =	swait.ge [sflag:s18], $0x80  }
0x55: {  	[sflag:s18] =	ssyncset.done $0x0  }
0x56: {  	[sflag:s18] =	ssyncadd.s32 $0xFFFFFF80  }
0x57: {  	[tilespmem:s19], [sflag:$0x2] =	stream.indirect.gather [hbm4b:s7+s14], $0x80, s17, s14, $0xb8;
	[tilespmem:$0x1E500] =	vst v63  }
0x58: {  	_ =	swait.ge [sflag:s20], $0x4000  }
0x59: {  	[sflag:s20] =	ssyncset.done $0x0  }
0x5a: {  	[sflag:s20] =	ssyncadd.s32 $0xFFFFC000  }
0x5b: {  	[spmem:s2] =	stream.indirect.scatter.add.f32 [tilespmem:s15], [sflag:$0x4], $0x80, s26, s14, $0xb8;
	[tilespmem:$0x1E500] =	vst v63  }
0x5c: {  	_ =	swait.ge [sflag:s18], $0x4000  }
0x5d: {  	[sflag:s18] =	ssyncset.done $0x0  }
0x5e: {  	s1 =	sadd.s32 s28, s16;
	[sflag:s18] =	ssyncadd.s32 $0xFFFFC000  }
0x5f: {  	[tilespmem:s13], [sflag:$0x4] =	stream.linear.gather [hbm4b:s1+s3], $0x80, $0x38;
	[tilespmem:$0x1E500] =	vst v63  }
0x60: {  	_ =	swait.ge [sflag:s18], $0x80  }
0x61: {  	[sflag:s18] =	ssyncset.done $0x0  }
0x62: {  	[sflag:s18] =	ssyncadd.s32 $0xFFFFFF80  }
0x63: {  	[tilespmem:s15], [sflag:$0x1] =	stream.indirect.gather [hbm4b:s7+s14], $0x80, s13, s14, $0xb8;
	[tilespmem:$0x1E500] =	vst v63  }
0x64: {  	_ =	swait.ge [sflag:s21], $0x4000  }
0x65: {  	[sflag:s21] =	ssyncset.done $0x0  }
0x66: {  	s1 =	sadd.s32 $0x80, s26;
	[sflag:s21] =	ssyncadd.s32 $0xFFFFC000  }
0x67: {  	[spmem:s2] =	stream.indirect.scatter.add.f32 [tilespmem:s19], [sflag:$0x3], $0x80, s1, s14, $0xb8;
	[tilespmem:$0x1E500] =	vst v63  }
0x68: {  	_ =	swait.ge [sflag:s10], $0x4000  }
0x69: {  	[sflag:s10] =	ssyncset.done $0x0  }
0x6a: {  	[sflag:s10] =	ssyncadd.s32 $0xFFFFC000  }
0x6b: {  	_ =	swait.ge [sflag:s20], $0x4000  }
0x6c: {  	[sflag:s20] =	ssyncset.done $0x0  }
0x6d: {  	[sflag:s20] =	ssyncadd.s32 $0xFFFFC000  }
0x6e: {  	[spmem:s2] =	stream.indirect.scatter.add.f32 [tilespmem:s15], [sflag:$0x4], $0x80, s22, s14, $0xb8;
	[tilespmem:$0x1E500] =	vst v63  }
0x6f: {  	_ =	swait.ge [sflag:s18], $0x4000  }
0x70: {  	[sflag:s18] =	ssyncset.done $0x0  }
0x71: {  	[sflag:s18] =	ssyncadd.s32 $0xFFFFC000  }
0x72: {  	[bflag:$0x0] =	sbarrier.arrive $0xFFFF  }
0x73: {  	[hbm:s23], [sflag:s11] =	dma.local [spmem:s12], $0x2780  }
0x74: {  	_ =	swait.ge [sflag:s10], $0x2780  }
0x75: {  	[sflag:s10] =	ssyncset.done $0x0  }
0x76: {  	[sflag:s10] =	ssyncadd.s32 $0xFFFFD880  }
0x77: {  	[bflag:$0x0] =	sbarrier.arrive $0xFFFF  }
0x78: {  	[spmem:s12], [sflag:s11] =	dma.local [hbm:s4], $0x2780  }
0x79: {  	_ =	swait.ge [sflag:s10], $0x2780  }
0x7a: {  	[sflag:s10] =	ssyncset.done $0x0  }
0x7b: {  	[sflag:s10] =	ssyncadd.s32 $0xFFFFD880  }
0x7c: {  	s26 =	simm.s32 $0x0;
	[bflag:$0x0] =	sbarrier.arrive $0xFFFF  }
0x7d: {  	[tilespmem:s13], [sflag:$0x3] =	stream.linear.gather [hbm4b:s6+s26], $0x80, $0x38;
	[tilespmem:$0x1E500] =	vst v63  }
0x7e: {  	_ =	swait.ge [sflag:s10], $0x80  }
0x7f: {  	s0 =	sand.u32 $0x780, s26;
	s1 =	simm.s32 $0x10;
	[sflag:s10] =	ssyncset.done $0x0  }
0x80: {  	s0 =	sadd.s32 s6, s0;
	s26 =	sand.u32 $0x70, s1;
	[sflag:s10] =	ssyncadd.s32 $0xFFFFFF80  }
0x81: {  	[tilespmem:s15], [sflag:$0x1] =	stream.indirect.gather [hbm4b:s8+s14], $0x80, s13, s14, $0xb8;
	[tilespmem:$0x1E500] =	vst v63  }
0x82: {  	s0 =	sadd.s32 s26, s0  }
0x83: {  	[tilespmem:s17], [sflag:$0x4] =	stream.linear.gather [hbm4b:s0+s3], $0x80, $0x38;
	[tilespmem:$0x1E500] =	vst v63  }
0x84: {  	_ =	swait.ge [sflag:s18], $0x80  }
0x85: {  	[sflag:s18] =	ssyncset.done $0x0  }
0x86: {  	[sflag:s18] =	ssyncadd.s32 $0xFFFFFF80  }
0x87: {  	[tilespmem:s19], [sflag:$0x2] =	stream.indirect.gather [hbm4b:s8+s14], $0x80, s17, s14, $0xb8;
	[tilespmem:$0x1E500] =	vst v63  }
0x88: {  	_ =	swait.ge [sflag:s20], $0x4000  }
0x89: {  	[sflag:s20] =	ssyncset.done $0x0  }
0x8a: {  	s1 =	simm.s32 $0x13D00;
	[sflag:s20] =	ssyncadd.s32 $0xFFFFC000  }
0x8b: {  	[spmem:s2] =	stream.indirect.scatter.add.f32 [tilespmem:s15], [sflag:$0x4], $0x80, s1, s14, $0xb8;
	[tilespmem:$0x1E500] =	vst v63  }
0x8c: {  	_ =	swait.ge [sflag:s18], $0x4000  }
0x8d: {  	[sflag:s18] =	ssyncset.done $0x0  }
0x8e: {  	s26 =	sadd.s32 $0x0, s16;
	[sflag:s18] =	ssyncadd.s32 $0xFFFFC000  }
0x8f: {  	[tilespmem:s13], [sflag:$0x4] =	stream.linear.gather [hbm4b:s26+s3], $0x80, $0x38;
	[tilespmem:$0x1E500] =	vst v63  }
0x90: {  	_ =	swait.ge [sflag:s18], $0x80  }
0x91: {  	[sflag:s18] =	ssyncset.done $0x0  }
0x92: {  	[sflag:s18] =	ssyncadd.s32 $0xFFFFFF80  }
0x93: {  	[tilespmem:s15], [sflag:$0x1] =	stream.indirect.gather [hbm4b:s8+s14], $0x80, s13, s14, $0xb8;
	[tilespmem:$0x1E500] =	vst v63  }
0x94: {  	_ =	swait.ge [sflag:s21], $0x4000  }
0x95: {  	s28 =	simm.s32 $0x20;
	s29 =	simm.s32 $0x40;
	[sflag:s21] =	ssyncset.done $0x0  }
0x96: {  	s30 =	simm.s32 $0x30;
	s1 =	simm.s32 $0x13D80;
	[sflag:s21] =	ssyncadd.s32 $0xFFFFC000  }
0x97: {  	[spmem:s2] =	stream.indirect.scatter.add.f32 [tilespmem:s19], [sflag:$0x3], $0x80, s1, s14, $0xb8;
	[tilespmem:$0x1E500] =	vst v63  }
0x98: {  	s30 =	sand.u32 $0x70, s30;
	s1 =	sand.u32 $0x780, s28;
	_ =	swait.ge [sflag:s10], $0x4000  }
0x99: {  	s26 =	simm.s32 $0x13E00;
	s31 =	sadd.s32 s6, s1;
	[sflag:s10] =	ssyncset.done $0x0  }
.LBB2_4:
0x9a: {  	s0 =	sadd.s32 s30, s31  }
0x9b: {  	[sflag:s10] =	ssyncadd.s32 $0xFFFFC000;
	s30 =	smov.u32 s29;
	s1 =	sadd.s32 $0x20, s29  }
0x9c: {  	[tilespmem:s17], [sflag:$0x4] =	stream.linear.gather [hbm4b:s0+s3], $0x80, $0x38;
	[tilespmem:$0x1E500] =	vst v63  }
0x9d: {  	p0 =	sne.s32 s29, $0x4C0;
	_ =	swait.ge [sflag:s18], $0x80  }
0x9e: {  	[sflag:s18] =	ssyncset.done $0x0  }
0x9f: {  	[sflag:s18] =	ssyncadd.s32 $0xFFFFFF80  }
0xa0: {  	[tilespmem:s19], [sflag:$0x2] =	stream.indirect.gather [hbm4b:s8+s14], $0x80, s17, s14, $0xb8;
	[tilespmem:$0x1E500] =	vst v63  }
0xa1: {  	_ =	swait.ge [sflag:s20], $0x4000  }
0xa2: {  	[sflag:s20] =	ssyncset.done $0x0  }
0xa3: {  	[sflag:s20] =	ssyncadd.s32 $0xFFFFC000  }
0xa4: {  	[spmem:s2] =	stream.indirect.scatter.add.f32 [tilespmem:s15], [sflag:$0x4], $0x80, s26, s14, $0xb8;
	[tilespmem:$0x1E500] =	vst v63  }
0xa5: {  	_ =	swait.ge [sflag:s18], $0x4000  }
0xa6: {  	[sflag:s18] =	ssyncset.done $0x0  }
0xa7: {  	s0 =	sadd.s32 s28, s16;
	s28 =	smov.u32 s30;
	[sflag:s18] =	ssyncadd.s32 $0xFFFFC000  }
0xa8: {  	[tilespmem:s13], [sflag:$0x4] =	stream.linear.gather [hbm4b:s0+s3], $0x80, $0x38;
	[tilespmem:$0x1E500] =	vst v63  }
0xa9: {  	_ =	swait.ge [sflag:s18], $0x80  }
0xaa: {  	[sflag:s18] =	ssyncset.done $0x0  }
0xab: {  	[sflag:s18] =	ssyncadd.s32 $0xFFFFFF80  }
0xac: {  	[tilespmem:s15], [sflag:$0x1] =	stream.indirect.gather [hbm4b:s8+s14], $0x80, s13, s14, $0xb8;
	[tilespmem:$0x1E500] =	vst v63  }
0xad: {  	_ =	swait.ge [sflag:s21], $0x4000  }
.Ltmp1:
0xae: {  	s29 =	sadd.s32 $0x10, s28;
	[sflag:s21] =	ssyncset.done $0x0;
	(pc) =	sbr.rel @p0 .LBB2_4-.Ltmp1, $4  }
0xaf: {  	s0 =	sadd.s32 $0x80, s26;
	s26 =	sadd.s32 $0x100, s26;
	[sflag:s21] =	ssyncadd.s32 $0xFFFFC000  }
0xb0: {  	[spmem:s2] =	stream.indirect.scatter.add.f32 [tilespmem:s19], [sflag:$0x3], $0x80, s0, s14, $0xb8;
	[tilespmem:$0x1E500] =	vst v63  }
0xb1: {  	s30 =	sand.u32 $0x70, s29;
	s0 =	sand.u32 $0x780, s28;
	_ =	swait.ge [sflag:s10], $0x4000  }
0xb2: {  	s29 =	smov.u32 s1;
	s31 =	sadd.s32 s6, s0;
	[sflag:s10] =	ssyncset.done $0x0  }
0xb3: {  	s0 =	sadd.s32 s30, s31;
	[sflag:s10] =	ssyncadd.s32 $0xFFFFC000  }
0xb4: {  	[tilespmem:s17], [sflag:$0x4] =	stream.linear.gather [hbm4b:s0+s3], $0x80, $0x38;
	[tilespmem:$0x1E500] =	vst v63  }
0xb5: {  	_ =	swait.ge [sflag:s18], $0x80  }
0xb6: {  	[sflag:s18] =	ssyncset.done $0x0  }
0xb7: {  	[sflag:s18] =	ssyncadd.s32 $0xFFFFFF80  }
0xb8: {  	[tilespmem:s19], [sflag:$0x2] =	stream.indirect.gather [hbm4b:s8+s14], $0x80, s17, s14, $0xb8;
	[tilespmem:$0x1E500] =	vst v63  }
0xb9: {  	_ =	swait.ge [sflag:s20], $0x4000  }
0xba: {  	[sflag:s20] =	ssyncset.done $0x0  }
0xbb: {  	[sflag:s20] =	ssyncadd.s32 $0xFFFFC000  }
0xbc: {  	[spmem:s2] =	stream.indirect.scatter.add.f32 [tilespmem:s15], [sflag:$0x4], $0x80, s26, s14, $0xb8;
	[tilespmem:$0x1E500] =	vst v63  }
0xbd: {  	_ =	swait.ge [sflag:s18], $0x4000  }
0xbe: {  	[sflag:s18] =	ssyncset.done $0x0  }
0xbf: {  	s30 =	sadd.s32 s28, s16;
	[sflag:s18] =	ssyncadd.s32 $0xFFFFC000  }
0xc0: {  	[tilespmem:s13], [sflag:$0x4] =	stream.linear.gather [hbm4b:s30+s3], $0x80, $0x38;
	[tilespmem:$0x1E500] =	vst v63  }
0xc1: {  	_ =	swait.ge [sflag:s18], $0x80  }
0xc2: {  	[sflag:s18] =	ssyncset.done $0x0  }
0xc3: {  	[sflag:s18] =	ssyncadd.s32 $0xFFFFFF80  }
0xc4: {  	[tilespmem:s15], [sflag:$0x1] =	stream.indirect.gather [hbm4b:s8+s14], $0x80, s13, s14, $0xb8;
	[tilespmem:$0x1E500] =	vst v63  }
0xc5: {  	_ =	swait.ge [sflag:s21], $0x4000  }
0xc6: {  	[sflag:s21] =	ssyncset.done $0x0  }
0xc7: {  	s31 =	sadd.s32 $0x80, s26;
	[sflag:s21] =	ssyncadd.s32 $0xFFFFC000  }
0xc8: {  	[spmem:s2] =	stream.indirect.scatter.add.f32 [tilespmem:s19], [sflag:$0x3], $0x80, s31, s14, $0xb8;
	[tilespmem:$0x1E500] =	vst v63  }
0xc9: {  	_ =	swait.ge [sflag:s10], $0x4000  }
0xca: {  	[sflag:s10] =	ssyncset.done $0x0  }
0xcb: {  	[sflag:s10] =	ssyncadd.s32 $0xFFFFC000  }
0xcc: {  	_ =	swait.ge [sflag:s20], $0x4000  }
0xcd: {  	[sflag:s20] =	ssyncset.done $0x0  }
0xce: {  	[sflag:s20] =	ssyncadd.s32 $0xFFFFC000  }
0xcf: {  	[spmem:s2] =	stream.indirect.scatter.add.f32 [tilespmem:s15], [sflag:$0x4], $0x80, s22, s14, $0xb8;
	[tilespmem:$0x1E500] =	vst v63  }
0xd0: {  	_ =	swait.ge [sflag:s18], $0x4000  }
0xd1: {  	[sflag:s18] =	ssyncset.done $0x0  }
0xd2: {  	s25 =	sadd.s32 $0x1, s25;
	[sflag:s18] =	ssyncadd.s32 $0xFFFFC000  }
0xd3: {  	p0 =	sne.s32 s25, s9;
	[bflag:$0x0] =	sbarrier.arrive $0xFFFF  }
0xd4: {  	[hbm:s24], [sflag:s11] =	dma.local [spmem:s12], $0x2780  }
.Ltmp2:
0xd5: {  	_ =	swait.ge [sflag:s10], $0x2780;
	(pc) =	sbr.rel @p0 .LBB2_1-.Ltmp2, $3  }
0xd6: {  	[sflag:s10] =	ssyncset.done $0x0  }
0xd7: {  	[sflag:s10] =	ssyncadd.s32 $0xFFFFD880  }
0xd8: {  	[bflag:$0x0] =	sbarrier.arrive $0xFFFF;
	_ =	sdelay $0x1  }
0xd9: {  	_ =	sfence.sel $0x180000  }
0xda: {  	[bflag:$0x0] =	sbarrier.arrive $0xFFFF  }
0xdb: {  	_ =	strace $0x90000050  }
0xdc: {  	s0 =	stileid.u32;
	[bflag:$0x2] =	sbarrier.arrive $0xFFFF  }
0xdd: {  	p0 =	sne.s32 s0, $0x0;
	s0 =	rddreg [dreg:$0x2]  }
0xde: {  	s0 =	sadd.s32 @!p0 $0x100000, s0  }
0xdf: {  	[sflag:s0] =	ssyncadd.tile.s32 @!p0 $0x1;
	_ =	shalt  }
.Lfunc_end2:
_tile_overlayer_lowered:
.L_overlay_start_2:
0xe0: {  	(tag) =	ssettag $0x2  }
0xe1: {  	s0 =	rddreg [dreg:$0x0];
	s2 =	stileid.u32  }
0xe2: {  	s1 =	rddreg [dreg:$0x1];
	p0 =	sne.s32 s2, $0x0  }
0xe3: {  	s3 =	rddreg [dreg:$0x2];
	[bflag:$0x3] =	sbarrier.arrive $0xFFFF;
	s2 =	simm.s32 @!p0 $0x1C03  }
0xe4: {  	[timem:s3], [sflag:s2] =	dma.local @!p0 [hbm:s0], s1  }
0xe5: {  	s0 =	simm.s32 @!p0 $0x3  }
0xe6: {  	_ =	swait.ge @!p0 [sflag:s0], s1  }
0xe7: {  	s1 =	ssub.s32 @!p0 $0x0, s1;
	[sflag:s0] =	ssyncset.done @!p0 $0x0  }
0xe8: {  	[sflag:s0] =	ssyncadd.s32 @!p0 s1  }
0xe9: {  	[bflag:$0x3] =	sbarrier.arrive $0xFFFF  }
0xea: {  	_ =	shalt  }

</sc_bundles>
